<compile_context>
chip_gen: v7x
topology: tpu7x:2x2x1
jax: 0.10.2.dev20260603
libtpu: 0.0.44.dev20260713+nightly
codegen_flags: <defaults>
</compile_context>

<pallas_src>
import functools

import jax
import jax.numpy as jnp
from jax import lax
from jax.experimental import pallas as pl
from jax.experimental.pallas import tpu as pltpu
from jax.experimental.pallas import tpu_sc as plsc

N = 10000
N_PAD = 10240
D = 256
HALF = 128
E = 160000
NC = 2
NS = 16
ROWS_PER_TILE = N_PAD // NS
EK = 80
E_PER_TILE = E // NS
N_CHUNKS = E_PER_TILE // EK
NBUF = 4
BM = 1000
NEG_SLOPE = 0.25


@functools.cache
def _sc_mesh():
    return plsc.VectorSubcoreMesh(core_axis_name="c", subcore_axis_name="s")


NBUF_D = 5


@functools.cache
def _deg_kernel_fn():
    return functools.partial(
        pl.kernel,
        out_type=jax.ShapeDtypeStruct((N_PAD,), jnp.float32),
        mesh=_sc_mesh(),
        scratch_types=[
            [pltpu.VMEM((EK,), jnp.int32) for _ in range(NBUF_D)],
            pltpu.VMEM((EK,), jnp.float32),
            pltpu.VMEM((ROWS_PER_TILE,), jnp.float32),
            pltpu.VMEM_SHARED((N_PAD,), jnp.float32),
            pltpu.SemaphoreType.DMA((NBUF_D,)),
            pltpu.SemaphoreType.DMA((NBUF_D,)),
        ],
    )(_deg_body)


def _deg_body(dst_hbm, deg_hbm, idx, ones_v, row_v, acc_sh, isem, ssem):
    c = lax.axis_index("c")
    s = lax.axis_index("s")

    @pl.when(c == 0)
    def _():
        @pl.loop(0, EK, step=16)
        def _(i):
            ones_v[pl.ds(i, 16)] = jnp.full((16,), 1.0, jnp.float32)

        @pl.loop(0, ROWS_PER_TILE, step=16)
        def _(i):
            row_v[pl.ds(i, 16)] = jnp.full((16,), 1.0, jnp.float32)

        r0 = s * ROWS_PER_TILE
        pltpu.sync_copy(row_v, acc_sh.at[pl.ds(r0, ROWS_PER_TILE)])
        plsc.subcore_barrier()

        e0 = s * E_PER_TILE

        def idx_start(k, b):
            pltpu.async_copy(dst_hbm.at[pl.ds(e0 + k * EK, EK)], idx[b],
                             isem.at[b])

        def idx_wait(k, b):
            pltpu.make_async_copy(dst_hbm.at[pl.ds(e0 + k * EK, EK)], idx[b],
                                  isem.at[b]).wait()

        for b in range(NBUF_D):
            idx_start(b, b)

        @pl.loop(0, N_CHUNKS, step=NBUF_D)
        def _(k0):
            for b in range(NBUF_D):
                idx_wait(k0 + b, b)
                pltpu.async_copy(ones_v, acc_sh.at[idx[b]], ssem.at[b],
                                 add=True)
            for b in range(NBUF_D):
                pltpu.make_async_copy(ones_v, acc_sh.at[idx[b]],
                                      ssem.at[b]).wait()
                knext = k0 + b + NBUF_D

                @pl.when(knext < N_CHUNKS)
                def _():
                    idx_start(knext, b)

        plsc.subcore_barrier()
        pltpu.sync_copy(acc_sh.at[pl.ds(r0, ROWS_PER_TILE)],
                        deg_hbm.at[pl.ds(r0, ROWS_PER_TILE)])


@functools.cache
def _agg_kernel_fn():
    return functools.partial(
        pl.kernel,
        out_type=jax.ShapeDtypeStruct((NC * N_PAD, HALF), jnp.float32),
        mesh=_sc_mesh(),
        scratch_types=[
            [pltpu.VMEM((2, 1, EK), jnp.int32) for _ in range(NBUF)],
            [pltpu.VMEM((EK, HALF), jnp.float32) for _ in range(NBUF)],
            pltpu.VMEM_SHARED((N_PAD, HALF), jnp.float32),
            pltpu.SemaphoreType.DMA((NBUF,)),
            pltpu.SemaphoreType.DMA((NBUF,)),
            pltpu.SemaphoreType.DMA((NBUF,)),
        ],
    )(_agg_body)


def _agg_body(g_hbm, adj_hbm, out_hbm, idx, rows, acc_sh, isem, gsem, ssem):
    c = lax.axis_index("c")
    s = lax.axis_index("s")
    r0 = s * ROWS_PER_TILE
    tab0 = c * N_PAD
    k0base = s * N_CHUNKS
    tab = g_hbm.at[pl.ds(tab0, N_PAD)]

    def idx_start(k, b):
        pltpu.async_copy(adj_hbm.at[:, k0base + k], idx[b], isem.at[b])

    def idx_wait(k, b):
        pltpu.make_async_copy(adj_hbm.at[:, k0base + k], idx[b],
                              isem.at[b]).wait()

    def gather_start(b):
        pltpu.async_copy(tab.at[idx[b].at[0, 0]], rows[b], gsem.at[b])

    def gather_wait(b):
        pltpu.make_async_copy(tab.at[idx[b].at[0, 0]], rows[b],
                              gsem.at[b]).wait()

    def scat_start(b):
        pltpu.async_copy(rows[b], acc_sh.at[idx[b].at[1, 0]], ssem.at[b],
                         add=True)

    def scat_wait(b):
        pltpu.make_async_copy(rows[b], acc_sh.at[idx[b].at[1, 0]],
                              ssem.at[b]).wait()

    init = pltpu.async_copy(g_hbm.at[pl.ds(tab0 + r0, ROWS_PER_TILE)],
                            acc_sh.at[pl.ds(r0, ROWS_PER_TILE)], gsem.at[0])
    for b in range(NBUF):
        idx_start(b, b)
    init.wait()
    plsc.subcore_barrier()

    for b in range(NBUF):
        idx_wait(b, b)
        gather_start(b)

    @pl.loop(0, N_CHUNKS - 1, step=NBUF)
    def _(k0):
        for b in range(NBUF):
            gather_wait(b)
            scat_start(b)

        for b in range(NBUF):
            scat_wait(b)
            knext = k0 + b + NBUF

            @pl.when(knext < N_CHUNKS)
            def _():
                idx_start(knext, b)

        for b in range(NBUF):
            knext = k0 + b + NBUF

            @pl.when(knext < N_CHUNKS)
            def _():
                idx_wait(knext, b)
                gather_start(b)

    gather_wait(0)
    scat_start(0)
    scat_wait(0)

    plsc.subcore_barrier()
    pltpu.sync_copy(acc_sh.at[pl.ds(r0, ROWS_PER_TILE)],
                    out_hbm.at[pl.ds(tab0 + r0, ROWS_PER_TILE)])



def _split_store(g_ref, g):
    g_ref[0] = g[:, :HALF]
    g_ref[1] = g[:, HALF:]


def _mm_in_body(x_ref, w_ref, p_ref, g_ref):
    dinv = lax.rsqrt(p_ref[...])
    y = jnp.dot(x_ref[...], w_ref[...], preferred_element_type=jnp.float32)
    _split_store(g_ref, y * dinv)


def _mm_mid_body(s_ref, p_ref, b_ref, w_ref, g_ref):
    dinv = lax.rsqrt(p_ref[...])
    sfull = jnp.concatenate([s_ref[0], s_ref[1]], axis=1)
    t = sfull * dinv + b_ref[...]
    t = jnp.where(t >= 0.0, t, NEG_SLOPE * t)
    y = jnp.dot(t, w_ref[...], preferred_element_type=jnp.float32)
    _split_store(g_ref, y * dinv)


def _mm_out_body(s_ref, p_ref, b_ref, wc_ref, bc_ref, out_ref, h_ref):
    dinv = lax.rsqrt(p_ref[...])
    sfull = jnp.concatenate([s_ref[0], s_ref[1]], axis=1)
    h = sfull * dinv + b_ref[...]
    h = jnp.where(h >= 0.0, h, NEG_SLOPE * h)
    h_ref[...] = h
    out_ref[...] = jnp.dot(h, wc_ref[...],
                           preferred_element_type=jnp.float32) + bc_ref[...]


_P_SPEC = pl.BlockSpec((BM, 1), lambda i: (i, 0))
_W_SPEC = pl.BlockSpec((D, D), lambda i: (0, 0))
_B_SPEC = pl.BlockSpec((1, D), lambda i: (0, 0))
_G_SPEC = pl.BlockSpec((NC, BM, HALF), lambda i: (0, i, 0))
_G_SHAPE = jax.ShapeDtypeStruct((NC, N_PAD, HALF), jnp.float32)


def _mm_in(x, w, degc):
    return pl.pallas_call(
        _mm_in_body,
        grid=(N // BM,),
        in_specs=[pl.BlockSpec((BM, D), lambda i: (i, 0)), _W_SPEC, _P_SPEC],
        out_specs=_G_SPEC,
        out_shape=_G_SHAPE,
    )(x, w, degc)


def _mm_mid(sagg, degc, b_prev, w):
    return pl.pallas_call(
        _mm_mid_body,
        grid=(N // BM,),
        in_specs=[_G_SPEC, _P_SPEC, _B_SPEC, _W_SPEC],
        out_specs=_G_SPEC,
        out_shape=_G_SHAPE,
    )(sagg, degc, b_prev, w)


def _mm_out(sagg, degc, b_prev, wc, bc):
    return pl.pallas_call(
        _mm_out_body,
        grid=(N // BM,),
        in_specs=[_G_SPEC, _P_SPEC, _B_SPEC, _W_SPEC, _B_SPEC],
        out_specs=[pl.BlockSpec((BM, D), lambda i: (i, 0)),
                   pl.BlockSpec((BM, D), lambda i: (i, 0))],
        out_shape=[jax.ShapeDtypeStruct((N, D), jnp.float32),
                   jax.ShapeDtypeStruct((N, D), jnp.float32)],
    )(sagg, degc, b_prev, wc, bc)



def kernel(x, adj_mat, W1, b1, W2, b2, W3, b3, Wc, bc):
    dst = adj_mat[1]
    adj4 = adj_mat.reshape(2, E // EK, 1, EK)

    deg = _deg_kernel_fn()(dst)
    degc = deg.reshape(N_PAD, 1)
    b1r = b1.reshape(1, D)
    b2r = b2.reshape(1, D)
    b3r = b3.reshape(1, D)
    bcr = bc.reshape(1, D)

    def agg(g):
        flat = _agg_kernel_fn()(g.reshape(NC * N_PAD, HALF), adj4)
        return flat.reshape(NC, N_PAD, HALF)

    g0 = _mm_in(x, W1, degc)
    s1 = agg(g0)
    g1 = _mm_mid(s1, degc, b1r, W2)
    s2 = agg(g1)
    g2 = _mm_mid(s2, degc, b2r, W3)
    s3 = agg(g2)
    out, h = _mm_out(s3, degc, b3r, Wc, bcr)
    return (out, h)

# --- scband reference (transcript-rebuilt; emitter-appended) ---
"""Pipeline reference for scband-gcn-64415919506237 (READ-ONLY COPY).

The authoritative reference and input builder live on the scoring server;
editing this copy changes nothing except your own understanding.
"""

import jax, jax.numpy as jnp
import numpy as np

N = 10000
E = 160000
D = 256
H = [256, 256, 256]


def setup_inputs(seed: int = 0) -> dict:
    key = jax.random.key(seed)
    ks = jax.random.split(key, 12)
    x = jax.random.normal(ks[0], (N, D), dtype=jnp.float32)
    adj_mat = jax.random.randint(ks[1], (2, E), 0, N, dtype=jnp.int32)
    s = 1.0 / np.sqrt(D)
    W1 = jax.random.normal(ks[2], (D, H[0]), dtype=jnp.float32) * s
    b1 = jnp.zeros((H[0],), dtype=jnp.float32)
    W2 = jax.random.normal(ks[3], (H[0], H[1]), dtype=jnp.float32) * (1.0 / np.sqrt(H[0]))
    b2 = jnp.zeros((H[1],), dtype=jnp.float32)
    W3 = jax.random.normal(ks[4], (H[1], H[2]), dtype=jnp.float32) * (1.0 / np.sqrt(H[1]))
    b3 = jnp.zeros((H[2],), dtype=jnp.float32)
    Wc = jax.random.normal(ks[5], (H[2], H[2]), dtype=jnp.float32) * (1.0 / np.sqrt(H[2]))
    bc = jnp.zeros((H[2],), dtype=jnp.float32)
    return {"x": x, "adj_mat": adj_mat, "W1": W1, "b1": b1, "W2": W2, "b2": b2, "W3": W3, "b3": b3, "Wc": Wc, "bc": bc}


def _gcn_conv(x, W, b, src, dst, norm, n):
    # GCNConv: linear transform, then symmetric-normalized scatter-add aggregation (with self-loops), then bias
    h = x @ W
    msg = h[src] * norm[:, None]
    out = jax.ops.segment_sum(msg, dst, num_segments=n)
    return out + b


def reference(x, adj_mat, W1, b1, W2, b2, W3, b3, Wc, bc):
    src = adj_mat[0]
    dst = adj_mat[1]
    loop = jnp.arange(N, dtype=src.dtype)
    src2 = jnp.concatenate([src, loop])
    dst2 = jnp.concatenate([dst, loop])
    # degree-based symmetric normalization (cached across layers, matching cached=True)
    deg = jax.ops.segment_sum(jnp.ones(src2.shape[0], dtype=jnp.float32), dst2, num_segments=N)
    dinv = jnp.where(deg > 0, jax.lax.rsqrt(deg), 0.0)
    norm = dinv[src2] * dinv[dst2]

    h = _gcn_conv(x, W1, b1, src2, dst2, norm, N)
    h = jax.nn.leaky_relu(h, negative_slope=0.25)
    # dropout is identity in eval mode
    h = _gcn_conv(h, W2, b2, src2, dst2, norm, N)
    h = jax.nn.leaky_relu(h, negative_slope=0.25)
    h = _gcn_conv(h, W3, b3, src2, dst2, norm, N)
    h = jax.nn.leaky_relu(h, negative_slope=0.25)
    out = h @ Wc + bc
    return (out, h)

if __name__ == "__main__":
    import jax
    _d = setup_inputs()
    print(jax.jit(kernel)(*tuple(_d.values())))

</pallas_src>

<mosaic_0001>
#map = affine_map<(d0, d1) -> (0, 0)>
#map1 = affine_map<(d0, d1) -> (0, 0, 0, 0)>
module attributes {stable_mosaic.version = 14 : i64} {
  func.func @_agg_body(%arg0: i32, %arg1: i32, %arg2: memref<20480x128xf32, #tpu.memory_space<hbm>>, %arg3: memref<2x2000x1x80xi32, #tpu.memory_space<hbm>>, %arg4: memref<20480x128xf32, #tpu.memory_space<hbm>>, %arg5: memref<2x1x80xi32, #tpu.memory_space<vmem>>, %arg6: memref<2x1x80xi32, #tpu.memory_space<vmem>>, %arg7: memref<2x1x80xi32, #tpu.memory_space<vmem>>, %arg8: memref<2x1x80xi32, #tpu.memory_space<vmem>>, %arg9: memref<80x128xf32, #tpu.memory_space<vmem>>, %arg10: memref<80x128xf32, #tpu.memory_space<vmem>>, %arg11: memref<80x128xf32, #tpu.memory_space<vmem>>, %arg12: memref<80x128xf32, #tpu.memory_space<vmem>>, %arg13: memref<10240x128xf32, #tpu.memory_space<vmem_shared>>, %arg14: memref<4x!tpu.dma_semaphore, #tpu.memory_space<semaphore_mem>>, %arg15: memref<4x!tpu.dma_semaphore, #tpu.memory_space<semaphore_mem>>, %arg16: memref<4x!tpu.dma_semaphore, #tpu.memory_space<semaphore_mem>>) attributes {dimension_semantics = [#tpu.dimension_semantics<core_parallel>, #tpu.dimension_semantics<subcore_parallel>], iteration_bounds = array<i64: 2, 16>, scalar_prefetch = 0 : i64, scratch_operands = 12 : i64, tpu.core_type = #tpu.core_type<sc_vector_subcore>, window_params = [{transform_indices = #map}, {transform_indices = #map1}, {transform_indices = #map}]} {
    %mul3A = arith.constant 640 : i32
    %mul3A_0 = arith.muli %arg1, %mul3A : i32
    %mul3A_1 = arith.constant 10240 : i32
    %mul3A_2 = arith.muli %arg0, %mul3A_1 : i32
    %mul3A_3 = arith.constant 125 : i32
    %mul3A_4 = arith.muli %arg1, %mul3A_3 : i32
    %add3A = arith.addi %mul3A_2, %mul3A_0 : i32
    %dma_start3A = arith.constant 0 : i32
    %dma_start3A_5 = tpu.memref_slice %arg15[%dma_start3A] : memref<4x!tpu.dma_semaphore, #tpu.memory_space<semaphore_mem>> -> memref<1x!tpu.dma_semaphore, #tpu.memory_space<semaphore_mem>>
    %dma_start3A_6 = tpu.memref_squeeze %dma_start3A_5 : memref<1x!tpu.dma_semaphore, #tpu.memory_space<semaphore_mem>> -> memref<!tpu.dma_semaphore, #tpu.memory_space<semaphore_mem>>
    %dma_start3A_7 = arith.constant 0 : i32
    %dma_start3A_8 = tpu.memref_slice %arg13[%mul3A_0, %dma_start3A_7] : memref<10240x128xf32, #tpu.memory_space<vmem_shared>> -> memref<640x128xf32, #tpu.memory_space<vmem_shared>>
    %dma_start3A_9 = arith.constant 0 : i32
    %dma_start3A_10 = tpu.memref_slice %arg2[%add3A, %dma_start3A_9] : memref<20480x128xf32, #tpu.memory_space<hbm>> -> memref<640x128xf32, #tpu.memory_space<hbm>>
    tpu.enqueue_dma source(%dma_start3A_10 : memref<640x128xf32, #tpu.memory_space<hbm>>) target(%dma_start3A_8 : memref<640x128xf32, #tpu.memory_space<vmem_shared>>) target_semaphore(%dma_start3A_6 : memref<!tpu.dma_semaphore, #tpu.memory_space<semaphore_mem>>)
    %add3A_11 = arith.constant 0 : i32
    %add3A_12 = arith.addi %mul3A_4, %add3A_11 : i32
    %dma_start3A_13 = arith.constant 0 : i32
    %dma_start3A_14 = arith.constant 0 : i32
    %dma_start3A_15 = arith.constant 0 : i32
    %dma_start3A_16 = arith.constant 0 : i32
    %dma_start3A_17 = tpu.memref_slice %arg3[%dma_start3A_14, %add3A_12, %dma_start3A_15, %dma_start3A_16] : memref<2x2000x1x80xi32, #tpu.memory_space<hbm>> -> memref<2x1x1x80xi32, #tpu.memory_space<hbm>>
    %dma_start3A_18 = tpu.memref_squeeze %dma_start3A_17 : memref<2x1x1x80xi32, #tpu.memory_space<hbm>> -> memref<2x1x80xi32, #tpu.memory_space<hbm>>
    %dma_start3A_19 = tpu.memref_slice %arg14[%dma_start3A_13] : memref<4x!tpu.dma_semaphore, #tpu.memory_space<semaphore_mem>> -> memref<1x!tpu.dma_semaphore, #tpu.memory_space<semaphore_mem>>
    %dma_start3A_20 = tpu.memref_squeeze %dma_start3A_19 : memref<1x!tpu.dma_semaphore, #tpu.memory_space<semaphore_mem>> -> memref<!tpu.dma_semaphore, #tpu.memory_space<semaphore_mem>>
    %dma_start3A_21 = arith.constant 0 : i32
    %dma_start3A_22 = arith.constant 0 : i32
    %dma_start3A_23 = arith.constant 0 : i32
    %dma_start3A_24 = tpu.memref_slice %arg3[%dma_start3A_21, %add3A_12, %dma_start3A_22, %dma_start3A_23] : memref<2x2000x1x80xi32, #tpu.memory_space<hbm>> -> memref<2x1x1x80xi32, #tpu.memory_space<hbm>>
    %dma_start3A_25 = tpu.memref_squeeze %dma_start3A_24 : memref<2x1x1x80xi32, #tpu.memory_space<hbm>> -> memref<2x1x80xi32, #tpu.memory_space<hbm>>
    tpu.enqueue_dma source(%dma_start3A_25 : memref<2x1x80xi32, #tpu.memory_space<hbm>>) target(%arg5 : memref<2x1x80xi32, #tpu.memory_space<vmem>>) target_semaphore(%dma_start3A_20 : memref<!tpu.dma_semaphore, #tpu.memory_space<semaphore_mem>>)
    %add3A_26 = arith.constant 1 : i32
    %add3A_27 = arith.addi %mul3A_4, %add3A_26 : i32
    %dma_start3A_28 = arith.constant 1 : i32
    %dma_start3A_29 = arith.constant 0 : i32
    %dma_start3A_30 = arith.constant 0 : i32
    %dma_start3A_31 = arith.constant 0 : i32
    %dma_start3A_32 = tpu.memref_slice %arg3[%dma_start3A_29, %add3A_27, %dma_start3A_30, %dma_start3A_31] : memref<2x2000x1x80xi32, #tpu.memory_space<hbm>> -> memref<2x1x1x80xi32, #tpu.memory_space<hbm>>
    %dma_start3A_33 = tpu.memref_squeeze %dma_start3A_32 : memref<2x1x1x80xi32, #tpu.memory_space<hbm>> -> memref<2x1x80xi32, #tpu.memory_space<hbm>>
    %dma_start3A_34 = tpu.memref_slice %arg14[%dma_start3A_28] : memref<4x!tpu.dma_semaphore, #tpu.memory_space<semaphore_mem>> -> memref<1x!tpu.dma_semaphore, #tpu.memory_space<semaphore_mem>>
    %dma_start3A_35 = tpu.memref_squeeze %dma_start3A_34 : memref<1x!tpu.dma_semaphore, #tpu.memory_space<semaphore_mem>> -> memref<!tpu.dma_semaphore, #tpu.memory_space<semaphore_mem>>
    %dma_start3A_36 = arith.constant 0 : i32
    %dma_start3A_37 = arith.constant 0 : i32
    %dma_start3A_38 = arith.constant 0 : i32
    %dma_start3A_39 = tpu.memref_slice %arg3[%dma_start3A_36, %add3A_27, %dma_start3A_37, %dma_start3A_38] : memref<2x2000x1x80xi32, #tpu.memory_space<hbm>> -> memref<2x1x1x80xi32, #tpu.memory_space<hbm>>
    %dma_start3A_40 = tpu.memref_squeeze %dma_start3A_39 : memref<2x1x1x80xi32, #tpu.memory_space<hbm>> -> memref<2x1x80xi32, #tpu.memory_space<hbm>>
    tpu.enqueue_dma source(%dma_start3A_40 : memref<2x1x80xi32, #tpu.memory_space<hbm>>) target(%arg6 : memref<2x1x80xi32, #tpu.memory_space<vmem>>) target_semaphore(%dma_start3A_35 : memref<!tpu.dma_semaphore, #tpu.memory_space<semaphore_mem>>)
    %add3A_41 = arith.constant 2 : i32
    %add3A_42 = arith.addi %mul3A_4, %add3A_41 : i32
    %dma_start3A_43 = arith.constant 2 : i32
    %dma_start3A_44 = arith.constant 0 : i32
    %dma_start3A_45 = arith.constant 0 : i32
    %dma_start3A_46 = arith.constant 0 : i32
    %dma_start3A_47 = tpu.memref_slice %arg3[%dma_start3A_44, %add3A_42, %dma_start3A_45, %dma_start3A_46] : memref<2x2000x1x80xi32, #tpu.memory_space<hbm>> -> memref<2x1x1x80xi32, #tpu.memory_space<hbm>>
    %dma_start3A_48 = tpu.memref_squeeze %dma_start3A_47 : memref<2x1x1x80xi32, #tpu.memory_space<hbm>> -> memref<2x1x80xi32, #tpu.memory_space<hbm>>
    %dma_start3A_49 = tpu.memref_slice %arg14[%dma_start3A_43] : memref<4x!tpu.dma_semaphore, #tpu.memory_space<semaphore_mem>> -> memref<1x!tpu.dma_semaphore, #tpu.memory_space<semaphore_mem>>
    %dma_start3A_50 = tpu.memref_squeeze %dma_start3A_49 : memref<1x!tpu.dma_semaphore, #tpu.memory_space<semaphore_mem>> -> memref<!tpu.dma_semaphore, #tpu.memory_space<semaphore_mem>>
    %dma_start3A_51 = arith.constant 0 : i32
    %dma_start3A_52 = arith.constant 0 : i32
    %dma_start3A_53 = arith.constant 0 : i32
    %dma_start3A_54 = tpu.memref_slice %arg3[%dma_start3A_51, %add3A_42, %dma_start3A_52, %dma_start3A_53] : memref<2x2000x1x80xi32, #tpu.memory_space<hbm>> -> memref<2x1x1x80xi32, #tpu.memory_space<hbm>>
    %dma_start3A_55 = tpu.memref_squeeze %dma_start3A_54 : memref<2x1x1x80xi32, #tpu.memory_space<hbm>> -> memref<2x1x80xi32, #tpu.memory_space<hbm>>
    tpu.enqueue_dma source(%dma_start3A_55 : memref<2x1x80xi32, #tpu.memory_space<hbm>>) target(%arg7 : memref<2x1x80xi32, #tpu.memory_space<vmem>>) target_semaphore(%dma_start3A_50 : memref<!tpu.dma_semaphore, #tpu.memory_space<semaphore_mem>>)
    %add3A_56 = arith.constant 3 : i32
    %add3A_57 = arith.addi %mul3A_4, %add3A_56 : i32
    %dma_start3A_58 = arith.constant 3 : i32
    %dma_start3A_59 = arith.constant 0 : i32
    %dma_start3A_60 = arith.constant 0 : i32
    %dma_start3A_61 = arith.constant 0 : i32
    %dma_start3A_62 = tpu.memref_slice %arg3[%dma_start3A_59, %add3A_57, %dma_start3A_60, %dma_start3A_61] : memref<2x2000x1x80xi32, #tpu.memory_space<hbm>> -> memref<2x1x1x80xi32, #tpu.memory_space<hbm>>
    %dma_start3A_63 = tpu.memref_squeeze %dma_start3A_62 : memref<2x1x1x80xi32, #tpu.memory_space<hbm>> -> memref<2x1x80xi32, #tpu.memory_space<hbm>>
    %dma_start3A_64 = tpu.memref_slice %arg14[%dma_start3A_58] : memref<4x!tpu.dma_semaphore, #tpu.memory_space<semaphore_mem>> -> memref<1x!tpu.dma_semaphore, #tpu.memory_space<semaphore_mem>>
    %dma_start3A_65 = tpu.memref_squeeze %dma_start3A_64 : memref<1x!tpu.dma_semaphore, #tpu.memory_space<semaphore_mem>> -> memref<!tpu.dma_semaphore, #tpu.memory_space<semaphore_mem>>
    %dma_start3A_66 = arith.constant 0 : i32
    %dma_start3A_67 = arith.constant 0 : i32
    %dma_start3A_68 = arith.constant 0 : i32
    %dma_start3A_69 = tpu.memref_slice %arg3[%dma_start3A_66, %add3A_57, %dma_start3A_67, %dma_start3A_68] : memref<2x2000x1x80xi32, #tpu.memory_space<hbm>> -> memref<2x1x1x80xi32, #tpu.memory_space<hbm>>
    %dma_start3A_70 = tpu.memref_squeeze %dma_start3A_69 : memref<2x1x1x80xi32, #tpu.memory_space<hbm>> -> memref<2x1x80xi32, #tpu.memory_space<hbm>>
    tpu.enqueue_dma source(%dma_start3A_70 : memref<2x1x80xi32, #tpu.memory_space<hbm>>) target(%arg8 : memref<2x1x80xi32, #tpu.memory_space<vmem>>) target_semaphore(%dma_start3A_65 : memref<!tpu.dma_semaphore, #tpu.memory_space<semaphore_mem>>)
    %dma_wait3A = arith.constant 0 : i32
    %dma_wait3A_71 = tpu.memref_slice %arg15[%dma_wait3A] : memref<4x!tpu.dma_semaphore, #tpu.memory_space<semaphore_mem>> -> memref<1x!tpu.dma_semaphore, #tpu.memory_space<semaphore_mem>>
    %dma_wait3A_72 = tpu.memref_squeeze %dma_wait3A_71 : memref<1x!tpu.dma_semaphore, #tpu.memory_space<semaphore_mem>> -> memref<!tpu.dma_semaphore, #tpu.memory_space<semaphore_mem>>
    %dma_wait3A_73 = arith.constant 0 : i32
    %dma_wait3A_74 = tpu.memref_slice %arg13[%mul3A_0, %dma_wait3A_73] : memref<10240x128xf32, #tpu.memory_space<vmem_shared>> -> memref<640x128xf32, #tpu.memory_space<vmem_shared>>
    %dma_wait3A_75 = arith.constant 0 : i32
    %dma_wait3A_76 = tpu.memref_slice %arg2[%add3A, %dma_wait3A_75] : memref<20480x128xf32, #tpu.memory_space<hbm>> -> memref<640x128xf32, #tpu.memory_space<hbm>>
    tpu.wait_dma2 semaphore(%dma_wait3A_72 : memref<!tpu.dma_semaphore, #tpu.memory_space<semaphore_mem>>) src(%dma_wait3A_76 : memref<640x128xf32, #tpu.memory_space<hbm>>) dst(%dma_wait3A_74 : memref<640x128xf32, #tpu.memory_space<vmem_shared>>)
    %barrier3A = arith.constant 0 : index
    tpu.barrier barrier_id(%barrier3A)
    %add3A_77 = arith.constant 0 : i32
    %add3A_78 = arith.addi %mul3A_4, %add3A_77 : i32
    %dma_wait3A_79 = arith.constant 0 : i32
    %dma_wait3A_80 = arith.constant 0 : i32
    %dma_wait3A_81 = arith.constant 0 : i32
    %dma_wait3A_82 = arith.constant 0 : i32
    %dma_wait3A_83 = tpu.memref_slice %arg3[%dma_wait3A_80, %add3A_78, %dma_wait3A_81, %dma_wait3A_82] : memref<2x2000x1x80xi32, #tpu.memory_space<hbm>> -> memref<2x1x1x80xi32, #tpu.memory_space<hbm>>
    %dma_wait3A_84 = tpu.memref_squeeze %dma_wait3A_83 : memref<2x1x1x80xi32, #tpu.memory_space<hbm>> -> memref<2x1x80xi32, #tpu.memory_space<hbm>>
    %dma_wait3A_85 = tpu.memref_slice %arg14[%dma_wait3A_79] : memref<4x!tpu.dma_semaphore, #tpu.memory_space<semaphore_mem>> -> memref<1x!tpu.dma_semaphore, #tpu.memory_space<semaphore_mem>>
    %dma_wait3A_86 = tpu.memref_squeeze %dma_wait3A_85 : memref<1x!tpu.dma_semaphore, #tpu.memory_space<semaphore_mem>> -> memref<!tpu.dma_semaphore, #tpu.memory_space<semaphore_mem>>
    %dma_wait3A_87 = arith.constant 0 : i32
    %dma_wait3A_88 = arith.constant 0 : i32
    %dma_wait3A_89 = arith.constant 0 : i32
    %dma_wait3A_90 = tpu.memref_slice %arg3[%dma_wait3A_87, %add3A_78, %dma_wait3A_88, %dma_wait3A_89] : memref<2x2000x1x80xi32, #tpu.memory_space<hbm>> -> memref<2x1x1x80xi32, #tpu.memory_space<hbm>>
    %dma_wait3A_91 = tpu.memref_squeeze %dma_wait3A_90 : memref<2x1x1x80xi32, #tpu.memory_space<hbm>> -> memref<2x1x80xi32, #tpu.memory_space<hbm>>
    tpu.wait_dma2 semaphore(%dma_wait3A_86 : memref<!tpu.dma_semaphore, #tpu.memory_space<semaphore_mem>>) src(%dma_wait3A_91 : memref<2x1x80xi32, #tpu.memory_space<hbm>>) dst(%arg5 : memref<2x1x80xi32, #tpu.memory_space<vmem>>)
    %dma_start3A_92 = arith.constant 0 : i32
    %dma_start3A_93 = arith.constant 0 : i32
    %dma_start3A_94 = arith.constant 0 : i32
    %dma_start3A_95 = arith.constant 0 : i32
    %dma_start3A_96 = tpu.memref_slice %arg5[%dma_start3A_92, %dma_start3A_93, %dma_start3A_95] : memref<2x1x80xi32, #tpu.memory_space<vmem>> -> memref<1x1x80xi32, #tpu.memory_space<vmem>>
    %dma_start3A_97 = tpu.memref_squeeze %dma_start3A_96 : memref<1x1x80xi32, #tpu.memory_space<vmem>> -> memref<80xi32, #tpu.memory_space<vmem>>
    %dma_start3A_98 = arith.constant 0 : i32
    %dma_start3A_99 = tpu.memref_slice %arg2[%mul3A_2, %dma_start3A_98] : memref<20480x128xf32, #tpu.memory_space<hbm>> -> memref<10240x128xf32, #tpu.memory_space<hbm>>
    %dma_start3A_100 = arith.constant 0 : i32
    %dma_start3A_101 = arith.constant 0 : i32
    %dma_start3A_102 = tpu.memref_slice %dma_start3A_99[%dma_start3A_100, %dma_start3A_101] : memref<10240x128xf32, #tpu.memory_space<hbm>> -> memref<10240x128xf32, #tpu.memory_space<hbm>>
    %dma_start3A_103 = tpu.memref_slice %arg15[%dma_start3A_94] : memref<4x!tpu.dma_semaphore, #tpu.memory_space<semaphore_mem>> -> memref<1x!tpu.dma_semaphore, #tpu.memory_space<semaphore_mem>>
    %dma_start3A_104 = tpu.memref_squeeze %dma_start3A_103 : memref<1x!tpu.dma_semaphore, #tpu.memory_space<semaphore_mem>> -> memref<!tpu.dma_semaphore, #tpu.memory_space<semaphore_mem>>
    tpu.enqueue_indirect_dma source(%dma_start3A_102 : memref<10240x128xf32, #tpu.memory_space<hbm>>) target(%arg9 : memref<80x128xf32, #tpu.memory_space<vmem>>) offsets(%dma_start3A_97 : memref<80xi32, #tpu.memory_space<vmem>>) semaphore(%dma_start3A_104 : memref<!tpu.dma_semaphore, #tpu.memory_space<semaphore_mem>>)
    %add3A_105 = arith.constant 1 : i32
    %add3A_106 = arith.addi %mul3A_4, %add3A_105 : i32
    %dma_wait3A_107 = arith.constant 1 : i32
    %dma_wait3A_108 = arith.constant 0 : i32
    %dma_wait3A_109 = arith.constant 0 : i32
    %dma_wait3A_110 = arith.constant 0 : i32
    %dma_wait3A_111 = tpu.memref_slice %arg3[%dma_wait3A_108, %add3A_106, %dma_wait3A_109, %dma_wait3A_110] : memref<2x2000x1x80xi32, #tpu.memory_space<hbm>> -> memref<2x1x1x80xi32, #tpu.memory_space<hbm>>
    %dma_wait3A_112 = tpu.memref_squeeze %dma_wait3A_111 : memref<2x1x1x80xi32, #tpu.memory_space<hbm>> -> memref<2x1x80xi32, #tpu.memory_space<hbm>>
    %dma_wait3A_113 = tpu.memref_slice %arg14[%dma_wait3A_107] : memref<4x!tpu.dma_semaphore, #tpu.memory_space<semaphore_mem>> -> memref<1x!tpu.dma_semaphore, #tpu.memory_space<semaphore_mem>>
    %dma_wait3A_114 = tpu.memref_squeeze %dma_wait3A_113 : memref<1x!tpu.dma_semaphore, #tpu.memory_space<semaphore_mem>> -> memref<!tpu.dma_semaphore, #tpu.memory_space<semaphore_mem>>
    %dma_wait3A_115 = arith.constant 0 : i32
    %dma_wait3A_116 = arith.constant 0 : i32
    %dma_wait3A_117 = arith.constant 0 : i32
    %dma_wait3A_118 = tpu.memref_slice %arg3[%dma_wait3A_115, %add3A_106, %dma_wait3A_116, %dma_wait3A_117] : memref<2x2000x1x80xi32, #tpu.memory_space<hbm>> -> memref<2x1x1x80xi32, #tpu.memory_space<hbm>>
    %dma_wait3A_119 = tpu.memref_squeeze %dma_wait3A_118 : memref<2x1x1x80xi32, #tpu.memory_space<hbm>> -> memref<2x1x80xi32, #tpu.memory_space<hbm>>
    tpu.wait_dma2 semaphore(%dma_wait3A_114 : memref<!tpu.dma_semaphore, #tpu.memory_space<semaphore_mem>>) src(%dma_wait3A_119 : memref<2x1x80xi32, #tpu.memory_space<hbm>>) dst(%arg6 : memref<2x1x80xi32, #tpu.memory_space<vmem>>)
    %dma_start3A_120 = arith.constant 0 : i32
    %dma_start3A_121 = arith.constant 0 : i32
    %dma_start3A_122 = arith.constant 1 : i32
    %dma_start3A_123 = arith.constant 0 : i32
    %dma_start3A_124 = tpu.memref_slice %arg6[%dma_start3A_120, %dma_start3A_121, %dma_start3A_123] : memref<2x1x80xi32, #tpu.memory_space<vmem>> -> memref<1x1x80xi32, #tpu.memory_space<vmem>>
    %dma_start3A_125 = tpu.memref_squeeze %dma_start3A_124 : memref<1x1x80xi32, #tpu.memory_space<vmem>> -> memref<80xi32, #tpu.memory_space<vmem>>
    %dma_start3A_126 = arith.constant 0 : i32
    %dma_start3A_127 = tpu.memref_slice %arg2[%mul3A_2, %dma_start3A_126] : memref<20480x128xf32, #tpu.memory_space<hbm>> -> memref<10240x128xf32, #tpu.memory_space<hbm>>
    %dma_start3A_128 = arith.constant 0 : i32
    %dma_start3A_129 = arith.constant 0 : i32
    %dma_start3A_130 = tpu.memref_slice %dma_start3A_127[%dma_start3A_128, %dma_start3A_129] : memref<10240x128xf32, #tpu.memory_space<hbm>> -> memref<10240x128xf32, #tpu.memory_space<hbm>>
    %dma_start3A_131 = tpu.memref_slice %arg15[%dma_start3A_122] : memref<4x!tpu.dma_semaphore, #tpu.memory_space<semaphore_mem>> -> memref<1x!tpu.dma_semaphore, #tpu.memory_space<semaphore_mem>>
    %dma_start3A_132 = tpu.memref_squeeze %dma_start3A_131 : memref<1x!tpu.dma_semaphore, #tpu.memory_space<semaphore_mem>> -> memref<!tpu.dma_semaphore, #tpu.memory_space<semaphore_mem>>
    tpu.enqueue_indirect_dma source(%dma_start3A_130 : memref<10240x128xf32, #tpu.memory_space<hbm>>) target(%arg10 : memref<80x128xf32, #tpu.memory_space<vmem>>) offsets(%dma_start3A_125 : memref<80xi32, #tpu.memory_space<vmem>>) semaphore(%dma_start3A_132 : memref<!tpu.dma_semaphore, #tpu.memory_space<semaphore_mem>>)
    %add3A_133 = arith.constant 2 : i32
    %add3A_134 = arith.addi %mul3A_4, %add3A_133 : i32
    %dma_wait3A_135 = arith.constant 2 : i32
    %dma_wait3A_136 = arith.constant 0 : i32
    %dma_wait3A_137 = arith.constant 0 : i32
    %dma_wait3A_138 = arith.constant 0 : i32
    %dma_wait3A_139 = tpu.memref_slice %arg3[%dma_wait3A_136, %add3A_134, %dma_wait3A_137, %dma_wait3A_138] : memref<2x2000x1x80xi32, #tpu.memory_space<hbm>> -> memref<2x1x1x80xi32, #tpu.memory_space<hbm>>
    %dma_wait3A_140 = tpu.memref_squeeze %dma_wait3A_139 : memref<2x1x1x80xi32, #tpu.memory_space<hbm>> -> memref<2x1x80xi32, #tpu.memory_space<hbm>>
    %dma_wait3A_141 = tpu.memref_slice %arg14[%dma_wait3A_135] : memref<4x!tpu.dma_semaphore, #tpu.memory_space<semaphore_mem>> -> memref<1x!tpu.dma_semaphore, #tpu.memory_space<semaphore_mem>>
    %dma_wait3A_142 = tpu.memref_squeeze %dma_wait3A_141 : memref<1x!tpu.dma_semaphore, #tpu.memory_space<semaphore_mem>> -> memref<!tpu.dma_semaphore, #tpu.memory_space<semaphore_mem>>
    %dma_wait3A_143 = arith.constant 0 : i32
    %dma_wait3A_144 = arith.constant 0 : i32
    %dma_wait3A_145 = arith.constant 0 : i32
    %dma_wait3A_146 = tpu.memref_slice %arg3[%dma_wait3A_143, %add3A_134, %dma_wait3A_144, %dma_wait3A_145] : memref<2x2000x1x80xi32, #tpu.memory_space<hbm>> -> memref<2x1x1x80xi32, #tpu.memory_space<hbm>>
    %dma_wait3A_147 = tpu.memref_squeeze %dma_wait3A_146 : memref<2x1x1x80xi32, #tpu.memory_space<hbm>> -> memref<2x1x80xi32, #tpu.memory_space<hbm>>
    tpu.wait_dma2 semaphore(%dma_wait3A_142 : memref<!tpu.dma_semaphore, #tpu.memory_space<semaphore_mem>>) src(%dma_wait3A_147 : memref<2x1x80xi32, #tpu.memory_space<hbm>>) dst(%arg7 : memref<2x1x80xi32, #tpu.memory_space<vmem>>)
    %dma_start3A_148 = arith.constant 0 : i32
    %dma_start3A_149 = arith.constant 0 : i32
    %dma_start3A_150 = arith.constant 2 : i32
    %dma_start3A_151 = arith.constant 0 : i32
    %dma_start3A_152 = tpu.memref_slice %arg7[%dma_start3A_148, %dma_start3A_149, %dma_start3A_151] : memref<2x1x80xi32, #tpu.memory_space<vmem>> -> memref<1x1x80xi32, #tpu.memory_space<vmem>>
    %dma_start3A_153 = tpu.memref_squeeze %dma_start3A_152 : memref<1x1x80xi32, #tpu.memory_space<vmem>> -> memref<80xi32, #tpu.memory_space<vmem>>
    %dma_start3A_154 = arith.constant 0 : i32
    %dma_start3A_155 = tpu.memref_slice %arg2[%mul3A_2, %dma_start3A_154] : memref<20480x128xf32, #tpu.memory_space<hbm>> -> memref<10240x128xf32, #tpu.memory_space<hbm>>
    %dma_start3A_156 = arith.constant 0 : i32
    %dma_start3A_157 = arith.constant 0 : i32
    %dma_start3A_158 = tpu.memref_slice %dma_start3A_155[%dma_start3A_156, %dma_start3A_157] : memref<10240x128xf32, #tpu.memory_space<hbm>> -> memref<10240x128xf32, #tpu.memory_space<hbm>>
    %dma_start3A_159 = tpu.memref_slice %arg15[%dma_start3A_150] : memref<4x!tpu.dma_semaphore, #tpu.memory_space<semaphore_mem>> -> memref<1x!tpu.dma_semaphore, #tpu.memory_space<semaphore_mem>>
    %dma_start3A_160 = tpu.memref_squeeze %dma_start3A_159 : memref<1x!tpu.dma_semaphore, #tpu.memory_space<semaphore_mem>> -> memref<!tpu.dma_semaphore, #tpu.memory_space<semaphore_mem>>
    tpu.enqueue_indirect_dma source(%dma_start3A_158 : memref<10240x128xf32, #tpu.memory_space<hbm>>) target(%arg11 : memref<80x128xf32, #tpu.memory_space<vmem>>) offsets(%dma_start3A_153 : memref<80xi32, #tpu.memory_space<vmem>>) semaphore(%dma_start3A_160 : memref<!tpu.dma_semaphore, #tpu.memory_space<semaphore_mem>>)
    %add3A_161 = arith.constant 3 : i32
    %add3A_162 = arith.addi %mul3A_4, %add3A_161 : i32
    %dma_wait3A_163 = arith.constant 3 : i32
    %dma_wait3A_164 = arith.constant 0 : i32
    %dma_wait3A_165 = arith.constant 0 : i32
    %dma_wait3A_166 = arith.constant 0 : i32
    %dma_wait3A_167 = tpu.memref_slice %arg3[%dma_wait3A_164, %add3A_162, %dma_wait3A_165, %dma_wait3A_166] : memref<2x2000x1x80xi32, #tpu.memory_space<hbm>> -> memref<2x1x1x80xi32, #tpu.memory_space<hbm>>
    %dma_wait3A_168 = tpu.memref_squeeze %dma_wait3A_167 : memref<2x1x1x80xi32, #tpu.memory_space<hbm>> -> memref<2x1x80xi32, #tpu.memory_space<hbm>>
    %dma_wait3A_169 = tpu.memref_slice %arg14[%dma_wait3A_163] : memref<4x!tpu.dma_semaphore, #tpu.memory_space<semaphore_mem>> -> memref<1x!tpu.dma_semaphore, #tpu.memory_space<semaphore_mem>>
    %dma_wait3A_170 = tpu.memref_squeeze %dma_wait3A_169 : memref<1x!tpu.dma_semaphore, #tpu.memory_space<semaphore_mem>> -> memref<!tpu.dma_semaphore, #tpu.memory_space<semaphore_mem>>
    %dma_wait3A_171 = arith.constant 0 : i32
    %dma_wait3A_172 = arith.constant 0 : i32
    %dma_wait3A_173 = arith.constant 0 : i32
    %dma_wait3A_174 = tpu.memref_slice %arg3[%dma_wait3A_171, %add3A_162, %dma_wait3A_172, %dma_wait3A_173] : memref<2x2000x1x80xi32, #tpu.memory_space<hbm>> -> memref<2x1x1x80xi32, #tpu.memory_space<hbm>>
    %dma_wait3A_175 = tpu.memref_squeeze %dma_wait3A_174 : memref<2x1x1x80xi32, #tpu.memory_space<hbm>> -> memref<2x1x80xi32, #tpu.memory_space<hbm>>
    tpu.wait_dma2 semaphore(%dma_wait3A_170 : memref<!tpu.dma_semaphore, #tpu.memory_space<semaphore_mem>>) src(%dma_wait3A_175 : memref<2x1x80xi32, #tpu.memory_space<hbm>>) dst(%arg8 : memref<2x1x80xi32, #tpu.memory_space<vmem>>)
    %dma_start3A_176 = arith.constant 0 : i32
    %dma_start3A_177 = arith.constant 0 : i32
    %dma_start3A_178 = arith.constant 3 : i32
    %dma_start3A_179 = arith.constant 0 : i32
    %dma_start3A_180 = tpu.memref_slice %arg8[%dma_start3A_176, %dma_start3A_177, %dma_start3A_179] : memref<2x1x80xi32, #tpu.memory_space<vmem>> -> memref<1x1x80xi32, #tpu.memory_space<vmem>>
    %dma_start3A_181 = tpu.memref_squeeze %dma_start3A_180 : memref<1x1x80xi32, #tpu.memory_space<vmem>> -> memref<80xi32, #tpu.memory_space<vmem>>
    %dma_start3A_182 = arith.constant 0 : i32
    %dma_start3A_183 = tpu.memref_slice %arg2[%mul3A_2, %dma_start3A_182] : memref<20480x128xf32, #tpu.memory_space<hbm>> -> memref<10240x128xf32, #tpu.memory_space<hbm>>
    %dma_start3A_184 = arith.constant 0 : i32
    %dma_start3A_185 = arith.constant 0 : i32
    %dma_start3A_186 = tpu.memref_slice %dma_start3A_183[%dma_start3A_184, %dma_start3A_185] : memref<10240x128xf32, #tpu.memory_space<hbm>> -> memref<10240x128xf32, #tpu.memory_space<hbm>>
    %dma_start3A_187 = tpu.memref_slice %arg15[%dma_start3A_178] : memref<4x!tpu.dma_semaphore, #tpu.memory_space<semaphore_mem>> -> memref<1x!tpu.dma_semaphore, #tpu.memory_space<semaphore_mem>>
    %dma_start3A_188 = tpu.memref_squeeze %dma_start3A_187 : memref<1x!tpu.dma_semaphore, #tpu.memory_space<semaphore_mem>> -> memref<!tpu.dma_semaphore, #tpu.memory_space<semaphore_mem>>
    tpu.enqueue_indirect_dma source(%dma_start3A_186 : memref<10240x128xf32, #tpu.memory_space<hbm>>) target(%arg12 : memref<80x128xf32, #tpu.memory_space<vmem>>) offsets(%dma_start3A_181 : memref<80xi32, #tpu.memory_space<vmem>>) semaphore(%dma_start3A_188 : memref<!tpu.dma_semaphore, #tpu.memory_space<semaphore_mem>>)
    %scan3A = arith.constant 0 : i32
    %scan3A_189 = arith.constant 31 : i32
    %scan3A_190 = arith.addi %scan3A, %scan3A_189 : i32
    %scan3A_191 = arith.constant 1 : i32
    scf.for %scan3A_230 = %scan3A to %scan3A_190 step %scan3A_191  : i32 {
      %mul3A_231 = arith.constant 4 : i32
      %mul3A_232 = arith.muli %scan3A_230, %mul3A_231 : i32
      %add3A_233 = arith.constant 0 : i32
      %add3A_234 = arith.addi %add3A_233, %mul3A_232 : i32
      %dma_wait3A_235 = arith.constant 0 : i32
      %dma_wait3A_236 = arith.constant 0 : i32
      %dma_wait3A_237 = arith.constant 0 : i32
      %dma_wait3A_238 = arith.constant 0 : i32
      %dma_wait3A_239 = tpu.memref_slice %arg5[%dma_wait3A_235, %dma_wait3A_236, %dma_wait3A_238] : memref<2x1x80xi32, #tpu.memory_space<vmem>> -> memref<1x1x80xi32, #tpu.memory_space<vmem>>
      %dma_wait3A_240 = tpu.memref_squeeze %dma_wait3A_239 : memref<1x1x80xi32, #tpu.memory_space<vmem>> -> memref<80xi32, #tpu.memory_space<vmem>>
      %dma_wait3A_241 = arith.constant 0 : i32
      %dma_wait3A_242 = tpu.memref_slice %arg2[%mul3A_2, %dma_wait3A_241] : memref<20480x128xf32, #tpu.memory_space<hbm>> -> memref<10240x128xf32, #tpu.memory_space<hbm>>
      %dma_wait3A_243 = arith.constant 0 : i32
      %dma_wait3A_244 = arith.constant 0 : i32
      %dma_wait3A_245 = tpu.memref_slice %dma_wait3A_242[%dma_wait3A_243, %dma_wait3A_244] : memref<10240x128xf32, #tpu.memory_space<hbm>> -> memref<10240x128xf32, #tpu.memory_space<hbm>>
      %dma_wait3A_246 = tpu.memref_slice %arg15[%dma_wait3A_237] : memref<4x!tpu.dma_semaphore, #tpu.memory_space<semaphore_mem>> -> memref<1x!tpu.dma_semaphore, #tpu.memory_space<semaphore_mem>>
      %dma_wait3A_247 = tpu.memref_squeeze %dma_wait3A_246 : memref<1x!tpu.dma_semaphore, #tpu.memory_space<semaphore_mem>> -> memref<!tpu.dma_semaphore, #tpu.memory_space<semaphore_mem>>
      tpu.wait_indirect_dma semaphore(%dma_wait3A_247 : memref<!tpu.dma_semaphore, #tpu.memory_space<semaphore_mem>>) src(%dma_wait3A_245 : memref<10240x128xf32, #tpu.memory_space<hbm>>) dst(%arg9 : memref<80x128xf32, #tpu.memory_space<vmem>>)
      %dma_start3A_248 = arith.constant 1 : i32
      %dma_start3A_249 = arith.constant 0 : i32
      %dma_start3A_250 = arith.constant 0 : i32
      %dma_start3A_251 = arith.constant 0 : i32
      %dma_start3A_252 = tpu.memref_slice %arg5[%dma_start3A_248, %dma_start3A_249, %dma_start3A_251] : memref<2x1x80xi32, #tpu.memory_space<vmem>> -> memref<1x1x80xi32, #tpu.memory_space<vmem>>
      %dma_start3A_253 = tpu.memref_squeeze %dma_start3A_252 : memref<1x1x80xi32, #tpu.memory_space<vmem>> -> memref<80xi32, #tpu.memory_space<vmem>>
      %dma_start3A_254 = arith.constant 0 : i32
      %dma_start3A_255 = arith.constant 0 : i32
      %dma_start3A_256 = tpu.memref_slice %arg13[%dma_start3A_254, %dma_start3A_255] : memref<10240x128xf32, #tpu.memory_space<vmem_shared>> -> memref<10240x128xf32, #tpu.memory_space<vmem_shared>>
      %dma_start3A_257 = tpu.memref_slice %arg16[%dma_start3A_250] : memref<4x!tpu.dma_semaphore, #tpu.memory_space<semaphore_mem>> -> memref<1x!tpu.dma_semaphore, #tpu.memory_space<semaphore_mem>>
      %dma_start3A_258 = tpu.memref_squeeze %dma_start3A_257 : memref<1x!tpu.dma_semaphore, #tpu.memory_space<semaphore_mem>> -> memref<!tpu.dma_semaphore, #tpu.memory_space<semaphore_mem>>
      tpu.enqueue_indirect_dma source(%arg9 : memref<80x128xf32, #tpu.memory_space<vmem>>) target(%dma_start3A_256 : memref<10240x128xf32, #tpu.memory_space<vmem_shared>>) offsets(%dma_start3A_253 : memref<80xi32, #tpu.memory_space<vmem>>) semaphore(%dma_start3A_258 : memref<!tpu.dma_semaphore, #tpu.memory_space<semaphore_mem>>) {add = true}
      %dma_wait3A_259 = arith.constant 0 : i32
      %dma_wait3A_260 = arith.constant 0 : i32
      %dma_wait3A_261 = arith.constant 1 : i32
      %dma_wait3A_262 = arith.constant 0 : i32
      %dma_wait3A_263 = tpu.memref_slice %arg6[%dma_wait3A_259, %dma_wait3A_260, %dma_wait3A_262] : memref<2x1x80xi32, #tpu.memory_space<vmem>> -> memref<1x1x80xi32, #tpu.memory_space<vmem>>
      %dma_wait3A_264 = tpu.memref_squeeze %dma_wait3A_263 : memref<1x1x80xi32, #tpu.memory_space<vmem>> -> memref<80xi32, #tpu.memory_space<vmem>>
      %dma_wait3A_265 = arith.constant 0 : i32
      %dma_wait3A_266 = tpu.memref_slice %arg2[%mul3A_2, %dma_wait3A_265] : memref<20480x128xf32, #tpu.memory_space<hbm>> -> memref<10240x128xf32, #tpu.memory_space<hbm>>
      %dma_wait3A_267 = arith.constant 0 : i32
      %dma_wait3A_268 = arith.constant 0 : i32
      %dma_wait3A_269 = tpu.memref_slice %dma_wait3A_266[%dma_wait3A_267, %dma_wait3A_268] : memref<10240x128xf32, #tpu.memory_space<hbm>> -> memref<10240x128xf32, #tpu.memory_space<hbm>>
      %dma_wait3A_270 = tpu.memref_slice %arg15[%dma_wait3A_261] : memref<4x!tpu.dma_semaphore, #tpu.memory_space<semaphore_mem>> -> memref<1x!tpu.dma_semaphore, #tpu.memory_space<semaphore_mem>>
      %dma_wait3A_271 = tpu.memref_squeeze %dma_wait3A_270 : memref<1x!tpu.dma_semaphore, #tpu.memory_space<semaphore_mem>> -> memref<!tpu.dma_semaphore, #tpu.memory_space<semaphore_mem>>
      tpu.wait_indirect_dma semaphore(%dma_wait3A_271 : memref<!tpu.dma_semaphore, #tpu.memory_space<semaphore_mem>>) src(%dma_wait3A_269 : memref<10240x128xf32, #tpu.memory_space<hbm>>) dst(%arg10 : memref<80x128xf32, #tpu.memory_space<vmem>>)
      %dma_start3A_272 = arith.constant 1 : i32
      %dma_start3A_273 = arith.constant 0 : i32
      %dma_start3A_274 = arith.constant 1 : i32
      %dma_start3A_275 = arith.constant 0 : i32
      %dma_start3A_276 = tpu.memref_slice %arg6[%dma_start3A_272, %dma_start3A_273, %dma_start3A_275] : memref<2x1x80xi32, #tpu.memory_space<vmem>> -> memref<1x1x80xi32, #tpu.memory_space<vmem>>
      %dma_start3A_277 = tpu.memref_squeeze %dma_start3A_276 : memref<1x1x80xi32, #tpu.memory_space<vmem>> -> memref<80xi32, #tpu.memory_space<vmem>>
      %dma_start3A_278 = arith.constant 0 : i32
      %dma_start3A_279 = arith.constant 0 : i32
      %dma_start3A_280 = tpu.memref_slice %arg13[%dma_start3A_278, %dma_start3A_279] : memref<10240x128xf32, #tpu.memory_space<vmem_shared>> -> memref<10240x128xf32, #tpu.memory_space<vmem_shared>>
      %dma_start3A_281 = tpu.memref_slice %arg16[%dma_start3A_274] : memref<4x!tpu.dma_semaphore, #tpu.memory_space<semaphore_mem>> -> memref<1x!tpu.dma_semaphore, #tpu.memory_space<semaphore_mem>>
      %dma_start3A_282 = tpu.memref_squeeze %dma_start3A_281 : memref<1x!tpu.dma_semaphore, #tpu.memory_space<semaphore_mem>> -> memref<!tpu.dma_semaphore, #tpu.memory_space<semaphore_mem>>
      tpu.enqueue_indirect_dma source(%arg10 : memref<80x128xf32, #tpu.memory_space<vmem>>) target(%dma_start3A_280 : memref<10240x128xf32, #tpu.memory_space<vmem_shared>>) offsets(%dma_start3A_277 : memref<80xi32, #tpu.memory_space<vmem>>) semaphore(%dma_start3A_282 : memref<!tpu.dma_semaphore, #tpu.memory_space<semaphore_mem>>) {add = true}
      %dma_wait3A_283 = arith.constant 0 : i32
      %dma_wait3A_284 = arith.constant 0 : i32
      %dma_wait3A_285 = arith.constant 2 : i32
      %dma_wait3A_286 = arith.constant 0 : i32
      %dma_wait3A_287 = tpu.memref_slice %arg7[%dma_wait3A_283, %dma_wait3A_284, %dma_wait3A_286] : memref<2x1x80xi32, #tpu.memory_space<vmem>> -> memref<1x1x80xi32, #tpu.memory_space<vmem>>
      %dma_wait3A_288 = tpu.memref_squeeze %dma_wait3A_287 : memref<1x1x80xi32, #tpu.memory_space<vmem>> -> memref<80xi32, #tpu.memory_space<vmem>>
      %dma_wait3A_289 = arith.constant 0 : i32
      %dma_wait3A_290 = tpu.memref_slice %arg2[%mul3A_2, %dma_wait3A_289] : memref<20480x128xf32, #tpu.memory_space<hbm>> -> memref<10240x128xf32, #tpu.memory_space<hbm>>
      %dma_wait3A_291 = arith.constant 0 : i32
      %dma_wait3A_292 = arith.constant 0 : i32
      %dma_wait3A_293 = tpu.memref_slice %dma_wait3A_290[%dma_wait3A_291, %dma_wait3A_292] : memref<10240x128xf32, #tpu.memory_space<hbm>> -> memref<10240x128xf32, #tpu.memory_space<hbm>>
      %dma_wait3A_294 = tpu.memref_slice %arg15[%dma_wait3A_285] : memref<4x!tpu.dma_semaphore, #tpu.memory_space<semaphore_mem>> -> memref<1x!tpu.dma_semaphore, #tpu.memory_space<semaphore_mem>>
      %dma_wait3A_295 = tpu.memref_squeeze %dma_wait3A_294 : memref<1x!tpu.dma_semaphore, #tpu.memory_space<semaphore_mem>> -> memref<!tpu.dma_semaphore, #tpu.memory_space<semaphore_mem>>
      tpu.wait_indirect_dma semaphore(%dma_wait3A_295 : memref<!tpu.dma_semaphore, #tpu.memory_space<semaphore_mem>>) src(%dma_wait3A_293 : memref<10240x128xf32, #tpu.memory_space<hbm>>) dst(%arg11 : memref<80x128xf32, #tpu.memory_space<vmem>>)
      %dma_start3A_296 = arith.constant 1 : i32
      %dma_start3A_297 = arith.constant 0 : i32
      %dma_start3A_298 = arith.constant 2 : i32
      %dma_start3A_299 = arith.constant 0 : i32
      %dma_start3A_300 = tpu.memref_slice %arg7[%dma_start3A_296, %dma_start3A_297, %dma_start3A_299] : memref<2x1x80xi32, #tpu.memory_space<vmem>> -> memref<1x1x80xi32, #tpu.memory_space<vmem>>
      %dma_start3A_301 = tpu.memref_squeeze %dma_start3A_300 : memref<1x1x80xi32, #tpu.memory_space<vmem>> -> memref<80xi32, #tpu.memory_space<vmem>>
      %dma_start3A_302 = arith.constant 0 : i32
      %dma_start3A_303 = arith.constant 0 : i32
      %dma_start3A_304 = tpu.memref_slice %arg13[%dma_start3A_302, %dma_start3A_303] : memref<10240x128xf32, #tpu.memory_space<vmem_shared>> -> memref<10240x128xf32, #tpu.memory_space<vmem_shared>>
      %dma_start3A_305 = tpu.memref_slice %arg16[%dma_start3A_298] : memref<4x!tpu.dma_semaphore, #tpu.memory_space<semaphore_mem>> -> memref<1x!tpu.dma_semaphore, #tpu.memory_space<semaphore_mem>>
      %dma_start3A_306 = tpu.memref_squeeze %dma_start3A_305 : memref<1x!tpu.dma_semaphore, #tpu.memory_space<semaphore_mem>> -> memref<!tpu.dma_semaphore, #tpu.memory_space<semaphore_mem>>
      tpu.enqueue_indirect_dma source(%arg11 : memref<80x128xf32, #tpu.memory_space<vmem>>) target(%dma_start3A_304 : memref<10240x128xf32, #tpu.memory_space<vmem_shared>>) offsets(%dma_start3A_301 : memref<80xi32, #tpu.memory_space<vmem>>) semaphore(%dma_start3A_306 : memref<!tpu.dma_semaphore, #tpu.memory_space<semaphore_mem>>) {add = true}
      %dma_wait3A_307 = arith.constant 0 : i32
      %dma_wait3A_308 = arith.constant 0 : i32
      %dma_wait3A_309 = arith.constant 3 : i32
      %dma_wait3A_310 = arith.constant 0 : i32
      %dma_wait3A_311 = tpu.memref_slice %arg8[%dma_wait3A_307, %dma_wait3A_308, %dma_wait3A_310] : memref<2x1x80xi32, #tpu.memory_space<vmem>> -> memref<1x1x80xi32, #tpu.memory_space<vmem>>
      %dma_wait3A_312 = tpu.memref_squeeze %dma_wait3A_311 : memref<1x1x80xi32, #tpu.memory_space<vmem>> -> memref<80xi32, #tpu.memory_space<vmem>>
      %dma_wait3A_313 = arith.constant 0 : i32
      %dma_wait3A_314 = tpu.memref_slice %arg2[%mul3A_2, %dma_wait3A_313] : memref<20480x128xf32, #tpu.memory_space<hbm>> -> memref<10240x128xf32, #tpu.memory_space<hbm>>
      %dma_wait3A_315 = arith.constant 0 : i32
      %dma_wait3A_316 = arith.constant 0 : i32
      %dma_wait3A_317 = tpu.memref_slice %dma_wait3A_314[%dma_wait3A_315, %dma_wait3A_316] : memref<10240x128xf32, #tpu.memory_space<hbm>> -> memref<10240x128xf32, #tpu.memory_space<hbm>>
      %dma_wait3A_318 = tpu.memref_slice %arg15[%dma_wait3A_309] : memref<4x!tpu.dma_semaphore, #tpu.memory_space<semaphore_mem>> -> memref<1x!tpu.dma_semaphore, #tpu.memory_space<semaphore_mem>>
      %dma_wait3A_319 = tpu.memref_squeeze %dma_wait3A_318 : memref<1x!tpu.dma_semaphore, #tpu.memory_space<semaphore_mem>> -> memref<!tpu.dma_semaphore, #tpu.memory_space<semaphore_mem>>
      tpu.wait_indirect_dma semaphore(%dma_wait3A_319 : memref<!tpu.dma_semaphore, #tpu.memory_space<semaphore_mem>>) src(%dma_wait3A_317 : memref<10240x128xf32, #tpu.memory_space<hbm>>) dst(%arg12 : memref<80x128xf32, #tpu.memory_space<vmem>>)
      %dma_start3A_320 = arith.constant 1 : i32
      %dma_start3A_321 = arith.constant 0 : i32
      %dma_start3A_322 = arith.constant 3 : i32
      %dma_start3A_323 = arith.constant 0 : i32
      %dma_start3A_324 = tpu.memref_slice %arg8[%dma_start3A_320, %dma_start3A_321, %dma_start3A_323] : memref<2x1x80xi32, #tpu.memory_space<vmem>> -> memref<1x1x80xi32, #tpu.memory_space<vmem>>
      %dma_start3A_325 = tpu.memref_squeeze %dma_start3A_324 : memref<1x1x80xi32, #tpu.memory_space<vmem>> -> memref<80xi32, #tpu.memory_space<vmem>>
      %dma_start3A_326 = arith.constant 0 : i32
      %dma_start3A_327 = arith.constant 0 : i32
      %dma_start3A_328 = tpu.memref_slice %arg13[%dma_start3A_326, %dma_start3A_327] : memref<10240x128xf32, #tpu.memory_space<vmem_shared>> -> memref<10240x128xf32, #tpu.memory_space<vmem_shared>>
      %dma_start3A_329 = tpu.memref_slice %arg16[%dma_start3A_322] : memref<4x!tpu.dma_semaphore, #tpu.memory_space<semaphore_mem>> -> memref<1x!tpu.dma_semaphore, #tpu.memory_space<semaphore_mem>>
      %dma_start3A_330 = tpu.memref_squeeze %dma_start3A_329 : memref<1x!tpu.dma_semaphore, #tpu.memory_space<semaphore_mem>> -> memref<!tpu.dma_semaphore, #tpu.memory_space<semaphore_mem>>
      tpu.enqueue_indirect_dma source(%arg12 : memref<80x128xf32, #tpu.memory_space<vmem>>) target(%dma_start3A_328 : memref<10240x128xf32, #tpu.memory_space<vmem_shared>>) offsets(%dma_start3A_325 : memref<80xi32, #tpu.memory_space<vmem>>) semaphore(%dma_start3A_330 : memref<!tpu.dma_semaphore, #tpu.memory_space<semaphore_mem>>) {add = true}
      %dma_wait3A_331 = arith.constant 1 : i32
      %dma_wait3A_332 = arith.constant 0 : i32
      %dma_wait3A_333 = arith.constant 0 : i32
      %dma_wait3A_334 = arith.constant 0 : i32
      %dma_wait3A_335 = tpu.memref_slice %arg5[%dma_wait3A_331, %dma_wait3A_332, %dma_wait3A_334] : memref<2x1x80xi32, #tpu.memory_space<vmem>> -> memref<1x1x80xi32, #tpu.memory_space<vmem>>
      %dma_wait3A_336 = tpu.memref_squeeze %dma_wait3A_335 : memref<1x1x80xi32, #tpu.memory_space<vmem>> -> memref<80xi32, #tpu.memory_space<vmem>>
      %dma_wait3A_337 = arith.constant 0 : i32
      %dma_wait3A_338 = arith.constant 0 : i32
      %dma_wait3A_339 = tpu.memref_slice %arg13[%dma_wait3A_337, %dma_wait3A_338] : memref<10240x128xf32, #tpu.memory_space<vmem_shared>> -> memref<10240x128xf32, #tpu.memory_space<vmem_shared>>
      %dma_wait3A_340 = tpu.memref_slice %arg16[%dma_wait3A_333] : memref<4x!tpu.dma_semaphore, #tpu.memory_space<semaphore_mem>> -> memref<1x!tpu.dma_semaphore, #tpu.memory_space<semaphore_mem>>
      %dma_wait3A_341 = tpu.memref_squeeze %dma_wait3A_340 : memref<1x!tpu.dma_semaphore, #tpu.memory_space<semaphore_mem>> -> memref<!tpu.dma_semaphore, #tpu.memory_space<semaphore_mem>>
      tpu.wait_indirect_dma semaphore(%dma_wait3A_341 : memref<!tpu.dma_semaphore, #tpu.memory_space<semaphore_mem>>) src(%arg9 : memref<80x128xf32, #tpu.memory_space<vmem>>) dst(%dma_wait3A_339 : memref<10240x128xf32, #tpu.memory_space<vmem_shared>>)
      %add3A_342 = arith.constant 0 : i32
      %add3A_343 = arith.addi %add3A_234, %add3A_342 : i32
      %add3A_344 = arith.constant 4 : i32
      %add3A_345 = arith.addi %add3A_343, %add3A_344 : i32
      %lt3A = arith.constant 125 : i32
      %lt3A_346 = arith.cmpi slt, %add3A_345, %lt3A : i32
      %convert_element_type3A = arith.extui %lt3A_346 : i1 to i32
      %cond3A = arith.constant 0 : i32
      %cond3A_347 = arith.cmpi ne, %convert_element_type3A, %cond3A : i32
      scf.if %cond3A_347 {
        %add3A_444 = arith.addi %mul3A_4, %add3A_345 : i32
        %dma_start3A_445 = arith.constant 0 : i32
        %dma_start3A_446 = arith.constant 0 : i32
        %dma_start3A_447 = arith.constant 0 : i32
        %dma_start3A_448 = arith.constant 0 : i32
        %dma_start3A_449 = tpu.memref_slice %arg3[%dma_start3A_446, %add3A_444, %dma_start3A_447, %dma_start3A_448] : memref<2x2000x1x80xi32, #tpu.memory_space<hbm>> -> memref<2x1x1x80xi32, #tpu.memory_space<hbm>>
        %dma_start3A_450 = tpu.memref_squeeze %dma_start3A_449 : memref<2x1x1x80xi32, #tpu.memory_space<hbm>> -> memref<2x1x80xi32, #tpu.memory_space<hbm>>
        %dma_start3A_451 = tpu.memref_slice %arg14[%dma_start3A_445] : memref<4x!tpu.dma_semaphore, #tpu.memory_space<semaphore_mem>> -> memref<1x!tpu.dma_semaphore, #tpu.memory_space<semaphore_mem>>
        %dma_start3A_452 = tpu.memref_squeeze %dma_start3A_451 : memref<1x!tpu.dma_semaphore, #tpu.memory_space<semaphore_mem>> -> memref<!tpu.dma_semaphore, #tpu.memory_space<semaphore_mem>>
        %dma_start3A_453 = arith.constant 0 : i32
        %dma_start3A_454 = arith.constant 0 : i32
        %dma_start3A_455 = arith.constant 0 : i32
        %dma_start3A_456 = tpu.memref_slice %arg3[%dma_start3A_453, %add3A_444, %dma_start3A_454, %dma_start3A_455] : memref<2x2000x1x80xi32, #tpu.memory_space<hbm>> -> memref<2x1x1x80xi32, #tpu.memory_space<hbm>>
        %dma_start3A_457 = tpu.memref_squeeze %dma_start3A_456 : memref<2x1x1x80xi32, #tpu.memory_space<hbm>> -> memref<2x1x80xi32, #tpu.memory_space<hbm>>
        tpu.enqueue_dma source(%dma_start3A_457 : memref<2x1x80xi32, #tpu.memory_space<hbm>>) target(%arg5 : memref<2x1x80xi32, #tpu.memory_space<vmem>>) target_semaphore(%dma_start3A_452 : memref<!tpu.dma_semaphore, #tpu.memory_space<semaphore_mem>>)
      } else {
      }
      %dma_wait3A_348 = arith.constant 1 : i32
      %dma_wait3A_349 = arith.constant 0 : i32
      %dma_wait3A_350 = arith.constant 1 : i32
      %dma_wait3A_351 = arith.constant 0 : i32
      %dma_wait3A_352 = tpu.memref_slice %arg6[%dma_wait3A_348, %dma_wait3A_349, %dma_wait3A_351] : memref<2x1x80xi32, #tpu.memory_space<vmem>> -> memref<1x1x80xi32, #tpu.memory_space<vmem>>
      %dma_wait3A_353 = tpu.memref_squeeze %dma_wait3A_352 : memref<1x1x80xi32, #tpu.memory_space<vmem>> -> memref<80xi32, #tpu.memory_space<vmem>>
      %dma_wait3A_354 = arith.constant 0 : i32
      %dma_wait3A_355 = arith.constant 0 : i32
      %dma_wait3A_356 = tpu.memref_slice %arg13[%dma_wait3A_354, %dma_wait3A_355] : memref<10240x128xf32, #tpu.memory_space<vmem_shared>> -> memref<10240x128xf32, #tpu.memory_space<vmem_shared>>
      %dma_wait3A_357 = tpu.memref_slice %arg16[%dma_wait3A_350] : memref<4x!tpu.dma_semaphore, #tpu.memory_space<semaphore_mem>> -> memref<1x!tpu.dma_semaphore, #tpu.memory_space<semaphore_mem>>
      %dma_wait3A_358 = tpu.memref_squeeze %dma_wait3A_357 : memref<1x!tpu.dma_semaphore, #tpu.memory_space<semaphore_mem>> -> memref<!tpu.dma_semaphore, #tpu.memory_space<semaphore_mem>>
      tpu.wait_indirect_dma semaphore(%dma_wait3A_358 : memref<!tpu.dma_semaphore, #tpu.memory_space<semaphore_mem>>) src(%arg10 : memref<80x128xf32, #tpu.memory_space<vmem>>) dst(%dma_wait3A_356 : memref<10240x128xf32, #tpu.memory_space<vmem_shared>>)
      %add3A_359 = arith.constant 1 : i32
      %add3A_360 = arith.addi %add3A_234, %add3A_359 : i32
      %add3A_361 = arith.constant 4 : i32
      %add3A_362 = arith.addi %add3A_360, %add3A_361 : i32
      %lt3A_363 = arith.constant 125 : i32
      %lt3A_364 = arith.cmpi slt, %add3A_362, %lt3A_363 : i32
      %convert_element_type3A_365 = arith.extui %lt3A_364 : i1 to i32
      %cond3A_366 = arith.constant 0 : i32
      %cond3A_367 = arith.cmpi ne, %convert_element_type3A_365, %cond3A_366 : i32
      scf.if %cond3A_367 {
        %add3A_444 = arith.addi %mul3A_4, %add3A_362 : i32
        %dma_start3A_445 = arith.constant 1 : i32
        %dma_start3A_446 = arith.constant 0 : i32
        %dma_start3A_447 = arith.constant 0 : i32
        %dma_start3A_448 = arith.constant 0 : i32
        %dma_start3A_449 = tpu.memref_slice %arg3[%dma_start3A_446, %add3A_444, %dma_start3A_447, %dma_start3A_448] : memref<2x2000x1x80xi32, #tpu.memory_space<hbm>> -> memref<2x1x1x80xi32, #tpu.memory_space<hbm>>
        %dma_start3A_450 = tpu.memref_squeeze %dma_start3A_449 : memref<2x1x1x80xi32, #tpu.memory_space<hbm>> -> memref<2x1x80xi32, #tpu.memory_space<hbm>>
        %dma_start3A_451 = tpu.memref_slice %arg14[%dma_start3A_445] : memref<4x!tpu.dma_semaphore, #tpu.memory_space<semaphore_mem>> -> memref<1x!tpu.dma_semaphore, #tpu.memory_space<semaphore_mem>>
        %dma_start3A_452 = tpu.memref_squeeze %dma_start3A_451 : memref<1x!tpu.dma_semaphore, #tpu.memory_space<semaphore_mem>> -> memref<!tpu.dma_semaphore, #tpu.memory_space<semaphore_mem>>
        %dma_start3A_453 = arith.constant 0 : i32
        %dma_start3A_454 = arith.constant 0 : i32
        %dma_start3A_455 = arith.constant 0 : i32
        %dma_start3A_456 = tpu.memref_slice %arg3[%dma_start3A_453, %add3A_444, %dma_start3A_454, %dma_start3A_455] : memref<2x2000x1x80xi32, #tpu.memory_space<hbm>> -> memref<2x1x1x80xi32, #tpu.memory_space<hbm>>
        %dma_start3A_457 = tpu.memref_squeeze %dma_start3A_456 : memref<2x1x1x80xi32, #tpu.memory_space<hbm>> -> memref<2x1x80xi32, #tpu.memory_space<hbm>>
        tpu.enqueue_dma source(%dma_start3A_457 : memref<2x1x80xi32, #tpu.memory_space<hbm>>) target(%arg6 : memref<2x1x80xi32, #tpu.memory_space<vmem>>) target_semaphore(%dma_start3A_452 : memref<!tpu.dma_semaphore, #tpu.memory_space<semaphore_mem>>)
      } else {
      }
      %dma_wait3A_368 = arith.constant 1 : i32
      %dma_wait3A_369 = arith.constant 0 : i32
      %dma_wait3A_370 = arith.constant 2 : i32
      %dma_wait3A_371 = arith.constant 0 : i32
      %dma_wait3A_372 = tpu.memref_slice %arg7[%dma_wait3A_368, %dma_wait3A_369, %dma_wait3A_371] : memref<2x1x80xi32, #tpu.memory_space<vmem>> -> memref<1x1x80xi32, #tpu.memory_space<vmem>>
      %dma_wait3A_373 = tpu.memref_squeeze %dma_wait3A_372 : memref<1x1x80xi32, #tpu.memory_space<vmem>> -> memref<80xi32, #tpu.memory_space<vmem>>
      %dma_wait3A_374 = arith.constant 0 : i32
      %dma_wait3A_375 = arith.constant 0 : i32
      %dma_wait3A_376 = tpu.memref_slice %arg13[%dma_wait3A_374, %dma_wait3A_375] : memref<10240x128xf32, #tpu.memory_space<vmem_shared>> -> memref<10240x128xf32, #tpu.memory_space<vmem_shared>>
      %dma_wait3A_377 = tpu.memref_slice %arg16[%dma_wait3A_370] : memref<4x!tpu.dma_semaphore, #tpu.memory_space<semaphore_mem>> -> memref<1x!tpu.dma_semaphore, #tpu.memory_space<semaphore_mem>>
      %dma_wait3A_378 = tpu.memref_squeeze %dma_wait3A_377 : memref<1x!tpu.dma_semaphore, #tpu.memory_space<semaphore_mem>> -> memref<!tpu.dma_semaphore, #tpu.memory_space<semaphore_mem>>
      tpu.wait_indirect_dma semaphore(%dma_wait3A_378 : memref<!tpu.dma_semaphore, #tpu.memory_space<semaphore_mem>>) src(%arg11 : memref<80x128xf32, #tpu.memory_space<vmem>>) dst(%dma_wait3A_376 : memref<10240x128xf32, #tpu.memory_space<vmem_shared>>)
      %add3A_379 = arith.constant 2 : i32
      %add3A_380 = arith.addi %add3A_234, %add3A_379 : i32
      %add3A_381 = arith.constant 4 : i32
      %add3A_382 = arith.addi %add3A_380, %add3A_381 : i32
      %lt3A_383 = arith.constant 125 : i32
      %lt3A_384 = arith.cmpi slt, %add3A_382, %lt3A_383 : i32
      %convert_element_type3A_385 = arith.extui %lt3A_384 : i1 to i32
      %cond3A_386 = arith.constant 0 : i32
      %cond3A_387 = arith.cmpi ne, %convert_element_type3A_385, %cond3A_386 : i32
      scf.if %cond3A_387 {
        %add3A_444 = arith.addi %mul3A_4, %add3A_382 : i32
        %dma_start3A_445 = arith.constant 2 : i32
        %dma_start3A_446 = arith.constant 0 : i32
        %dma_start3A_447 = arith.constant 0 : i32
        %dma_start3A_448 = arith.constant 0 : i32
        %dma_start3A_449 = tpu.memref_slice %arg3[%dma_start3A_446, %add3A_444, %dma_start3A_447, %dma_start3A_448] : memref<2x2000x1x80xi32, #tpu.memory_space<hbm>> -> memref<2x1x1x80xi32, #tpu.memory_space<hbm>>
        %dma_start3A_450 = tpu.memref_squeeze %dma_start3A_449 : memref<2x1x1x80xi32, #tpu.memory_space<hbm>> -> memref<2x1x80xi32, #tpu.memory_space<hbm>>
        %dma_start3A_451 = tpu.memref_slice %arg14[%dma_start3A_445] : memref<4x!tpu.dma_semaphore, #tpu.memory_space<semaphore_mem>> -> memref<1x!tpu.dma_semaphore, #tpu.memory_space<semaphore_mem>>
        %dma_start3A_452 = tpu.memref_squeeze %dma_start3A_451 : memref<1x!tpu.dma_semaphore, #tpu.memory_space<semaphore_mem>> -> memref<!tpu.dma_semaphore, #tpu.memory_space<semaphore_mem>>
        %dma_start3A_453 = arith.constant 0 : i32
        %dma_start3A_454 = arith.constant 0 : i32
        %dma_start3A_455 = arith.constant 0 : i32
        %dma_start3A_456 = tpu.memref_slice %arg3[%dma_start3A_453, %add3A_444, %dma_start3A_454, %dma_start3A_455] : memref<2x2000x1x80xi32, #tpu.memory_space<hbm>> -> memref<2x1x1x80xi32, #tpu.memory_space<hbm>>
        %dma_start3A_457 = tpu.memref_squeeze %dma_start3A_456 : memref<2x1x1x80xi32, #tpu.memory_space<hbm>> -> memref<2x1x80xi32, #tpu.memory_space<hbm>>
        tpu.enqueue_dma source(%dma_start3A_457 : memref<2x1x80xi32, #tpu.memory_space<hbm>>) target(%arg7 : memref<2x1x80xi32, #tpu.memory_space<vmem>>) target_semaphore(%dma_start3A_452 : memref<!tpu.dma_semaphore, #tpu.memory_space<semaphore_mem>>)
      } else {
      }
      %dma_wait3A_388 = arith.constant 1 : i32
      %dma_wait3A_389 = arith.constant 0 : i32
      %dma_wait3A_390 = arith.constant 3 : i32
      %dma_wait3A_391 = arith.constant 0 : i32
      %dma_wait3A_392 = tpu.memref_slice %arg8[%dma_wait3A_388, %dma_wait3A_389, %dma_wait3A_391] : memref<2x1x80xi32, #tpu.memory_space<vmem>> -> memref<1x1x80xi32, #tpu.memory_space<vmem>>
      %dma_wait3A_393 = tpu.memref_squeeze %dma_wait3A_392 : memref<1x1x80xi32, #tpu.memory_space<vmem>> -> memref<80xi32, #tpu.memory_space<vmem>>
      %dma_wait3A_394 = arith.constant 0 : i32
      %dma_wait3A_395 = arith.constant 0 : i32
      %dma_wait3A_396 = tpu.memref_slice %arg13[%dma_wait3A_394, %dma_wait3A_395] : memref<10240x128xf32, #tpu.memory_space<vmem_shared>> -> memref<10240x128xf32, #tpu.memory_space<vmem_shared>>
      %dma_wait3A_397 = tpu.memref_slice %arg16[%dma_wait3A_390] : memref<4x!tpu.dma_semaphore, #tpu.memory_space<semaphore_mem>> -> memref<1x!tpu.dma_semaphore, #tpu.memory_space<semaphore_mem>>
      %dma_wait3A_398 = tpu.memref_squeeze %dma_wait3A_397 : memref<1x!tpu.dma_semaphore, #tpu.memory_space<semaphore_mem>> -> memref<!tpu.dma_semaphore, #tpu.memory_space<semaphore_mem>>
      tpu.wait_indirect_dma semaphore(%dma_wait3A_398 : memref<!tpu.dma_semaphore, #tpu.memory_space<semaphore_mem>>) src(%arg12 : memref<80x128xf32, #tpu.memory_space<vmem>>) dst(%dma_wait3A_396 : memref<10240x128xf32, #tpu.memory_space<vmem_shared>>)
      %add3A_399 = arith.constant 3 : i32
      %add3A_400 = arith.addi %add3A_234, %add3A_399 : i32
      %add3A_401 = arith.constant 4 : i32
      %add3A_402 = arith.addi %add3A_400, %add3A_401 : i32
      %lt3A_403 = arith.constant 125 : i32
      %lt3A_404 = arith.cmpi slt, %add3A_402, %lt3A_403 : i32
      %convert_element_type3A_405 = arith.extui %lt3A_404 : i1 to i32
      %cond3A_406 = arith.constant 0 : i32
      %cond3A_407 = arith.cmpi ne, %convert_element_type3A_405, %cond3A_406 : i32
      scf.if %cond3A_407 {
        %add3A_444 = arith.addi %mul3A_4, %add3A_402 : i32
        %dma_start3A_445 = arith.constant 3 : i32
        %dma_start3A_446 = arith.constant 0 : i32
        %dma_start3A_447 = arith.constant 0 : i32
        %dma_start3A_448 = arith.constant 0 : i32
        %dma_start3A_449 = tpu.memref_slice %arg3[%dma_start3A_446, %add3A_444, %dma_start3A_447, %dma_start3A_448] : memref<2x2000x1x80xi32, #tpu.memory_space<hbm>> -> memref<2x1x1x80xi32, #tpu.memory_space<hbm>>
        %dma_start3A_450 = tpu.memref_squeeze %dma_start3A_449 : memref<2x1x1x80xi32, #tpu.memory_space<hbm>> -> memref<2x1x80xi32, #tpu.memory_space<hbm>>
        %dma_start3A_451 = tpu.memref_slice %arg14[%dma_start3A_445] : memref<4x!tpu.dma_semaphore, #tpu.memory_space<semaphore_mem>> -> memref<1x!tpu.dma_semaphore, #tpu.memory_space<semaphore_mem>>
        %dma_start3A_452 = tpu.memref_squeeze %dma_start3A_451 : memref<1x!tpu.dma_semaphore, #tpu.memory_space<semaphore_mem>> -> memref<!tpu.dma_semaphore, #tpu.memory_space<semaphore_mem>>
        %dma_start3A_453 = arith.constant 0 : i32
        %dma_start3A_454 = arith.constant 0 : i32
        %dma_start3A_455 = arith.constant 0 : i32
        %dma_start3A_456 = tpu.memref_slice %arg3[%dma_start3A_453, %add3A_444, %dma_start3A_454, %dma_start3A_455] : memref<2x2000x1x80xi32, #tpu.memory_space<hbm>> -> memref<2x1x1x80xi32, #tpu.memory_space<hbm>>
        %dma_start3A_457 = tpu.memref_squeeze %dma_start3A_456 : memref<2x1x1x80xi32, #tpu.memory_space<hbm>> -> memref<2x1x80xi32, #tpu.memory_space<hbm>>
        tpu.enqueue_dma source(%dma_start3A_457 : memref<2x1x80xi32, #tpu.memory_space<hbm>>) target(%arg8 : memref<2x1x80xi32, #tpu.memory_space<vmem>>) target_semaphore(%dma_start3A_452 : memref<!tpu.dma_semaphore, #tpu.memory_space<semaphore_mem>>)
      } else {
      }
      %add3A_408 = arith.constant 0 : i32
      %add3A_409 = arith.addi %add3A_234, %add3A_408 : i32
      %add3A_410 = arith.constant 4 : i32
      %add3A_411 = arith.addi %add3A_409, %add3A_410 : i32
      %lt3A_412 = arith.constant 125 : i32
      %lt3A_413 = arith.cmpi slt, %add3A_411, %lt3A_412 : i32
      %convert_element_type3A_414 = arith.extui %lt3A_413 : i1 to i32
      %cond3A_415 = arith.constant 0 : i32
      %cond3A_416 = arith.cmpi ne, %convert_element_type3A_414, %cond3A_415 : i32
      scf.if %cond3A_416 {
        %add3A_444 = arith.addi %mul3A_4, %add3A_411 : i32
        %dma_wait3A_445 = arith.constant 0 : i32
        %dma_wait3A_446 = arith.constant 0 : i32
        %dma_wait3A_447 = arith.constant 0 : i32
        %dma_wait3A_448 = arith.constant 0 : i32
        %dma_wait3A_449 = tpu.memref_slice %arg3[%dma_wait3A_446, %add3A_444, %dma_wait3A_447, %dma_wait3A_448] : memref<2x2000x1x80xi32, #tpu.memory_space<hbm>> -> memref<2x1x1x80xi32, #tpu.memory_space<hbm>>
        %dma_wait3A_450 = tpu.memref_squeeze %dma_wait3A_449 : memref<2x1x1x80xi32, #tpu.memory_space<hbm>> -> memref<2x1x80xi32, #tpu.memory_space<hbm>>
        %dma_wait3A_451 = tpu.memref_slice %arg14[%dma_wait3A_445] : memref<4x!tpu.dma_semaphore, #tpu.memory_space<semaphore_mem>> -> memref<1x!tpu.dma_semaphore, #tpu.memory_space<semaphore_mem>>
        %dma_wait3A_452 = tpu.memref_squeeze %dma_wait3A_451 : memref<1x!tpu.dma_semaphore, #tpu.memory_space<semaphore_mem>> -> memref<!tpu.dma_semaphore, #tpu.memory_space<semaphore_mem>>
        %dma_wait3A_453 = arith.constant 0 : i32
        %dma_wait3A_454 = arith.constant 0 : i32
        %dma_wait3A_455 = arith.constant 0 : i32
        %dma_wait3A_456 = tpu.memref_slice %arg3[%dma_wait3A_453, %add3A_444, %dma_wait3A_454, %dma_wait3A_455] : memref<2x2000x1x80xi32, #tpu.memory_space<hbm>> -> memref<2x1x1x80xi32, #tpu.memory_space<hbm>>
        %dma_wait3A_457 = tpu.memref_squeeze %dma_wait3A_456 : memref<2x1x1x80xi32, #tpu.memory_space<hbm>> -> memref<2x1x80xi32, #tpu.memory_space<hbm>>
        tpu.wait_dma2 semaphore(%dma_wait3A_452 : memref<!tpu.dma_semaphore, #tpu.memory_space<semaphore_mem>>) src(%dma_wait3A_457 : memref<2x1x80xi32, #tpu.memory_space<hbm>>) dst(%arg5 : memref<2x1x80xi32, #tpu.memory_space<vmem>>)
        %dma_start3A_458 = arith.constant 0 : i32
        %dma_start3A_459 = arith.constant 0 : i32
        %dma_start3A_460 = arith.constant 0 : i32
        %dma_start3A_461 = arith.constant 0 : i32
        %dma_start3A_462 = tpu.memref_slice %arg5[%dma_start3A_458, %dma_start3A_459, %dma_start3A_461] : memref<2x1x80xi32, #tpu.memory_space<vmem>> -> memref<1x1x80xi32, #tpu.memory_space<vmem>>
        %dma_start3A_463 = tpu.memref_squeeze %dma_start3A_462 : memref<1x1x80xi32, #tpu.memory_space<vmem>> -> memref<80xi32, #tpu.memory_space<vmem>>
        %dma_start3A_464 = arith.constant 0 : i32
        %dma_start3A_465 = tpu.memref_slice %arg2[%mul3A_2, %dma_start3A_464] : memref<20480x128xf32, #tpu.memory_space<hbm>> -> memref<10240x128xf32, #tpu.memory_space<hbm>>
        %dma_start3A_466 = arith.constant 0 : i32
        %dma_start3A_467 = arith.constant 0 : i32
        %dma_start3A_468 = tpu.memref_slice %dma_start3A_465[%dma_start3A_466, %dma_start3A_467] : memref<10240x128xf32, #tpu.memory_space<hbm>> -> memref<10240x128xf32, #tpu.memory_space<hbm>>
        %dma_start3A_469 = tpu.memref_slice %arg15[%dma_start3A_460] : memref<4x!tpu.dma_semaphore, #tpu.memory_space<semaphore_mem>> -> memref<1x!tpu.dma_semaphore, #tpu.memory_space<semaphore_mem>>
        %dma_start3A_470 = tpu.memref_squeeze %dma_start3A_469 : memref<1x!tpu.dma_semaphore, #tpu.memory_space<semaphore_mem>> -> memref<!tpu.dma_semaphore, #tpu.memory_space<semaphore_mem>>
        tpu.enqueue_indirect_dma source(%dma_start3A_468 : memref<10240x128xf32, #tpu.memory_space<hbm>>) target(%arg9 : memref<80x128xf32, #tpu.memory_space<vmem>>) offsets(%dma_start3A_463 : memref<80xi32, #tpu.memory_space<vmem>>) semaphore(%dma_start3A_470 : memref<!tpu.dma_semaphore, #tpu.memory_space<semaphore_mem>>)
      } else {
      }
      %add3A_417 = arith.constant 1 : i32
      %add3A_418 = arith.addi %add3A_234, %add3A_417 : i32
      %add3A_419 = arith.constant 4 : i32
      %add3A_420 = arith.addi %add3A_418, %add3A_419 : i32
      %lt3A_421 = arith.constant 125 : i32
      %lt3A_422 = arith.cmpi slt, %add3A_420, %lt3A_421 : i32
      %convert_element_type3A_423 = arith.extui %lt3A_422 : i1 to i32
      %cond3A_424 = arith.constant 0 : i32
      %cond3A_425 = arith.cmpi ne, %convert_element_type3A_423, %cond3A_424 : i32
      scf.if %cond3A_425 {
        %add3A_444 = arith.addi %mul3A_4, %add3A_420 : i32
        %dma_wait3A_445 = arith.constant 1 : i32
        %dma_wait3A_446 = arith.constant 0 : i32
        %dma_wait3A_447 = arith.constant 0 : i32
        %dma_wait3A_448 = arith.constant 0 : i32
        %dma_wait3A_449 = tpu.memref_slice %arg3[%dma_wait3A_446, %add3A_444, %dma_wait3A_447, %dma_wait3A_448] : memref<2x2000x1x80xi32, #tpu.memory_space<hbm>> -> memref<2x1x1x80xi32, #tpu.memory_space<hbm>>
        %dma_wait3A_450 = tpu.memref_squeeze %dma_wait3A_449 : memref<2x1x1x80xi32, #tpu.memory_space<hbm>> -> memref<2x1x80xi32, #tpu.memory_space<hbm>>
        %dma_wait3A_451 = tpu.memref_slice %arg14[%dma_wait3A_445] : memref<4x!tpu.dma_semaphore, #tpu.memory_space<semaphore_mem>> -> memref<1x!tpu.dma_semaphore, #tpu.memory_space<semaphore_mem>>
        %dma_wait3A_452 = tpu.memref_squeeze %dma_wait3A_451 : memref<1x!tpu.dma_semaphore, #tpu.memory_space<semaphore_mem>> -> memref<!tpu.dma_semaphore, #tpu.memory_space<semaphore_mem>>
        %dma_wait3A_453 = arith.constant 0 : i32
        %dma_wait3A_454 = arith.constant 0 : i32
        %dma_wait3A_455 = arith.constant 0 : i32
        %dma_wait3A_456 = tpu.memref_slice %arg3[%dma_wait3A_453, %add3A_444, %dma_wait3A_454, %dma_wait3A_455] : memref<2x2000x1x80xi32, #tpu.memory_space<hbm>> -> memref<2x1x1x80xi32, #tpu.memory_space<hbm>>
        %dma_wait3A_457 = tpu.memref_squeeze %dma_wait3A_456 : memref<2x1x1x80xi32, #tpu.memory_space<hbm>> -> memref<2x1x80xi32, #tpu.memory_space<hbm>>
        tpu.wait_dma2 semaphore(%dma_wait3A_452 : memref<!tpu.dma_semaphore, #tpu.memory_space<semaphore_mem>>) src(%dma_wait3A_457 : memref<2x1x80xi32, #tpu.memory_space<hbm>>) dst(%arg6 : memref<2x1x80xi32, #tpu.memory_space<vmem>>)
        %dma_start3A_458 = arith.constant 0 : i32
        %dma_start3A_459 = arith.constant 0 : i32
        %dma_start3A_460 = arith.constant 1 : i32
        %dma_start3A_461 = arith.constant 0 : i32
        %dma_start3A_462 = tpu.memref_slice %arg6[%dma_start3A_458, %dma_start3A_459, %dma_start3A_461] : memref<2x1x80xi32, #tpu.memory_space<vmem>> -> memref<1x1x80xi32, #tpu.memory_space<vmem>>
        %dma_start3A_463 = tpu.memref_squeeze %dma_start3A_462 : memref<1x1x80xi32, #tpu.memory_space<vmem>> -> memref<80xi32, #tpu.memory_space<vmem>>
        %dma_start3A_464 = arith.constant 0 : i32
        %dma_start3A_465 = tpu.memref_slice %arg2[%mul3A_2, %dma_start3A_464] : memref<20480x128xf32, #tpu.memory_space<hbm>> -> memref<10240x128xf32, #tpu.memory_space<hbm>>
        %dma_start3A_466 = arith.constant 0 : i32
        %dma_start3A_467 = arith.constant 0 : i32
        %dma_start3A_468 = tpu.memref_slice %dma_start3A_465[%dma_start3A_466, %dma_start3A_467] : memref<10240x128xf32, #tpu.memory_space<hbm>> -> memref<10240x128xf32, #tpu.memory_space<hbm>>
        %dma_start3A_469 = tpu.memref_slice %arg15[%dma_start3A_460] : memref<4x!tpu.dma_semaphore, #tpu.memory_space<semaphore_mem>> -> memref<1x!tpu.dma_semaphore, #tpu.memory_space<semaphore_mem>>
        %dma_start3A_470 = tpu.memref_squeeze %dma_start3A_469 : memref<1x!tpu.dma_semaphore, #tpu.memory_space<semaphore_mem>> -> memref<!tpu.dma_semaphore, #tpu.memory_space<semaphore_mem>>
        tpu.enqueue_indirect_dma source(%dma_start3A_468 : memref<10240x128xf32, #tpu.memory_space<hbm>>) target(%arg10 : memref<80x128xf32, #tpu.memory_space<vmem>>) offsets(%dma_start3A_463 : memref<80xi32, #tpu.memory_space<vmem>>) semaphore(%dma_start3A_470 : memref<!tpu.dma_semaphore, #tpu.memory_space<semaphore_mem>>)
      } else {
      }
      %add3A_426 = arith.constant 2 : i32
      %add3A_427 = arith.addi %add3A_234, %add3A_426 : i32
      %add3A_428 = arith.constant 4 : i32
      %add3A_429 = arith.addi %add3A_427, %add3A_428 : i32
      %lt3A_430 = arith.constant 125 : i32
      %lt3A_431 = arith.cmpi slt, %add3A_429, %lt3A_430 : i32
      %convert_element_type3A_432 = arith.extui %lt3A_431 : i1 to i32
      %cond3A_433 = arith.constant 0 : i32
      %cond3A_434 = arith.cmpi ne, %convert_element_type3A_432, %cond3A_433 : i32
      scf.if %cond3A_434 {
        %add3A_444 = arith.addi %mul3A_4, %add3A_429 : i32
        %dma_wait3A_445 = arith.constant 2 : i32
        %dma_wait3A_446 = arith.constant 0 : i32
        %dma_wait3A_447 = arith.constant 0 : i32
        %dma_wait3A_448 = arith.constant 0 : i32
        %dma_wait3A_449 = tpu.memref_slice %arg3[%dma_wait3A_446, %add3A_444, %dma_wait3A_447, %dma_wait3A_448] : memref<2x2000x1x80xi32, #tpu.memory_space<hbm>> -> memref<2x1x1x80xi32, #tpu.memory_space<hbm>>
        %dma_wait3A_450 = tpu.memref_squeeze %dma_wait3A_449 : memref<2x1x1x80xi32, #tpu.memory_space<hbm>> -> memref<2x1x80xi32, #tpu.memory_space<hbm>>
        %dma_wait3A_451 = tpu.memref_slice %arg14[%dma_wait3A_445] : memref<4x!tpu.dma_semaphore, #tpu.memory_space<semaphore_mem>> -> memref<1x!tpu.dma_semaphore, #tpu.memory_space<semaphore_mem>>
        %dma_wait3A_452 = tpu.memref_squeeze %dma_wait3A_451 : memref<1x!tpu.dma_semaphore, #tpu.memory_space<semaphore_mem>> -> memref<!tpu.dma_semaphore, #tpu.memory_space<semaphore_mem>>
        %dma_wait3A_453 = arith.constant 0 : i32
        %dma_wait3A_454 = arith.constant 0 : i32
        %dma_wait3A_455 = arith.constant 0 : i32
        %dma_wait3A_456 = tpu.memref_slice %arg3[%dma_wait3A_453, %add3A_444, %dma_wait3A_454, %dma_wait3A_455] : memref<2x2000x1x80xi32, #tpu.memory_space<hbm>> -> memref<2x1x1x80xi32, #tpu.memory_space<hbm>>
        %dma_wait3A_457 = tpu.memref_squeeze %dma_wait3A_456 : memref<2x1x1x80xi32, #tpu.memory_space<hbm>> -> memref<2x1x80xi32, #tpu.memory_space<hbm>>
        tpu.wait_dma2 semaphore(%dma_wait3A_452 : memref<!tpu.dma_semaphore, #tpu.memory_space<semaphore_mem>>) src(%dma_wait3A_457 : memref<2x1x80xi32, #tpu.memory_space<hbm>>) dst(%arg7 : memref<2x1x80xi32, #tpu.memory_space<vmem>>)
        %dma_start3A_458 = arith.constant 0 : i32
        %dma_start3A_459 = arith.constant 0 : i32
        %dma_start3A_460 = arith.constant 2 : i32
        %dma_start3A_461 = arith.constant 0 : i32
        %dma_start3A_462 = tpu.memref_slice %arg7[%dma_start3A_458, %dma_start3A_459, %dma_start3A_461] : memref<2x1x80xi32, #tpu.memory_space<vmem>> -> memref<1x1x80xi32, #tpu.memory_space<vmem>>
        %dma_start3A_463 = tpu.memref_squeeze %dma_start3A_462 : memref<1x1x80xi32, #tpu.memory_space<vmem>> -> memref<80xi32, #tpu.memory_space<vmem>>
        %dma_start3A_464 = arith.constant 0 : i32
        %dma_start3A_465 = tpu.memref_slice %arg2[%mul3A_2, %dma_start3A_464] : memref<20480x128xf32, #tpu.memory_space<hbm>> -> memref<10240x128xf32, #tpu.memory_space<hbm>>
        %dma_start3A_466 = arith.constant 0 : i32
        %dma_start3A_467 = arith.constant 0 : i32
        %dma_start3A_468 = tpu.memref_slice %dma_start3A_465[%dma_start3A_466, %dma_start3A_467] : memref<10240x128xf32, #tpu.memory_space<hbm>> -> memref<10240x128xf32, #tpu.memory_space<hbm>>
        %dma_start3A_469 = tpu.memref_slice %arg15[%dma_start3A_460] : memref<4x!tpu.dma_semaphore, #tpu.memory_space<semaphore_mem>> -> memref<1x!tpu.dma_semaphore, #tpu.memory_space<semaphore_mem>>
        %dma_start3A_470 = tpu.memref_squeeze %dma_start3A_469 : memref<1x!tpu.dma_semaphore, #tpu.memory_space<semaphore_mem>> -> memref<!tpu.dma_semaphore, #tpu.memory_space<semaphore_mem>>
        tpu.enqueue_indirect_dma source(%dma_start3A_468 : memref<10240x128xf32, #tpu.memory_space<hbm>>) target(%arg11 : memref<80x128xf32, #tpu.memory_space<vmem>>) offsets(%dma_start3A_463 : memref<80xi32, #tpu.memory_space<vmem>>) semaphore(%dma_start3A_470 : memref<!tpu.dma_semaphore, #tpu.memory_space<semaphore_mem>>)
      } else {
      }
      %add3A_435 = arith.constant 3 : i32
      %add3A_436 = arith.addi %add3A_234, %add3A_435 : i32
      %add3A_437 = arith.constant 4 : i32
      %add3A_438 = arith.addi %add3A_436, %add3A_437 : i32
      %lt3A_439 = arith.constant 125 : i32
      %lt3A_440 = arith.cmpi slt, %add3A_438, %lt3A_439 : i32
      %convert_element_type3A_441 = arith.extui %lt3A_440 : i1 to i32
      %cond3A_442 = arith.constant 0 : i32
      %cond3A_443 = arith.cmpi ne, %convert_element_type3A_441, %cond3A_442 : i32
      scf.if %cond3A_443 {
        %add3A_444 = arith.addi %mul3A_4, %add3A_438 : i32
        %dma_wait3A_445 = arith.constant 3 : i32
        %dma_wait3A_446 = arith.constant 0 : i32
        %dma_wait3A_447 = arith.constant 0 : i32
        %dma_wait3A_448 = arith.constant 0 : i32
        %dma_wait3A_449 = tpu.memref_slice %arg3[%dma_wait3A_446, %add3A_444, %dma_wait3A_447, %dma_wait3A_448] : memref<2x2000x1x80xi32, #tpu.memory_space<hbm>> -> memref<2x1x1x80xi32, #tpu.memory_space<hbm>>
        %dma_wait3A_450 = tpu.memref_squeeze %dma_wait3A_449 : memref<2x1x1x80xi32, #tpu.memory_space<hbm>> -> memref<2x1x80xi32, #tpu.memory_space<hbm>>
        %dma_wait3A_451 = tpu.memref_slice %arg14[%dma_wait3A_445] : memref<4x!tpu.dma_semaphore, #tpu.memory_space<semaphore_mem>> -> memref<1x!tpu.dma_semaphore, #tpu.memory_space<semaphore_mem>>
        %dma_wait3A_452 = tpu.memref_squeeze %dma_wait3A_451 : memref<1x!tpu.dma_semaphore, #tpu.memory_space<semaphore_mem>> -> memref<!tpu.dma_semaphore, #tpu.memory_space<semaphore_mem>>
        %dma_wait3A_453 = arith.constant 0 : i32
        %dma_wait3A_454 = arith.constant 0 : i32
        %dma_wait3A_455 = arith.constant 0 : i32
        %dma_wait3A_456 = tpu.memref_slice %arg3[%dma_wait3A_453, %add3A_444, %dma_wait3A_454, %dma_wait3A_455] : memref<2x2000x1x80xi32, #tpu.memory_space<hbm>> -> memref<2x1x1x80xi32, #tpu.memory_space<hbm>>
        %dma_wait3A_457 = tpu.memref_squeeze %dma_wait3A_456 : memref<2x1x1x80xi32, #tpu.memory_space<hbm>> -> memref<2x1x80xi32, #tpu.memory_space<hbm>>
        tpu.wait_dma2 semaphore(%dma_wait3A_452 : memref<!tpu.dma_semaphore, #tpu.memory_space<semaphore_mem>>) src(%dma_wait3A_457 : memref<2x1x80xi32, #tpu.memory_space<hbm>>) dst(%arg8 : memref<2x1x80xi32, #tpu.memory_space<vmem>>)
        %dma_start3A_458 = arith.constant 0 : i32
        %dma_start3A_459 = arith.constant 0 : i32
        %dma_start3A_460 = arith.constant 3 : i32
        %dma_start3A_461 = arith.constant 0 : i32
        %dma_start3A_462 = tpu.memref_slice %arg8[%dma_start3A_458, %dma_start3A_459, %dma_start3A_461] : memref<2x1x80xi32, #tpu.memory_space<vmem>> -> memref<1x1x80xi32, #tpu.memory_space<vmem>>
        %dma_start3A_463 = tpu.memref_squeeze %dma_start3A_462 : memref<1x1x80xi32, #tpu.memory_space<vmem>> -> memref<80xi32, #tpu.memory_space<vmem>>
        %dma_start3A_464 = arith.constant 0 : i32
        %dma_start3A_465 = tpu.memref_slice %arg2[%mul3A_2, %dma_start3A_464] : memref<20480x128xf32, #tpu.memory_space<hbm>> -> memref<10240x128xf32, #tpu.memory_space<hbm>>
        %dma_start3A_466 = arith.constant 0 : i32
        %dma_start3A_467 = arith.constant 0 : i32
        %dma_start3A_468 = tpu.memref_slice %dma_start3A_465[%dma_start3A_466, %dma_start3A_467] : memref<10240x128xf32, #tpu.memory_space<hbm>> -> memref<10240x128xf32, #tpu.memory_space<hbm>>
        %dma_start3A_469 = tpu.memref_slice %arg15[%dma_start3A_460] : memref<4x!tpu.dma_semaphore, #tpu.memory_space<semaphore_mem>> -> memref<1x!tpu.dma_semaphore, #tpu.memory_space<semaphore_mem>>
        %dma_start3A_470 = tpu.memref_squeeze %dma_start3A_469 : memref<1x!tpu.dma_semaphore, #tpu.memory_space<semaphore_mem>> -> memref<!tpu.dma_semaphore, #tpu.memory_space<semaphore_mem>>
        tpu.enqueue_indirect_dma source(%dma_start3A_468 : memref<10240x128xf32, #tpu.memory_space<hbm>>) target(%arg12 : memref<80x128xf32, #tpu.memory_space<vmem>>) offsets(%dma_start3A_463 : memref<80xi32, #tpu.memory_space<vmem>>) semaphore(%dma_start3A_470 : memref<!tpu.dma_semaphore, #tpu.memory_space<semaphore_mem>>)
      } else {
      }
    }
    %scan3A_192 = arith.constant 31 : i32
    %dma_wait3A_193 = arith.constant 0 : i32
    %dma_wait3A_194 = arith.constant 0 : i32
    %dma_wait3A_195 = arith.constant 0 : i32
    %dma_wait3A_196 = arith.constant 0 : i32
    %dma_wait3A_197 = tpu.memref_slice %arg5[%dma_wait3A_193, %dma_wait3A_194, %dma_wait3A_196] : memref<2x1x80xi32, #tpu.memory_space<vmem>> -> memref<1x1x80xi32, #tpu.memory_space<vmem>>
    %dma_wait3A_198 = tpu.memref_squeeze %dma_wait3A_197 : memref<1x1x80xi32, #tpu.memory_space<vmem>> -> memref<80xi32, #tpu.memory_space<vmem>>
    %dma_wait3A_199 = arith.constant 0 : i32
    %dma_wait3A_200 = tpu.memref_slice %arg2[%mul3A_2, %dma_wait3A_199] : memref<20480x128xf32, #tpu.memory_space<hbm>> -> memref<10240x128xf32, #tpu.memory_space<hbm>>
    %dma_wait3A_201 = arith.constant 0 : i32
    %dma_wait3A_202 = arith.constant 0 : i32
    %dma_wait3A_203 = tpu.memref_slice %dma_wait3A_200[%dma_wait3A_201, %dma_wait3A_202] : memref<10240x128xf32, #tpu.memory_space<hbm>> -> memref<10240x128xf32, #tpu.memory_space<hbm>>
    %dma_wait3A_204 = tpu.memref_slice %arg15[%dma_wait3A_195] : memref<4x!tpu.dma_semaphore, #tpu.memory_space<semaphore_mem>> -> memref<1x!tpu.dma_semaphore, #tpu.memory_space<semaphore_mem>>
    %dma_wait3A_205 = tpu.memref_squeeze %dma_wait3A_204 : memref<1x!tpu.dma_semaphore, #tpu.memory_space<semaphore_mem>> -> memref<!tpu.dma_semaphore, #tpu.memory_space<semaphore_mem>>
    tpu.wait_indirect_dma semaphore(%dma_wait3A_205 : memref<!tpu.dma_semaphore, #tpu.memory_space<semaphore_mem>>) src(%dma_wait3A_203 : memref<10240x128xf32, #tpu.memory_space<hbm>>) dst(%arg9 : memref<80x128xf32, #tpu.memory_space<vmem>>)
    %dma_start3A_206 = arith.constant 1 : i32
    %dma_start3A_207 = arith.constant 0 : i32
    %dma_start3A_208 = arith.constant 0 : i32
    %dma_start3A_209 = arith.constant 0 : i32
    %dma_start3A_210 = tpu.memref_slice %arg5[%dma_start3A_206, %dma_start3A_207, %dma_start3A_209] : memref<2x1x80xi32, #tpu.memory_space<vmem>> -> memref<1x1x80xi32, #tpu.memory_space<vmem>>
    %dma_start3A_211 = tpu.memref_squeeze %dma_start3A_210 : memref<1x1x80xi32, #tpu.memory_space<vmem>> -> memref<80xi32, #tpu.memory_space<vmem>>
    %dma_start3A_212 = arith.constant 0 : i32
    %dma_start3A_213 = arith.constant 0 : i32
    %dma_start3A_214 = tpu.memref_slice %arg13[%dma_start3A_212, %dma_start3A_213] : memref<10240x128xf32, #tpu.memory_space<vmem_shared>> -> memref<10240x128xf32, #tpu.memory_space<vmem_shared>>
    %dma_start3A_215 = tpu.memref_slice %arg16[%dma_start3A_208] : memref<4x!tpu.dma_semaphore, #tpu.memory_space<semaphore_mem>> -> memref<1x!tpu.dma_semaphore, #tpu.memory_space<semaphore_mem>>
    %dma_start3A_216 = tpu.memref_squeeze %dma_start3A_215 : memref<1x!tpu.dma_semaphore, #tpu.memory_space<semaphore_mem>> -> memref<!tpu.dma_semaphore, #tpu.memory_space<semaphore_mem>>
    tpu.enqueue_indirect_dma source(%arg9 : memref<80x128xf32, #tpu.memory_space<vmem>>) target(%dma_start3A_214 : memref<10240x128xf32, #tpu.memory_space<vmem_shared>>) offsets(%dma_start3A_211 : memref<80xi32, #tpu.memory_space<vmem>>) semaphore(%dma_start3A_216 : memref<!tpu.dma_semaphore, #tpu.memory_space<semaphore_mem>>) {add = true}
    %dma_wait3A_217 = arith.constant 1 : i32
    %dma_wait3A_218 = arith.constant 0 : i32
    %dma_wait3A_219 = arith.constant 0 : i32
    %dma_wait3A_220 = arith.constant 0 : i32
    %dma_wait3A_221 = tpu.memref_slice %arg5[%dma_wait3A_217, %dma_wait3A_218, %dma_wait3A_220] : memref<2x1x80xi32, #tpu.memory_space<vmem>> -> memref<1x1x80xi32, #tpu.memory_space<vmem>>
    %dma_wait3A_222 = tpu.memref_squeeze %dma_wait3A_221 : memref<1x1x80xi32, #tpu.memory_space<vmem>> -> memref<80xi32, #tpu.memory_space<vmem>>
    %dma_wait3A_223 = arith.constant 0 : i32
    %dma_wait3A_224 = arith.constant 0 : i32
    %dma_wait3A_225 = tpu.memref_slice %arg13[%dma_wait3A_223, %dma_wait3A_224] : memref<10240x128xf32, #tpu.memory_space<vmem_shared>> -> memref<10240x128xf32, #tpu.memory_space<vmem_shared>>
    %dma_wait3A_226 = tpu.memref_slice %arg16[%dma_wait3A_219] : memref<4x!tpu.dma_semaphore, #tpu.memory_space<semaphore_mem>> -> memref<1x!tpu.dma_semaphore, #tpu.memory_space<semaphore_mem>>
    %dma_wait3A_227 = tpu.memref_squeeze %dma_wait3A_226 : memref<1x!tpu.dma_semaphore, #tpu.memory_space<semaphore_mem>> -> memref<!tpu.dma_semaphore, #tpu.memory_space<semaphore_mem>>
    tpu.wait_indirect_dma semaphore(%dma_wait3A_227 : memref<!tpu.dma_semaphore, #tpu.memory_space<semaphore_mem>>) src(%arg9 : memref<80x128xf32, #tpu.memory_space<vmem>>) dst(%dma_wait3A_225 : memref<10240x128xf32, #tpu.memory_space<vmem_shared>>)
    %barrier3A_228 = arith.constant 0 : index
    tpu.barrier barrier_id(%barrier3A_228)
    %add3A_229 = arith.addi %mul3A_2, %mul3A_0 : i32
    "tpu.region"() ({
      %run_scoped3A = tpu.sem_alloc : memref<!tpu.dma_semaphore, #tpu.memory_space<semaphore_mem>>
      %dma_start3A_230 = arith.constant 0 : i32
      %dma_start3A_231 = tpu.memref_slice %arg4[%add3A_229, %dma_start3A_230] : memref<20480x128xf32, #tpu.memory_space<hbm>> -> memref<640x128xf32, #tpu.memory_space<hbm>>
      %dma_start3A_232 = arith.constant 0 : i32
      %dma_start3A_233 = tpu.memref_slice %arg13[%mul3A_0, %dma_start3A_232] : memref<10240x128xf32, #tpu.memory_space<vmem_shared>> -> memref<640x128xf32, #tpu.memory_space<vmem_shared>>
      tpu.enqueue_dma source(%dma_start3A_233 : memref<640x128xf32, #tpu.memory_space<vmem_shared>>) target(%dma_start3A_231 : memref<640x128xf32, #tpu.memory_space<hbm>>) target_semaphore(%run_scoped3A : memref<!tpu.dma_semaphore, #tpu.memory_space<semaphore_mem>>)
      %dma_wait3A_234 = arith.constant 0 : i32
      %dma_wait3A_235 = tpu.memref_slice %arg4[%add3A_229, %dma_wait3A_234] : memref<20480x128xf32, #tpu.memory_space<hbm>> -> memref<640x128xf32, #tpu.memory_space<hbm>>
      %dma_wait3A_236 = arith.constant 0 : i32
      %dma_wait3A_237 = tpu.memref_slice %arg13[%mul3A_0, %dma_wait3A_236] : memref<10240x128xf32, #tpu.memory_space<vmem_shared>> -> memref<640x128xf32, #tpu.memory_space<vmem_shared>>
      tpu.wait_dma2 semaphore(%run_scoped3A : memref<!tpu.dma_semaphore, #tpu.memory_space<semaphore_mem>>) src(%dma_wait3A_237 : memref<640x128xf32, #tpu.memory_space<vmem_shared>>) dst(%dma_wait3A_235 : memref<640x128xf32, #tpu.memory_space<hbm>>)
      tpu.yield
    }) : () -> ()
    return
  }
}

#map = affine_map<(d0, d1) -> (0, 0)>
#map1 = affine_map<(d0, d1) -> (0, 0, 0, 0)>
module attributes {stable_mosaic.version = 14 : i64} {
  func.func @_agg_body(%arg0: i32, %arg1: i32, %arg2: memref<20480x128xf32, #tpu.memory_space<hbm>>, %arg3: memref<2x2000x1x80xi32, #tpu.memory_space<hbm>>, %arg4: memref<20480x128xf32, #tpu.memory_space<hbm>>, %arg5: memref<2x1x80xi32, #tpu.memory_space<vmem>>, %arg6: memref<2x1x80xi32, #tpu.memory_space<vmem>>, %arg7: memref<2x1x80xi32, #tpu.memory_space<vmem>>, %arg8: memref<2x1x80xi32, #tpu.memory_space<vmem>>, %arg9: memref<80x128xf32, #tpu.memory_space<vmem>>, %arg10: memref<80x128xf32, #tpu.memory_space<vmem>>, %arg11: memref<80x128xf32, #tpu.memory_space<vmem>>, %arg12: memref<80x128xf32, #tpu.memory_space<vmem>>, %arg13: memref<10240x128xf32, #tpu.memory_space<vmem_shared>>, %arg14: memref<4x!tpu.dma_semaphore, #tpu.memory_space<semaphore_mem>>, %arg15: memref<4x!tpu.dma_semaphore, #tpu.memory_space<semaphore_mem>>, %arg16: memref<4x!tpu.dma_semaphore, #tpu.memory_space<semaphore_mem>>) attributes {dimension_semantics = [#tpu.dimension_semantics<core_parallel>, #tpu.dimension_semantics<subcore_parallel>], iteration_bounds = array<i64: 2, 16>, scalar_prefetch = 0 : i64, scratch_operands = 12 : i64, tpu.core_type = #tpu.core_type<sc_vector_subcore>, window_params = [{transform_indices = #map}, {transform_indices = #map1}, {transform_indices = #map}]} {
    %mul3A = arith.constant 640 : i32
    %mul3A_0 = arith.muli %arg1, %mul3A : i32
    %mul3A_1 = arith.constant 10240 : i32
    %mul3A_2 = arith.muli %arg0, %mul3A_1 : i32
    %mul3A_3 = arith.constant 125 : i32
    %mul3A_4 = arith.muli %arg1, %mul3A_3 : i32
    %add3A = arith.addi %mul3A_2, %mul3A_0 : i32
    %dma_start3A = arith.constant 0 : i32
    %dma_start3A_5 = tpu.memref_slice %arg15[%dma_start3A] : memref<4x!tpu.dma_semaphore, #tpu.memory_space<semaphore_mem>> -> memref<1x!tpu.dma_semaphore, #tpu.memory_space<semaphore_mem>>
    %dma_start3A_6 = tpu.memref_squeeze %dma_start3A_5 : memref<1x!tpu.dma_semaphore, #tpu.memory_space<semaphore_mem>> -> memref<!tpu.dma_semaphore, #tpu.memory_space<semaphore_mem>>
    %dma_start3A_7 = arith.constant 0 : i32
    %dma_start3A_8 = tpu.memref_slice %arg13[%mul3A_0, %dma_start3A_7] : memref<10240x128xf32, #tpu.memory_space<vmem_shared>> -> memref<640x128xf32, #tpu.memory_space<vmem_shared>>
    %dma_start3A_9 = arith.constant 0 : i32
    %dma_start3A_10 = tpu.memref_slice %arg2[%add3A, %dma_start3A_9] : memref<20480x128xf32, #tpu.memory_space<hbm>> -> memref<640x128xf32, #tpu.memory_space<hbm>>
    tpu.enqueue_dma source(%dma_start3A_10 : memref<640x128xf32, #tpu.memory_space<hbm>>) target(%dma_start3A_8 : memref<640x128xf32, #tpu.memory_space<vmem_shared>>) target_semaphore(%dma_start3A_6 : memref<!tpu.dma_semaphore, #tpu.memory_space<semaphore_mem>>)
    %add3A_11 = arith.constant 0 : i32
    %add3A_12 = arith.addi %mul3A_4, %add3A_11 : i32
    %dma_start3A_13 = arith.constant 0 : i32
    %dma_start3A_14 = arith.constant 0 : i32
    %dma_start3A_15 = arith.constant 0 : i32
    %dma_start3A_16 = arith.constant 0 : i32
    %dma_start3A_17 = tpu.memref_slice %arg3[%dma_start3A_14, %add3A_12, %dma_start3A_15, %dma_start3A_16] : memref<2x2000x1x80xi32, #tpu.memory_space<hbm>> -> memref<2x1x1x80xi32, #tpu.memory_space<hbm>>
    %dma_start3A_18 = tpu.memref_squeeze %dma_start3A_17 : memref<2x1x1x80xi32, #tpu.memory_space<hbm>> -> memref<2x1x80xi32, #tpu.memory_space<hbm>>
    %dma_start3A_19 = tpu.memref_slice %arg14[%dma_start3A_13] : memref<4x!tpu.dma_semaphore, #tpu.memory_space<semaphore_mem>> -> memref<1x!tpu.dma_semaphore, #tpu.memory_space<semaphore_mem>>
    %dma_start3A_20 = tpu.memref_squeeze %dma_start3A_19 : memref<1x!tpu.dma_semaphore, #tpu.memory_space<semaphore_mem>> -> memref<!tpu.dma_semaphore, #tpu.memory_space<semaphore_mem>>
    %dma_start3A_21 = arith.constant 0 : i32
    %dma_start3A_22 = arith.constant 0 : i32
    %dma_start3A_23 = arith.constant 0 : i32
    %dma_start3A_24 = tpu.memref_slice %arg3[%dma_start3A_21, %add3A_12, %dma_start3A_22, %dma_start3A_23] : memref<2x2000x1x80xi32, #tpu.memory_space<hbm>> -> memref<2x1x1x80xi32, #tpu.memory_space<hbm>>
    %dma_start3A_25 = tpu.memref_squeeze %dma_start3A_24 : memref<2x1x1x80xi32, #tpu.memory_space<hbm>> -> memref<2x1x80xi32, #tpu.memory_space<hbm>>
    tpu.enqueue_dma source(%dma_start3A_25 : memref<2x1x80xi32, #tpu.memory_space<hbm>>) target(%arg5 : memref<2x1x80xi32, #tpu.memory_space<vmem>>) target_semaphore(%dma_start3A_20 : memref<!tpu.dma_semaphore, #tpu.memory_space<semaphore_mem>>)
    %add3A_26 = arith.constant 1 : i32
    %add3A_27 = arith.addi %mul3A_4, %add3A_26 : i32
    %dma_start3A_28 = arith.constant 1 : i32
    %dma_start3A_29 = arith.constant 0 : i32
    %dma_start3A_30 = arith.constant 0 : i32
    %dma_start3A_31 = arith.constant 0 : i32
    %dma_start3A_32 = tpu.memref_slice %arg3[%dma_start3A_29, %add3A_27, %dma_start3A_30, %dma_start3A_31] : memref<2x2000x1x80xi32, #tpu.memory_space<hbm>> -> memref<2x1x1x80xi32, #tpu.memory_space<hbm>>
    %dma_start3A_33 = tpu.memref_squeeze %dma_start3A_32 : memref<2x1x1x80xi32, #tpu.memory_space<hbm>> -> memref<2x1x80xi32, #tpu.memory_space<hbm>>
    %dma_start3A_34 = tpu.memref_slice %arg14[%dma_start3A_28] : memref<4x!tpu.dma_semaphore, #tpu.memory_space<semaphore_mem>> -> memref<1x!tpu.dma_semaphore, #tpu.memory_space<semaphore_mem>>
    %dma_start3A_35 = tpu.memref_squeeze %dma_start3A_34 : memref<1x!tpu.dma_semaphore, #tpu.memory_space<semaphore_mem>> -> memref<!tpu.dma_semaphore, #tpu.memory_space<semaphore_mem>>
    %dma_start3A_36 = arith.constant 0 : i32
    %dma_start3A_37 = arith.constant 0 : i32
    %dma_start3A_38 = arith.constant 0 : i32
    %dma_start3A_39 = tpu.memref_slice %arg3[%dma_start3A_36, %add3A_27, %dma_start3A_37, %dma_start3A_38] : memref<2x2000x1x80xi32, #tpu.memory_space<hbm>> -> memref<2x1x1x80xi32, #tpu.memory_space<hbm>>
    %dma_start3A_40 = tpu.memref_squeeze %dma_start3A_39 : memref<2x1x1x80xi32, #tpu.memory_space<hbm>> -> memref<2x1x80xi32, #tpu.memory_space<hbm>>
    tpu.enqueue_dma source(%dma_start3A_40 : memref<2x1x80xi32, #tpu.memory_space<hbm>>) target(%arg6 : memref<2x1x80xi32, #tpu.memory_space<vmem>>) target_semaphore(%dma_start3A_35 : memref<!tpu.dma_semaphore, #tpu.memory_space<semaphore_mem>>)
    %add3A_41 = arith.constant 2 : i32
    %add3A_42 = arith.addi %mul3A_4, %add3A_41 : i32
    %dma_start3A_43 = arith.constant 2 : i32
    %dma_start3A_44 = arith.constant 0 : i32
    %dma_start3A_45 = arith.constant 0 : i32
    %dma_start3A_46 = arith.constant 0 : i32
    %dma_start3A_47 = tpu.memref_slice %arg3[%dma_start3A_44, %add3A_42, %dma_start3A_45, %dma_start3A_46] : memref<2x2000x1x80xi32, #tpu.memory_space<hbm>> -> memref<2x1x1x80xi32, #tpu.memory_space<hbm>>
    %dma_start3A_48 = tpu.memref_squeeze %dma_start3A_47 : memref<2x1x1x80xi32, #tpu.memory_space<hbm>> -> memref<2x1x80xi32, #tpu.memory_space<hbm>>
    %dma_start3A_49 = tpu.memref_slice %arg14[%dma_start3A_43] : memref<4x!tpu.dma_semaphore, #tpu.memory_space<semaphore_mem>> -> memref<1x!tpu.dma_semaphore, #tpu.memory_space<semaphore_mem>>
    %dma_start3A_50 = tpu.memref_squeeze %dma_start3A_49 : memref<1x!tpu.dma_semaphore, #tpu.memory_space<semaphore_mem>> -> memref<!tpu.dma_semaphore, #tpu.memory_space<semaphore_mem>>
    %dma_start3A_51 = arith.constant 0 : i32
    %dma_start3A_52 = arith.constant 0 : i32
    %dma_start3A_53 = arith.constant 0 : i32
    %dma_start3A_54 = tpu.memref_slice %arg3[%dma_start3A_51, %add3A_42, %dma_start3A_52, %dma_start3A_53] : memref<2x2000x1x80xi32, #tpu.memory_space<hbm>> -> memref<2x1x1x80xi32, #tpu.memory_space<hbm>>
    %dma_start3A_55 = tpu.memref_squeeze %dma_start3A_54 : memref<2x1x1x80xi32, #tpu.memory_space<hbm>> -> memref<2x1x80xi32, #tpu.memory_space<hbm>>
    tpu.enqueue_dma source(%dma_start3A_55 : memref<2x1x80xi32, #tpu.memory_space<hbm>>) target(%arg7 : memref<2x1x80xi32, #tpu.memory_space<vmem>>) target_semaphore(%dma_start3A_50 : memref<!tpu.dma_semaphore, #tpu.memory_space<semaphore_mem>>)
    %add3A_56 = arith.constant 3 : i32
    %add3A_57 = arith.addi %mul3A_4, %add3A_56 : i32
    %dma_start3A_58 = arith.constant 3 : i32
    %dma_start3A_59 = arith.constant 0 : i32
    %dma_start3A_60 = arith.constant 0 : i32
    %dma_start3A_61 = arith.constant 0 : i32
    %dma_start3A_62 = tpu.memref_slice %arg3[%dma_start3A_59, %add3A_57, %dma_start3A_60, %dma_start3A_61] : memref<2x2000x1x80xi32, #tpu.memory_space<hbm>> -> memref<2x1x1x80xi32, #tpu.memory_space<hbm>>
    %dma_start3A_63 = tpu.memref_squeeze %dma_start3A_62 : memref<2x1x1x80xi32, #tpu.memory_space<hbm>> -> memref<2x1x80xi32, #tpu.memory_space<hbm>>
    %dma_start3A_64 = tpu.memref_slice %arg14[%dma_start3A_58] : memref<4x!tpu.dma_semaphore, #tpu.memory_space<semaphore_mem>> -> memref<1x!tpu.dma_semaphore, #tpu.memory_space<semaphore_mem>>
    %dma_start3A_65 = tpu.memref_squeeze %dma_start3A_64 : memref<1x!tpu.dma_semaphore, #tpu.memory_space<semaphore_mem>> -> memref<!tpu.dma_semaphore, #tpu.memory_space<semaphore_mem>>
    %dma_start3A_66 = arith.constant 0 : i32
    %dma_start3A_67 = arith.constant 0 : i32
    %dma_start3A_68 = arith.constant 0 : i32
    %dma_start3A_69 = tpu.memref_slice %arg3[%dma_start3A_66, %add3A_57, %dma_start3A_67, %dma_start3A_68] : memref<2x2000x1x80xi32, #tpu.memory_space<hbm>> -> memref<2x1x1x80xi32, #tpu.memory_space<hbm>>
    %dma_start3A_70 = tpu.memref_squeeze %dma_start3A_69 : memref<2x1x1x80xi32, #tpu.memory_space<hbm>> -> memref<2x1x80xi32, #tpu.memory_space<hbm>>
    tpu.enqueue_dma source(%dma_start3A_70 : memref<2x1x80xi32, #tpu.memory_space<hbm>>) target(%arg8 : memref<2x1x80xi32, #tpu.memory_space<vmem>>) target_semaphore(%dma_start3A_65 : memref<!tpu.dma_semaphore, #tpu.memory_space<semaphore_mem>>)
    %dma_wait3A = arith.constant 0 : i32
    %dma_wait3A_71 = tpu.memref_slice %arg15[%dma_wait3A] : memref<4x!tpu.dma_semaphore, #tpu.memory_space<semaphore_mem>> -> memref<1x!tpu.dma_semaphore, #tpu.memory_space<semaphore_mem>>
    %dma_wait3A_72 = tpu.memref_squeeze %dma_wait3A_71 : memref<1x!tpu.dma_semaphore, #tpu.memory_space<semaphore_mem>> -> memref<!tpu.dma_semaphore, #tpu.memory_space<semaphore_mem>>
    %dma_wait3A_73 = arith.constant 0 : i32
    %dma_wait3A_74 = tpu.memref_slice %arg13[%mul3A_0, %dma_wait3A_73] : memref<10240x128xf32, #tpu.memory_space<vmem_shared>> -> memref<640x128xf32, #tpu.memory_space<vmem_shared>>
    %dma_wait3A_75 = arith.constant 0 : i32
    %dma_wait3A_76 = tpu.memref_slice %arg2[%add3A, %dma_wait3A_75] : memref<20480x128xf32, #tpu.memory_space<hbm>> -> memref<640x128xf32, #tpu.memory_space<hbm>>
    tpu.wait_dma2 semaphore(%dma_wait3A_72 : memref<!tpu.dma_semaphore, #tpu.memory_space<semaphore_mem>>) src(%dma_wait3A_76 : memref<640x128xf32, #tpu.memory_space<hbm>>) dst(%dma_wait3A_74 : memref<640x128xf32, #tpu.memory_space<vmem_shared>>)
    %barrier3A = arith.constant 0 : index
    tpu.barrier barrier_id(%barrier3A)
    %add3A_77 = arith.constant 0 : i32
    %add3A_78 = arith.addi %mul3A_4, %add3A_77 : i32
    %dma_wait3A_79 = arith.constant 0 : i32
    %dma_wait3A_80 = arith.constant 0 : i32
    %dma_wait3A_81 = arith.constant 0 : i32
    %dma_wait3A_82 = arith.constant 0 : i32
    %dma_wait3A_83 = tpu.memref_slice %arg3[%dma_wait3A_80, %add3A_78, %dma_wait3A_81, %dma_wait3A_82] : memref<2x2000x1x80xi32, #tpu.memory_space<hbm>> -> memref<2x1x1x80xi32, #tpu.memory_space<hbm>>
    %dma_wait3A_84 = tpu.memref_squeeze %dma_wait3A_83 : memref<2x1x1x80xi32, #tpu.memory_space<hbm>> -> memref<2x1x80xi32, #tpu.memory_space<hbm>>
    %dma_wait3A_85 = tpu.memref_slice %arg14[%dma_wait3A_79] : memref<4x!tpu.dma_semaphore, #tpu.memory_space<semaphore_mem>> -> memref<1x!tpu.dma_semaphore, #tpu.memory_space<semaphore_mem>>
    %dma_wait3A_86 = tpu.memref_squeeze %dma_wait3A_85 : memref<1x!tpu.dma_semaphore, #tpu.memory_space<semaphore_mem>> -> memref<!tpu.dma_semaphore, #tpu.memory_space<semaphore_mem>>
    %dma_wait3A_87 = arith.constant 0 : i32
    %dma_wait3A_88 = arith.constant 0 : i32
    %dma_wait3A_89 = arith.constant 0 : i32
    %dma_wait3A_90 = tpu.memref_slice %arg3[%dma_wait3A_87, %add3A_78, %dma_wait3A_88, %dma_wait3A_89] : memref<2x2000x1x80xi32, #tpu.memory_space<hbm>> -> memref<2x1x1x80xi32, #tpu.memory_space<hbm>>
    %dma_wait3A_91 = tpu.memref_squeeze %dma_wait3A_90 : memref<2x1x1x80xi32, #tpu.memory_space<hbm>> -> memref<2x1x80xi32, #tpu.memory_space<hbm>>
    tpu.wait_dma2 semaphore(%dma_wait3A_86 : memref<!tpu.dma_semaphore, #tpu.memory_space<semaphore_mem>>) src(%dma_wait3A_91 : memref<2x1x80xi32, #tpu.memory_space<hbm>>) dst(%arg5 : memref<2x1x80xi32, #tpu.memory_space<vmem>>)
    %dma_start3A_92 = arith.constant 0 : i32
    %dma_start3A_93 = arith.constant 0 : i32
    %dma_start3A_94 = arith.constant 0 : i32
    %dma_start3A_95 = arith.constant 0 : i32
    %dma_start3A_96 = tpu.memref_slice %arg5[%dma_start3A_92, %dma_start3A_93, %dma_start3A_95] : memref<2x1x80xi32, #tpu.memory_space<vmem>> -> memref<1x1x80xi32, #tpu.memory_space<vmem>>
    %dma_start3A_97 = tpu.memref_squeeze %dma_start3A_96 : memref<1x1x80xi32, #tpu.memory_space<vmem>> -> memref<80xi32, #tpu.memory_space<vmem>>
    %dma_start3A_98 = arith.constant 0 : i32
    %dma_start3A_99 = tpu.memref_slice %arg2[%mul3A_2, %dma_start3A_98] : memref<20480x128xf32, #tpu.memory_space<hbm>> -> memref<10240x128xf32, #tpu.memory_space<hbm>>
    %dma_start3A_100 = arith.constant 0 : i32
    %dma_start3A_101 = arith.constant 0 : i32
    %dma_start3A_102 = tpu.memref_slice %dma_start3A_99[%dma_start3A_100, %dma_start3A_101] : memref<10240x128xf32, #tpu.memory_space<hbm>> -> memref<10240x128xf32, #tpu.memory_space<hbm>>
    %dma_start3A_103 = tpu.memref_slice %arg15[%dma_start3A_94] : memref<4x!tpu.dma_semaphore, #tpu.memory_space<semaphore_mem>> -> memref<1x!tpu.dma_semaphore, #tpu.memory_space<semaphore_mem>>
    %dma_start3A_104 = tpu.memref_squeeze %dma_start3A_103 : memref<1x!tpu.dma_semaphore, #tpu.memory_space<semaphore_mem>> -> memref<!tpu.dma_semaphore, #tpu.memory_space<semaphore_mem>>
    tpu.enqueue_indirect_dma source(%dma_start3A_102 : memref<10240x128xf32, #tpu.memory_space<hbm>>) target(%arg9 : memref<80x128xf32, #tpu.memory_space<vmem>>) offsets(%dma_start3A_97 : memref<80xi32, #tpu.memory_space<vmem>>) semaphore(%dma_start3A_104 : memref<!tpu.dma_semaphore, #tpu.memory_space<semaphore_mem>>)
    %add3A_105 = arith.constant 1 : i32
    %add3A_106 = arith.addi %mul3A_4, %add3A_105 : i32
    %dma_wait3A_107 = arith.constant 1 : i32
    %dma_wait3A_108 = arith.constant 0 : i32
    %dma_wait3A_109 = arith.constant 0 : i32
    %dma_wait3A_110 = arith.constant 0 : i32
    %dma_wait3A_111 = tpu.memref_slice %arg3[%dma_wait3A_108, %add3A_106, %dma_wait3A_109, %dma_wait3A_110] : memref<2x2000x1x80xi32, #tpu.memory_space<hbm>> -> memref<2x1x1x80xi32, #tpu.memory_space<hbm>>
    %dma_wait3A_112 = tpu.memref_squeeze %dma_wait3A_111 : memref<2x1x1x80xi32, #tpu.memory_space<hbm>> -> memref<2x1x80xi32, #tpu.memory_space<hbm>>
    %dma_wait3A_113 = tpu.memref_slice %arg14[%dma_wait3A_107] : memref<4x!tpu.dma_semaphore, #tpu.memory_space<semaphore_mem>> -> memref<1x!tpu.dma_semaphore, #tpu.memory_space<semaphore_mem>>
    %dma_wait3A_114 = tpu.memref_squeeze %dma_wait3A_113 : memref<1x!tpu.dma_semaphore, #tpu.memory_space<semaphore_mem>> -> memref<!tpu.dma_semaphore, #tpu.memory_space<semaphore_mem>>
    %dma_wait3A_115 = arith.constant 0 : i32
    %dma_wait3A_116 = arith.constant 0 : i32
    %dma_wait3A_117 = arith.constant 0 : i32
    %dma_wait3A_118 = tpu.memref_slice %arg3[%dma_wait3A_115, %add3A_106, %dma_wait3A_116, %dma_wait3A_117] : memref<2x2000x1x80xi32, #tpu.memory_space<hbm>> -> memref<2x1x1x80xi32, #tpu.memory_space<hbm>>
    %dma_wait3A_119 = tpu.memref_squeeze %dma_wait3A_118 : memref<2x1x1x80xi32, #tpu.memory_space<hbm>> -> memref<2x1x80xi32, #tpu.memory_space<hbm>>
    tpu.wait_dma2 semaphore(%dma_wait3A_114 : memref<!tpu.dma_semaphore, #tpu.memory_space<semaphore_mem>>) src(%dma_wait3A_119 : memref<2x1x80xi32, #tpu.memory_space<hbm>>) dst(%arg6 : memref<2x1x80xi32, #tpu.memory_space<vmem>>)
    %dma_start3A_120 = arith.constant 0 : i32
    %dma_start3A_121 = arith.constant 0 : i32
    %dma_start3A_122 = arith.constant 1 : i32
    %dma_start3A_123 = arith.constant 0 : i32
    %dma_start3A_124 = tpu.memref_slice %arg6[%dma_start3A_120, %dma_start3A_121, %dma_start3A_123] : memref<2x1x80xi32, #tpu.memory_space<vmem>> -> memref<1x1x80xi32, #tpu.memory_space<vmem>>
    %dma_start3A_125 = tpu.memref_squeeze %dma_start3A_124 : memref<1x1x80xi32, #tpu.memory_space<vmem>> -> memref<80xi32, #tpu.memory_space<vmem>>
    %dma_start3A_126 = arith.constant 0 : i32
    %dma_start3A_127 = tpu.memref_slice %arg2[%mul3A_2, %dma_start3A_126] : memref<20480x128xf32, #tpu.memory_space<hbm>> -> memref<10240x128xf32, #tpu.memory_space<hbm>>
    %dma_start3A_128 = arith.constant 0 : i32
    %dma_start3A_129 = arith.constant 0 : i32
    %dma_start3A_130 = tpu.memref_slice %dma_start3A_127[%dma_start3A_128, %dma_start3A_129] : memref<10240x128xf32, #tpu.memory_space<hbm>> -> memref<10240x128xf32, #tpu.memory_space<hbm>>
    %dma_start3A_131 = tpu.memref_slice %arg15[%dma_start3A_122] : memref<4x!tpu.dma_semaphore, #tpu.memory_space<semaphore_mem>> -> memref<1x!tpu.dma_semaphore, #tpu.memory_space<semaphore_mem>>
    %dma_start3A_132 = tpu.memref_squeeze %dma_start3A_131 : memref<1x!tpu.dma_semaphore, #tpu.memory_space<semaphore_mem>> -> memref<!tpu.dma_semaphore, #tpu.memory_space<semaphore_mem>>
    tpu.enqueue_indirect_dma source(%dma_start3A_130 : memref<10240x128xf32, #tpu.memory_space<hbm>>) target(%arg10 : memref<80x128xf32, #tpu.memory_space<vmem>>) offsets(%dma_start3A_125 : memref<80xi32, #tpu.memory_space<vmem>>) semaphore(%dma_start3A_132 : memref<!tpu.dma_semaphore, #tpu.memory_space<semaphore_mem>>)
    %add3A_133 = arith.constant 2 : i32
    %add3A_134 = arith.addi %mul3A_4, %add3A_133 : i32
    %dma_wait3A_135 = arith.constant 2 : i32
    %dma_wait3A_136 = arith.constant 0 : i32
    %dma_wait3A_137 = arith.constant 0 : i32
    %dma_wait3A_138 = arith.constant 0 : i32
    %dma_wait3A_139 = tpu.memref_slice %arg3[%dma_wait3A_136, %add3A_134, %dma_wait3A_137, %dma_wait3A_138] : memref<2x2000x1x80xi32, #tpu.memory_space<hbm>> -> memref<2x1x1x80xi32, #tpu.memory_space<hbm>>
    %dma_wait3A_140 = tpu.memref_squeeze %dma_wait3A_139 : memref<2x1x1x80xi32, #tpu.memory_space<hbm>> -> memref<2x1x80xi32, #tpu.memory_space<hbm>>
    %dma_wait3A_141 = tpu.memref_slice %arg14[%dma_wait3A_135] : memref<4x!tpu.dma_semaphore, #tpu.memory_space<semaphore_mem>> -> memref<1x!tpu.dma_semaphore, #tpu.memory_space<semaphore_mem>>
    %dma_wait3A_142 = tpu.memref_squeeze %dma_wait3A_141 : memref<1x!tpu.dma_semaphore, #tpu.memory_space<semaphore_mem>> -> memref<!tpu.dma_semaphore, #tpu.memory_space<semaphore_mem>>
    %dma_wait3A_143 = arith.constant 0 : i32
    %dma_wait3A_144 = arith.constant 0 : i32
    %dma_wait3A_145 = arith.constant 0 : i32
    %dma_wait3A_146 = tpu.memref_slice %arg3[%dma_wait3A_143, %add3A_134, %dma_wait3A_144, %dma_wait3A_145] : memref<2x2000x1x80xi32, #tpu.memory_space<hbm>> -> memref<2x1x1x80xi32, #tpu.memory_space<hbm>>
    %dma_wait3A_147 = tpu.memref_squeeze %dma_wait3A_146 : memref<2x1x1x80xi32, #tpu.memory_space<hbm>> -> memref<2x1x80xi32, #tpu.memory_space<hbm>>
    tpu.wait_dma2 semaphore(%dma_wait3A_142 : memref<!tpu.dma_semaphore, #tpu.memory_space<semaphore_mem>>) src(%dma_wait3A_147 : memref<2x1x80xi32, #tpu.memory_space<hbm>>) dst(%arg7 : memref<2x1x80xi32, #tpu.memory_space<vmem>>)
    %dma_start3A_148 = arith.constant 0 : i32
    %dma_start3A_149 = arith.constant 0 : i32
    %dma_start3A_150 = arith.constant 2 : i32
    %dma_start3A_151 = arith.constant 0 : i32
    %dma_start3A_152 = tpu.memref_slice %arg7[%dma_start3A_148, %dma_start3A_149, %dma_start3A_151] : memref<2x1x80xi32, #tpu.memory_space<vmem>> -> memref<1x1x80xi32, #tpu.memory_space<vmem>>
    %dma_start3A_153 = tpu.memref_squeeze %dma_start3A_152 : memref<1x1x80xi32, #tpu.memory_space<vmem>> -> memref<80xi32, #tpu.memory_space<vmem>>
    %dma_start3A_154 = arith.constant 0 : i32
    %dma_start3A_155 = tpu.memref_slice %arg2[%mul3A_2, %dma_start3A_154] : memref<20480x128xf32, #tpu.memory_space<hbm>> -> memref<10240x128xf32, #tpu.memory_space<hbm>>
    %dma_start3A_156 = arith.constant 0 : i32
    %dma_start3A_157 = arith.constant 0 : i32
    %dma_start3A_158 = tpu.memref_slice %dma_start3A_155[%dma_start3A_156, %dma_start3A_157] : memref<10240x128xf32, #tpu.memory_space<hbm>> -> memref<10240x128xf32, #tpu.memory_space<hbm>>
    %dma_start3A_159 = tpu.memref_slice %arg15[%dma_start3A_150] : memref<4x!tpu.dma_semaphore, #tpu.memory_space<semaphore_mem>> -> memref<1x!tpu.dma_semaphore, #tpu.memory_space<semaphore_mem>>
    %dma_start3A_160 = tpu.memref_squeeze %dma_start3A_159 : memref<1x!tpu.dma_semaphore, #tpu.memory_space<semaphore_mem>> -> memref<!tpu.dma_semaphore, #tpu.memory_space<semaphore_mem>>
    tpu.enqueue_indirect_dma source(%dma_start3A_158 : memref<10240x128xf32, #tpu.memory_space<hbm>>) target(%arg11 : memref<80x128xf32, #tpu.memory_space<vmem>>) offsets(%dma_start3A_153 : memref<80xi32, #tpu.memory_space<vmem>>) semaphore(%dma_start3A_160 : memref<!tpu.dma_semaphore, #tpu.memory_space<semaphore_mem>>)
    %add3A_161 = arith.constant 3 : i32
    %add3A_162 = arith.addi %mul3A_4, %add3A_161 : i32
    %dma_wait3A_163 = arith.constant 3 : i32
    %dma_wait3A_164 = arith.constant 0 : i32
    %dma_wait3A_165 = arith.constant 0 : i32
    %dma_wait3A_166 = arith.constant 0 : i32
    %dma_wait3A_167 = tpu.memref_slice %arg3[%dma_wait3A_164, %add3A_162, %dma_wait3A_165, %dma_wait3A_166] : memref<2x2000x1x80xi32, #tpu.memory_space<hbm>> -> memref<2x1x1x80xi32, #tpu.memory_space<hbm>>
    %dma_wait3A_168 = tpu.memref_squeeze %dma_wait3A_167 : memref<2x1x1x80xi32, #tpu.memory_space<hbm>> -> memref<2x1x80xi32, #tpu.memory_space<hbm>>
    %dma_wait3A_169 = tpu.memref_slice %arg14[%dma_wait3A_163] : memref<4x!tpu.dma_semaphore, #tpu.memory_space<semaphore_mem>> -> memref<1x!tpu.dma_semaphore, #tpu.memory_space<semaphore_mem>>
    %dma_wait3A_170 = tpu.memref_squeeze %dma_wait3A_169 : memref<1x!tpu.dma_semaphore, #tpu.memory_space<semaphore_mem>> -> memref<!tpu.dma_semaphore, #tpu.memory_space<semaphore_mem>>
    %dma_wait3A_171 = arith.constant 0 : i32
    %dma_wait3A_172 = arith.constant 0 : i32
    %dma_wait3A_173 = arith.constant 0 : i32
    %dma_wait3A_174 = tpu.memref_slice %arg3[%dma_wait3A_171, %add3A_162, %dma_wait3A_172, %dma_wait3A_173] : memref<2x2000x1x80xi32, #tpu.memory_space<hbm>> -> memref<2x1x1x80xi32, #tpu.memory_space<hbm>>
    %dma_wait3A_175 = tpu.memref_squeeze %dma_wait3A_174 : memref<2x1x1x80xi32, #tpu.memory_space<hbm>> -> memref<2x1x80xi32, #tpu.memory_space<hbm>>
    tpu.wait_dma2 semaphore(%dma_wait3A_170 : memref<!tpu.dma_semaphore, #tpu.memory_space<semaphore_mem>>) src(%dma_wait3A_175 : memref<2x1x80xi32, #tpu.memory_space<hbm>>) dst(%arg8 : memref<2x1x80xi32, #tpu.memory_space<vmem>>)
    %dma_start3A_176 = arith.constant 0 : i32
    %dma_start3A_177 = arith.constant 0 : i32
    %dma_start3A_178 = arith.constant 3 : i32
    %dma_start3A_179 = arith.constant 0 : i32
    %dma_start3A_180 = tpu.memref_slice %arg8[%dma_start3A_176, %dma_start3A_177, %dma_start3A_179] : memref<2x1x80xi32, #tpu.memory_space<vmem>> -> memref<1x1x80xi32, #tpu.memory_space<vmem>>
    %dma_start3A_181 = tpu.memref_squeeze %dma_start3A_180 : memref<1x1x80xi32, #tpu.memory_space<vmem>> -> memref<80xi32, #tpu.memory_space<vmem>>
    %dma_start3A_182 = arith.constant 0 : i32
    %dma_start3A_183 = tpu.memref_slice %arg2[%mul3A_2, %dma_start3A_182] : memref<20480x128xf32, #tpu.memory_space<hbm>> -> memref<10240x128xf32, #tpu.memory_space<hbm>>
    %dma_start3A_184 = arith.constant 0 : i32
    %dma_start3A_185 = arith.constant 0 : i32
    %dma_start3A_186 = tpu.memref_slice %dma_start3A_183[%dma_start3A_184, %dma_start3A_185] : memref<10240x128xf32, #tpu.memory_space<hbm>> -> memref<10240x128xf32, #tpu.memory_space<hbm>>
    %dma_start3A_187 = tpu.memref_slice %arg15[%dma_start3A_178] : memref<4x!tpu.dma_semaphore, #tpu.memory_space<semaphore_mem>> -> memref<1x!tpu.dma_semaphore, #tpu.memory_space<semaphore_mem>>
    %dma_start3A_188 = tpu.memref_squeeze %dma_start3A_187 : memref<1x!tpu.dma_semaphore, #tpu.memory_space<semaphore_mem>> -> memref<!tpu.dma_semaphore, #tpu.memory_space<semaphore_mem>>
    tpu.enqueue_indirect_dma source(%dma_start3A_186 : memref<10240x128xf32, #tpu.memory_space<hbm>>) target(%arg12 : memref<80x128xf32, #tpu.memory_space<vmem>>) offsets(%dma_start3A_181 : memref<80xi32, #tpu.memory_space<vmem>>) semaphore(%dma_start3A_188 : memref<!tpu.dma_semaphore, #tpu.memory_space<semaphore_mem>>)
    %scan3A = arith.constant 0 : i32
    %scan3A_189 = arith.constant 31 : i32
    %scan3A_190 = arith.addi %scan3A, %scan3A_189 : i32
    %scan3A_191 = arith.constant 1 : i32
    scf.for %scan3A_230 = %scan3A to %scan3A_190 step %scan3A_191  : i32 {
      %mul3A_231 = arith.constant 4 : i32
      %mul3A_232 = arith.muli %scan3A_230, %mul3A_231 : i32
      %add3A_233 = arith.constant 0 : i32
      %add3A_234 = arith.addi %add3A_233, %mul3A_232 : i32
      %dma_wait3A_235 = arith.constant 0 : i32
      %dma_wait3A_236 = arith.constant 0 : i32
      %dma_wait3A_237 = arith.constant 0 : i32
      %dma_wait3A_238 = arith.constant 0 : i32
      %dma_wait3A_239 = tpu.memref_slice %arg5[%dma_wait3A_235, %dma_wait3A_236, %dma_wait3A_238] : memref<2x1x80xi32, #tpu.memory_space<vmem>> -> memref<1x1x80xi32, #tpu.memory_space<vmem>>
      %dma_wait3A_240 = tpu.memref_squeeze %dma_wait3A_239 : memref<1x1x80xi32, #tpu.memory_space<vmem>> -> memref<80xi32, #tpu.memory_space<vmem>>
      %dma_wait3A_241 = arith.constant 0 : i32
      %dma_wait3A_242 = tpu.memref_slice %arg2[%mul3A_2, %dma_wait3A_241] : memref<20480x128xf32, #tpu.memory_space<hbm>> -> memref<10240x128xf32, #tpu.memory_space<hbm>>
      %dma_wait3A_243 = arith.constant 0 : i32
      %dma_wait3A_244 = arith.constant 0 : i32
      %dma_wait3A_245 = tpu.memref_slice %dma_wait3A_242[%dma_wait3A_243, %dma_wait3A_244] : memref<10240x128xf32, #tpu.memory_space<hbm>> -> memref<10240x128xf32, #tpu.memory_space<hbm>>
      %dma_wait3A_246 = tpu.memref_slice %arg15[%dma_wait3A_237] : memref<4x!tpu.dma_semaphore, #tpu.memory_space<semaphore_mem>> -> memref<1x!tpu.dma_semaphore, #tpu.memory_space<semaphore_mem>>
      %dma_wait3A_247 = tpu.memref_squeeze %dma_wait3A_246 : memref<1x!tpu.dma_semaphore, #tpu.memory_space<semaphore_mem>> -> memref<!tpu.dma_semaphore, #tpu.memory_space<semaphore_mem>>
      tpu.wait_indirect_dma semaphore(%dma_wait3A_247 : memref<!tpu.dma_semaphore, #tpu.memory_space<semaphore_mem>>) src(%dma_wait3A_245 : memref<10240x128xf32, #tpu.memory_space<hbm>>) dst(%arg9 : memref<80x128xf32, #tpu.memory_space<vmem>>)
      %dma_start3A_248 = arith.constant 1 : i32
      %dma_start3A_249 = arith.constant 0 : i32
      %dma_start3A_250 = arith.constant 0 : i32
      %dma_start3A_251 = arith.constant 0 : i32
      %dma_start3A_252 = tpu.memref_slice %arg5[%dma_start3A_248, %dma_start3A_249, %dma_start3A_251] : memref<2x1x80xi32, #tpu.memory_space<vmem>> -> memref<1x1x80xi32, #tpu.memory_space<vmem>>
      %dma_start3A_253 = tpu.memref_squeeze %dma_start3A_252 : memref<1x1x80xi32, #tpu.memory_space<vmem>> -> memref<80xi32, #tpu.memory_space<vmem>>
      %dma_start3A_254 = arith.constant 0 : i32
      %dma_start3A_255 = arith.constant 0 : i32
      %dma_start3A_256 = tpu.memref_slice %arg13[%dma_start3A_254, %dma_start3A_255] : memref<10240x128xf32, #tpu.memory_space<vmem_shared>> -> memref<10240x128xf32, #tpu.memory_space<vmem_shared>>
      %dma_start3A_257 = tpu.memref_slice %arg16[%dma_start3A_250] : memref<4x!tpu.dma_semaphore, #tpu.memory_space<semaphore_mem>> -> memref<1x!tpu.dma_semaphore, #tpu.memory_space<semaphore_mem>>
      %dma_start3A_258 = tpu.memref_squeeze %dma_start3A_257 : memref<1x!tpu.dma_semaphore, #tpu.memory_space<semaphore_mem>> -> memref<!tpu.dma_semaphore, #tpu.memory_space<semaphore_mem>>
      tpu.enqueue_indirect_dma source(%arg9 : memref<80x128xf32, #tpu.memory_space<vmem>>) target(%dma_start3A_256 : memref<10240x128xf32, #tpu.memory_space<vmem_shared>>) offsets(%dma_start3A_253 : memref<80xi32, #tpu.memory_space<vmem>>) semaphore(%dma_start3A_258 : memref<!tpu.dma_semaphore, #tpu.memory_space<semaphore_mem>>) {add = true}
      %dma_wait3A_259 = arith.constant 0 : i32
      %dma_wait3A_260 = arith.constant 0 : i32
      %dma_wait3A_261 = arith.constant 1 : i32
      %dma_wait3A_262 = arith.constant 0 : i32
      %dma_wait3A_263 = tpu.memref_slice %arg6[%dma_wait3A_259, %dma_wait3A_260, %dma_wait3A_262] : memref<2x1x80xi32, #tpu.memory_space<vmem>> -> memref<1x1x80xi32, #tpu.memory_space<vmem>>
      %dma_wait3A_264 = tpu.memref_squeeze %dma_wait3A_263 : memref<1x1x80xi32, #tpu.memory_space<vmem>> -> memref<80xi32, #tpu.memory_space<vmem>>
      %dma_wait3A_265 = arith.constant 0 : i32
      %dma_wait3A_266 = tpu.memref_slice %arg2[%mul3A_2, %dma_wait3A_265] : memref<20480x128xf32, #tpu.memory_space<hbm>> -> memref<10240x128xf32, #tpu.memory_space<hbm>>
      %dma_wait3A_267 = arith.constant 0 : i32
      %dma_wait3A_268 = arith.constant 0 : i32
      %dma_wait3A_269 = tpu.memref_slice %dma_wait3A_266[%dma_wait3A_267, %dma_wait3A_268] : memref<10240x128xf32, #tpu.memory_space<hbm>> -> memref<10240x128xf32, #tpu.memory_space<hbm>>
      %dma_wait3A_270 = tpu.memref_slice %arg15[%dma_wait3A_261] : memref<4x!tpu.dma_semaphore, #tpu.memory_space<semaphore_mem>> -> memref<1x!tpu.dma_semaphore, #tpu.memory_space<semaphore_mem>>
      %dma_wait3A_271 = tpu.memref_squeeze %dma_wait3A_270 : memref<1x!tpu.dma_semaphore, #tpu.memory_space<semaphore_mem>> -> memref<!tpu.dma_semaphore, #tpu.memory_space<semaphore_mem>>
      tpu.wait_indirect_dma semaphore(%dma_wait3A_271 : memref<!tpu.dma_semaphore, #tpu.memory_space<semaphore_mem>>) src(%dma_wait3A_269 : memref<10240x128xf32, #tpu.memory_space<hbm>>) dst(%arg10 : memref<80x128xf32, #tpu.memory_space<vmem>>)
      %dma_start3A_272 = arith.constant 1 : i32
      %dma_start3A_273 = arith.constant 0 : i32
      %dma_start3A_274 = arith.constant 1 : i32
      %dma_start3A_275 = arith.constant 0 : i32
      %dma_start3A_276 = tpu.memref_slice %arg6[%dma_start3A_272, %dma_start3A_273, %dma_start3A_275] : memref<2x1x80xi32, #tpu.memory_space<vmem>> -> memref<1x1x80xi32, #tpu.memory_space<vmem>>
      %dma_start3A_277 = tpu.memref_squeeze %dma_start3A_276 : memref<1x1x80xi32, #tpu.memory_space<vmem>> -> memref<80xi32, #tpu.memory_space<vmem>>
      %dma_start3A_278 = arith.constant 0 : i32
      %dma_start3A_279 = arith.constant 0 : i32
      %dma_start3A_280 = tpu.memref_slice %arg13[%dma_start3A_278, %dma_start3A_279] : memref<10240x128xf32, #tpu.memory_space<vmem_shared>> -> memref<10240x128xf32, #tpu.memory_space<vmem_shared>>
      %dma_start3A_281 = tpu.memref_slice %arg16[%dma_start3A_274] : memref<4x!tpu.dma_semaphore, #tpu.memory_space<semaphore_mem>> -> memref<1x!tpu.dma_semaphore, #tpu.memory_space<semaphore_mem>>
      %dma_start3A_282 = tpu.memref_squeeze %dma_start3A_281 : memref<1x!tpu.dma_semaphore, #tpu.memory_space<semaphore_mem>> -> memref<!tpu.dma_semaphore, #tpu.memory_space<semaphore_mem>>
      tpu.enqueue_indirect_dma source(%arg10 : memref<80x128xf32, #tpu.memory_space<vmem>>) target(%dma_start3A_280 : memref<10240x128xf32, #tpu.memory_space<vmem_shared>>) offsets(%dma_start3A_277 : memref<80xi32, #tpu.memory_space<vmem>>) semaphore(%dma_start3A_282 : memref<!tpu.dma_semaphore, #tpu.memory_space<semaphore_mem>>) {add = true}
      %dma_wait3A_283 = arith.constant 0 : i32
      %dma_wait3A_284 = arith.constant 0 : i32
      %dma_wait3A_285 = arith.constant 2 : i32
      %dma_wait3A_286 = arith.constant 0 : i32
      %dma_wait3A_287 = tpu.memref_slice %arg7[%dma_wait3A_283, %dma_wait3A_284, %dma_wait3A_286] : memref<2x1x80xi32, #tpu.memory_space<vmem>> -> memref<1x1x80xi32, #tpu.memory_space<vmem>>
      %dma_wait3A_288 = tpu.memref_squeeze %dma_wait3A_287 : memref<1x1x80xi32, #tpu.memory_space<vmem>> -> memref<80xi32, #tpu.memory_space<vmem>>
      %dma_wait3A_289 = arith.constant 0 : i32
      %dma_wait3A_290 = tpu.memref_slice %arg2[%mul3A_2, %dma_wait3A_289] : memref<20480x128xf32, #tpu.memory_space<hbm>> -> memref<10240x128xf32, #tpu.memory_space<hbm>>
      %dma_wait3A_291 = arith.constant 0 : i32
      %dma_wait3A_292 = arith.constant 0 : i32
      %dma_wait3A_293 = tpu.memref_slice %dma_wait3A_290[%dma_wait3A_291, %dma_wait3A_292] : memref<10240x128xf32, #tpu.memory_space<hbm>> -> memref<10240x128xf32, #tpu.memory_space<hbm>>
      %dma_wait3A_294 = tpu.memref_slice %arg15[%dma_wait3A_285] : memref<4x!tpu.dma_semaphore, #tpu.memory_space<semaphore_mem>> -> memref<1x!tpu.dma_semaphore, #tpu.memory_space<semaphore_mem>>
      %dma_wait3A_295 = tpu.memref_squeeze %dma_wait3A_294 : memref<1x!tpu.dma_semaphore, #tpu.memory_space<semaphore_mem>> -> memref<!tpu.dma_semaphore, #tpu.memory_space<semaphore_mem>>
      tpu.wait_indirect_dma semaphore(%dma_wait3A_295 : memref<!tpu.dma_semaphore, #tpu.memory_space<semaphore_mem>>) src(%dma_wait3A_293 : memref<10240x128xf32, #tpu.memory_space<hbm>>) dst(%arg11 : memref<80x128xf32, #tpu.memory_space<vmem>>)
      %dma_start3A_296 = arith.constant 1 : i32
      %dma_start3A_297 = arith.constant 0 : i32
      %dma_start3A_298 = arith.constant 2 : i32
      %dma_start3A_299 = arith.constant 0 : i32
      %dma_start3A_300 = tpu.memref_slice %arg7[%dma_start3A_296, %dma_start3A_297, %dma_start3A_299] : memref<2x1x80xi32, #tpu.memory_space<vmem>> -> memref<1x1x80xi32, #tpu.memory_space<vmem>>
      %dma_start3A_301 = tpu.memref_squeeze %dma_start3A_300 : memref<1x1x80xi32, #tpu.memory_space<vmem>> -> memref<80xi32, #tpu.memory_space<vmem>>
      %dma_start3A_302 = arith.constant 0 : i32
      %dma_start3A_303 = arith.constant 0 : i32
      %dma_start3A_304 = tpu.memref_slice %arg13[%dma_start3A_302, %dma_start3A_303] : memref<10240x128xf32, #tpu.memory_space<vmem_shared>> -> memref<10240x128xf32, #tpu.memory_space<vmem_shared>>
      %dma_start3A_305 = tpu.memref_slice %arg16[%dma_start3A_298] : memref<4x!tpu.dma_semaphore, #tpu.memory_space<semaphore_mem>> -> memref<1x!tpu.dma_semaphore, #tpu.memory_space<semaphore_mem>>
      %dma_start3A_306 = tpu.memref_squeeze %dma_start3A_305 : memref<1x!tpu.dma_semaphore, #tpu.memory_space<semaphore_mem>> -> memref<!tpu.dma_semaphore, #tpu.memory_space<semaphore_mem>>
      tpu.enqueue_indirect_dma source(%arg11 : memref<80x128xf32, #tpu.memory_space<vmem>>) target(%dma_start3A_304 : memref<10240x128xf32, #tpu.memory_space<vmem_shared>>) offsets(%dma_start3A_301 : memref<80xi32, #tpu.memory_space<vmem>>) semaphore(%dma_start3A_306 : memref<!tpu.dma_semaphore, #tpu.memory_space<semaphore_mem>>) {add = true}
      %dma_wait3A_307 = arith.constant 0 : i32
      %dma_wait3A_308 = arith.constant 0 : i32
      %dma_wait3A_309 = arith.constant 3 : i32
      %dma_wait3A_310 = arith.constant 0 : i32
      %dma_wait3A_311 = tpu.memref_slice %arg8[%dma_wait3A_307, %dma_wait3A_308, %dma_wait3A_310] : memref<2x1x80xi32, #tpu.memory_space<vmem>> -> memref<1x1x80xi32, #tpu.memory_space<vmem>>
      %dma_wait3A_312 = tpu.memref_squeeze %dma_wait3A_311 : memref<1x1x80xi32, #tpu.memory_space<vmem>> -> memref<80xi32, #tpu.memory_space<vmem>>
      %dma_wait3A_313 = arith.constant 0 : i32
      %dma_wait3A_314 = tpu.memref_slice %arg2[%mul3A_2, %dma_wait3A_313] : memref<20480x128xf32, #tpu.memory_space<hbm>> -> memref<10240x128xf32, #tpu.memory_space<hbm>>
      %dma_wait3A_315 = arith.constant 0 : i32
      %dma_wait3A_316 = arith.constant 0 : i32
      %dma_wait3A_317 = tpu.memref_slice %dma_wait3A_314[%dma_wait3A_315, %dma_wait3A_316] : memref<10240x128xf32, #tpu.memory_space<hbm>> -> memref<10240x128xf32, #tpu.memory_space<hbm>>
      %dma_wait3A_318 = tpu.memref_slice %arg15[%dma_wait3A_309] : memref<4x!tpu.dma_semaphore, #tpu.memory_space<semaphore_mem>> -> memref<1x!tpu.dma_semaphore, #tpu.memory_space<semaphore_mem>>
      %dma_wait3A_319 = tpu.memref_squeeze %dma_wait3A_318 : memref<1x!tpu.dma_semaphore, #tpu.memory_space<semaphore_mem>> -> memref<!tpu.dma_semaphore, #tpu.memory_space<semaphore_mem>>
      tpu.wait_indirect_dma semaphore(%dma_wait3A_319 : memref<!tpu.dma_semaphore, #tpu.memory_space<semaphore_mem>>) src(%dma_wait3A_317 : memref<10240x128xf32, #tpu.memory_space<hbm>>) dst(%arg12 : memref<80x128xf32, #tpu.memory_space<vmem>>)
      %dma_start3A_320 = arith.constant 1 : i32
      %dma_start3A_321 = arith.constant 0 : i32
      %dma_start3A_322 = arith.constant 3 : i32
      %dma_start3A_323 = arith.constant 0 : i32
      %dma_start3A_324 = tpu.memref_slice %arg8[%dma_start3A_320, %dma_start3A_321, %dma_start3A_323] : memref<2x1x80xi32, #tpu.memory_space<vmem>> -> memref<1x1x80xi32, #tpu.memory_space<vmem>>
      %dma_start3A_325 = tpu.memref_squeeze %dma_start3A_324 : memref<1x1x80xi32, #tpu.memory_space<vmem>> -> memref<80xi32, #tpu.memory_space<vmem>>
      %dma_start3A_326 = arith.constant 0 : i32
      %dma_start3A_327 = arith.constant 0 : i32
      %dma_start3A_328 = tpu.memref_slice %arg13[%dma_start3A_326, %dma_start3A_327] : memref<10240x128xf32, #tpu.memory_space<vmem_shared>> -> memref<10240x128xf32, #tpu.memory_space<vmem_shared>>
      %dma_start3A_329 = tpu.memref_slice %arg16[%dma_start3A_322] : memref<4x!tpu.dma_semaphore, #tpu.memory_space<semaphore_mem>> -> memref<1x!tpu.dma_semaphore, #tpu.memory_space<semaphore_mem>>
      %dma_start3A_330 = tpu.memref_squeeze %dma_start3A_329 : memref<1x!tpu.dma_semaphore, #tpu.memory_space<semaphore_mem>> -> memref<!tpu.dma_semaphore, #tpu.memory_space<semaphore_mem>>
      tpu.enqueue_indirect_dma source(%arg12 : memref<80x128xf32, #tpu.memory_space<vmem>>) target(%dma_start3A_328 : memref<10240x128xf32, #tpu.memory_space<vmem_shared>>) offsets(%dma_start3A_325 : memref<80xi32, #tpu.memory_space<vmem>>) semaphore(%dma_start3A_330 : memref<!tpu.dma_semaphore, #tpu.memory_space<semaphore_mem>>) {add = true}
      %dma_wait3A_331 = arith.constant 1 : i32
      %dma_wait3A_332 = arith.constant 0 : i32
      %dma_wait3A_333 = arith.constant 0 : i32
      %dma_wait3A_334 = arith.constant 0 : i32
      %dma_wait3A_335 = tpu.memref_slice %arg5[%dma_wait3A_331, %dma_wait3A_332, %dma_wait3A_334] : memref<2x1x80xi32, #tpu.memory_space<vmem>> -> memref<1x1x80xi32, #tpu.memory_space<vmem>>
      %dma_wait3A_336 = tpu.memref_squeeze %dma_wait3A_335 : memref<1x1x80xi32, #tpu.memory_space<vmem>> -> memref<80xi32, #tpu.memory_space<vmem>>
      %dma_wait3A_337 = arith.constant 0 : i32
      %dma_wait3A_338 = arith.constant 0 : i32
      %dma_wait3A_339 = tpu.memref_slice %arg13[%dma_wait3A_337, %dma_wait3A_338] : memref<10240x128xf32, #tpu.memory_space<vmem_shared>> -> memref<10240x128xf32, #tpu.memory_space<vmem_shared>>
      %dma_wait3A_340 = tpu.memref_slice %arg16[%dma_wait3A_333] : memref<4x!tpu.dma_semaphore, #tpu.memory_space<semaphore_mem>> -> memref<1x!tpu.dma_semaphore, #tpu.memory_space<semaphore_mem>>
      %dma_wait3A_341 = tpu.memref_squeeze %dma_wait3A_340 : memref<1x!tpu.dma_semaphore, #tpu.memory_space<semaphore_mem>> -> memref<!tpu.dma_semaphore, #tpu.memory_space<semaphore_mem>>
      tpu.wait_indirect_dma semaphore(%dma_wait3A_341 : memref<!tpu.dma_semaphore, #tpu.memory_space<semaphore_mem>>) src(%arg9 : memref<80x128xf32, #tpu.memory_space<vmem>>) dst(%dma_wait3A_339 : memref<10240x128xf32, #tpu.memory_space<vmem_shared>>)
      %add3A_342 = arith.constant 0 : i32
      %add3A_343 = arith.addi %add3A_234, %add3A_342 : i32
      %add3A_344 = arith.constant 4 : i32
      %add3A_345 = arith.addi %add3A_343, %add3A_344 : i32
      %lt3A = arith.constant 125 : i32
      %lt3A_346 = arith.cmpi slt, %add3A_345, %lt3A : i32
      %convert_element_type3A = arith.extui %lt3A_346 : i1 to i32
      %cond3A = arith.constant 0 : i32
      %cond3A_347 = arith.cmpi ne, %convert_element_type3A, %cond3A : i32
      scf.if %cond3A_347 {
        %add3A_444 = arith.addi %mul3A_4, %add3A_345 : i32
        %dma_start3A_445 = arith.constant 0 : i32
        %dma_start3A_446 = arith.constant 0 : i32
        %dma_start3A_447 = arith.constant 0 : i32
        %dma_start3A_448 = arith.constant 0 : i32
        %dma_start3A_449 = tpu.memref_slice %arg3[%dma_start3A_446, %add3A_444, %dma_start3A_447, %dma_start3A_448] : memref<2x2000x1x80xi32, #tpu.memory_space<hbm>> -> memref<2x1x1x80xi32, #tpu.memory_space<hbm>>
        %dma_start3A_450 = tpu.memref_squeeze %dma_start3A_449 : memref<2x1x1x80xi32, #tpu.memory_space<hbm>> -> memref<2x1x80xi32, #tpu.memory_space<hbm>>
        %dma_start3A_451 = tpu.memref_slice %arg14[%dma_start3A_445] : memref<4x!tpu.dma_semaphore, #tpu.memory_space<semaphore_mem>> -> memref<1x!tpu.dma_semaphore, #tpu.memory_space<semaphore_mem>>
        %dma_start3A_452 = tpu.memref_squeeze %dma_start3A_451 : memref<1x!tpu.dma_semaphore, #tpu.memory_space<semaphore_mem>> -> memref<!tpu.dma_semaphore, #tpu.memory_space<semaphore_mem>>
        %dma_start3A_453 = arith.constant 0 : i32
        %dma_start3A_454 = arith.constant 0 : i32
        %dma_start3A_455 = arith.constant 0 : i32
        %dma_start3A_456 = tpu.memref_slice %arg3[%dma_start3A_453, %add3A_444, %dma_start3A_454, %dma_start3A_455] : memref<2x2000x1x80xi32, #tpu.memory_space<hbm>> -> memref<2x1x1x80xi32, #tpu.memory_space<hbm>>
        %dma_start3A_457 = tpu.memref_squeeze %dma_start3A_456 : memref<2x1x1x80xi32, #tpu.memory_space<hbm>> -> memref<2x1x80xi32, #tpu.memory_space<hbm>>
        tpu.enqueue_dma source(%dma_start3A_457 : memref<2x1x80xi32, #tpu.memory_space<hbm>>) target(%arg5 : memref<2x1x80xi32, #tpu.memory_space<vmem>>) target_semaphore(%dma_start3A_452 : memref<!tpu.dma_semaphore, #tpu.memory_space<semaphore_mem>>)
      } else {
      }
      %dma_wait3A_348 = arith.constant 1 : i32
      %dma_wait3A_349 = arith.constant 0 : i32
      %dma_wait3A_350 = arith.constant 1 : i32
      %dma_wait3A_351 = arith.constant 0 : i32
      %dma_wait3A_352 = tpu.memref_slice %arg6[%dma_wait3A_348, %dma_wait3A_349, %dma_wait3A_351] : memref<2x1x80xi32, #tpu.memory_space<vmem>> -> memref<1x1x80xi32, #tpu.memory_space<vmem>>
      %dma_wait3A_353 = tpu.memref_squeeze %dma_wait3A_352 : memref<1x1x80xi32, #tpu.memory_space<vmem>> -> memref<80xi32, #tpu.memory_space<vmem>>
      %dma_wait3A_354 = arith.constant 0 : i32
      %dma_wait3A_355 = arith.constant 0 : i32
      %dma_wait3A_356 = tpu.memref_slice %arg13[%dma_wait3A_354, %dma_wait3A_355] : memref<10240x128xf32, #tpu.memory_space<vmem_shared>> -> memref<10240x128xf32, #tpu.memory_space<vmem_shared>>
      %dma_wait3A_357 = tpu.memref_slice %arg16[%dma_wait3A_350] : memref<4x!tpu.dma_semaphore, #tpu.memory_space<semaphore_mem>> -> memref<1x!tpu.dma_semaphore, #tpu.memory_space<semaphore_mem>>
      %dma_wait3A_358 = tpu.memref_squeeze %dma_wait3A_357 : memref<1x!tpu.dma_semaphore, #tpu.memory_space<semaphore_mem>> -> memref<!tpu.dma_semaphore, #tpu.memory_space<semaphore_mem>>
      tpu.wait_indirect_dma semaphore(%dma_wait3A_358 : memref<!tpu.dma_semaphore, #tpu.memory_space<semaphore_mem>>) src(%arg10 : memref<80x128xf32, #tpu.memory_space<vmem>>) dst(%dma_wait3A_356 : memref<10240x128xf32, #tpu.memory_space<vmem_shared>>)
      %add3A_359 = arith.constant 1 : i32
      %add3A_360 = arith.addi %add3A_234, %add3A_359 : i32
      %add3A_361 = arith.constant 4 : i32
      %add3A_362 = arith.addi %add3A_360, %add3A_361 : i32
      %lt3A_363 = arith.constant 125 : i32
      %lt3A_364 = arith.cmpi slt, %add3A_362, %lt3A_363 : i32
      %convert_element_type3A_365 = arith.extui %lt3A_364 : i1 to i32
      %cond3A_366 = arith.constant 0 : i32
      %cond3A_367 = arith.cmpi ne, %convert_element_type3A_365, %cond3A_366 : i32
      scf.if %cond3A_367 {
        %add3A_444 = arith.addi %mul3A_4, %add3A_362 : i32
        %dma_start3A_445 = arith.constant 1 : i32
        %dma_start3A_446 = arith.constant 0 : i32
        %dma_start3A_447 = arith.constant 0 : i32
        %dma_start3A_448 = arith.constant 0 : i32
        %dma_start3A_449 = tpu.memref_slice %arg3[%dma_start3A_446, %add3A_444, %dma_start3A_447, %dma_start3A_448] : memref<2x2000x1x80xi32, #tpu.memory_space<hbm>> -> memref<2x1x1x80xi32, #tpu.memory_space<hbm>>
        %dma_start3A_450 = tpu.memref_squeeze %dma_start3A_449 : memref<2x1x1x80xi32, #tpu.memory_space<hbm>> -> memref<2x1x80xi32, #tpu.memory_space<hbm>>
        %dma_start3A_451 = tpu.memref_slice %arg14[%dma_start3A_445] : memref<4x!tpu.dma_semaphore, #tpu.memory_space<semaphore_mem>> -> memref<1x!tpu.dma_semaphore, #tpu.memory_space<semaphore_mem>>
        %dma_start3A_452 = tpu.memref_squeeze %dma_start3A_451 : memref<1x!tpu.dma_semaphore, #tpu.memory_space<semaphore_mem>> -> memref<!tpu.dma_semaphore, #tpu.memory_space<semaphore_mem>>
        %dma_start3A_453 = arith.constant 0 : i32
        %dma_start3A_454 = arith.constant 0 : i32
        %dma_start3A_455 = arith.constant 0 : i32
        %dma_start3A_456 = tpu.memref_slice %arg3[%dma_start3A_453, %add3A_444, %dma_start3A_454, %dma_start3A_455] : memref<2x2000x1x80xi32, #tpu.memory_space<hbm>> -> memref<2x1x1x80xi32, #tpu.memory_space<hbm>>
        %dma_start3A_457 = tpu.memref_squeeze %dma_start3A_456 : memref<2x1x1x80xi32, #tpu.memory_space<hbm>> -> memref<2x1x80xi32, #tpu.memory_space<hbm>>
        tpu.enqueue_dma source(%dma_start3A_457 : memref<2x1x80xi32, #tpu.memory_space<hbm>>) target(%arg6 : memref<2x1x80xi32, #tpu.memory_space<vmem>>) target_semaphore(%dma_start3A_452 : memref<!tpu.dma_semaphore, #tpu.memory_space<semaphore_mem>>)
      } else {
      }
      %dma_wait3A_368 = arith.constant 1 : i32
      %dma_wait3A_369 = arith.constant 0 : i32
      %dma_wait3A_370 = arith.constant 2 : i32
      %dma_wait3A_371 = arith.constant 0 : i32
      %dma_wait3A_372 = tpu.memref_slice %arg7[%dma_wait3A_368, %dma_wait3A_369, %dma_wait3A_371] : memref<2x1x80xi32, #tpu.memory_space<vmem>> -> memref<1x1x80xi32, #tpu.memory_space<vmem>>
      %dma_wait3A_373 = tpu.memref_squeeze %dma_wait3A_372 : memref<1x1x80xi32, #tpu.memory_space<vmem>> -> memref<80xi32, #tpu.memory_space<vmem>>
      %dma_wait3A_374 = arith.constant 0 : i32
      %dma_wait3A_375 = arith.constant 0 : i32
      %dma_wait3A_376 = tpu.memref_slice %arg13[%dma_wait3A_374, %dma_wait3A_375] : memref<10240x128xf32, #tpu.memory_space<vmem_shared>> -> memref<10240x128xf32, #tpu.memory_space<vmem_shared>>
      %dma_wait3A_377 = tpu.memref_slice %arg16[%dma_wait3A_370] : memref<4x!tpu.dma_semaphore, #tpu.memory_space<semaphore_mem>> -> memref<1x!tpu.dma_semaphore, #tpu.memory_space<semaphore_mem>>
      %dma_wait3A_378 = tpu.memref_squeeze %dma_wait3A_377 : memref<1x!tpu.dma_semaphore, #tpu.memory_space<semaphore_mem>> -> memref<!tpu.dma_semaphore, #tpu.memory_space<semaphore_mem>>
      tpu.wait_indirect_dma semaphore(%dma_wait3A_378 : memref<!tpu.dma_semaphore, #tpu.memory_space<semaphore_mem>>) src(%arg11 : memref<80x128xf32, #tpu.memory_space<vmem>>) dst(%dma_wait3A_376 : memref<10240x128xf32, #tpu.memory_space<vmem_shared>>)
      %add3A_379 = arith.constant 2 : i32
      %add3A_380 = arith.addi %add3A_234, %add3A_379 : i32
      %add3A_381 = arith.constant 4 : i32
      %add3A_382 = arith.addi %add3A_380, %add3A_381 : i32
      %lt3A_383 = arith.constant 125 : i32
      %lt3A_384 = arith.cmpi slt, %add3A_382, %lt3A_383 : i32
      %convert_element_type3A_385 = arith.extui %lt3A_384 : i1 to i32
      %cond3A_386 = arith.constant 0 : i32
      %cond3A_387 = arith.cmpi ne, %convert_element_type3A_385, %cond3A_386 : i32
      scf.if %cond3A_387 {
        %add3A_444 = arith.addi %mul3A_4, %add3A_382 : i32
        %dma_start3A_445 = arith.constant 2 : i32
        %dma_start3A_446 = arith.constant 0 : i32
        %dma_start3A_447 = arith.constant 0 : i32
        %dma_start3A_448 = arith.constant 0 : i32
        %dma_start3A_449 = tpu.memref_slice %arg3[%dma_start3A_446, %add3A_444, %dma_start3A_447, %dma_start3A_448] : memref<2x2000x1x80xi32, #tpu.memory_space<hbm>> -> memref<2x1x1x80xi32, #tpu.memory_space<hbm>>
        %dma_start3A_450 = tpu.memref_squeeze %dma_start3A_449 : memref<2x1x1x80xi32, #tpu.memory_space<hbm>> -> memref<2x1x80xi32, #tpu.memory_space<hbm>>
        %dma_start3A_451 = tpu.memref_slice %arg14[%dma_start3A_445] : memref<4x!tpu.dma_semaphore, #tpu.memory_space<semaphore_mem>> -> memref<1x!tpu.dma_semaphore, #tpu.memory_space<semaphore_mem>>
        %dma_start3A_452 = tpu.memref_squeeze %dma_start3A_451 : memref<1x!tpu.dma_semaphore, #tpu.memory_space<semaphore_mem>> -> memref<!tpu.dma_semaphore, #tpu.memory_space<semaphore_mem>>
        %dma_start3A_453 = arith.constant 0 : i32
        %dma_start3A_454 = arith.constant 0 : i32
        %dma_start3A_455 = arith.constant 0 : i32
        %dma_start3A_456 = tpu.memref_slice %arg3[%dma_start3A_453, %add3A_444, %dma_start3A_454, %dma_start3A_455] : memref<2x2000x1x80xi32, #tpu.memory_space<hbm>> -> memref<2x1x1x80xi32, #tpu.memory_space<hbm>>
        %dma_start3A_457 = tpu.memref_squeeze %dma_start3A_456 : memref<2x1x1x80xi32, #tpu.memory_space<hbm>> -> memref<2x1x80xi32, #tpu.memory_space<hbm>>
        tpu.enqueue_dma source(%dma_start3A_457 : memref<2x1x80xi32, #tpu.memory_space<hbm>>) target(%arg7 : memref<2x1x80xi32, #tpu.memory_space<vmem>>) target_semaphore(%dma_start3A_452 : memref<!tpu.dma_semaphore, #tpu.memory_space<semaphore_mem>>)
      } else {
      }
      %dma_wait3A_388 = arith.constant 1 : i32
      %dma_wait3A_389 = arith.constant 0 : i32
      %dma_wait3A_390 = arith.constant 3 : i32
      %dma_wait3A_391 = arith.constant 0 : i32
      %dma_wait3A_392 = tpu.memref_slice %arg8[%dma_wait3A_388, %dma_wait3A_389, %dma_wait3A_391] : memref<2x1x80xi32, #tpu.memory_space<vmem>> -> memref<1x1x80xi32, #tpu.memory_space<vmem>>
      %dma_wait3A_393 = tpu.memref_squeeze %dma_wait3A_392 : memref<1x1x80xi32, #tpu.memory_space<vmem>> -> memref<80xi32, #tpu.memory_space<vmem>>
      %dma_wait3A_394 = arith.constant 0 : i32
      %dma_wait3A_395 = arith.constant 0 : i32
      %dma_wait3A_396 = tpu.memref_slice %arg13[%dma_wait3A_394, %dma_wait3A_395] : memref<10240x128xf32, #tpu.memory_space<vmem_shared>> -> memref<10240x128xf32, #tpu.memory_space<vmem_shared>>
      %dma_wait3A_397 = tpu.memref_slice %arg16[%dma_wait3A_390] : memref<4x!tpu.dma_semaphore, #tpu.memory_space<semaphore_mem>> -> memref<1x!tpu.dma_semaphore, #tpu.memory_space<semaphore_mem>>
      %dma_wait3A_398 = tpu.memref_squeeze %dma_wait3A_397 : memref<1x!tpu.dma_semaphore, #tpu.memory_space<semaphore_mem>> -> memref<!tpu.dma_semaphore, #tpu.memory_space<semaphore_mem>>
      tpu.wait_indirect_dma semaphore(%dma_wait3A_398 : memref<!tpu.dma_semaphore, #tpu.memory_space<semaphore_mem>>) src(%arg12 : memref<80x128xf32, #tpu.memory_space<vmem>>) dst(%dma_wait3A_396 : memref<10240x128xf32, #tpu.memory_space<vmem_shared>>)
      %add3A_399 = arith.constant 3 : i32
      %add3A_400 = arith.addi %add3A_234, %add3A_399 : i32
      %add3A_401 = arith.constant 4 : i32
      %add3A_402 = arith.addi %add3A_400, %add3A_401 : i32
      %lt3A_403 = arith.constant 125 : i32
      %lt3A_404 = arith.cmpi slt, %add3A_402, %lt3A_403 : i32
      %convert_element_type3A_405 = arith.extui %lt3A_404 : i1 to i32
      %cond3A_406 = arith.constant 0 : i32
      %cond3A_407 = arith.cmpi ne, %convert_element_type3A_405, %cond3A_406 : i32
      scf.if %cond3A_407 {
        %add3A_444 = arith.addi %mul3A_4, %add3A_402 : i32
        %dma_start3A_445 = arith.constant 3 : i32
        %dma_start3A_446 = arith.constant 0 : i32
        %dma_start3A_447 = arith.constant 0 : i32
        %dma_start3A_448 = arith.constant 0 : i32
        %dma_start3A_449 = tpu.memref_slice %arg3[%dma_start3A_446, %add3A_444, %dma_start3A_447, %dma_start3A_448] : memref<2x2000x1x80xi32, #tpu.memory_space<hbm>> -> memref<2x1x1x80xi32, #tpu.memory_space<hbm>>
        %dma_start3A_450 = tpu.memref_squeeze %dma_start3A_449 : memref<2x1x1x80xi32, #tpu.memory_space<hbm>> -> memref<2x1x80xi32, #tpu.memory_space<hbm>>
        %dma_start3A_451 = tpu.memref_slice %arg14[%dma_start3A_445] : memref<4x!tpu.dma_semaphore, #tpu.memory_space<semaphore_mem>> -> memref<1x!tpu.dma_semaphore, #tpu.memory_space<semaphore_mem>>
        %dma_start3A_452 = tpu.memref_squeeze %dma_start3A_451 : memref<1x!tpu.dma_semaphore, #tpu.memory_space<semaphore_mem>> -> memref<!tpu.dma_semaphore, #tpu.memory_space<semaphore_mem>>
        %dma_start3A_453 = arith.constant 0 : i32
        %dma_start3A_454 = arith.constant 0 : i32
        %dma_start3A_455 = arith.constant 0 : i32
        %dma_start3A_456 = tpu.memref_slice %arg3[%dma_start3A_453, %add3A_444, %dma_start3A_454, %dma_start3A_455] : memref<2x2000x1x80xi32, #tpu.memory_space<hbm>> -> memref<2x1x1x80xi32, #tpu.memory_space<hbm>>
        %dma_start3A_457 = tpu.memref_squeeze %dma_start3A_456 : memref<2x1x1x80xi32, #tpu.memory_space<hbm>> -> memref<2x1x80xi32, #tpu.memory_space<hbm>>
        tpu.enqueue_dma source(%dma_start3A_457 : memref<2x1x80xi32, #tpu.memory_space<hbm>>) target(%arg8 : memref<2x1x80xi32, #tpu.memory_space<vmem>>) target_semaphore(%dma_start3A_452 : memref<!tpu.dma_semaphore, #tpu.memory_space<semaphore_mem>>)
      } else {
      }
      %add3A_408 = arith.constant 0 : i32
      %add3A_409 = arith.addi %add3A_234, %add3A_408 : i32
      %add3A_410 = arith.constant 4 : i32
      %add3A_411 = arith.addi %add3A_409, %add3A_410 : i32
      %lt3A_412 = arith.constant 125 : i32
      %lt3A_413 = arith.cmpi slt, %add3A_411, %lt3A_412 : i32
      %convert_element_type3A_414 = arith.extui %lt3A_413 : i1 to i32
      %cond3A_415 = arith.constant 0 : i32
      %cond3A_416 = arith.cmpi ne, %convert_element_type3A_414, %cond3A_415 : i32
      scf.if %cond3A_416 {
        %add3A_444 = arith.addi %mul3A_4, %add3A_411 : i32
        %dma_wait3A_445 = arith.constant 0 : i32
        %dma_wait3A_446 = arith.constant 0 : i32
        %dma_wait3A_447 = arith.constant 0 : i32
        %dma_wait3A_448 = arith.constant 0 : i32
        %dma_wait3A_449 = tpu.memref_slice %arg3[%dma_wait3A_446, %add3A_444, %dma_wait3A_447, %dma_wait3A_448] : memref<2x2000x1x80xi32, #tpu.memory_space<hbm>> -> memref<2x1x1x80xi32, #tpu.memory_space<hbm>>
        %dma_wait3A_450 = tpu.memref_squeeze %dma_wait3A_449 : memref<2x1x1x80xi32, #tpu.memory_space<hbm>> -> memref<2x1x80xi32, #tpu.memory_space<hbm>>
        %dma_wait3A_451 = tpu.memref_slice %arg14[%dma_wait3A_445] : memref<4x!tpu.dma_semaphore, #tpu.memory_space<semaphore_mem>> -> memref<1x!tpu.dma_semaphore, #tpu.memory_space<semaphore_mem>>
        %dma_wait3A_452 = tpu.memref_squeeze %dma_wait3A_451 : memref<1x!tpu.dma_semaphore, #tpu.memory_space<semaphore_mem>> -> memref<!tpu.dma_semaphore, #tpu.memory_space<semaphore_mem>>
        %dma_wait3A_453 = arith.constant 0 : i32
        %dma_wait3A_454 = arith.constant 0 : i32
        %dma_wait3A_455 = arith.constant 0 : i32
        %dma_wait3A_456 = tpu.memref_slice %arg3[%dma_wait3A_453, %add3A_444, %dma_wait3A_454, %dma_wait3A_455] : memref<2x2000x1x80xi32, #tpu.memory_space<hbm>> -> memref<2x1x1x80xi32, #tpu.memory_space<hbm>>
        %dma_wait3A_457 = tpu.memref_squeeze %dma_wait3A_456 : memref<2x1x1x80xi32, #tpu.memory_space<hbm>> -> memref<2x1x80xi32, #tpu.memory_space<hbm>>
        tpu.wait_dma2 semaphore(%dma_wait3A_452 : memref<!tpu.dma_semaphore, #tpu.memory_space<semaphore_mem>>) src(%dma_wait3A_457 : memref<2x1x80xi32, #tpu.memory_space<hbm>>) dst(%arg5 : memref<2x1x80xi32, #tpu.memory_space<vmem>>)
        %dma_start3A_458 = arith.constant 0 : i32
        %dma_start3A_459 = arith.constant 0 : i32
        %dma_start3A_460 = arith.constant 0 : i32
        %dma_start3A_461 = arith.constant 0 : i32
        %dma_start3A_462 = tpu.memref_slice %arg5[%dma_start3A_458, %dma_start3A_459, %dma_start3A_461] : memref<2x1x80xi32, #tpu.memory_space<vmem>> -> memref<1x1x80xi32, #tpu.memory_space<vmem>>
        %dma_start3A_463 = tpu.memref_squeeze %dma_start3A_462 : memref<1x1x80xi32, #tpu.memory_space<vmem>> -> memref<80xi32, #tpu.memory_space<vmem>>
        %dma_start3A_464 = arith.constant 0 : i32
        %dma_start3A_465 = tpu.memref_slice %arg2[%mul3A_2, %dma_start3A_464] : memref<20480x128xf32, #tpu.memory_space<hbm>> -> memref<10240x128xf32, #tpu.memory_space<hbm>>
        %dma_start3A_466 = arith.constant 0 : i32
        %dma_start3A_467 = arith.constant 0 : i32
        %dma_start3A_468 = tpu.memref_slice %dma_start3A_465[%dma_start3A_466, %dma_start3A_467] : memref<10240x128xf32, #tpu.memory_space<hbm>> -> memref<10240x128xf32, #tpu.memory_space<hbm>>
        %dma_start3A_469 = tpu.memref_slice %arg15[%dma_start3A_460] : memref<4x!tpu.dma_semaphore, #tpu.memory_space<semaphore_mem>> -> memref<1x!tpu.dma_semaphore, #tpu.memory_space<semaphore_mem>>
        %dma_start3A_470 = tpu.memref_squeeze %dma_start3A_469 : memref<1x!tpu.dma_semaphore, #tpu.memory_space<semaphore_mem>> -> memref<!tpu.dma_semaphore, #tpu.memory_space<semaphore_mem>>
        tpu.enqueue_indirect_dma source(%dma_start3A_468 : memref<10240x128xf32, #tpu.memory_space<hbm>>) target(%arg9 : memref<80x128xf32, #tpu.memory_space<vmem>>) offsets(%dma_start3A_463 : memref<80xi32, #tpu.memory_space<vmem>>) semaphore(%dma_start3A_470 : memref<!tpu.dma_semaphore, #tpu.memory_space<semaphore_mem>>)
      } else {
      }
      %add3A_417 = arith.constant 1 : i32
      %add3A_418 = arith.addi %add3A_234, %add3A_417 : i32
      %add3A_419 = arith.constant 4 : i32
      %add3A_420 = arith.addi %add3A_418, %add3A_419 : i32
      %lt3A_421 = arith.constant 125 : i32
      %lt3A_422 = arith.cmpi slt, %add3A_420, %lt3A_421 : i32
      %convert_element_type3A_423 = arith.extui %lt3A_422 : i1 to i32
      %cond3A_424 = arith.constant 0 : i32
      %cond3A_425 = arith.cmpi ne, %convert_element_type3A_423, %cond3A_424 : i32
      scf.if %cond3A_425 {
        %add3A_444 = arith.addi %mul3A_4, %add3A_420 : i32
        %dma_wait3A_445 = arith.constant 1 : i32
        %dma_wait3A_446 = arith.constant 0 : i32
        %dma_wait3A_447 = arith.constant 0 : i32
        %dma_wait3A_448 = arith.constant 0 : i32
        %dma_wait3A_449 = tpu.memref_slice %arg3[%dma_wait3A_446, %add3A_444, %dma_wait3A_447, %dma_wait3A_448] : memref<2x2000x1x80xi32, #tpu.memory_space<hbm>> -> memref<2x1x1x80xi32, #tpu.memory_space<hbm>>
        %dma_wait3A_450 = tpu.memref_squeeze %dma_wait3A_449 : memref<2x1x1x80xi32, #tpu.memory_space<hbm>> -> memref<2x1x80xi32, #tpu.memory_space<hbm>>
        %dma_wait3A_451 = tpu.memref_slice %arg14[%dma_wait3A_445] : memref<4x!tpu.dma_semaphore, #tpu.memory_space<semaphore_mem>> -> memref<1x!tpu.dma_semaphore, #tpu.memory_space<semaphore_mem>>
        %dma_wait3A_452 = tpu.memref_squeeze %dma_wait3A_451 : memref<1x!tpu.dma_semaphore, #tpu.memory_space<semaphore_mem>> -> memref<!tpu.dma_semaphore, #tpu.memory_space<semaphore_mem>>
        %dma_wait3A_453 = arith.constant 0 : i32
        %dma_wait3A_454 = arith.constant 0 : i32
        %dma_wait3A_455 = arith.constant 0 : i32
        %dma_wait3A_456 = tpu.memref_slice %arg3[%dma_wait3A_453, %add3A_444, %dma_wait3A_454, %dma_wait3A_455] : memref<2x2000x1x80xi32, #tpu.memory_space<hbm>> -> memref<2x1x1x80xi32, #tpu.memory_space<hbm>>
        %dma_wait3A_457 = tpu.memref_squeeze %dma_wait3A_456 : memref<2x1x1x80xi32, #tpu.memory_space<hbm>> -> memref<2x1x80xi32, #tpu.memory_space<hbm>>
        tpu.wait_dma2 semaphore(%dma_wait3A_452 : memref<!tpu.dma_semaphore, #tpu.memory_space<semaphore_mem>>) src(%dma_wait3A_457 : memref<2x1x80xi32, #tpu.memory_space<hbm>>) dst(%arg6 : memref<2x1x80xi32, #tpu.memory_space<vmem>>)
        %dma_start3A_458 = arith.constant 0 : i32
        %dma_start3A_459 = arith.constant 0 : i32
        %dma_start3A_460 = arith.constant 1 : i32
        %dma_start3A_461 = arith.constant 0 : i32
        %dma_start3A_462 = tpu.memref_slice %arg6[%dma_start3A_458, %dma_start3A_459, %dma_start3A_461] : memref<2x1x80xi32, #tpu.memory_space<vmem>> -> memref<1x1x80xi32, #tpu.memory_space<vmem>>
        %dma_start3A_463 = tpu.memref_squeeze %dma_start3A_462 : memref<1x1x80xi32, #tpu.memory_space<vmem>> -> memref<80xi32, #tpu.memory_space<vmem>>
        %dma_start3A_464 = arith.constant 0 : i32
        %dma_start3A_465 = tpu.memref_slice %arg2[%mul3A_2, %dma_start3A_464] : memref<20480x128xf32, #tpu.memory_space<hbm>> -> memref<10240x128xf32, #tpu.memory_space<hbm>>
        %dma_start3A_466 = arith.constant 0 : i32
        %dma_start3A_467 = arith.constant 0 : i32
        %dma_start3A_468 = tpu.memref_slice %dma_start3A_465[%dma_start3A_466, %dma_start3A_467] : memref<10240x128xf32, #tpu.memory_space<hbm>> -> memref<10240x128xf32, #tpu.memory_space<hbm>>
        %dma_start3A_469 = tpu.memref_slice %arg15[%dma_start3A_460] : memref<4x!tpu.dma_semaphore, #tpu.memory_space<semaphore_mem>> -> memref<1x!tpu.dma_semaphore, #tpu.memory_space<semaphore_mem>>
        %dma_start3A_470 = tpu.memref_squeeze %dma_start3A_469 : memref<1x!tpu.dma_semaphore, #tpu.memory_space<semaphore_mem>> -> memref<!tpu.dma_semaphore, #tpu.memory_space<semaphore_mem>>
        tpu.enqueue_indirect_dma source(%dma_start3A_468 : memref<10240x128xf32, #tpu.memory_space<hbm>>) target(%arg10 : memref<80x128xf32, #tpu.memory_space<vmem>>) offsets(%dma_start3A_463 : memref<80xi32, #tpu.memory_space<vmem>>) semaphore(%dma_start3A_470 : memref<!tpu.dma_semaphore, #tpu.memory_space<semaphore_mem>>)
      } else {
      }
      %add3A_426 = arith.constant 2 : i32
      %add3A_427 = arith.addi %add3A_234, %add3A_426 : i32
      %add3A_428 = arith.constant 4 : i32
      %add3A_429 = arith.addi %add3A_427, %add3A_428 : i32
      %lt3A_430 = arith.constant 125 : i32
      %lt3A_431 = arith.cmpi slt, %add3A_429, %lt3A_430 : i32
      %convert_element_type3A_432 = arith.extui %lt3A_431 : i1 to i32
      %cond3A_433 = arith.constant 0 : i32
      %cond3A_434 = arith.cmpi ne, %convert_element_type3A_432, %cond3A_433 : i32
      scf.if %cond3A_434 {
        %add3A_444 = arith.addi %mul3A_4, %add3A_429 : i32
        %dma_wait3A_445 = arith.constant 2 : i32
        %dma_wait3A_446 = arith.constant 0 : i32
        %dma_wait3A_447 = arith.constant 0 : i32
        %dma_wait3A_448 = arith.constant 0 : i32
        %dma_wait3A_449 = tpu.memref_slice %arg3[%dma_wait3A_446, %add3A_444, %dma_wait3A_447, %dma_wait3A_448] : memref<2x2000x1x80xi32, #tpu.memory_space<hbm>> -> memref<2x1x1x80xi32, #tpu.memory_space<hbm>>
        %dma_wait3A_450 = tpu.memref_squeeze %dma_wait3A_449 : memref<2x1x1x80xi32, #tpu.memory_space<hbm>> -> memref<2x1x80xi32, #tpu.memory_space<hbm>>
        %dma_wait3A_451 = tpu.memref_slice %arg14[%dma_wait3A_445] : memref<4x!tpu.dma_semaphore, #tpu.memory_space<semaphore_mem>> -> memref<1x!tpu.dma_semaphore, #tpu.memory_space<semaphore_mem>>
        %dma_wait3A_452 = tpu.memref_squeeze %dma_wait3A_451 : memref<1x!tpu.dma_semaphore, #tpu.memory_space<semaphore_mem>> -> memref<!tpu.dma_semaphore, #tpu.memory_space<semaphore_mem>>
        %dma_wait3A_453 = arith.constant 0 : i32
        %dma_wait3A_454 = arith.constant 0 : i32
        %dma_wait3A_455 = arith.constant 0 : i32
        %dma_wait3A_456 = tpu.memref_slice %arg3[%dma_wait3A_453, %add3A_444, %dma_wait3A_454, %dma_wait3A_455] : memref<2x2000x1x80xi32, #tpu.memory_space<hbm>> -> memref<2x1x1x80xi32, #tpu.memory_space<hbm>>
        %dma_wait3A_457 = tpu.memref_squeeze %dma_wait3A_456 : memref<2x1x1x80xi32, #tpu.memory_space<hbm>> -> memref<2x1x80xi32, #tpu.memory_space<hbm>>
        tpu.wait_dma2 semaphore(%dma_wait3A_452 : memref<!tpu.dma_semaphore, #tpu.memory_space<semaphore_mem>>) src(%dma_wait3A_457 : memref<2x1x80xi32, #tpu.memory_space<hbm>>) dst(%arg7 : memref<2x1x80xi32, #tpu.memory_space<vmem>>)
        %dma_start3A_458 = arith.constant 0 : i32
        %dma_start3A_459 = arith.constant 0 : i32
        %dma_start3A_460 = arith.constant 2 : i32
        %dma_start3A_461 = arith.constant 0 : i32
        %dma_start3A_462 = tpu.memref_slice %arg7[%dma_start3A_458, %dma_start3A_459, %dma_start3A_461] : memref<2x1x80xi32, #tpu.memory_space<vmem>> -> memref<1x1x80xi32, #tpu.memory_space<vmem>>
        %dma_start3A_463 = tpu.memref_squeeze %dma_start3A_462 : memref<1x1x80xi32, #tpu.memory_space<vmem>> -> memref<80xi32, #tpu.memory_space<vmem>>
        %dma_start3A_464 = arith.constant 0 : i32
        %dma_start3A_465 = tpu.memref_slice %arg2[%mul3A_2, %dma_start3A_464] : memref<20480x128xf32, #tpu.memory_space<hbm>> -> memref<10240x128xf32, #tpu.memory_space<hbm>>
        %dma_start3A_466 = arith.constant 0 : i32
        %dma_start3A_467 = arith.constant 0 : i32
        %dma_start3A_468 = tpu.memref_slice %dma_start3A_465[%dma_start3A_466, %dma_start3A_467] : memref<10240x128xf32, #tpu.memory_space<hbm>> -> memref<10240x128xf32, #tpu.memory_space<hbm>>
        %dma_start3A_469 = tpu.memref_slice %arg15[%dma_start3A_460] : memref<4x!tpu.dma_semaphore, #tpu.memory_space<semaphore_mem>> -> memref<1x!tpu.dma_semaphore, #tpu.memory_space<semaphore_mem>>
        %dma_start3A_470 = tpu.memref_squeeze %dma_start3A_469 : memref<1x!tpu.dma_semaphore, #tpu.memory_space<semaphore_mem>> -> memref<!tpu.dma_semaphore, #tpu.memory_space<semaphore_mem>>
        tpu.enqueue_indirect_dma source(%dma_start3A_468 : memref<10240x128xf32, #tpu.memory_space<hbm>>) target(%arg11 : memref<80x128xf32, #tpu.memory_space<vmem>>) offsets(%dma_start3A_463 : memref<80xi32, #tpu.memory_space<vmem>>) semaphore(%dma_start3A_470 : memref<!tpu.dma_semaphore, #tpu.memory_space<semaphore_mem>>)
      } else {
      }
      %add3A_435 = arith.constant 3 : i32
      %add3A_436 = arith.addi %add3A_234, %add3A_435 : i32
      %add3A_437 = arith.constant 4 : i32
      %add3A_438 = arith.addi %add3A_436, %add3A_437 : i32
      %lt3A_439 = arith.constant 125 : i32
      %lt3A_440 = arith.cmpi slt, %add3A_438, %lt3A_439 : i32
      %convert_element_type3A_441 = arith.extui %lt3A_440 : i1 to i32
      %cond3A_442 = arith.constant 0 : i32
      %cond3A_443 = arith.cmpi ne, %convert_element_type3A_441, %cond3A_442 : i32
      scf.if %cond3A_443 {
        %add3A_444 = arith.addi %mul3A_4, %add3A_438 : i32
        %dma_wait3A_445 = arith.constant 3 : i32
        %dma_wait3A_446 = arith.constant 0 : i32
        %dma_wait3A_447 = arith.constant 0 : i32
        %dma_wait3A_448 = arith.constant 0 : i32
        %dma_wait3A_449 = tpu.memref_slice %arg3[%dma_wait3A_446, %add3A_444, %dma_wait3A_447, %dma_wait3A_448] : memref<2x2000x1x80xi32, #tpu.memory_space<hbm>> -> memref<2x1x1x80xi32, #tpu.memory_space<hbm>>
        %dma_wait3A_450 = tpu.memref_squeeze %dma_wait3A_449 : memref<2x1x1x80xi32, #tpu.memory_space<hbm>> -> memref<2x1x80xi32, #tpu.memory_space<hbm>>
        %dma_wait3A_451 = tpu.memref_slice %arg14[%dma_wait3A_445] : memref<4x!tpu.dma_semaphore, #tpu.memory_space<semaphore_mem>> -> memref<1x!tpu.dma_semaphore, #tpu.memory_space<semaphore_mem>>
        %dma_wait3A_452 = tpu.memref_squeeze %dma_wait3A_451 : memref<1x!tpu.dma_semaphore, #tpu.memory_space<semaphore_mem>> -> memref<!tpu.dma_semaphore, #tpu.memory_space<semaphore_mem>>
        %dma_wait3A_453 = arith.constant 0 : i32
        %dma_wait3A_454 = arith.constant 0 : i32
        %dma_wait3A_455 = arith.constant 0 : i32
        %dma_wait3A_456 = tpu.memref_slice %arg3[%dma_wait3A_453, %add3A_444, %dma_wait3A_454, %dma_wait3A_455] : memref<2x2000x1x80xi32, #tpu.memory_space<hbm>> -> memref<2x1x1x80xi32, #tpu.memory_space<hbm>>
        %dma_wait3A_457 = tpu.memref_squeeze %dma_wait3A_456 : memref<2x1x1x80xi32, #tpu.memory_space<hbm>> -> memref<2x1x80xi32, #tpu.memory_space<hbm>>
        tpu.wait_dma2 semaphore(%dma_wait3A_452 : memref<!tpu.dma_semaphore, #tpu.memory_space<semaphore_mem>>) src(%dma_wait3A_457 : memref<2x1x80xi32, #tpu.memory_space<hbm>>) dst(%arg8 : memref<2x1x80xi32, #tpu.memory_space<vmem>>)
        %dma_start3A_458 = arith.constant 0 : i32
        %dma_start3A_459 = arith.constant 0 : i32
        %dma_start3A_460 = arith.constant 3 : i32
        %dma_start3A_461 = arith.constant 0 : i32
        %dma_start3A_462 = tpu.memref_slice %arg8[%dma_start3A_458, %dma_start3A_459, %dma_start3A_461] : memref<2x1x80xi32, #tpu.memory_space<vmem>> -> memref<1x1x80xi32, #tpu.memory_space<vmem>>
        %dma_start3A_463 = tpu.memref_squeeze %dma_start3A_462 : memref<1x1x80xi32, #tpu.memory_space<vmem>> -> memref<80xi32, #tpu.memory_space<vmem>>
        %dma_start3A_464 = arith.constant 0 : i32
        %dma_start3A_465 = tpu.memref_slice %arg2[%mul3A_2, %dma_start3A_464] : memref<20480x128xf32, #tpu.memory_space<hbm>> -> memref<10240x128xf32, #tpu.memory_space<hbm>>
        %dma_start3A_466 = arith.constant 0 : i32
        %dma_start3A_467 = arith.constant 0 : i32
        %dma_start3A_468 = tpu.memref_slice %dma_start3A_465[%dma_start3A_466, %dma_start3A_467] : memref<10240x128xf32, #tpu.memory_space<hbm>> -> memref<10240x128xf32, #tpu.memory_space<hbm>>
        %dma_start3A_469 = tpu.memref_slice %arg15[%dma_start3A_460] : memref<4x!tpu.dma_semaphore, #tpu.memory_space<semaphore_mem>> -> memref<1x!tpu.dma_semaphore, #tpu.memory_space<semaphore_mem>>
        %dma_start3A_470 = tpu.memref_squeeze %dma_start3A_469 : memref<1x!tpu.dma_semaphore, #tpu.memory_space<semaphore_mem>> -> memref<!tpu.dma_semaphore, #tpu.memory_space<semaphore_mem>>
        tpu.enqueue_indirect_dma source(%dma_start3A_468 : memref<10240x128xf32, #tpu.memory_space<hbm>>) target(%arg12 : memref<80x128xf32, #tpu.memory_space<vmem>>) offsets(%dma_start3A_463 : memref<80xi32, #tpu.memory_space<vmem>>) semaphore(%dma_start3A_470 : memref<!tpu.dma_semaphore, #tpu.memory_space<semaphore_mem>>)
      } else {
      }
    }
    %scan3A_192 = arith.constant 31 : i32
    %dma_wait3A_193 = arith.constant 0 : i32
    %dma_wait3A_194 = arith.constant 0 : i32
    %dma_wait3A_195 = arith.constant 0 : i32
    %dma_wait3A_196 = arith.constant 0 : i32
    %dma_wait3A_197 = tpu.memref_slice %arg5[%dma_wait3A_193, %dma_wait3A_194, %dma_wait3A_196] : memref<2x1x80xi32, #tpu.memory_space<vmem>> -> memref<1x1x80xi32, #tpu.memory_space<vmem>>
    %dma_wait3A_198 = tpu.memref_squeeze %dma_wait3A_197 : memref<1x1x80xi32, #tpu.memory_space<vmem>> -> memref<80xi32, #tpu.memory_space<vmem>>
    %dma_wait3A_199 = arith.constant 0 : i32
    %dma_wait3A_200 = tpu.memref_slice %arg2[%mul3A_2, %dma_wait3A_199] : memref<20480x128xf32, #tpu.memory_space<hbm>> -> memref<10240x128xf32, #tpu.memory_space<hbm>>
    %dma_wait3A_201 = arith.constant 0 : i32
    %dma_wait3A_202 = arith.constant 0 : i32
    %dma_wait3A_203 = tpu.memref_slice %dma_wait3A_200[%dma_wait3A_201, %dma_wait3A_202] : memref<10240x128xf32, #tpu.memory_space<hbm>> -> memref<10240x128xf32, #tpu.memory_space<hbm>>
    %dma_wait3A_204 = tpu.memref_slice %arg15[%dma_wait3A_195] : memref<4x!tpu.dma_semaphore, #tpu.memory_space<semaphore_mem>> -> memref<1x!tpu.dma_semaphore, #tpu.memory_space<semaphore_mem>>
    %dma_wait3A_205 = tpu.memref_squeeze %dma_wait3A_204 : memref<1x!tpu.dma_semaphore, #tpu.memory_space<semaphore_mem>> -> memref<!tpu.dma_semaphore, #tpu.memory_space<semaphore_mem>>
    tpu.wait_indirect_dma semaphore(%dma_wait3A_205 : memref<!tpu.dma_semaphore, #tpu.memory_space<semaphore_mem>>) src(%dma_wait3A_203 : memref<10240x128xf32, #tpu.memory_space<hbm>>) dst(%arg9 : memref<80x128xf32, #tpu.memory_space<vmem>>)
    %dma_start3A_206 = arith.constant 1 : i32
    %dma_start3A_207 = arith.constant 0 : i32
    %dma_start3A_208 = arith.constant 0 : i32
    %dma_start3A_209 = arith.constant 0 : i32
    %dma_start3A_210 = tpu.memref_slice %arg5[%dma_start3A_206, %dma_start3A_207, %dma_start3A_209] : memref<2x1x80xi32, #tpu.memory_space<vmem>> -> memref<1x1x80xi32, #tpu.memory_space<vmem>>
    %dma_start3A_211 = tpu.memref_squeeze %dma_start3A_210 : memref<1x1x80xi32, #tpu.memory_space<vmem>> -> memref<80xi32, #tpu.memory_space<vmem>>
    %dma_start3A_212 = arith.constant 0 : i32
    %dma_start3A_213 = arith.constant 0 : i32
    %dma_start3A_214 = tpu.memref_slice %arg13[%dma_start3A_212, %dma_start3A_213] : memref<10240x128xf32, #tpu.memory_space<vmem_shared>> -> memref<10240x128xf32, #tpu.memory_space<vmem_shared>>
    %dma_start3A_215 = tpu.memref_slice %arg16[%dma_start3A_208] : memref<4x!tpu.dma_semaphore, #tpu.memory_space<semaphore_mem>> -> memref<1x!tpu.dma_semaphore, #tpu.memory_space<semaphore_mem>>
    %dma_start3A_216 = tpu.memref_squeeze %dma_start3A_215 : memref<1x!tpu.dma_semaphore, #tpu.memory_space<semaphore_mem>> -> memref<!tpu.dma_semaphore, #tpu.memory_space<semaphore_mem>>
    tpu.enqueue_indirect_dma source(%arg9 : memref<80x128xf32, #tpu.memory_space<vmem>>) target(%dma_start3A_214 : memref<10240x128xf32, #tpu.memory_space<vmem_shared>>) offsets(%dma_start3A_211 : memref<80xi32, #tpu.memory_space<vmem>>) semaphore(%dma_start3A_216 : memref<!tpu.dma_semaphore, #tpu.memory_space<semaphore_mem>>) {add = true}
    %dma_wait3A_217 = arith.constant 1 : i32
    %dma_wait3A_218 = arith.constant 0 : i32
    %dma_wait3A_219 = arith.constant 0 : i32
    %dma_wait3A_220 = arith.constant 0 : i32
    %dma_wait3A_221 = tpu.memref_slice %arg5[%dma_wait3A_217, %dma_wait3A_218, %dma_wait3A_220] : memref<2x1x80xi32, #tpu.memory_space<vmem>> -> memref<1x1x80xi32, #tpu.memory_space<vmem>>
    %dma_wait3A_222 = tpu.memref_squeeze %dma_wait3A_221 : memref<1x1x80xi32, #tpu.memory_space<vmem>> -> memref<80xi32, #tpu.memory_space<vmem>>
    %dma_wait3A_223 = arith.constant 0 : i32
    %dma_wait3A_224 = arith.constant 0 : i32
    %dma_wait3A_225 = tpu.memref_slice %arg13[%dma_wait3A_223, %dma_wait3A_224] : memref<10240x128xf32, #tpu.memory_space<vmem_shared>> -> memref<10240x128xf32, #tpu.memory_space<vmem_shared>>
    %dma_wait3A_226 = tpu.memref_slice %arg16[%dma_wait3A_219] : memref<4x!tpu.dma_semaphore, #tpu.memory_space<semaphore_mem>> -> memref<1x!tpu.dma_semaphore, #tpu.memory_space<semaphore_mem>>
    %dma_wait3A_227 = tpu.memref_squeeze %dma_wait3A_226 : memref<1x!tpu.dma_semaphore, #tpu.memory_space<semaphore_mem>> -> memref<!tpu.dma_semaphore, #tpu.memory_space<semaphore_mem>>
    tpu.wait_indirect_dma semaphore(%dma_wait3A_227 : memref<!tpu.dma_semaphore, #tpu.memory_space<semaphore_mem>>) src(%arg9 : memref<80x128xf32, #tpu.memory_space<vmem>>) dst(%dma_wait3A_225 : memref<10240x128xf32, #tpu.memory_space<vmem_shared>>)
    %barrier3A_228 = arith.constant 0 : index
    tpu.barrier barrier_id(%barrier3A_228)
    %add3A_229 = arith.addi %mul3A_2, %mul3A_0 : i32
    "tpu.region"() ({
      %run_scoped3A = tpu.sem_alloc : memref<!tpu.dma_semaphore, #tpu.memory_space<semaphore_mem>>
      %dma_start3A_230 = arith.constant 0 : i32
      %dma_start3A_231 = tpu.memref_slice %arg4[%add3A_229, %dma_start3A_230] : memref<20480x128xf32, #tpu.memory_space<hbm>> -> memref<640x128xf32, #tpu.memory_space<hbm>>
      %dma_start3A_232 = arith.constant 0 : i32
      %dma_start3A_233 = tpu.memref_slice %arg13[%mul3A_0, %dma_start3A_232] : memref<10240x128xf32, #tpu.memory_space<vmem_shared>> -> memref<640x128xf32, #tpu.memory_space<vmem_shared>>
      tpu.enqueue_dma source(%dma_start3A_233 : memref<640x128xf32, #tpu.memory_space<vmem_shared>>) target(%dma_start3A_231 : memref<640x128xf32, #tpu.memory_space<hbm>>) target_semaphore(%run_scoped3A : memref<!tpu.dma_semaphore, #tpu.memory_space<semaphore_mem>>)
      %dma_wait3A_234 = arith.constant 0 : i32
      %dma_wait3A_235 = tpu.memref_slice %arg4[%add3A_229, %dma_wait3A_234] : memref<20480x128xf32, #tpu.memory_space<hbm>> -> memref<640x128xf32, #tpu.memory_space<hbm>>
      %dma_wait3A_236 = arith.constant 0 : i32
      %dma_wait3A_237 = tpu.memref_slice %arg13[%mul3A_0, %dma_wait3A_236] : memref<10240x128xf32, #tpu.memory_space<vmem_shared>> -> memref<640x128xf32, #tpu.memory_space<vmem_shared>>
      tpu.wait_dma2 semaphore(%run_scoped3A : memref<!tpu.dma_semaphore, #tpu.memory_space<semaphore_mem>>) src(%dma_wait3A_237 : memref<640x128xf32, #tpu.memory_space<vmem_shared>>) dst(%dma_wait3A_235 : memref<640x128xf32, #tpu.memory_space<hbm>>)
      tpu.yield
    }) : () -> ()
    return
  }
}

#map = affine_map<(d0, d1) -> (0, 0)>
#map1 = affine_map<(d0, d1) -> (0, 0, 0, 0)>
module attributes {stable_mosaic.version = 14 : i64} {
  func.func @_agg_body(%arg0: i32, %arg1: i32, %arg2: memref<20480x128xf32, #tpu.memory_space<hbm>>, %arg3: memref<2x2000x1x80xi32, #tpu.memory_space<hbm>>, %arg4: memref<20480x128xf32, #tpu.memory_space<hbm>>, %arg5: memref<2x1x80xi32, #tpu.memory_space<vmem>>, %arg6: memref<2x1x80xi32, #tpu.memory_space<vmem>>, %arg7: memref<2x1x80xi32, #tpu.memory_space<vmem>>, %arg8: memref<2x1x80xi32, #tpu.memory_space<vmem>>, %arg9: memref<80x128xf32, #tpu.memory_space<vmem>>, %arg10: memref<80x128xf32, #tpu.memory_space<vmem>>, %arg11: memref<80x128xf32, #tpu.memory_space<vmem>>, %arg12: memref<80x128xf32, #tpu.memory_space<vmem>>, %arg13: memref<10240x128xf32, #tpu.memory_space<vmem_shared>>, %arg14: memref<4x!tpu.dma_semaphore, #tpu.memory_space<semaphore_mem>>, %arg15: memref<4x!tpu.dma_semaphore, #tpu.memory_space<semaphore_mem>>, %arg16: memref<4x!tpu.dma_semaphore, #tpu.memory_space<semaphore_mem>>) attributes {dimension_semantics = [#tpu.dimension_semantics<core_parallel>, #tpu.dimension_semantics<subcore_parallel>], iteration_bounds = array<i64: 2, 16>, scalar_prefetch = 0 : i64, scratch_operands = 12 : i64, tpu.core_type = #tpu.core_type<sc_vector_subcore>, window_params = [{transform_indices = #map}, {transform_indices = #map1}, {transform_indices = #map}]} {
    %mul3A = arith.constant 640 : i32
    %mul3A_0 = arith.muli %arg1, %mul3A : i32
    %mul3A_1 = arith.constant 10240 : i32
    %mul3A_2 = arith.muli %arg0, %mul3A_1 : i32
    %mul3A_3 = arith.constant 125 : i32
    %mul3A_4 = arith.muli %arg1, %mul3A_3 : i32
    %add3A = arith.addi %mul3A_2, %mul3A_0 : i32
    %dma_start3A = arith.constant 0 : i32
    %dma_start3A_5 = tpu.memref_slice %arg15[%dma_start3A] : memref<4x!tpu.dma_semaphore, #tpu.memory_space<semaphore_mem>> -> memref<1x!tpu.dma_semaphore, #tpu.memory_space<semaphore_mem>>
    %dma_start3A_6 = tpu.memref_squeeze %dma_start3A_5 : memref<1x!tpu.dma_semaphore, #tpu.memory_space<semaphore_mem>> -> memref<!tpu.dma_semaphore, #tpu.memory_space<semaphore_mem>>
    %dma_start3A_7 = arith.constant 0 : i32
    %dma_start3A_8 = tpu.memref_slice %arg13[%mul3A_0, %dma_start3A_7] : memref<10240x128xf32, #tpu.memory_space<vmem_shared>> -> memref<640x128xf32, #tpu.memory_space<vmem_shared>>
    %dma_start3A_9 = arith.constant 0 : i32
    %dma_start3A_10 = tpu.memref_slice %arg2[%add3A, %dma_start3A_9] : memref<20480x128xf32, #tpu.memory_space<hbm>> -> memref<640x128xf32, #tpu.memory_space<hbm>>
    tpu.enqueue_dma source(%dma_start3A_10 : memref<640x128xf32, #tpu.memory_space<hbm>>) target(%dma_start3A_8 : memref<640x128xf32, #tpu.memory_space<vmem_shared>>) target_semaphore(%dma_start3A_6 : memref<!tpu.dma_semaphore, #tpu.memory_space<semaphore_mem>>)
    %add3A_11 = arith.constant 0 : i32
    %add3A_12 = arith.addi %mul3A_4, %add3A_11 : i32
    %dma_start3A_13 = arith.constant 0 : i32
    %dma_start3A_14 = arith.constant 0 : i32
    %dma_start3A_15 = arith.constant 0 : i32
    %dma_start3A_16 = arith.constant 0 : i32
    %dma_start3A_17 = tpu.memref_slice %arg3[%dma_start3A_14, %add3A_12, %dma_start3A_15, %dma_start3A_16] : memref<2x2000x1x80xi32, #tpu.memory_space<hbm>> -> memref<2x1x1x80xi32, #tpu.memory_space<hbm>>
    %dma_start3A_18 = tpu.memref_squeeze %dma_start3A_17 : memref<2x1x1x80xi32, #tpu.memory_space<hbm>> -> memref<2x1x80xi32, #tpu.memory_space<hbm>>
    %dma_start3A_19 = tpu.memref_slice %arg14[%dma_start3A_13] : memref<4x!tpu.dma_semaphore, #tpu.memory_space<semaphore_mem>> -> memref<1x!tpu.dma_semaphore, #tpu.memory_space<semaphore_mem>>
    %dma_start3A_20 = tpu.memref_squeeze %dma_start3A_19 : memref<1x!tpu.dma_semaphore, #tpu.memory_space<semaphore_mem>> -> memref<!tpu.dma_semaphore, #tpu.memory_space<semaphore_mem>>
    %dma_start3A_21 = arith.constant 0 : i32
    %dma_start3A_22 = arith.constant 0 : i32
    %dma_start3A_23 = arith.constant 0 : i32
    %dma_start3A_24 = tpu.memref_slice %arg3[%dma_start3A_21, %add3A_12, %dma_start3A_22, %dma_start3A_23] : memref<2x2000x1x80xi32, #tpu.memory_space<hbm>> -> memref<2x1x1x80xi32, #tpu.memory_space<hbm>>
    %dma_start3A_25 = tpu.memref_squeeze %dma_start3A_24 : memref<2x1x1x80xi32, #tpu.memory_space<hbm>> -> memref<2x1x80xi32, #tpu.memory_space<hbm>>
    tpu.enqueue_dma source(%dma_start3A_25 : memref<2x1x80xi32, #tpu.memory_space<hbm>>) target(%arg5 : memref<2x1x80xi32, #tpu.memory_space<vmem>>) target_semaphore(%dma_start3A_20 : memref<!tpu.dma_semaphore, #tpu.memory_space<semaphore_mem>>)
    %add3A_26 = arith.constant 1 : i32
    %add3A_27 = arith.addi %mul3A_4, %add3A_26 : i32
    %dma_start3A_28 = arith.constant 1 : i32
    %dma_start3A_29 = arith.constant 0 : i32
    %dma_start3A_30 = arith.constant 0 : i32
    %dma_start3A_31 = arith.constant 0 : i32
    %dma_start3A_32 = tpu.memref_slice %arg3[%dma_start3A_29, %add3A_27, %dma_start3A_30, %dma_start3A_31] : memref<2x2000x1x80xi32, #tpu.memory_space<hbm>> -> memref<2x1x1x80xi32, #tpu.memory_space<hbm>>
    %dma_start3A_33 = tpu.memref_squeeze %dma_start3A_32 : memref<2x1x1x80xi32, #tpu.memory_space<hbm>> -> memref<2x1x80xi32, #tpu.memory_space<hbm>>
    %dma_start3A_34 = tpu.memref_slice %arg14[%dma_start3A_28] : memref<4x!tpu.dma_semaphore, #tpu.memory_space<semaphore_mem>> -> memref<1x!tpu.dma_semaphore, #tpu.memory_space<semaphore_mem>>
    %dma_start3A_35 = tpu.memref_squeeze %dma_start3A_34 : memref<1x!tpu.dma_semaphore, #tpu.memory_space<semaphore_mem>> -> memref<!tpu.dma_semaphore, #tpu.memory_space<semaphore_mem>>
    %dma_start3A_36 = arith.constant 0 : i32
    %dma_start3A_37 = arith.constant 0 : i32
    %dma_start3A_38 = arith.constant 0 : i32
    %dma_start3A_39 = tpu.memref_slice %arg3[%dma_start3A_36, %add3A_27, %dma_start3A_37, %dma_start3A_38] : memref<2x2000x1x80xi32, #tpu.memory_space<hbm>> -> memref<2x1x1x80xi32, #tpu.memory_space<hbm>>
    %dma_start3A_40 = tpu.memref_squeeze %dma_start3A_39 : memref<2x1x1x80xi32, #tpu.memory_space<hbm>> -> memref<2x1x80xi32, #tpu.memory_space<hbm>>
    tpu.enqueue_dma source(%dma_start3A_40 : memref<2x1x80xi32, #tpu.memory_space<hbm>>) target(%arg6 : memref<2x1x80xi32, #tpu.memory_space<vmem>>) target_semaphore(%dma_start3A_35 : memref<!tpu.dma_semaphore, #tpu.memory_space<semaphore_mem>>)
    %add3A_41 = arith.constant 2 : i32
    %add3A_42 = arith.addi %mul3A_4, %add3A_41 : i32
    %dma_start3A_43 = arith.constant 2 : i32
    %dma_start3A_44 = arith.constant 0 : i32
    %dma_start3A_45 = arith.constant 0 : i32
    %dma_start3A_46 = arith.constant 0 : i32
    %dma_start3A_47 = tpu.memref_slice %arg3[%dma_start3A_44, %add3A_42, %dma_start3A_45, %dma_start3A_46] : memref<2x2000x1x80xi32, #tpu.memory_space<hbm>> -> memref<2x1x1x80xi32, #tpu.memory_space<hbm>>
    %dma_start3A_48 = tpu.memref_squeeze %dma_start3A_47 : memref<2x1x1x80xi32, #tpu.memory_space<hbm>> -> memref<2x1x80xi32, #tpu.memory_space<hbm>>
    %dma_start3A_49 = tpu.memref_slice %arg14[%dma_start3A_43] : memref<4x!tpu.dma_semaphore, #tpu.memory_space<semaphore_mem>> -> memref<1x!tpu.dma_semaphore, #tpu.memory_space<semaphore_mem>>
    %dma_start3A_50 = tpu.memref_squeeze %dma_start3A_49 : memref<1x!tpu.dma_semaphore, #tpu.memory_space<semaphore_mem>> -> memref<!tpu.dma_semaphore, #tpu.memory_space<semaphore_mem>>
    %dma_start3A_51 = arith.constant 0 : i32
    %dma_start3A_52 = arith.constant 0 : i32
    %dma_start3A_53 = arith.constant 0 : i32
    %dma_start3A_54 = tpu.memref_slice %arg3[%dma_start3A_51, %add3A_42, %dma_start3A_52, %dma_start3A_53] : memref<2x2000x1x80xi32, #tpu.memory_space<hbm>> -> memref<2x1x1x80xi32, #tpu.memory_space<hbm>>
    %dma_start3A_55 = tpu.memref_squeeze %dma_start3A_54 : memref<2x1x1x80xi32, #tpu.memory_space<hbm>> -> memref<2x1x80xi32, #tpu.memory_space<hbm>>
    tpu.enqueue_dma source(%dma_start3A_55 : memref<2x1x80xi32, #tpu.memory_space<hbm>>) target(%arg7 : memref<2x1x80xi32, #tpu.memory_space<vmem>>) target_semaphore(%dma_start3A_50 : memref<!tpu.dma_semaphore, #tpu.memory_space<semaphore_mem>>)
    %add3A_56 = arith.constant 3 : i32
    %add3A_57 = arith.addi %mul3A_4, %add3A_56 : i32
    %dma_start3A_58 = arith.constant 3 : i32
    %dma_start3A_59 = arith.constant 0 : i32
    %dma_start3A_60 = arith.constant 0 : i32
    %dma_start3A_61 = arith.constant 0 : i32
    %dma_start3A_62 = tpu.memref_slice %arg3[%dma_start3A_59, %add3A_57, %dma_start3A_60, %dma_start3A_61] : memref<2x2000x1x80xi32, #tpu.memory_space<hbm>> -> memref<2x1x1x80xi32, #tpu.memory_space<hbm>>
    %dma_start3A_63 = tpu.memref_squeeze %dma_start3A_62 : memref<2x1x1x80xi32, #tpu.memory_space<hbm>> -> memref<2x1x80xi32, #tpu.memory_space<hbm>>
    %dma_start3A_64 = tpu.memref_slice %arg14[%dma_start3A_58] : memref<4x!tpu.dma_semaphore, #tpu.memory_space<semaphore_mem>> -> memref<1x!tpu.dma_semaphore, #tpu.memory_space<semaphore_mem>>
    %dma_start3A_65 = tpu.memref_squeeze %dma_start3A_64 : memref<1x!tpu.dma_semaphore, #tpu.memory_space<semaphore_mem>> -> memref<!tpu.dma_semaphore, #tpu.memory_space<semaphore_mem>>
    %dma_start3A_66 = arith.constant 0 : i32
    %dma_start3A_67 = arith.constant 0 : i32
    %dma_start3A_68 = arith.constant 0 : i32
    %dma_start3A_69 = tpu.memref_slice %arg3[%dma_start3A_66, %add3A_57, %dma_start3A_67, %dma_start3A_68] : memref<2x2000x1x80xi32, #tpu.memory_space<hbm>> -> memref<2x1x1x80xi32, #tpu.memory_space<hbm>>
    %dma_start3A_70 = tpu.memref_squeeze %dma_start3A_69 : memref<2x1x1x80xi32, #tpu.memory_space<hbm>> -> memref<2x1x80xi32, #tpu.memory_space<hbm>>
    tpu.enqueue_dma source(%dma_start3A_70 : memref<2x1x80xi32, #tpu.memory_space<hbm>>) target(%arg8 : memref<2x1x80xi32, #tpu.memory_space<vmem>>) target_semaphore(%dma_start3A_65 : memref<!tpu.dma_semaphore, #tpu.memory_space<semaphore_mem>>)
    %dma_wait3A = arith.constant 0 : i32
    %dma_wait3A_71 = tpu.memref_slice %arg15[%dma_wait3A] : memref<4x!tpu.dma_semaphore, #tpu.memory_space<semaphore_mem>> -> memref<1x!tpu.dma_semaphore, #tpu.memory_space<semaphore_mem>>
    %dma_wait3A_72 = tpu.memref_squeeze %dma_wait3A_71 : memref<1x!tpu.dma_semaphore, #tpu.memory_space<semaphore_mem>> -> memref<!tpu.dma_semaphore, #tpu.memory_space<semaphore_mem>>
    %dma_wait3A_73 = arith.constant 0 : i32
    %dma_wait3A_74 = tpu.memref_slice %arg13[%mul3A_0, %dma_wait3A_73] : memref<10240x128xf32, #tpu.memory_space<vmem_shared>> -> memref<640x128xf32, #tpu.memory_space<vmem_shared>>
    %dma_wait3A_75 = arith.constant 0 : i32
    %dma_wait3A_76 = tpu.memref_slice %arg2[%add3A, %dma_wait3A_75] : memref<20480x128xf32, #tpu.memory_space<hbm>> -> memref<640x128xf32, #tpu.memory_space<hbm>>
    tpu.wait_dma2 semaphore(%dma_wait3A_72 : memref<!tpu.dma_semaphore, #tpu.memory_space<semaphore_mem>>) src(%dma_wait3A_76 : memref<640x128xf32, #tpu.memory_space<hbm>>) dst(%dma_wait3A_74 : memref<640x128xf32, #tpu.memory_space<vmem_shared>>)
    %barrier3A = arith.constant 0 : index
    tpu.barrier barrier_id(%barrier3A)
    %add3A_77 = arith.constant 0 : i32
    %add3A_78 = arith.addi %mul3A_4, %add3A_77 : i32
    %dma_wait3A_79 = arith.constant 0 : i32
    %dma_wait3A_80 = arith.constant 0 : i32
    %dma_wait3A_81 = arith.constant 0 : i32
    %dma_wait3A_82 = arith.constant 0 : i32
    %dma_wait3A_83 = tpu.memref_slice %arg3[%dma_wait3A_80, %add3A_78, %dma_wait3A_81, %dma_wait3A_82] : memref<2x2000x1x80xi32, #tpu.memory_space<hbm>> -> memref<2x1x1x80xi32, #tpu.memory_space<hbm>>
    %dma_wait3A_84 = tpu.memref_squeeze %dma_wait3A_83 : memref<2x1x1x80xi32, #tpu.memory_space<hbm>> -> memref<2x1x80xi32, #tpu.memory_space<hbm>>
    %dma_wait3A_85 = tpu.memref_slice %arg14[%dma_wait3A_79] : memref<4x!tpu.dma_semaphore, #tpu.memory_space<semaphore_mem>> -> memref<1x!tpu.dma_semaphore, #tpu.memory_space<semaphore_mem>>
    %dma_wait3A_86 = tpu.memref_squeeze %dma_wait3A_85 : memref<1x!tpu.dma_semaphore, #tpu.memory_space<semaphore_mem>> -> memref<!tpu.dma_semaphore, #tpu.memory_space<semaphore_mem>>
    %dma_wait3A_87 = arith.constant 0 : i32
    %dma_wait3A_88 = arith.constant 0 : i32
    %dma_wait3A_89 = arith.constant 0 : i32
    %dma_wait3A_90 = tpu.memref_slice %arg3[%dma_wait3A_87, %add3A_78, %dma_wait3A_88, %dma_wait3A_89] : memref<2x2000x1x80xi32, #tpu.memory_space<hbm>> -> memref<2x1x1x80xi32, #tpu.memory_space<hbm>>
    %dma_wait3A_91 = tpu.memref_squeeze %dma_wait3A_90 : memref<2x1x1x80xi32, #tpu.memory_space<hbm>> -> memref<2x1x80xi32, #tpu.memory_space<hbm>>
    tpu.wait_dma2 semaphore(%dma_wait3A_86 : memref<!tpu.dma_semaphore, #tpu.memory_space<semaphore_mem>>) src(%dma_wait3A_91 : memref<2x1x80xi32, #tpu.memory_space<hbm>>) dst(%arg5 : memref<2x1x80xi32, #tpu.memory_space<vmem>>)
    %dma_start3A_92 = arith.constant 0 : i32
    %dma_start3A_93 = arith.constant 0 : i32
    %dma_start3A_94 = arith.constant 0 : i32
    %dma_start3A_95 = arith.constant 0 : i32
    %dma_start3A_96 = tpu.memref_slice %arg5[%dma_start3A_92, %dma_start3A_93, %dma_start3A_95] : memref<2x1x80xi32, #tpu.memory_space<vmem>> -> memref<1x1x80xi32, #tpu.memory_space<vmem>>
    %dma_start3A_97 = tpu.memref_squeeze %dma_start3A_96 : memref<1x1x80xi32, #tpu.memory_space<vmem>> -> memref<80xi32, #tpu.memory_space<vmem>>
    %dma_start3A_98 = arith.constant 0 : i32
    %dma_start3A_99 = tpu.memref_slice %arg2[%mul3A_2, %dma_start3A_98] : memref<20480x128xf32, #tpu.memory_space<hbm>> -> memref<10240x128xf32, #tpu.memory_space<hbm>>
    %dma_start3A_100 = arith.constant 0 : i32
    %dma_start3A_101 = arith.constant 0 : i32
    %dma_start3A_102 = tpu.memref_slice %dma_start3A_99[%dma_start3A_100, %dma_start3A_101] : memref<10240x128xf32, #tpu.memory_space<hbm>> -> memref<10240x128xf32, #tpu.memory_space<hbm>>
    %dma_start3A_103 = tpu.memref_slice %arg15[%dma_start3A_94] : memref<4x!tpu.dma_semaphore, #tpu.memory_space<semaphore_mem>> -> memref<1x!tpu.dma_semaphore, #tpu.memory_space<semaphore_mem>>
    %dma_start3A_104 = tpu.memref_squeeze %dma_start3A_103 : memref<1x!tpu.dma_semaphore, #tpu.memory_space<semaphore_mem>> -> memref<!tpu.dma_semaphore, #tpu.memory_space<semaphore_mem>>
    tpu.enqueue_indirect_dma source(%dma_start3A_102 : memref<10240x128xf32, #tpu.memory_space<hbm>>) target(%arg9 : memref<80x128xf32, #tpu.memory_space<vmem>>) offsets(%dma_start3A_97 : memref<80xi32, #tpu.memory_space<vmem>>) semaphore(%dma_start3A_104 : memref<!tpu.dma_semaphore, #tpu.memory_space<semaphore_mem>>)
    %add3A_105 = arith.constant 1 : i32
    %add3A_106 = arith.addi %mul3A_4, %add3A_105 : i32
    %dma_wait3A_107 = arith.constant 1 : i32
    %dma_wait3A_108 = arith.constant 0 : i32
    %dma_wait3A_109 = arith.constant 0 : i32
    %dma_wait3A_110 = arith.constant 0 : i32
    %dma_wait3A_111 = tpu.memref_slice %arg3[%dma_wait3A_108, %add3A_106, %dma_wait3A_109, %dma_wait3A_110] : memref<2x2000x1x80xi32, #tpu.memory_space<hbm>> -> memref<2x1x1x80xi32, #tpu.memory_space<hbm>>
    %dma_wait3A_112 = tpu.memref_squeeze %dma_wait3A_111 : memref<2x1x1x80xi32, #tpu.memory_space<hbm>> -> memref<2x1x80xi32, #tpu.memory_space<hbm>>
    %dma_wait3A_113 = tpu.memref_slice %arg14[%dma_wait3A_107] : memref<4x!tpu.dma_semaphore, #tpu.memory_space<semaphore_mem>> -> memref<1x!tpu.dma_semaphore, #tpu.memory_space<semaphore_mem>>
    %dma_wait3A_114 = tpu.memref_squeeze %dma_wait3A_113 : memref<1x!tpu.dma_semaphore, #tpu.memory_space<semaphore_mem>> -> memref<!tpu.dma_semaphore, #tpu.memory_space<semaphore_mem>>
    %dma_wait3A_115 = arith.constant 0 : i32
    %dma_wait3A_116 = arith.constant 0 : i32
    %dma_wait3A_117 = arith.constant 0 : i32
    %dma_wait3A_118 = tpu.memref_slice %arg3[%dma_wait3A_115, %add3A_106, %dma_wait3A_116, %dma_wait3A_117] : memref<2x2000x1x80xi32, #tpu.memory_space<hbm>> -> memref<2x1x1x80xi32, #tpu.memory_space<hbm>>
    %dma_wait3A_119 = tpu.memref_squeeze %dma_wait3A_118 : memref<2x1x1x80xi32, #tpu.memory_space<hbm>> -> memref<2x1x80xi32, #tpu.memory_space<hbm>>
    tpu.wait_dma2 semaphore(%dma_wait3A_114 : memref<!tpu.dma_semaphore, #tpu.memory_space<semaphore_mem>>) src(%dma_wait3A_119 : memref<2x1x80xi32, #tpu.memory_space<hbm>>) dst(%arg6 : memref<2x1x80xi32, #tpu.memory_space<vmem>>)
    %dma_start3A_120 = arith.constant 0 : i32
    %dma_start3A_121 = arith.constant 0 : i32
    %dma_start3A_122 = arith.constant 1 : i32
    %dma_start3A_123 = arith.constant 0 : i32
    %dma_start3A_124 = tpu.memref_slice %arg6[%dma_start3A_120, %dma_start3A_121, %dma_start3A_123] : memref<2x1x80xi32, #tpu.memory_space<vmem>> -> memref<1x1x80xi32, #tpu.memory_space<vmem>>
    %dma_start3A_125 = tpu.memref_squeeze %dma_start3A_124 : memref<1x1x80xi32, #tpu.memory_space<vmem>> -> memref<80xi32, #tpu.memory_space<vmem>>
    %dma_start3A_126 = arith.constant 0 : i32
    %dma_start3A_127 = tpu.memref_slice %arg2[%mul3A_2, %dma_start3A_126] : memref<20480x128xf32, #tpu.memory_space<hbm>> -> memref<10240x128xf32, #tpu.memory_space<hbm>>
    %dma_start3A_128 = arith.constant 0 : i32
    %dma_start3A_129 = arith.constant 0 : i32
    %dma_start3A_130 = tpu.memref_slice %dma_start3A_127[%dma_start3A_128, %dma_start3A_129] : memref<10240x128xf32, #tpu.memory_space<hbm>> -> memref<10240x128xf32, #tpu.memory_space<hbm>>
    %dma_start3A_131 = tpu.memref_slice %arg15[%dma_start3A_122] : memref<4x!tpu.dma_semaphore, #tpu.memory_space<semaphore_mem>> -> memref<1x!tpu.dma_semaphore, #tpu.memory_space<semaphore_mem>>
    %dma_start3A_132 = tpu.memref_squeeze %dma_start3A_131 : memref<1x!tpu.dma_semaphore, #tpu.memory_space<semaphore_mem>> -> memref<!tpu.dma_semaphore, #tpu.memory_space<semaphore_mem>>
    tpu.enqueue_indirect_dma source(%dma_start3A_130 : memref<10240x128xf32, #tpu.memory_space<hbm>>) target(%arg10 : memref<80x128xf32, #tpu.memory_space<vmem>>) offsets(%dma_start3A_125 : memref<80xi32, #tpu.memory_space<vmem>>) semaphore(%dma_start3A_132 : memref<!tpu.dma_semaphore, #tpu.memory_space<semaphore_mem>>)
    %add3A_133 = arith.constant 2 : i32
    %add3A_134 = arith.addi %mul3A_4, %add3A_133 : i32
    %dma_wait3A_135 = arith.constant 2 : i32
    %dma_wait3A_136 = arith.constant 0 : i32
    %dma_wait3A_137 = arith.constant 0 : i32
    %dma_wait3A_138 = arith.constant 0 : i32
    %dma_wait3A_139 = tpu.memref_slice %arg3[%dma_wait3A_136, %add3A_134, %dma_wait3A_137, %dma_wait3A_138] : memref<2x2000x1x80xi32, #tpu.memory_space<hbm>> -> memref<2x1x1x80xi32, #tpu.memory_space<hbm>>
    %dma_wait3A_140 = tpu.memref_squeeze %dma_wait3A_139 : memref<2x1x1x80xi32, #tpu.memory_space<hbm>> -> memref<2x1x80xi32, #tpu.memory_space<hbm>>
    %dma_wait3A_141 = tpu.memref_slice %arg14[%dma_wait3A_135] : memref<4x!tpu.dma_semaphore, #tpu.memory_space<semaphore_mem>> -> memref<1x!tpu.dma_semaphore, #tpu.memory_space<semaphore_mem>>
    %dma_wait3A_142 = tpu.memref_squeeze %dma_wait3A_141 : memref<1x!tpu.dma_semaphore, #tpu.memory_space<semaphore_mem>> -> memref<!tpu.dma_semaphore, #tpu.memory_space<semaphore_mem>>
    %dma_wait3A_143 = arith.constant 0 : i32
    %dma_wait3A_144 = arith.constant 0 : i32
    %dma_wait3A_145 = arith.constant 0 : i32
    %dma_wait3A_146 = tpu.memref_slice %arg3[%dma_wait3A_143, %add3A_134, %dma_wait3A_144, %dma_wait3A_145] : memref<2x2000x1x80xi32, #tpu.memory_space<hbm>> -> memref<2x1x1x80xi32, #tpu.memory_space<hbm>>
    %dma_wait3A_147 = tpu.memref_squeeze %dma_wait3A_146 : memref<2x1x1x80xi32, #tpu.memory_space<hbm>> -> memref<2x1x80xi32, #tpu.memory_space<hbm>>
    tpu.wait_dma2 semaphore(%dma_wait3A_142 : memref<!tpu.dma_semaphore, #tpu.memory_space<semaphore_mem>>) src(%dma_wait3A_147 : memref<2x1x80xi32, #tpu.memory_space<hbm>>) dst(%arg7 : memref<2x1x80xi32, #tpu.memory_space<vmem>>)
    %dma_start3A_148 = arith.constant 0 : i32
    %dma_start3A_149 = arith.constant 0 : i32
    %dma_start3A_150 = arith.constant 2 : i32
    %dma_start3A_151 = arith.constant 0 : i32
    %dma_start3A_152 = tpu.memref_slice %arg7[%dma_start3A_148, %dma_start3A_149, %dma_start3A_151] : memref<2x1x80xi32, #tpu.memory_space<vmem>> -> memref<1x1x80xi32, #tpu.memory_space<vmem>>
    %dma_start3A_153 = tpu.memref_squeeze %dma_start3A_152 : memref<1x1x80xi32, #tpu.memory_space<vmem>> -> memref<80xi32, #tpu.memory_space<vmem>>
    %dma_start3A_154 = arith.constant 0 : i32
    %dma_start3A_155 = tpu.memref_slice %arg2[%mul3A_2, %dma_start3A_154] : memref<20480x128xf32, #tpu.memory_space<hbm>> -> memref<10240x128xf32, #tpu.memory_space<hbm>>
    %dma_start3A_156 = arith.constant 0 : i32
    %dma_start3A_157 = arith.constant 0 : i32
    %dma_start3A_158 = tpu.memref_slice %dma_start3A_155[%dma_start3A_156, %dma_start3A_157] : memref<10240x128xf32, #tpu.memory_space<hbm>> -> memref<10240x128xf32, #tpu.memory_space<hbm>>
    %dma_start3A_159 = tpu.memref_slice %arg15[%dma_start3A_150] : memref<4x!tpu.dma_semaphore, #tpu.memory_space<semaphore_mem>> -> memref<1x!tpu.dma_semaphore, #tpu.memory_space<semaphore_mem>>
    %dma_start3A_160 = tpu.memref_squeeze %dma_start3A_159 : memref<1x!tpu.dma_semaphore, #tpu.memory_space<semaphore_mem>> -> memref<!tpu.dma_semaphore, #tpu.memory_space<semaphore_mem>>
    tpu.enqueue_indirect_dma source(%dma_start3A_158 : memref<10240x128xf32, #tpu.memory_space<hbm>>) target(%arg11 : memref<80x128xf32, #tpu.memory_space<vmem>>) offsets(%dma_start3A_153 : memref<80xi32, #tpu.memory_space<vmem>>) semaphore(%dma_start3A_160 : memref<!tpu.dma_semaphore, #tpu.memory_space<semaphore_mem>>)
    %add3A_161 = arith.constant 3 : i32
    %add3A_162 = arith.addi %mul3A_4, %add3A_161 : i32
    %dma_wait3A_163 = arith.constant 3 : i32
    %dma_wait3A_164 = arith.constant 0 : i32
    %dma_wait3A_165 = arith.constant 0 : i32
    %dma_wait3A_166 = arith.constant 0 : i32
    %dma_wait3A_167 = tpu.memref_slice %arg3[%dma_wait3A_164, %add3A_162, %dma_wait3A_165, %dma_wait3A_166] : memref<2x2000x1x80xi32, #tpu.memory_space<hbm>> -> memref<2x1x1x80xi32, #tpu.memory_space<hbm>>
    %dma_wait3A_168 = tpu.memref_squeeze %dma_wait3A_167 : memref<2x1x1x80xi32, #tpu.memory_space<hbm>> -> memref<2x1x80xi32, #tpu.memory_space<hbm>>
    %dma_wait3A_169 = tpu.memref_slice %arg14[%dma_wait3A_163] : memref<4x!tpu.dma_semaphore, #tpu.memory_space<semaphore_mem>> -> memref<1x!tpu.dma_semaphore, #tpu.memory_space<semaphore_mem>>
    %dma_wait3A_170 = tpu.memref_squeeze %dma_wait3A_169 : memref<1x!tpu.dma_semaphore, #tpu.memory_space<semaphore_mem>> -> memref<!tpu.dma_semaphore, #tpu.memory_space<semaphore_mem>>
    %dma_wait3A_171 = arith.constant 0 : i32
    %dma_wait3A_172 = arith.constant 0 : i32
    %dma_wait3A_173 = arith.constant 0 : i32
    %dma_wait3A_174 = tpu.memref_slice %arg3[%dma_wait3A_171, %add3A_162, %dma_wait3A_172, %dma_wait3A_173] : memref<2x2000x1x80xi32, #tpu.memory_space<hbm>> -> memref<2x1x1x80xi32, #tpu.memory_space<hbm>>
    %dma_wait3A_175 = tpu.memref_squeeze %dma_wait3A_174 : memref<2x1x1x80xi32, #tpu.memory_space<hbm>> -> memref<2x1x80xi32, #tpu.memory_space<hbm>>
    tpu.wait_dma2 semaphore(%dma_wait3A_170 : memref<!tpu.dma_semaphore, #tpu.memory_space<semaphore_mem>>) src(%dma_wait3A_175 : memref<2x1x80xi32, #tpu.memory_space<hbm>>) dst(%arg8 : memref<2x1x80xi32, #tpu.memory_space<vmem>>)
    %dma_start3A_176 = arith.constant 0 : i32
    %dma_start3A_177 = arith.constant 0 : i32
    %dma_start3A_178 = arith.constant 3 : i32
    %dma_start3A_179 = arith.constant 0 : i32
    %dma_start3A_180 = tpu.memref_slice %arg8[%dma_start3A_176, %dma_start3A_177, %dma_start3A_179] : memref<2x1x80xi32, #tpu.memory_space<vmem>> -> memref<1x1x80xi32, #tpu.memory_space<vmem>>
    %dma_start3A_181 = tpu.memref_squeeze %dma_start3A_180 : memref<1x1x80xi32, #tpu.memory_space<vmem>> -> memref<80xi32, #tpu.memory_space<vmem>>
    %dma_start3A_182 = arith.constant 0 : i32
    %dma_start3A_183 = tpu.memref_slice %arg2[%mul3A_2, %dma_start3A_182] : memref<20480x128xf32, #tpu.memory_space<hbm>> -> memref<10240x128xf32, #tpu.memory_space<hbm>>
    %dma_start3A_184 = arith.constant 0 : i32
    %dma_start3A_185 = arith.constant 0 : i32
    %dma_start3A_186 = tpu.memref_slice %dma_start3A_183[%dma_start3A_184, %dma_start3A_185] : memref<10240x128xf32, #tpu.memory_space<hbm>> -> memref<10240x128xf32, #tpu.memory_space<hbm>>
    %dma_start3A_187 = tpu.memref_slice %arg15[%dma_start3A_178] : memref<4x!tpu.dma_semaphore, #tpu.memory_space<semaphore_mem>> -> memref<1x!tpu.dma_semaphore, #tpu.memory_space<semaphore_mem>>
    %dma_start3A_188 = tpu.memref_squeeze %dma_start3A_187 : memref<1x!tpu.dma_semaphore, #tpu.memory_space<semaphore_mem>> -> memref<!tpu.dma_semaphore, #tpu.memory_space<semaphore_mem>>
    tpu.enqueue_indirect_dma source(%dma_start3A_186 : memref<10240x128xf32, #tpu.memory_space<hbm>>) target(%arg12 : memref<80x128xf32, #tpu.memory_space<vmem>>) offsets(%dma_start3A_181 : memref<80xi32, #tpu.memory_space<vmem>>) semaphore(%dma_start3A_188 : memref<!tpu.dma_semaphore, #tpu.memory_space<semaphore_mem>>)
    %scan3A = arith.constant 0 : i32
    %scan3A_189 = arith.constant 31 : i32
    %scan3A_190 = arith.addi %scan3A, %scan3A_189 : i32
    %scan3A_191 = arith.constant 1 : i32
    scf.for %scan3A_230 = %scan3A to %scan3A_190 step %scan3A_191  : i32 {
      %mul3A_231 = arith.constant 4 : i32
      %mul3A_232 = arith.muli %scan3A_230, %mul3A_231 : i32
      %add3A_233 = arith.constant 0 : i32
      %add3A_234 = arith.addi %add3A_233, %mul3A_232 : i32
      %dma_wait3A_235 = arith.constant 0 : i32
      %dma_wait3A_236 = arith.constant 0 : i32
      %dma_wait3A_237 = arith.constant 0 : i32
      %dma_wait3A_238 = arith.constant 0 : i32
      %dma_wait3A_239 = tpu.memref_slice %arg5[%dma_wait3A_235, %dma_wait3A_236, %dma_wait3A_238] : memref<2x1x80xi32, #tpu.memory_space<vmem>> -> memref<1x1x80xi32, #tpu.memory_space<vmem>>
      %dma_wait3A_240 = tpu.memref_squeeze %dma_wait3A_239 : memref<1x1x80xi32, #tpu.memory_space<vmem>> -> memref<80xi32, #tpu.memory_space<vmem>>
      %dma_wait3A_241 = arith.constant 0 : i32
      %dma_wait3A_242 = tpu.memref_slice %arg2[%mul3A_2, %dma_wait3A_241] : memref<20480x128xf32, #tpu.memory_space<hbm>> -> memref<10240x128xf32, #tpu.memory_space<hbm>>
      %dma_wait3A_243 = arith.constant 0 : i32
      %dma_wait3A_244 = arith.constant 0 : i32
      %dma_wait3A_245 = tpu.memref_slice %dma_wait3A_242[%dma_wait3A_243, %dma_wait3A_244] : memref<10240x128xf32, #tpu.memory_space<hbm>> -> memref<10240x128xf32, #tpu.memory_space<hbm>>
      %dma_wait3A_246 = tpu.memref_slice %arg15[%dma_wait3A_237] : memref<4x!tpu.dma_semaphore, #tpu.memory_space<semaphore_mem>> -> memref<1x!tpu.dma_semaphore, #tpu.memory_space<semaphore_mem>>
      %dma_wait3A_247 = tpu.memref_squeeze %dma_wait3A_246 : memref<1x!tpu.dma_semaphore, #tpu.memory_space<semaphore_mem>> -> memref<!tpu.dma_semaphore, #tpu.memory_space<semaphore_mem>>
      tpu.wait_indirect_dma semaphore(%dma_wait3A_247 : memref<!tpu.dma_semaphore, #tpu.memory_space<semaphore_mem>>) src(%dma_wait3A_245 : memref<10240x128xf32, #tpu.memory_space<hbm>>) dst(%arg9 : memref<80x128xf32, #tpu.memory_space<vmem>>)
      %dma_start3A_248 = arith.constant 1 : i32
      %dma_start3A_249 = arith.constant 0 : i32
      %dma_start3A_250 = arith.constant 0 : i32
      %dma_start3A_251 = arith.constant 0 : i32
      %dma_start3A_252 = tpu.memref_slice %arg5[%dma_start3A_248, %dma_start3A_249, %dma_start3A_251] : memref<2x1x80xi32, #tpu.memory_space<vmem>> -> memref<1x1x80xi32, #tpu.memory_space<vmem>>
      %dma_start3A_253 = tpu.memref_squeeze %dma_start3A_252 : memref<1x1x80xi32, #tpu.memory_space<vmem>> -> memref<80xi32, #tpu.memory_space<vmem>>
      %dma_start3A_254 = arith.constant 0 : i32
      %dma_start3A_255 = arith.constant 0 : i32
      %dma_start3A_256 = tpu.memref_slice %arg13[%dma_start3A_254, %dma_start3A_255] : memref<10240x128xf32, #tpu.memory_space<vmem_shared>> -> memref<10240x128xf32, #tpu.memory_space<vmem_shared>>
      %dma_start3A_257 = tpu.memref_slice %arg16[%dma_start3A_250] : memref<4x!tpu.dma_semaphore, #tpu.memory_space<semaphore_mem>> -> memref<1x!tpu.dma_semaphore, #tpu.memory_space<semaphore_mem>>
      %dma_start3A_258 = tpu.memref_squeeze %dma_start3A_257 : memref<1x!tpu.dma_semaphore, #tpu.memory_space<semaphore_mem>> -> memref<!tpu.dma_semaphore, #tpu.memory_space<semaphore_mem>>
      tpu.enqueue_indirect_dma source(%arg9 : memref<80x128xf32, #tpu.memory_space<vmem>>) target(%dma_start3A_256 : memref<10240x128xf32, #tpu.memory_space<vmem_shared>>) offsets(%dma_start3A_253 : memref<80xi32, #tpu.memory_space<vmem>>) semaphore(%dma_start3A_258 : memref<!tpu.dma_semaphore, #tpu.memory_space<semaphore_mem>>) {add = true}
      %dma_wait3A_259 = arith.constant 0 : i32
      %dma_wait3A_260 = arith.constant 0 : i32
      %dma_wait3A_261 = arith.constant 1 : i32
      %dma_wait3A_262 = arith.constant 0 : i32
      %dma_wait3A_263 = tpu.memref_slice %arg6[%dma_wait3A_259, %dma_wait3A_260, %dma_wait3A_262] : memref<2x1x80xi32, #tpu.memory_space<vmem>> -> memref<1x1x80xi32, #tpu.memory_space<vmem>>
      %dma_wait3A_264 = tpu.memref_squeeze %dma_wait3A_263 : memref<1x1x80xi32, #tpu.memory_space<vmem>> -> memref<80xi32, #tpu.memory_space<vmem>>
      %dma_wait3A_265 = arith.constant 0 : i32
      %dma_wait3A_266 = tpu.memref_slice %arg2[%mul3A_2, %dma_wait3A_265] : memref<20480x128xf32, #tpu.memory_space<hbm>> -> memref<10240x128xf32, #tpu.memory_space<hbm>>
      %dma_wait3A_267 = arith.constant 0 : i32
      %dma_wait3A_268 = arith.constant 0 : i32
      %dma_wait3A_269 = tpu.memref_slice %dma_wait3A_266[%dma_wait3A_267, %dma_wait3A_268] : memref<10240x128xf32, #tpu.memory_space<hbm>> -> memref<10240x128xf32, #tpu.memory_space<hbm>>
      %dma_wait3A_270 = tpu.memref_slice %arg15[%dma_wait3A_261] : memref<4x!tpu.dma_semaphore, #tpu.memory_space<semaphore_mem>> -> memref<1x!tpu.dma_semaphore, #tpu.memory_space<semaphore_mem>>
      %dma_wait3A_271 = tpu.memref_squeeze %dma_wait3A_270 : memref<1x!tpu.dma_semaphore, #tpu.memory_space<semaphore_mem>> -> memref<!tpu.dma_semaphore, #tpu.memory_space<semaphore_mem>>
      tpu.wait_indirect_dma semaphore(%dma_wait3A_271 : memref<!tpu.dma_semaphore, #tpu.memory_space<semaphore_mem>>) src(%dma_wait3A_269 : memref<10240x128xf32, #tpu.memory_space<hbm>>) dst(%arg10 : memref<80x128xf32, #tpu.memory_space<vmem>>)
      %dma_start3A_272 = arith.constant 1 : i32
      %dma_start3A_273 = arith.constant 0 : i32
      %dma_start3A_274 = arith.constant 1 : i32
      %dma_start3A_275 = arith.constant 0 : i32
      %dma_start3A_276 = tpu.memref_slice %arg6[%dma_start3A_272, %dma_start3A_273, %dma_start3A_275] : memref<2x1x80xi32, #tpu.memory_space<vmem>> -> memref<1x1x80xi32, #tpu.memory_space<vmem>>
      %dma_start3A_277 = tpu.memref_squeeze %dma_start3A_276 : memref<1x1x80xi32, #tpu.memory_space<vmem>> -> memref<80xi32, #tpu.memory_space<vmem>>
      %dma_start3A_278 = arith.constant 0 : i32
      %dma_start3A_279 = arith.constant 0 : i32
      %dma_start3A_280 = tpu.memref_slice %arg13[%dma_start3A_278, %dma_start3A_279] : memref<10240x128xf32, #tpu.memory_space<vmem_shared>> -> memref<10240x128xf32, #tpu.memory_space<vmem_shared>>
      %dma_start3A_281 = tpu.memref_slice %arg16[%dma_start3A_274] : memref<4x!tpu.dma_semaphore, #tpu.memory_space<semaphore_mem>> -> memref<1x!tpu.dma_semaphore, #tpu.memory_space<semaphore_mem>>
      %dma_start3A_282 = tpu.memref_squeeze %dma_start3A_281 : memref<1x!tpu.dma_semaphore, #tpu.memory_space<semaphore_mem>> -> memref<!tpu.dma_semaphore, #tpu.memory_space<semaphore_mem>>
      tpu.enqueue_indirect_dma source(%arg10 : memref<80x128xf32, #tpu.memory_space<vmem>>) target(%dma_start3A_280 : memref<10240x128xf32, #tpu.memory_space<vmem_shared>>) offsets(%dma_start3A_277 : memref<80xi32, #tpu.memory_space<vmem>>) semaphore(%dma_start3A_282 : memref<!tpu.dma_semaphore, #tpu.memory_space<semaphore_mem>>) {add = true}
      %dma_wait3A_283 = arith.constant 0 : i32
      %dma_wait3A_284 = arith.constant 0 : i32
      %dma_wait3A_285 = arith.constant 2 : i32
      %dma_wait3A_286 = arith.constant 0 : i32
      %dma_wait3A_287 = tpu.memref_slice %arg7[%dma_wait3A_283, %dma_wait3A_284, %dma_wait3A_286] : memref<2x1x80xi32, #tpu.memory_space<vmem>> -> memref<1x1x80xi32, #tpu.memory_space<vmem>>
      %dma_wait3A_288 = tpu.memref_squeeze %dma_wait3A_287 : memref<1x1x80xi32, #tpu.memory_space<vmem>> -> memref<80xi32, #tpu.memory_space<vmem>>
      %dma_wait3A_289 = arith.constant 0 : i32
      %dma_wait3A_290 = tpu.memref_slice %arg2[%mul3A_2, %dma_wait3A_289] : memref<20480x128xf32, #tpu.memory_space<hbm>> -> memref<10240x128xf32, #tpu.memory_space<hbm>>
      %dma_wait3A_291 = arith.constant 0 : i32
      %dma_wait3A_292 = arith.constant 0 : i32
      %dma_wait3A_293 = tpu.memref_slice %dma_wait3A_290[%dma_wait3A_291, %dma_wait3A_292] : memref<10240x128xf32, #tpu.memory_space<hbm>> -> memref<10240x128xf32, #tpu.memory_space<hbm>>
      %dma_wait3A_294 = tpu.memref_slice %arg15[%dma_wait3A_285] : memref<4x!tpu.dma_semaphore, #tpu.memory_space<semaphore_mem>> -> memref<1x!tpu.dma_semaphore, #tpu.memory_space<semaphore_mem>>
      %dma_wait3A_295 = tpu.memref_squeeze %dma_wait3A_294 : memref<1x!tpu.dma_semaphore, #tpu.memory_space<semaphore_mem>> -> memref<!tpu.dma_semaphore, #tpu.memory_space<semaphore_mem>>
      tpu.wait_indirect_dma semaphore(%dma_wait3A_295 : memref<!tpu.dma_semaphore, #tpu.memory_space<semaphore_mem>>) src(%dma_wait3A_293 : memref<10240x128xf32, #tpu.memory_space<hbm>>) dst(%arg11 : memref<80x128xf32, #tpu.memory_space<vmem>>)
      %dma_start3A_296 = arith.constant 1 : i32
      %dma_start3A_297 = arith.constant 0 : i32
      %dma_start3A_298 = arith.constant 2 : i32
      %dma_start3A_299 = arith.constant 0 : i32
      %dma_start3A_300 = tpu.memref_slice %arg7[%dma_start3A_296, %dma_start3A_297, %dma_start3A_299] : memref<2x1x80xi32, #tpu.memory_space<vmem>> -> memref<1x1x80xi32, #tpu.memory_space<vmem>>
      %dma_start3A_301 = tpu.memref_squeeze %dma_start3A_300 : memref<1x1x80xi32, #tpu.memory_space<vmem>> -> memref<80xi32, #tpu.memory_space<vmem>>
      %dma_start3A_302 = arith.constant 0 : i32
      %dma_start3A_303 = arith.constant 0 : i32
      %dma_start3A_304 = tpu.memref_slice %arg13[%dma_start3A_302, %dma_start3A_303] : memref<10240x128xf32, #tpu.memory_space<vmem_shared>> -> memref<10240x128xf32, #tpu.memory_space<vmem_shared>>
      %dma_start3A_305 = tpu.memref_slice %arg16[%dma_start3A_298] : memref<4x!tpu.dma_semaphore, #tpu.memory_space<semaphore_mem>> -> memref<1x!tpu.dma_semaphore, #tpu.memory_space<semaphore_mem>>
      %dma_start3A_306 = tpu.memref_squeeze %dma_start3A_305 : memref<1x!tpu.dma_semaphore, #tpu.memory_space<semaphore_mem>> -> memref<!tpu.dma_semaphore, #tpu.memory_space<semaphore_mem>>
      tpu.enqueue_indirect_dma source(%arg11 : memref<80x128xf32, #tpu.memory_space<vmem>>) target(%dma_start3A_304 : memref<10240x128xf32, #tpu.memory_space<vmem_shared>>) offsets(%dma_start3A_301 : memref<80xi32, #tpu.memory_space<vmem>>) semaphore(%dma_start3A_306 : memref<!tpu.dma_semaphore, #tpu.memory_space<semaphore_mem>>) {add = true}
      %dma_wait3A_307 = arith.constant 0 : i32
      %dma_wait3A_308 = arith.constant 0 : i32
      %dma_wait3A_309 = arith.constant 3 : i32
      %dma_wait3A_310 = arith.constant 0 : i32
      %dma_wait3A_311 = tpu.memref_slice %arg8[%dma_wait3A_307, %dma_wait3A_308, %dma_wait3A_310] : memref<2x1x80xi32, #tpu.memory_space<vmem>> -> memref<1x1x80xi32, #tpu.memory_space<vmem>>
      %dma_wait3A_312 = tpu.memref_squeeze %dma_wait3A_311 : memref<1x1x80xi32, #tpu.memory_space<vmem>> -> memref<80xi32, #tpu.memory_space<vmem>>
      %dma_wait3A_313 = arith.constant 0 : i32
      %dma_wait3A_314 = tpu.memref_slice %arg2[%mul3A_2, %dma_wait3A_313] : memref<20480x128xf32, #tpu.memory_space<hbm>> -> memref<10240x128xf32, #tpu.memory_space<hbm>>
      %dma_wait3A_315 = arith.constant 0 : i32
      %dma_wait3A_316 = arith.constant 0 : i32
      %dma_wait3A_317 = tpu.memref_slice %dma_wait3A_314[%dma_wait3A_315, %dma_wait3A_316] : memref<10240x128xf32, #tpu.memory_space<hbm>> -> memref<10240x128xf32, #tpu.memory_space<hbm>>
      %dma_wait3A_318 = tpu.memref_slice %arg15[%dma_wait3A_309] : memref<4x!tpu.dma_semaphore, #tpu.memory_space<semaphore_mem>> -> memref<1x!tpu.dma_semaphore, #tpu.memory_space<semaphore_mem>>
      %dma_wait3A_319 = tpu.memref_squeeze %dma_wait3A_318 : memref<1x!tpu.dma_semaphore, #tpu.memory_space<semaphore_mem>> -> memref<!tpu.dma_semaphore, #tpu.memory_space<semaphore_mem>>
      tpu.wait_indirect_dma semaphore(%dma_wait3A_319 : memref<!tpu.dma_semaphore, #tpu.memory_space<semaphore_mem>>) src(%dma_wait3A_317 : memref<10240x128xf32, #tpu.memory_space<hbm>>) dst(%arg12 : memref<80x128xf32, #tpu.memory_space<vmem>>)
      %dma_start3A_320 = arith.constant 1 : i32
      %dma_start3A_321 = arith.constant 0 : i32
      %dma_start3A_322 = arith.constant 3 : i32
      %dma_start3A_323 = arith.constant 0 : i32
      %dma_start3A_324 = tpu.memref_slice %arg8[%dma_start3A_320, %dma_start3A_321, %dma_start3A_323] : memref<2x1x80xi32, #tpu.memory_space<vmem>> -> memref<1x1x80xi32, #tpu.memory_space<vmem>>
      %dma_start3A_325 = tpu.memref_squeeze %dma_start3A_324 : memref<1x1x80xi32, #tpu.memory_space<vmem>> -> memref<80xi32, #tpu.memory_space<vmem>>
      %dma_start3A_326 = arith.constant 0 : i32
      %dma_start3A_327 = arith.constant 0 : i32
      %dma_start3A_328 = tpu.memref_slice %arg13[%dma_start3A_326, %dma_start3A_327] : memref<10240x128xf32, #tpu.memory_space<vmem_shared>> -> memref<10240x128xf32, #tpu.memory_space<vmem_shared>>
      %dma_start3A_329 = tpu.memref_slice %arg16[%dma_start3A_322] : memref<4x!tpu.dma_semaphore, #tpu.memory_space<semaphore_mem>> -> memref<1x!tpu.dma_semaphore, #tpu.memory_space<semaphore_mem>>
      %dma_start3A_330 = tpu.memref_squeeze %dma_start3A_329 : memref<1x!tpu.dma_semaphore, #tpu.memory_space<semaphore_mem>> -> memref<!tpu.dma_semaphore, #tpu.memory_space<semaphore_mem>>
      tpu.enqueue_indirect_dma source(%arg12 : memref<80x128xf32, #tpu.memory_space<vmem>>) target(%dma_start3A_328 : memref<10240x128xf32, #tpu.memory_space<vmem_shared>>) offsets(%dma_start3A_325 : memref<80xi32, #tpu.memory_space<vmem>>) semaphore(%dma_start3A_330 : memref<!tpu.dma_semaphore, #tpu.memory_space<semaphore_mem>>) {add = true}
      %dma_wait3A_331 = arith.constant 1 : i32
      %dma_wait3A_332 = arith.constant 0 : i32
      %dma_wait3A_333 = arith.constant 0 : i32
      %dma_wait3A_334 = arith.constant 0 : i32
      %dma_wait3A_335 = tpu.memref_slice %arg5[%dma_wait3A_331, %dma_wait3A_332, %dma_wait3A_334] : memref<2x1x80xi32, #tpu.memory_space<vmem>> -> memref<1x1x80xi32, #tpu.memory_space<vmem>>
      %dma_wait3A_336 = tpu.memref_squeeze %dma_wait3A_335 : memref<1x1x80xi32, #tpu.memory_space<vmem>> -> memref<80xi32, #tpu.memory_space<vmem>>
      %dma_wait3A_337 = arith.constant 0 : i32
      %dma_wait3A_338 = arith.constant 0 : i32
      %dma_wait3A_339 = tpu.memref_slice %arg13[%dma_wait3A_337, %dma_wait3A_338] : memref<10240x128xf32, #tpu.memory_space<vmem_shared>> -> memref<10240x128xf32, #tpu.memory_space<vmem_shared>>
      %dma_wait3A_340 = tpu.memref_slice %arg16[%dma_wait3A_333] : memref<4x!tpu.dma_semaphore, #tpu.memory_space<semaphore_mem>> -> memref<1x!tpu.dma_semaphore, #tpu.memory_space<semaphore_mem>>
      %dma_wait3A_341 = tpu.memref_squeeze %dma_wait3A_340 : memref<1x!tpu.dma_semaphore, #tpu.memory_space<semaphore_mem>> -> memref<!tpu.dma_semaphore, #tpu.memory_space<semaphore_mem>>
      tpu.wait_indirect_dma semaphore(%dma_wait3A_341 : memref<!tpu.dma_semaphore, #tpu.memory_space<semaphore_mem>>) src(%arg9 : memref<80x128xf32, #tpu.memory_space<vmem>>) dst(%dma_wait3A_339 : memref<10240x128xf32, #tpu.memory_space<vmem_shared>>)
      %add3A_342 = arith.constant 0 : i32
      %add3A_343 = arith.addi %add3A_234, %add3A_342 : i32
      %add3A_344 = arith.constant 4 : i32
      %add3A_345 = arith.addi %add3A_343, %add3A_344 : i32
      %lt3A = arith.constant 125 : i32
      %lt3A_346 = arith.cmpi slt, %add3A_345, %lt3A : i32
      %convert_element_type3A = arith.extui %lt3A_346 : i1 to i32
      %cond3A = arith.constant 0 : i32
      %cond3A_347 = arith.cmpi ne, %convert_element_type3A, %cond3A : i32
      scf.if %cond3A_347 {
        %add3A_444 = arith.addi %mul3A_4, %add3A_345 : i32
        %dma_start3A_445 = arith.constant 0 : i32
        %dma_start3A_446 = arith.constant 0 : i32
        %dma_start3A_447 = arith.constant 0 : i32
        %dma_start3A_448 = arith.constant 0 : i32
        %dma_start3A_449 = tpu.memref_slice %arg3[%dma_start3A_446, %add3A_444, %dma_start3A_447, %dma_start3A_448] : memref<2x2000x1x80xi32, #tpu.memory_space<hbm>> -> memref<2x1x1x80xi32, #tpu.memory_space<hbm>>
        %dma_start3A_450 = tpu.memref_squeeze %dma_start3A_449 : memref<2x1x1x80xi32, #tpu.memory_space<hbm>> -> memref<2x1x80xi32, #tpu.memory_space<hbm>>
        %dma_start3A_451 = tpu.memref_slice %arg14[%dma_start3A_445] : memref<4x!tpu.dma_semaphore, #tpu.memory_space<semaphore_mem>> -> memref<1x!tpu.dma_semaphore, #tpu.memory_space<semaphore_mem>>
        %dma_start3A_452 = tpu.memref_squeeze %dma_start3A_451 : memref<1x!tpu.dma_semaphore, #tpu.memory_space<semaphore_mem>> -> memref<!tpu.dma_semaphore, #tpu.memory_space<semaphore_mem>>
        %dma_start3A_453 = arith.constant 0 : i32
        %dma_start3A_454 = arith.constant 0 : i32
        %dma_start3A_455 = arith.constant 0 : i32
        %dma_start3A_456 = tpu.memref_slice %arg3[%dma_start3A_453, %add3A_444, %dma_start3A_454, %dma_start3A_455] : memref<2x2000x1x80xi32, #tpu.memory_space<hbm>> -> memref<2x1x1x80xi32, #tpu.memory_space<hbm>>
        %dma_start3A_457 = tpu.memref_squeeze %dma_start3A_456 : memref<2x1x1x80xi32, #tpu.memory_space<hbm>> -> memref<2x1x80xi32, #tpu.memory_space<hbm>>
        tpu.enqueue_dma source(%dma_start3A_457 : memref<2x1x80xi32, #tpu.memory_space<hbm>>) target(%arg5 : memref<2x1x80xi32, #tpu.memory_space<vmem>>) target_semaphore(%dma_start3A_452 : memref<!tpu.dma_semaphore, #tpu.memory_space<semaphore_mem>>)
      } else {
      }
      %dma_wait3A_348 = arith.constant 1 : i32
      %dma_wait3A_349 = arith.constant 0 : i32
      %dma_wait3A_350 = arith.constant 1 : i32
      %dma_wait3A_351 = arith.constant 0 : i32
      %dma_wait3A_352 = tpu.memref_slice %arg6[%dma_wait3A_348, %dma_wait3A_349, %dma_wait3A_351] : memref<2x1x80xi32, #tpu.memory_space<vmem>> -> memref<1x1x80xi32, #tpu.memory_space<vmem>>
      %dma_wait3A_353 = tpu.memref_squeeze %dma_wait3A_352 : memref<1x1x80xi32, #tpu.memory_space<vmem>> -> memref<80xi32, #tpu.memory_space<vmem>>
      %dma_wait3A_354 = arith.constant 0 : i32
      %dma_wait3A_355 = arith.constant 0 : i32
      %dma_wait3A_356 = tpu.memref_slice %arg13[%dma_wait3A_354, %dma_wait3A_355] : memref<10240x128xf32, #tpu.memory_space<vmem_shared>> -> memref<10240x128xf32, #tpu.memory_space<vmem_shared>>
      %dma_wait3A_357 = tpu.memref_slice %arg16[%dma_wait3A_350] : memref<4x!tpu.dma_semaphore, #tpu.memory_space<semaphore_mem>> -> memref<1x!tpu.dma_semaphore, #tpu.memory_space<semaphore_mem>>
      %dma_wait3A_358 = tpu.memref_squeeze %dma_wait3A_357 : memref<1x!tpu.dma_semaphore, #tpu.memory_space<semaphore_mem>> -> memref<!tpu.dma_semaphore, #tpu.memory_space<semaphore_mem>>
      tpu.wait_indirect_dma semaphore(%dma_wait3A_358 : memref<!tpu.dma_semaphore, #tpu.memory_space<semaphore_mem>>) src(%arg10 : memref<80x128xf32, #tpu.memory_space<vmem>>) dst(%dma_wait3A_356 : memref<10240x128xf32, #tpu.memory_space<vmem_shared>>)
      %add3A_359 = arith.constant 1 : i32
      %add3A_360 = arith.addi %add3A_234, %add3A_359 : i32
      %add3A_361 = arith.constant 4 : i32
      %add3A_362 = arith.addi %add3A_360, %add3A_361 : i32
      %lt3A_363 = arith.constant 125 : i32
      %lt3A_364 = arith.cmpi slt, %add3A_362, %lt3A_363 : i32
      %convert_element_type3A_365 = arith.extui %lt3A_364 : i1 to i32
      %cond3A_366 = arith.constant 0 : i32
      %cond3A_367 = arith.cmpi ne, %convert_element_type3A_365, %cond3A_366 : i32
      scf.if %cond3A_367 {
        %add3A_444 = arith.addi %mul3A_4, %add3A_362 : i32
        %dma_start3A_445 = arith.constant 1 : i32
        %dma_start3A_446 = arith.constant 0 : i32
        %dma_start3A_447 = arith.constant 0 : i32
        %dma_start3A_448 = arith.constant 0 : i32
        %dma_start3A_449 = tpu.memref_slice %arg3[%dma_start3A_446, %add3A_444, %dma_start3A_447, %dma_start3A_448] : memref<2x2000x1x80xi32, #tpu.memory_space<hbm>> -> memref<2x1x1x80xi32, #tpu.memory_space<hbm>>
        %dma_start3A_450 = tpu.memref_squeeze %dma_start3A_449 : memref<2x1x1x80xi32, #tpu.memory_space<hbm>> -> memref<2x1x80xi32, #tpu.memory_space<hbm>>
        %dma_start3A_451 = tpu.memref_slice %arg14[%dma_start3A_445] : memref<4x!tpu.dma_semaphore, #tpu.memory_space<semaphore_mem>> -> memref<1x!tpu.dma_semaphore, #tpu.memory_space<semaphore_mem>>
        %dma_start3A_452 = tpu.memref_squeeze %dma_start3A_451 : memref<1x!tpu.dma_semaphore, #tpu.memory_space<semaphore_mem>> -> memref<!tpu.dma_semaphore, #tpu.memory_space<semaphore_mem>>
        %dma_start3A_453 = arith.constant 0 : i32
        %dma_start3A_454 = arith.constant 0 : i32
        %dma_start3A_455 = arith.constant 0 : i32
        %dma_start3A_456 = tpu.memref_slice %arg3[%dma_start3A_453, %add3A_444, %dma_start3A_454, %dma_start3A_455] : memref<2x2000x1x80xi32, #tpu.memory_space<hbm>> -> memref<2x1x1x80xi32, #tpu.memory_space<hbm>>
        %dma_start3A_457 = tpu.memref_squeeze %dma_start3A_456 : memref<2x1x1x80xi32, #tpu.memory_space<hbm>> -> memref<2x1x80xi32, #tpu.memory_space<hbm>>
        tpu.enqueue_dma source(%dma_start3A_457 : memref<2x1x80xi32, #tpu.memory_space<hbm>>) target(%arg6 : memref<2x1x80xi32, #tpu.memory_space<vmem>>) target_semaphore(%dma_start3A_452 : memref<!tpu.dma_semaphore, #tpu.memory_space<semaphore_mem>>)
      } else {
      }
      %dma_wait3A_368 = arith.constant 1 : i32
      %dma_wait3A_369 = arith.constant 0 : i32
      %dma_wait3A_370 = arith.constant 2 : i32
      %dma_wait3A_371 = arith.constant 0 : i32
      %dma_wait3A_372 = tpu.memref_slice %arg7[%dma_wait3A_368, %dma_wait3A_369, %dma_wait3A_371] : memref<2x1x80xi32, #tpu.memory_space<vmem>> -> memref<1x1x80xi32, #tpu.memory_space<vmem>>
      %dma_wait3A_373 = tpu.memref_squeeze %dma_wait3A_372 : memref<1x1x80xi32, #tpu.memory_space<vmem>> -> memref<80xi32, #tpu.memory_space<vmem>>
      %dma_wait3A_374 = arith.constant 0 : i32
      %dma_wait3A_375 = arith.constant 0 : i32
      %dma_wait3A_376 = tpu.memref_slice %arg13[%dma_wait3A_374, %dma_wait3A_375] : memref<10240x128xf32, #tpu.memory_space<vmem_shared>> -> memref<10240x128xf32, #tpu.memory_space<vmem_shared>>
      %dma_wait3A_377 = tpu.memref_slice %arg16[%dma_wait3A_370] : memref<4x!tpu.dma_semaphore, #tpu.memory_space<semaphore_mem>> -> memref<1x!tpu.dma_semaphore, #tpu.memory_space<semaphore_mem>>
      %dma_wait3A_378 = tpu.memref_squeeze %dma_wait3A_377 : memref<1x!tpu.dma_semaphore, #tpu.memory_space<semaphore_mem>> -> memref<!tpu.dma_semaphore, #tpu.memory_space<semaphore_mem>>
      tpu.wait_indirect_dma semaphore(%dma_wait3A_378 : memref<!tpu.dma_semaphore, #tpu.memory_space<semaphore_mem>>) src(%arg11 : memref<80x128xf32, #tpu.memory_space<vmem>>) dst(%dma_wait3A_376 : memref<10240x128xf32, #tpu.memory_space<vmem_shared>>)
      %add3A_379 = arith.constant 2 : i32
      %add3A_380 = arith.addi %add3A_234, %add3A_379 : i32
      %add3A_381 = arith.constant 4 : i32
      %add3A_382 = arith.addi %add3A_380, %add3A_381 : i32
      %lt3A_383 = arith.constant 125 : i32
      %lt3A_384 = arith.cmpi slt, %add3A_382, %lt3A_383 : i32
      %convert_element_type3A_385 = arith.extui %lt3A_384 : i1 to i32
      %cond3A_386 = arith.constant 0 : i32
      %cond3A_387 = arith.cmpi ne, %convert_element_type3A_385, %cond3A_386 : i32
      scf.if %cond3A_387 {
        %add3A_444 = arith.addi %mul3A_4, %add3A_382 : i32
        %dma_start3A_445 = arith.constant 2 : i32
        %dma_start3A_446 = arith.constant 0 : i32
        %dma_start3A_447 = arith.constant 0 : i32
        %dma_start3A_448 = arith.constant 0 : i32
        %dma_start3A_449 = tpu.memref_slice %arg3[%dma_start3A_446, %add3A_444, %dma_start3A_447, %dma_start3A_448] : memref<2x2000x1x80xi32, #tpu.memory_space<hbm>> -> memref<2x1x1x80xi32, #tpu.memory_space<hbm>>
        %dma_start3A_450 = tpu.memref_squeeze %dma_start3A_449 : memref<2x1x1x80xi32, #tpu.memory_space<hbm>> -> memref<2x1x80xi32, #tpu.memory_space<hbm>>
        %dma_start3A_451 = tpu.memref_slice %arg14[%dma_start3A_445] : memref<4x!tpu.dma_semaphore, #tpu.memory_space<semaphore_mem>> -> memref<1x!tpu.dma_semaphore, #tpu.memory_space<semaphore_mem>>
        %dma_start3A_452 = tpu.memref_squeeze %dma_start3A_451 : memref<1x!tpu.dma_semaphore, #tpu.memory_space<semaphore_mem>> -> memref<!tpu.dma_semaphore, #tpu.memory_space<semaphore_mem>>
        %dma_start3A_453 = arith.constant 0 : i32
        %dma_start3A_454 = arith.constant 0 : i32
        %dma_start3A_455 = arith.constant 0 : i32
        %dma_start3A_456 = tpu.memref_slice %arg3[%dma_start3A_453, %add3A_444, %dma_start3A_454, %dma_start3A_455] : memref<2x2000x1x80xi32, #tpu.memory_space<hbm>> -> memref<2x1x1x80xi32, #tpu.memory_space<hbm>>
        %dma_start3A_457 = tpu.memref_squeeze %dma_start3A_456 : memref<2x1x1x80xi32, #tpu.memory_space<hbm>> -> memref<2x1x80xi32, #tpu.memory_space<hbm>>
        tpu.enqueue_dma source(%dma_start3A_457 : memref<2x1x80xi32, #tpu.memory_space<hbm>>) target(%arg7 : memref<2x1x80xi32, #tpu.memory_space<vmem>>) target_semaphore(%dma_start3A_452 : memref<!tpu.dma_semaphore, #tpu.memory_space<semaphore_mem>>)
      } else {
      }
      %dma_wait3A_388 = arith.constant 1 : i32
      %dma_wait3A_389 = arith.constant 0 : i32
      %dma_wait3A_390 = arith.constant 3 : i32
      %dma_wait3A_391 = arith.constant 0 : i32
      %dma_wait3A_392 = tpu.memref_slice %arg8[%dma_wait3A_388, %dma_wait3A_389, %dma_wait3A_391] : memref<2x1x80xi32, #tpu.memory_space<vmem>> -> memref<1x1x80xi32, #tpu.memory_space<vmem>>
      %dma_wait3A_393 = tpu.memref_squeeze %dma_wait3A_392 : memref<1x1x80xi32, #tpu.memory_space<vmem>> -> memref<80xi32, #tpu.memory_space<vmem>>
      %dma_wait3A_394 = arith.constant 0 : i32
      %dma_wait3A_395 = arith.constant 0 : i32
      %dma_wait3A_396 = tpu.memref_slice %arg13[%dma_wait3A_394, %dma_wait3A_395] : memref<10240x128xf32, #tpu.memory_space<vmem_shared>> -> memref<10240x128xf32, #tpu.memory_space<vmem_shared>>
      %dma_wait3A_397 = tpu.memref_slice %arg16[%dma_wait3A_390] : memref<4x!tpu.dma_semaphore, #tpu.memory_space<semaphore_mem>> -> memref<1x!tpu.dma_semaphore, #tpu.memory_space<semaphore_mem>>
      %dma_wait3A_398 = tpu.memref_squeeze %dma_wait3A_397 : memref<1x!tpu.dma_semaphore, #tpu.memory_space<semaphore_mem>> -> memref<!tpu.dma_semaphore, #tpu.memory_space<semaphore_mem>>
      tpu.wait_indirect_dma semaphore(%dma_wait3A_398 : memref<!tpu.dma_semaphore, #tpu.memory_space<semaphore_mem>>) src(%arg12 : memref<80x128xf32, #tpu.memory_space<vmem>>) dst(%dma_wait3A_396 : memref<10240x128xf32, #tpu.memory_space<vmem_shared>>)
      %add3A_399 = arith.constant 3 : i32
      %add3A_400 = arith.addi %add3A_234, %add3A_399 : i32
      %add3A_401 = arith.constant 4 : i32
      %add3A_402 = arith.addi %add3A_400, %add3A_401 : i32
      %lt3A_403 = arith.constant 125 : i32
      %lt3A_404 = arith.cmpi slt, %add3A_402, %lt3A_403 : i32
      %convert_element_type3A_405 = arith.extui %lt3A_404 : i1 to i32
      %cond3A_406 = arith.constant 0 : i32
      %cond3A_407 = arith.cmpi ne, %convert_element_type3A_405, %cond3A_406 : i32
      scf.if %cond3A_407 {
        %add3A_444 = arith.addi %mul3A_4, %add3A_402 : i32
        %dma_start3A_445 = arith.constant 3 : i32
        %dma_start3A_446 = arith.constant 0 : i32
        %dma_start3A_447 = arith.constant 0 : i32
        %dma_start3A_448 = arith.constant 0 : i32
        %dma_start3A_449 = tpu.memref_slice %arg3[%dma_start3A_446, %add3A_444, %dma_start3A_447, %dma_start3A_448] : memref<2x2000x1x80xi32, #tpu.memory_space<hbm>> -> memref<2x1x1x80xi32, #tpu.memory_space<hbm>>
        %dma_start3A_450 = tpu.memref_squeeze %dma_start3A_449 : memref<2x1x1x80xi32, #tpu.memory_space<hbm>> -> memref<2x1x80xi32, #tpu.memory_space<hbm>>
        %dma_start3A_451 = tpu.memref_slice %arg14[%dma_start3A_445] : memref<4x!tpu.dma_semaphore, #tpu.memory_space<semaphore_mem>> -> memref<1x!tpu.dma_semaphore, #tpu.memory_space<semaphore_mem>>
        %dma_start3A_452 = tpu.memref_squeeze %dma_start3A_451 : memref<1x!tpu.dma_semaphore, #tpu.memory_space<semaphore_mem>> -> memref<!tpu.dma_semaphore, #tpu.memory_space<semaphore_mem>>
        %dma_start3A_453 = arith.constant 0 : i32
        %dma_start3A_454 = arith.constant 0 : i32
        %dma_start3A_455 = arith.constant 0 : i32
        %dma_start3A_456 = tpu.memref_slice %arg3[%dma_start3A_453, %add3A_444, %dma_start3A_454, %dma_start3A_455] : memref<2x2000x1x80xi32, #tpu.memory_space<hbm>> -> memref<2x1x1x80xi32, #tpu.memory_space<hbm>>
        %dma_start3A_457 = tpu.memref_squeeze %dma_start3A_456 : memref<2x1x1x80xi32, #tpu.memory_space<hbm>> -> memref<2x1x80xi32, #tpu.memory_space<hbm>>
        tpu.enqueue_dma source(%dma_start3A_457 : memref<2x1x80xi32, #tpu.memory_space<hbm>>) target(%arg8 : memref<2x1x80xi32, #tpu.memory_space<vmem>>) target_semaphore(%dma_start3A_452 : memref<!tpu.dma_semaphore, #tpu.memory_space<semaphore_mem>>)
      } else {
      }
      %add3A_408 = arith.constant 0 : i32
      %add3A_409 = arith.addi %add3A_234, %add3A_408 : i32
      %add3A_410 = arith.constant 4 : i32
      %add3A_411 = arith.addi %add3A_409, %add3A_410 : i32
      %lt3A_412 = arith.constant 125 : i32
      %lt3A_413 = arith.cmpi slt, %add3A_411, %lt3A_412 : i32
      %convert_element_type3A_414 = arith.extui %lt3A_413 : i1 to i32
      %cond3A_415 = arith.constant 0 : i32
      %cond3A_416 = arith.cmpi ne, %convert_element_type3A_414, %cond3A_415 : i32
      scf.if %cond3A_416 {
        %add3A_444 = arith.addi %mul3A_4, %add3A_411 : i32
        %dma_wait3A_445 = arith.constant 0 : i32
        %dma_wait3A_446 = arith.constant 0 : i32
        %dma_wait3A_447 = arith.constant 0 : i32
        %dma_wait3A_448 = arith.constant 0 : i32
        %dma_wait3A_449 = tpu.memref_slice %arg3[%dma_wait3A_446, %add3A_444, %dma_wait3A_447, %dma_wait3A_448] : memref<2x2000x1x80xi32, #tpu.memory_space<hbm>> -> memref<2x1x1x80xi32, #tpu.memory_space<hbm>>
        %dma_wait3A_450 = tpu.memref_squeeze %dma_wait3A_449 : memref<2x1x1x80xi32, #tpu.memory_space<hbm>> -> memref<2x1x80xi32, #tpu.memory_space<hbm>>
        %dma_wait3A_451 = tpu.memref_slice %arg14[%dma_wait3A_445] : memref<4x!tpu.dma_semaphore, #tpu.memory_space<semaphore_mem>> -> memref<1x!tpu.dma_semaphore, #tpu.memory_space<semaphore_mem>>
        %dma_wait3A_452 = tpu.memref_squeeze %dma_wait3A_451 : memref<1x!tpu.dma_semaphore, #tpu.memory_space<semaphore_mem>> -> memref<!tpu.dma_semaphore, #tpu.memory_space<semaphore_mem>>
        %dma_wait3A_453 = arith.constant 0 : i32
        %dma_wait3A_454 = arith.constant 0 : i32
        %dma_wait3A_455 = arith.constant 0 : i32
        %dma_wait3A_456 = tpu.memref_slice %arg3[%dma_wait3A_453, %add3A_444, %dma_wait3A_454, %dma_wait3A_455] : memref<2x2000x1x80xi32, #tpu.memory_space<hbm>> -> memref<2x1x1x80xi32, #tpu.memory_space<hbm>>
        %dma_wait3A_457 = tpu.memref_squeeze %dma_wait3A_456 : memref<2x1x1x80xi32, #tpu.memory_space<hbm>> -> memref<2x1x80xi32, #tpu.memory_space<hbm>>
        tpu.wait_dma2 semaphore(%dma_wait3A_452 : memref<!tpu.dma_semaphore, #tpu.memory_space<semaphore_mem>>) src(%dma_wait3A_457 : memref<2x1x80xi32, #tpu.memory_space<hbm>>) dst(%arg5 : memref<2x1x80xi32, #tpu.memory_space<vmem>>)
        %dma_start3A_458 = arith.constant 0 : i32
        %dma_start3A_459 = arith.constant 0 : i32
        %dma_start3A_460 = arith.constant 0 : i32
        %dma_start3A_461 = arith.constant 0 : i32
        %dma_start3A_462 = tpu.memref_slice %arg5[%dma_start3A_458, %dma_start3A_459, %dma_start3A_461] : memref<2x1x80xi32, #tpu.memory_space<vmem>> -> memref<1x1x80xi32, #tpu.memory_space<vmem>>
        %dma_start3A_463 = tpu.memref_squeeze %dma_start3A_462 : memref<1x1x80xi32, #tpu.memory_space<vmem>> -> memref<80xi32, #tpu.memory_space<vmem>>
        %dma_start3A_464 = arith.constant 0 : i32
        %dma_start3A_465 = tpu.memref_slice %arg2[%mul3A_2, %dma_start3A_464] : memref<20480x128xf32, #tpu.memory_space<hbm>> -> memref<10240x128xf32, #tpu.memory_space<hbm>>
        %dma_start3A_466 = arith.constant 0 : i32
        %dma_start3A_467 = arith.constant 0 : i32
        %dma_start3A_468 = tpu.memref_slice %dma_start3A_465[%dma_start3A_466, %dma_start3A_467] : memref<10240x128xf32, #tpu.memory_space<hbm>> -> memref<10240x128xf32, #tpu.memory_space<hbm>>
        %dma_start3A_469 = tpu.memref_slice %arg15[%dma_start3A_460] : memref<4x!tpu.dma_semaphore, #tpu.memory_space<semaphore_mem>> -> memref<1x!tpu.dma_semaphore, #tpu.memory_space<semaphore_mem>>
        %dma_start3A_470 = tpu.memref_squeeze %dma_start3A_469 : memref<1x!tpu.dma_semaphore, #tpu.memory_space<semaphore_mem>> -> memref<!tpu.dma_semaphore, #tpu.memory_space<semaphore_mem>>
        tpu.enqueue_indirect_dma source(%dma_start3A_468 : memref<10240x128xf32, #tpu.memory_space<hbm>>) target(%arg9 : memref<80x128xf32, #tpu.memory_space<vmem>>) offsets(%dma_start3A_463 : memref<80xi32, #tpu.memory_space<vmem>>) semaphore(%dma_start3A_470 : memref<!tpu.dma_semaphore, #tpu.memory_space<semaphore_mem>>)
      } else {
      }
      %add3A_417 = arith.constant 1 : i32
      %add3A_418 = arith.addi %add3A_234, %add3A_417 : i32
      %add3A_419 = arith.constant 4 : i32
      %add3A_420 = arith.addi %add3A_418, %add3A_419 : i32
      %lt3A_421 = arith.constant 125 : i32
      %lt3A_422 = arith.cmpi slt, %add3A_420, %lt3A_421 : i32
      %convert_element_type3A_423 = arith.extui %lt3A_422 : i1 to i32
      %cond3A_424 = arith.constant 0 : i32
      %cond3A_425 = arith.cmpi ne, %convert_element_type3A_423, %cond3A_424 : i32
      scf.if %cond3A_425 {
        %add3A_444 = arith.addi %mul3A_4, %add3A_420 : i32
        %dma_wait3A_445 = arith.constant 1 : i32
        %dma_wait3A_446 = arith.constant 0 : i32
        %dma_wait3A_447 = arith.constant 0 : i32
        %dma_wait3A_448 = arith.constant 0 : i32
        %dma_wait3A_449 = tpu.memref_slice %arg3[%dma_wait3A_446, %add3A_444, %dma_wait3A_447, %dma_wait3A_448] : memref<2x2000x1x80xi32, #tpu.memory_space<hbm>> -> memref<2x1x1x80xi32, #tpu.memory_space<hbm>>
        %dma_wait3A_450 = tpu.memref_squeeze %dma_wait3A_449 : memref<2x1x1x80xi32, #tpu.memory_space<hbm>> -> memref<2x1x80xi32, #tpu.memory_space<hbm>>
        %dma_wait3A_451 = tpu.memref_slice %arg14[%dma_wait3A_445] : memref<4x!tpu.dma_semaphore, #tpu.memory_space<semaphore_mem>> -> memref<1x!tpu.dma_semaphore, #tpu.memory_space<semaphore_mem>>
        %dma_wait3A_452 = tpu.memref_squeeze %dma_wait3A_451 : memref<1x!tpu.dma_semaphore, #tpu.memory_space<semaphore_mem>> -> memref<!tpu.dma_semaphore, #tpu.memory_space<semaphore_mem>>
        %dma_wait3A_453 = arith.constant 0 : i32
        %dma_wait3A_454 = arith.constant 0 : i32
        %dma_wait3A_455 = arith.constant 0 : i32
        %dma_wait3A_456 = tpu.memref_slice %arg3[%dma_wait3A_453, %add3A_444, %dma_wait3A_454, %dma_wait3A_455] : memref<2x2000x1x80xi32, #tpu.memory_space<hbm>> -> memref<2x1x1x80xi32, #tpu.memory_space<hbm>>
        %dma_wait3A_457 = tpu.memref_squeeze %dma_wait3A_456 : memref<2x1x1x80xi32, #tpu.memory_space<hbm>> -> memref<2x1x80xi32, #tpu.memory_space<hbm>>
        tpu.wait_dma2 semaphore(%dma_wait3A_452 : memref<!tpu.dma_semaphore, #tpu.memory_space<semaphore_mem>>) src(%dma_wait3A_457 : memref<2x1x80xi32, #tpu.memory_space<hbm>>) dst(%arg6 : memref<2x1x80xi32, #tpu.memory_space<vmem>>)
        %dma_start3A_458 = arith.constant 0 : i32
        %dma_start3A_459 = arith.constant 0 : i32
        %dma_start3A_460 = arith.constant 1 : i32
        %dma_start3A_461 = arith.constant 0 : i32
        %dma_start3A_462 = tpu.memref_slice %arg6[%dma_start3A_458, %dma_start3A_459, %dma_start3A_461] : memref<2x1x80xi32, #tpu.memory_space<vmem>> -> memref<1x1x80xi32, #tpu.memory_space<vmem>>
        %dma_start3A_463 = tpu.memref_squeeze %dma_start3A_462 : memref<1x1x80xi32, #tpu.memory_space<vmem>> -> memref<80xi32, #tpu.memory_space<vmem>>
        %dma_start3A_464 = arith.constant 0 : i32
        %dma_start3A_465 = tpu.memref_slice %arg2[%mul3A_2, %dma_start3A_464] : memref<20480x128xf32, #tpu.memory_space<hbm>> -> memref<10240x128xf32, #tpu.memory_space<hbm>>
        %dma_start3A_466 = arith.constant 0 : i32
        %dma_start3A_467 = arith.constant 0 : i32
        %dma_start3A_468 = tpu.memref_slice %dma_start3A_465[%dma_start3A_466, %dma_start3A_467] : memref<10240x128xf32, #tpu.memory_space<hbm>> -> memref<10240x128xf32, #tpu.memory_space<hbm>>
        %dma_start3A_469 = tpu.memref_slice %arg15[%dma_start3A_460] : memref<4x!tpu.dma_semaphore, #tpu.memory_space<semaphore_mem>> -> memref<1x!tpu.dma_semaphore, #tpu.memory_space<semaphore_mem>>
        %dma_start3A_470 = tpu.memref_squeeze %dma_start3A_469 : memref<1x!tpu.dma_semaphore, #tpu.memory_space<semaphore_mem>> -> memref<!tpu.dma_semaphore, #tpu.memory_space<semaphore_mem>>
        tpu.enqueue_indirect_dma source(%dma_start3A_468 : memref<10240x128xf32, #tpu.memory_space<hbm>>) target(%arg10 : memref<80x128xf32, #tpu.memory_space<vmem>>) offsets(%dma_start3A_463 : memref<80xi32, #tpu.memory_space<vmem>>) semaphore(%dma_start3A_470 : memref<!tpu.dma_semaphore, #tpu.memory_space<semaphore_mem>>)
      } else {
      }
      %add3A_426 = arith.constant 2 : i32
      %add3A_427 = arith.addi %add3A_234, %add3A_426 : i32
      %add3A_428 = arith.constant 4 : i32
      %add3A_429 = arith.addi %add3A_427, %add3A_428 : i32
      %lt3A_430 = arith.constant 125 : i32
      %lt3A_431 = arith.cmpi slt, %add3A_429, %lt3A_430 : i32
      %convert_element_type3A_432 = arith.extui %lt3A_431 : i1 to i32
      %cond3A_433 = arith.constant 0 : i32
      %cond3A_434 = arith.cmpi ne, %convert_element_type3A_432, %cond3A_433 : i32
      scf.if %cond3A_434 {
        %add3A_444 = arith.addi %mul3A_4, %add3A_429 : i32
        %dma_wait3A_445 = arith.constant 2 : i32
        %dma_wait3A_446 = arith.constant 0 : i32
        %dma_wait3A_447 = arith.constant 0 : i32
        %dma_wait3A_448 = arith.constant 0 : i32
        %dma_wait3A_449 = tpu.memref_slice %arg3[%dma_wait3A_446, %add3A_444, %dma_wait3A_447, %dma_wait3A_448] : memref<2x2000x1x80xi32, #tpu.memory_space<hbm>> -> memref<2x1x1x80xi32, #tpu.memory_space<hbm>>
        %dma_wait3A_450 = tpu.memref_squeeze %dma_wait3A_449 : memref<2x1x1x80xi32, #tpu.memory_space<hbm>> -> memref<2x1x80xi32, #tpu.memory_space<hbm>>
        %dma_wait3A_451 = tpu.memref_slice %arg14[%dma_wait3A_445] : memref<4x!tpu.dma_semaphore, #tpu.memory_space<semaphore_mem>> -> memref<1x!tpu.dma_semaphore, #tpu.memory_space<semaphore_mem>>
        %dma_wait3A_452 = tpu.memref_squeeze %dma_wait3A_451 : memref<1x!tpu.dma_semaphore, #tpu.memory_space<semaphore_mem>> -> memref<!tpu.dma_semaphore, #tpu.memory_space<semaphore_mem>>
        %dma_wait3A_453 = arith.constant 0 : i32
        %dma_wait3A_454 = arith.constant 0 : i32
        %dma_wait3A_455 = arith.constant 0 : i32
        %dma_wait3A_456 = tpu.memref_slice %arg3[%dma_wait3A_453, %add3A_444, %dma_wait3A_454, %dma_wait3A_455] : memref<2x2000x1x80xi32, #tpu.memory_space<hbm>> -> memref<2x1x1x80xi32, #tpu.memory_space<hbm>>
        %dma_wait3A_457 = tpu.memref_squeeze %dma_wait3A_456 : memref<2x1x1x80xi32, #tpu.memory_space<hbm>> -> memref<2x1x80xi32, #tpu.memory_space<hbm>>
        tpu.wait_dma2 semaphore(%dma_wait3A_452 : memref<!tpu.dma_semaphore, #tpu.memory_space<semaphore_mem>>) src(%dma_wait3A_457 : memref<2x1x80xi32, #tpu.memory_space<hbm>>) dst(%arg7 : memref<2x1x80xi32, #tpu.memory_space<vmem>>)
        %dma_start3A_458 = arith.constant 0 : i32
        %dma_start3A_459 = arith.constant 0 : i32
        %dma_start3A_460 = arith.constant 2 : i32
        %dma_start3A_461 = arith.constant 0 : i32
        %dma_start3A_462 = tpu.memref_slice %arg7[%dma_start3A_458, %dma_start3A_459, %dma_start3A_461] : memref<2x1x80xi32, #tpu.memory_space<vmem>> -> memref<1x1x80xi32, #tpu.memory_space<vmem>>
        %dma_start3A_463 = tpu.memref_squeeze %dma_start3A_462 : memref<1x1x80xi32, #tpu.memory_space<vmem>> -> memref<80xi32, #tpu.memory_space<vmem>>
        %dma_start3A_464 = arith.constant 0 : i32
        %dma_start3A_465 = tpu.memref_slice %arg2[%mul3A_2, %dma_start3A_464] : memref<20480x128xf32, #tpu.memory_space<hbm>> -> memref<10240x128xf32, #tpu.memory_space<hbm>>
        %dma_start3A_466 = arith.constant 0 : i32
        %dma_start3A_467 = arith.constant 0 : i32
        %dma_start3A_468 = tpu.memref_slice %dma_start3A_465[%dma_start3A_466, %dma_start3A_467] : memref<10240x128xf32, #tpu.memory_space<hbm>> -> memref<10240x128xf32, #tpu.memory_space<hbm>>
        %dma_start3A_469 = tpu.memref_slice %arg15[%dma_start3A_460] : memref<4x!tpu.dma_semaphore, #tpu.memory_space<semaphore_mem>> -> memref<1x!tpu.dma_semaphore, #tpu.memory_space<semaphore_mem>>
        %dma_start3A_470 = tpu.memref_squeeze %dma_start3A_469 : memref<1x!tpu.dma_semaphore, #tpu.memory_space<semaphore_mem>> -> memref<!tpu.dma_semaphore, #tpu.memory_space<semaphore_mem>>
        tpu.enqueue_indirect_dma source(%dma_start3A_468 : memref<10240x128xf32, #tpu.memory_space<hbm>>) target(%arg11 : memref<80x128xf32, #tpu.memory_space<vmem>>) offsets(%dma_start3A_463 : memref<80xi32, #tpu.memory_space<vmem>>) semaphore(%dma_start3A_470 : memref<!tpu.dma_semaphore, #tpu.memory_space<semaphore_mem>>)
      } else {
      }
      %add3A_435 = arith.constant 3 : i32
      %add3A_436 = arith.addi %add3A_234, %add3A_435 : i32
      %add3A_437 = arith.constant 4 : i32
      %add3A_438 = arith.addi %add3A_436, %add3A_437 : i32
      %lt3A_439 = arith.constant 125 : i32
      %lt3A_440 = arith.cmpi slt, %add3A_438, %lt3A_439 : i32
      %convert_element_type3A_441 = arith.extui %lt3A_440 : i1 to i32
      %cond3A_442 = arith.constant 0 : i32
      %cond3A_443 = arith.cmpi ne, %convert_element_type3A_441, %cond3A_442 : i32
      scf.if %cond3A_443 {
        %add3A_444 = arith.addi %mul3A_4, %add3A_438 : i32
        %dma_wait3A_445 = arith.constant 3 : i32
        %dma_wait3A_446 = arith.constant 0 : i32
        %dma_wait3A_447 = arith.constant 0 : i32
        %dma_wait3A_448 = arith.constant 0 : i32
        %dma_wait3A_449 = tpu.memref_slice %arg3[%dma_wait3A_446, %add3A_444, %dma_wait3A_447, %dma_wait3A_448] : memref<2x2000x1x80xi32, #tpu.memory_space<hbm>> -> memref<2x1x1x80xi32, #tpu.memory_space<hbm>>
        %dma_wait3A_450 = tpu.memref_squeeze %dma_wait3A_449 : memref<2x1x1x80xi32, #tpu.memory_space<hbm>> -> memref<2x1x80xi32, #tpu.memory_space<hbm>>
        %dma_wait3A_451 = tpu.memref_slice %arg14[%dma_wait3A_445] : memref<4x!tpu.dma_semaphore, #tpu.memory_space<semaphore_mem>> -> memref<1x!tpu.dma_semaphore, #tpu.memory_space<semaphore_mem>>
        %dma_wait3A_452 = tpu.memref_squeeze %dma_wait3A_451 : memref<1x!tpu.dma_semaphore, #tpu.memory_space<semaphore_mem>> -> memref<!tpu.dma_semaphore, #tpu.memory_space<semaphore_mem>>
        %dma_wait3A_453 = arith.constant 0 : i32
        %dma_wait3A_454 = arith.constant 0 : i32
        %dma_wait3A_455 = arith.constant 0 : i32
        %dma_wait3A_456 = tpu.memref_slice %arg3[%dma_wait3A_453, %add3A_444, %dma_wait3A_454, %dma_wait3A_455] : memref<2x2000x1x80xi32, #tpu.memory_space<hbm>> -> memref<2x1x1x80xi32, #tpu.memory_space<hbm>>
        %dma_wait3A_457 = tpu.memref_squeeze %dma_wait3A_456 : memref<2x1x1x80xi32, #tpu.memory_space<hbm>> -> memref<2x1x80xi32, #tpu.memory_space<hbm>>
        tpu.wait_dma2 semaphore(%dma_wait3A_452 : memref<!tpu.dma_semaphore, #tpu.memory_space<semaphore_mem>>) src(%dma_wait3A_457 : memref<2x1x80xi32, #tpu.memory_space<hbm>>) dst(%arg8 : memref<2x1x80xi32, #tpu.memory_space<vmem>>)
        %dma_start3A_458 = arith.constant 0 : i32
        %dma_start3A_459 = arith.constant 0 : i32
        %dma_start3A_460 = arith.constant 3 : i32
        %dma_start3A_461 = arith.constant 0 : i32
        %dma_start3A_462 = tpu.memref_slice %arg8[%dma_start3A_458, %dma_start3A_459, %dma_start3A_461] : memref<2x1x80xi32, #tpu.memory_space<vmem>> -> memref<1x1x80xi32, #tpu.memory_space<vmem>>
        %dma_start3A_463 = tpu.memref_squeeze %dma_start3A_462 : memref<1x1x80xi32, #tpu.memory_space<vmem>> -> memref<80xi32, #tpu.memory_space<vmem>>
        %dma_start3A_464 = arith.constant 0 : i32
        %dma_start3A_465 = tpu.memref_slice %arg2[%mul3A_2, %dma_start3A_464] : memref<20480x128xf32, #tpu.memory_space<hbm>> -> memref<10240x128xf32, #tpu.memory_space<hbm>>
        %dma_start3A_466 = arith.constant 0 : i32
        %dma_start3A_467 = arith.constant 0 : i32
        %dma_start3A_468 = tpu.memref_slice %dma_start3A_465[%dma_start3A_466, %dma_start3A_467] : memref<10240x128xf32, #tpu.memory_space<hbm>> -> memref<10240x128xf32, #tpu.memory_space<hbm>>
        %dma_start3A_469 = tpu.memref_slice %arg15[%dma_start3A_460] : memref<4x!tpu.dma_semaphore, #tpu.memory_space<semaphore_mem>> -> memref<1x!tpu.dma_semaphore, #tpu.memory_space<semaphore_mem>>
        %dma_start3A_470 = tpu.memref_squeeze %dma_start3A_469 : memref<1x!tpu.dma_semaphore, #tpu.memory_space<semaphore_mem>> -> memref<!tpu.dma_semaphore, #tpu.memory_space<semaphore_mem>>
        tpu.enqueue_indirect_dma source(%dma_start3A_468 : memref<10240x128xf32, #tpu.memory_space<hbm>>) target(%arg12 : memref<80x128xf32, #tpu.memory_space<vmem>>) offsets(%dma_start3A_463 : memref<80xi32, #tpu.memory_space<vmem>>) semaphore(%dma_start3A_470 : memref<!tpu.dma_semaphore, #tpu.memory_space<semaphore_mem>>)
      } else {
      }
    }
    %scan3A_192 = arith.constant 31 : i32
    %dma_wait3A_193 = arith.constant 0 : i32
    %dma_wait3A_194 = arith.constant 0 : i32
    %dma_wait3A_195 = arith.constant 0 : i32
    %dma_wait3A_196 = arith.constant 0 : i32
    %dma_wait3A_197 = tpu.memref_slice %arg5[%dma_wait3A_193, %dma_wait3A_194, %dma_wait3A_196] : memref<2x1x80xi32, #tpu.memory_space<vmem>> -> memref<1x1x80xi32, #tpu.memory_space<vmem>>
    %dma_wait3A_198 = tpu.memref_squeeze %dma_wait3A_197 : memref<1x1x80xi32, #tpu.memory_space<vmem>> -> memref<80xi32, #tpu.memory_space<vmem>>
    %dma_wait3A_199 = arith.constant 0 : i32
    %dma_wait3A_200 = tpu.memref_slice %arg2[%mul3A_2, %dma_wait3A_199] : memref<20480x128xf32, #tpu.memory_space<hbm>> -> memref<10240x128xf32, #tpu.memory_space<hbm>>
    %dma_wait3A_201 = arith.constant 0 : i32
    %dma_wait3A_202 = arith.constant 0 : i32
    %dma_wait3A_203 = tpu.memref_slice %dma_wait3A_200[%dma_wait3A_201, %dma_wait3A_202] : memref<10240x128xf32, #tpu.memory_space<hbm>> -> memref<10240x128xf32, #tpu.memory_space<hbm>>
    %dma_wait3A_204 = tpu.memref_slice %arg15[%dma_wait3A_195] : memref<4x!tpu.dma_semaphore, #tpu.memory_space<semaphore_mem>> -> memref<1x!tpu.dma_semaphore, #tpu.memory_space<semaphore_mem>>
    %dma_wait3A_205 = tpu.memref_squeeze %dma_wait3A_204 : memref<1x!tpu.dma_semaphore, #tpu.memory_space<semaphore_mem>> -> memref<!tpu.dma_semaphore, #tpu.memory_space<semaphore_mem>>
    tpu.wait_indirect_dma semaphore(%dma_wait3A_205 : memref<!tpu.dma_semaphore, #tpu.memory_space<semaphore_mem>>) src(%dma_wait3A_203 : memref<10240x128xf32, #tpu.memory_space<hbm>>) dst(%arg9 : memref<80x128xf32, #tpu.memory_space<vmem>>)
    %dma_start3A_206 = arith.constant 1 : i32
    %dma_start3A_207 = arith.constant 0 : i32
    %dma_start3A_208 = arith.constant 0 : i32
    %dma_start3A_209 = arith.constant 0 : i32
    %dma_start3A_210 = tpu.memref_slice %arg5[%dma_start3A_206, %dma_start3A_207, %dma_start3A_209] : memref<2x1x80xi32, #tpu.memory_space<vmem>> -> memref<1x1x80xi32, #tpu.memory_space<vmem>>
    %dma_start3A_211 = tpu.memref_squeeze %dma_start3A_210 : memref<1x1x80xi32, #tpu.memory_space<vmem>> -> memref<80xi32, #tpu.memory_space<vmem>>
    %dma_start3A_212 = arith.constant 0 : i32
    %dma_start3A_213 = arith.constant 0 : i32
    %dma_start3A_214 = tpu.memref_slice %arg13[%dma_start3A_212, %dma_start3A_213] : memref<10240x128xf32, #tpu.memory_space<vmem_shared>> -> memref<10240x128xf32, #tpu.memory_space<vmem_shared>>
    %dma_start3A_215 = tpu.memref_slice %arg16[%dma_start3A_208] : memref<4x!tpu.dma_semaphore, #tpu.memory_space<semaphore_mem>> -> memref<1x!tpu.dma_semaphore, #tpu.memory_space<semaphore_mem>>
    %dma_start3A_216 = tpu.memref_squeeze %dma_start3A_215 : memref<1x!tpu.dma_semaphore, #tpu.memory_space<semaphore_mem>> -> memref<!tpu.dma_semaphore, #tpu.memory_space<semaphore_mem>>
    tpu.enqueue_indirect_dma source(%arg9 : memref<80x128xf32, #tpu.memory_space<vmem>>) target(%dma_start3A_214 : memref<10240x128xf32, #tpu.memory_space<vmem_shared>>) offsets(%dma_start3A_211 : memref<80xi32, #tpu.memory_space<vmem>>) semaphore(%dma_start3A_216 : memref<!tpu.dma_semaphore, #tpu.memory_space<semaphore_mem>>) {add = true}
    %dma_wait3A_217 = arith.constant 1 : i32
    %dma_wait3A_218 = arith.constant 0 : i32
    %dma_wait3A_219 = arith.constant 0 : i32
    %dma_wait3A_220 = arith.constant 0 : i32
    %dma_wait3A_221 = tpu.memref_slice %arg5[%dma_wait3A_217, %dma_wait3A_218, %dma_wait3A_220] : memref<2x1x80xi32, #tpu.memory_space<vmem>> -> memref<1x1x80xi32, #tpu.memory_space<vmem>>
    %dma_wait3A_222 = tpu.memref_squeeze %dma_wait3A_221 : memref<1x1x80xi32, #tpu.memory_space<vmem>> -> memref<80xi32, #tpu.memory_space<vmem>>
    %dma_wait3A_223 = arith.constant 0 : i32
    %dma_wait3A_224 = arith.constant 0 : i32
    %dma_wait3A_225 = tpu.memref_slice %arg13[%dma_wait3A_223, %dma_wait3A_224] : memref<10240x128xf32, #tpu.memory_space<vmem_shared>> -> memref<10240x128xf32, #tpu.memory_space<vmem_shared>>
    %dma_wait3A_226 = tpu.memref_slice %arg16[%dma_wait3A_219] : memref<4x!tpu.dma_semaphore, #tpu.memory_space<semaphore_mem>> -> memref<1x!tpu.dma_semaphore, #tpu.memory_space<semaphore_mem>>
    %dma_wait3A_227 = tpu.memref_squeeze %dma_wait3A_226 : memref<1x!tpu.dma_semaphore, #tpu.memory_space<semaphore_mem>> -> memref<!tpu.dma_semaphore, #tpu.memory_space<semaphore_mem>>
    tpu.wait_indirect_dma semaphore(%dma_wait3A_227 : memref<!tpu.dma_semaphore, #tpu.memory_space<semaphore_mem>>) src(%arg9 : memref<80x128xf32, #tpu.memory_space<vmem>>) dst(%dma_wait3A_225 : memref<10240x128xf32, #tpu.memory_space<vmem_shared>>)
    %barrier3A_228 = arith.constant 0 : index
    tpu.barrier barrier_id(%barrier3A_228)
    %add3A_229 = arith.addi %mul3A_2, %mul3A_0 : i32
    "tpu.region"() ({
      %run_scoped3A = tpu.sem_alloc : memref<!tpu.dma_semaphore, #tpu.memory_space<semaphore_mem>>
      %dma_start3A_230 = arith.constant 0 : i32
      %dma_start3A_231 = tpu.memref_slice %arg4[%add3A_229, %dma_start3A_230] : memref<20480x128xf32, #tpu.memory_space<hbm>> -> memref<640x128xf32, #tpu.memory_space<hbm>>
      %dma_start3A_232 = arith.constant 0 : i32
      %dma_start3A_233 = tpu.memref_slice %arg13[%mul3A_0, %dma_start3A_232] : memref<10240x128xf32, #tpu.memory_space<vmem_shared>> -> memref<640x128xf32, #tpu.memory_space<vmem_shared>>
      tpu.enqueue_dma source(%dma_start3A_233 : memref<640x128xf32, #tpu.memory_space<vmem_shared>>) target(%dma_start3A_231 : memref<640x128xf32, #tpu.memory_space<hbm>>) target_semaphore(%run_scoped3A : memref<!tpu.dma_semaphore, #tpu.memory_space<semaphore_mem>>)
      %dma_wait3A_234 = arith.constant 0 : i32
      %dma_wait3A_235 = tpu.memref_slice %arg4[%add3A_229, %dma_wait3A_234] : memref<20480x128xf32, #tpu.memory_space<hbm>> -> memref<640x128xf32, #tpu.memory_space<hbm>>
      %dma_wait3A_236 = arith.constant 0 : i32
      %dma_wait3A_237 = tpu.memref_slice %arg13[%mul3A_0, %dma_wait3A_236] : memref<10240x128xf32, #tpu.memory_space<vmem_shared>> -> memref<640x128xf32, #tpu.memory_space<vmem_shared>>
      tpu.wait_dma2 semaphore(%run_scoped3A : memref<!tpu.dma_semaphore, #tpu.memory_space<semaphore_mem>>) src(%dma_wait3A_237 : memref<640x128xf32, #tpu.memory_space<vmem_shared>>) dst(%dma_wait3A_235 : memref<640x128xf32, #tpu.memory_space<hbm>>)
      tpu.yield
    }) : () -> ()
    return
  }
}

#map = affine_map<(d0, d1) -> (0)>
module attributes {stable_mosaic.version = 14 : i64} {
  func.func @_deg_body(%arg0: i32, %arg1: i32, %arg2: memref<160000xi32, #tpu.memory_space<hbm>>, %arg3: memref<10240xf32, #tpu.memory_space<hbm>>, %arg4: memref<80xi32, #tpu.memory_space<vmem>>, %arg5: memref<80xi32, #tpu.memory_space<vmem>>, %arg6: memref<80xi32, #tpu.memory_space<vmem>>, %arg7: memref<80xi32, #tpu.memory_space<vmem>>, %arg8: memref<80xi32, #tpu.memory_space<vmem>>, %arg9: memref<80xf32, #tpu.memory_space<vmem>>, %arg10: memref<640xf32, #tpu.memory_space<vmem>>, %arg11: memref<10240xf32, #tpu.memory_space<vmem_shared>>, %arg12: memref<5x!tpu.dma_semaphore, #tpu.memory_space<semaphore_mem>>, %arg13: memref<5x!tpu.dma_semaphore, #tpu.memory_space<semaphore_mem>>) attributes {dimension_semantics = [#tpu.dimension_semantics<core_parallel>, #tpu.dimension_semantics<subcore_parallel>], iteration_bounds = array<i64: 2, 16>, scalar_prefetch = 0 : i64, scratch_operands = 10 : i64, tpu.core_type = #tpu.core_type<sc_vector_subcore>, window_params = [{transform_indices = #map}, {transform_indices = #map}]} {
    %eq3A = arith.constant 0 : i32
    %eq3A_0 = arith.cmpi eq, %arg0, %eq3A : i32
    %convert_element_type3A = arith.extui %eq3A_0 : i1 to i32
    %cond3A = arith.constant 0 : i32
    %cond3A_1 = arith.cmpi ne, %convert_element_type3A, %cond3A : i32
    scf.if %cond3A_1 {
      %scan3A = arith.constant 0 : i32
      %scan3A_2 = arith.constant 5 : i32
      %scan3A_3 = arith.addi %scan3A, %scan3A_2 : i32
      %scan3A_4 = arith.constant 1 : i32
      scf.for %scan3A_53 = %scan3A to %scan3A_3 step %scan3A_4  : i32 {
        %mul3A_54 = arith.constant 16 : i32
        %mul3A_55 = arith.muli %scan3A_53, %mul3A_54 : i32
        %add3A_56 = arith.constant 0 : i32
        %add3A_57 = arith.addi %add3A_56, %mul3A_55 : i32
        %broadcast_in_dim3A = arith.constant 1.000000e+00 : f32
        %broadcast_in_dim3A_58 = vector.broadcast %broadcast_in_dim3A : f32 to vector<16xf32>
        %swap3A = arith.index_cast %add3A_57 : i32 to index
        %swap3A_59 = tpu.vector_load %arg9[%swap3A] {strides = array<i32>} : memref<80xf32, #tpu.memory_space<vmem>>, vector<16xf32>,
        %swap3A_60 = vector.shape_cast %swap3A_59 : vector<16xf32> to vector<16xf32>
        %swap3A_61 = vector.shape_cast %broadcast_in_dim3A_58 : vector<16xf32> to vector<16xf32>
        tpu.vector_store %arg9[%swap3A], %swap3A_61 {strides = array<i32>} : memref<80xf32, #tpu.memory_space<vmem>>, vector<16xf32>,
      }
      %scan3A_5 = arith.constant 5 : i32
      %scan3A_6 = arith.constant 0 : i32
      %scan3A_7 = arith.constant 40 : i32
      %scan3A_8 = arith.addi %scan3A_6, %scan3A_7 : i32
      %scan3A_9 = arith.constant 1 : i32
      scf.for %scan3A_53 = %scan3A_6 to %scan3A_8 step %scan3A_9  : i32 {
        %mul3A_54 = arith.constant 16 : i32
        %mul3A_55 = arith.muli %scan3A_53, %mul3A_54 : i32
        %add3A_56 = arith.constant 0 : i32
        %add3A_57 = arith.addi %add3A_56, %mul3A_55 : i32
        %broadcast_in_dim3A = arith.constant 1.000000e+00 : f32
        %broadcast_in_dim3A_58 = vector.broadcast %broadcast_in_dim3A : f32 to vector<16xf32>
        %swap3A = arith.index_cast %add3A_57 : i32 to index
        %swap3A_59 = tpu.vector_load %arg10[%swap3A] {strides = array<i32>} : memref<640xf32, #tpu.memory_space<vmem>>, vector<16xf32>,
        %swap3A_60 = vector.shape_cast %swap3A_59 : vector<16xf32> to vector<16xf32>
        %swap3A_61 = vector.shape_cast %broadcast_in_dim3A_58 : vector<16xf32> to vector<16xf32>
        tpu.vector_store %arg10[%swap3A], %swap3A_61 {strides = array<i32>} : memref<640xf32, #tpu.memory_space<vmem>>, vector<16xf32>,
      }
      %scan3A_10 = arith.constant 40 : i32
      %mul3A = arith.constant 640 : i32
      %mul3A_11 = arith.muli %arg1, %mul3A : i32
      "tpu.region"() ({
        %run_scoped3A = tpu.sem_alloc : memref<!tpu.dma_semaphore, #tpu.memory_space<semaphore_mem>>
        %dma_start3A_53 = tpu.memref_slice %arg11[%mul3A_11] : memref<10240xf32, #tpu.memory_space<vmem_shared>> -> memref<640xf32, #tpu.memory_space<vmem_shared>>
        %dma_start3A_54 = tpu.memref_slice %arg11[%mul3A_11] : memref<10240xf32, #tpu.memory_space<vmem_shared>> -> memref<640xf32, #tpu.memory_space<vmem_shared>>
        tpu.enqueue_dma source(%arg10 : memref<640xf32, #tpu.memory_space<vmem>>) target(%dma_start3A_54 : memref<640xf32, #tpu.memory_space<vmem_shared>>) target_semaphore(%run_scoped3A : memref<!tpu.dma_semaphore, #tpu.memory_space<semaphore_mem>>)
        %dma_wait3A = tpu.memref_slice %arg11[%mul3A_11] : memref<10240xf32, #tpu.memory_space<vmem_shared>> -> memref<640xf32, #tpu.memory_space<vmem_shared>>
        %dma_wait3A_55 = tpu.memref_slice %arg11[%mul3A_11] : memref<10240xf32, #tpu.memory_space<vmem_shared>> -> memref<640xf32, #tpu.memory_space<vmem_shared>>
        tpu.wait_dma2 semaphore(%run_scoped3A : memref<!tpu.dma_semaphore, #tpu.memory_space<semaphore_mem>>) src(%arg10 : memref<640xf32, #tpu.memory_space<vmem>>) dst(%dma_wait3A_55 : memref<640xf32, #tpu.memory_space<vmem_shared>>)
        tpu.yield
      }) : () -> ()
      %barrier3A = arith.constant 0 : index
      tpu.barrier barrier_id(%barrier3A)
      %mul3A_12 = arith.constant 10000 : i32
      %mul3A_13 = arith.muli %arg1, %mul3A_12 : i32
      %add3A = arith.constant 0 : i32
      %add3A_14 = arith.addi %mul3A_13, %add3A : i32
      %dma_start3A = arith.constant 0 : i32
      %dma_start3A_15 = tpu.memref_slice %arg2[%add3A_14] : memref<160000xi32, #tpu.memory_space<hbm>> -> memref<80xi32, #tpu.memory_space<hbm>>
      %dma_start3A_16 = tpu.memref_slice %arg12[%dma_start3A] : memref<5x!tpu.dma_semaphore, #tpu.memory_space<semaphore_mem>> -> memref<1x!tpu.dma_semaphore, #tpu.memory_space<semaphore_mem>>
      %dma_start3A_17 = tpu.memref_squeeze %dma_start3A_16 : memref<1x!tpu.dma_semaphore, #tpu.memory_space<semaphore_mem>> -> memref<!tpu.dma_semaphore, #tpu.memory_space<semaphore_mem>>
      %dma_start3A_18 = tpu.memref_slice %arg2[%add3A_14] : memref<160000xi32, #tpu.memory_space<hbm>> -> memref<80xi32, #tpu.memory_space<hbm>>
      tpu.enqueue_dma source(%dma_start3A_18 : memref<80xi32, #tpu.memory_space<hbm>>) target(%arg4 : memref<80xi32, #tpu.memory_space<vmem>>) target_semaphore(%dma_start3A_17 : memref<!tpu.dma_semaphore, #tpu.memory_space<semaphore_mem>>)
      %add3A_19 = arith.constant 80 : i32
      %add3A_20 = arith.addi %mul3A_13, %add3A_19 : i32
      %dma_start3A_21 = arith.constant 1 : i32
      %dma_start3A_22 = tpu.memref_slice %arg2[%add3A_20] : memref<160000xi32, #tpu.memory_space<hbm>> -> memref<80xi32, #tpu.memory_space<hbm>>
      %dma_start3A_23 = tpu.memref_slice %arg12[%dma_start3A_21] : memref<5x!tpu.dma_semaphore, #tpu.memory_space<semaphore_mem>> -> memref<1x!tpu.dma_semaphore, #tpu.memory_space<semaphore_mem>>
      %dma_start3A_24 = tpu.memref_squeeze %dma_start3A_23 : memref<1x!tpu.dma_semaphore, #tpu.memory_space<semaphore_mem>> -> memref<!tpu.dma_semaphore, #tpu.memory_space<semaphore_mem>>
      %dma_start3A_25 = tpu.memref_slice %arg2[%add3A_20] : memref<160000xi32, #tpu.memory_space<hbm>> -> memref<80xi32, #tpu.memory_space<hbm>>
      tpu.enqueue_dma source(%dma_start3A_25 : memref<80xi32, #tpu.memory_space<hbm>>) target(%arg5 : memref<80xi32, #tpu.memory_space<vmem>>) target_semaphore(%dma_start3A_24 : memref<!tpu.dma_semaphore, #tpu.memory_space<semaphore_mem>>)
      %add3A_26 = arith.constant 160 : i32
      %add3A_27 = arith.addi %mul3A_13, %add3A_26 : i32
      %dma_start3A_28 = arith.constant 2 : i32
      %dma_start3A_29 = tpu.memref_slice %arg2[%add3A_27] : memref<160000xi32, #tpu.memory_space<hbm>> -> memref<80xi32, #tpu.memory_space<hbm>>
      %dma_start3A_30 = tpu.memref_slice %arg12[%dma_start3A_28] : memref<5x!tpu.dma_semaphore, #tpu.memory_space<semaphore_mem>> -> memref<1x!tpu.dma_semaphore, #tpu.memory_space<semaphore_mem>>
      %dma_start3A_31 = tpu.memref_squeeze %dma_start3A_30 : memref<1x!tpu.dma_semaphore, #tpu.memory_space<semaphore_mem>> -> memref<!tpu.dma_semaphore, #tpu.memory_space<semaphore_mem>>
      %dma_start3A_32 = tpu.memref_slice %arg2[%add3A_27] : memref<160000xi32, #tpu.memory_space<hbm>> -> memref<80xi32, #tpu.memory_space<hbm>>
      tpu.enqueue_dma source(%dma_start3A_32 : memref<80xi32, #tpu.memory_space<hbm>>) target(%arg6 : memref<80xi32, #tpu.memory_space<vmem>>) target_semaphore(%dma_start3A_31 : memref<!tpu.dma_semaphore, #tpu.memory_space<semaphore_mem>>)
      %add3A_33 = arith.constant 240 : i32
      %add3A_34 = arith.addi %mul3A_13, %add3A_33 : i32
      %dma_start3A_35 = arith.constant 3 : i32
      %dma_start3A_36 = tpu.memref_slice %arg2[%add3A_34] : memref<160000xi32, #tpu.memory_space<hbm>> -> memref<80xi32, #tpu.memory_space<hbm>>
      %dma_start3A_37 = tpu.memref_slice %arg12[%dma_start3A_35] : memref<5x!tpu.dma_semaphore, #tpu.memory_space<semaphore_mem>> -> memref<1x!tpu.dma_semaphore, #tpu.memory_space<semaphore_mem>>
      %dma_start3A_38 = tpu.memref_squeeze %dma_start3A_37 : memref<1x!tpu.dma_semaphore, #tpu.memory_space<semaphore_mem>> -> memref<!tpu.dma_semaphore, #tpu.memory_space<semaphore_mem>>
      %dma_start3A_39 = tpu.memref_slice %arg2[%add3A_34] : memref<160000xi32, #tpu.memory_space<hbm>> -> memref<80xi32, #tpu.memory_space<hbm>>
      tpu.enqueue_dma source(%dma_start3A_39 : memref<80xi32, #tpu.memory_space<hbm>>) target(%arg7 : memref<80xi32, #tpu.memory_space<vmem>>) target_semaphore(%dma_start3A_38 : memref<!tpu.dma_semaphore, #tpu.memory_space<semaphore_mem>>)
      %add3A_40 = arith.constant 320 : i32
      %add3A_41 = arith.addi %mul3A_13, %add3A_40 : i32
      %dma_start3A_42 = arith.constant 4 : i32
      %dma_start3A_43 = tpu.memref_slice %arg2[%add3A_41] : memref<160000xi32, #tpu.memory_space<hbm>> -> memref<80xi32, #tpu.memory_space<hbm>>
      %dma_start3A_44 = tpu.memref_slice %arg12[%dma_start3A_42] : memref<5x!tpu.dma_semaphore, #tpu.memory_space<semaphore_mem>> -> memref<1x!tpu.dma_semaphore, #tpu.memory_space<semaphore_mem>>
      %dma_start3A_45 = tpu.memref_squeeze %dma_start3A_44 : memref<1x!tpu.dma_semaphore, #tpu.memory_space<semaphore_mem>> -> memref<!tpu.dma_semaphore, #tpu.memory_space<semaphore_mem>>
      %dma_start3A_46 = tpu.memref_slice %arg2[%add3A_41] : memref<160000xi32, #tpu.memory_space<hbm>> -> memref<80xi32, #tpu.memory_space<hbm>>
      tpu.enqueue_dma source(%dma_start3A_46 : memref<80xi32, #tpu.memory_space<hbm>>) target(%arg8 : memref<80xi32, #tpu.memory_space<vmem>>) target_semaphore(%dma_start3A_45 : memref<!tpu.dma_semaphore, #tpu.memory_space<semaphore_mem>>)
      %scan3A_47 = arith.constant 0 : i32
      %scan3A_48 = arith.constant 25 : i32
      %scan3A_49 = arith.addi %scan3A_47, %scan3A_48 : i32
      %scan3A_50 = arith.constant 1 : i32
      scf.for %scan3A_53 = %scan3A_47 to %scan3A_49 step %scan3A_50  : i32 {
        %mul3A_54 = arith.constant 5 : i32
        %mul3A_55 = arith.muli %scan3A_53, %mul3A_54 : i32
        %add3A_56 = arith.constant 0 : i32
        %add3A_57 = arith.addi %add3A_56, %mul3A_55 : i32
        %add3A_58 = arith.constant 0 : i32
        %add3A_59 = arith.addi %add3A_57, %add3A_58 : i32
        %mul3A_60 = arith.constant 80 : i32
        %mul3A_61 = arith.muli %add3A_59, %mul3A_60 : i32
        %add3A_62 = arith.addi %mul3A_13, %mul3A_61 : i32
        %dma_wait3A = arith.constant 0 : i32
        %dma_wait3A_63 = tpu.memref_slice %arg2[%add3A_62] : memref<160000xi32, #tpu.memory_space<hbm>> -> memref<80xi32, #tpu.memory_space<hbm>>
        %dma_wait3A_64 = tpu.memref_slice %arg12[%dma_wait3A] : memref<5x!tpu.dma_semaphore, #tpu.memory_space<semaphore_mem>> -> memref<1x!tpu.dma_semaphore, #tpu.memory_space<semaphore_mem>>
        %dma_wait3A_65 = tpu.memref_squeeze %dma_wait3A_64 : memref<1x!tpu.dma_semaphore, #tpu.memory_space<semaphore_mem>> -> memref<!tpu.dma_semaphore, #tpu.memory_space<semaphore_mem>>
        %dma_wait3A_66 = tpu.memref_slice %arg2[%add3A_62] : memref<160000xi32, #tpu.memory_space<hbm>> -> memref<80xi32, #tpu.memory_space<hbm>>
        tpu.wait_dma2 semaphore(%dma_wait3A_65 : memref<!tpu.dma_semaphore, #tpu.memory_space<semaphore_mem>>) src(%dma_wait3A_66 : memref<80xi32, #tpu.memory_space<hbm>>) dst(%arg4 : memref<80xi32, #tpu.memory_space<vmem>>)
        %dma_start3A_67 = arith.constant 0 : i32
        %dma_start3A_68 = arith.constant 0 : i32
        %dma_start3A_69 = tpu.memref_slice %arg11[%dma_start3A_68] : memref<10240xf32, #tpu.memory_space<vmem_shared>> -> memref<10240xf32, #tpu.memory_space<vmem_shared>>
        %dma_start3A_70 = tpu.memref_slice %arg13[%dma_start3A_67] : memref<5x!tpu.dma_semaphore, #tpu.memory_space<semaphore_mem>> -> memref<1x!tpu.dma_semaphore, #tpu.memory_space<semaphore_mem>>
        %dma_start3A_71 = tpu.memref_squeeze %dma_start3A_70 : memref<1x!tpu.dma_semaphore, #tpu.memory_space<semaphore_mem>> -> memref<!tpu.dma_semaphore, #tpu.memory_space<semaphore_mem>>
        tpu.enqueue_indirect_dma source(%arg9 : memref<80xf32, #tpu.memory_space<vmem>>) target(%dma_start3A_69 : memref<10240xf32, #tpu.memory_space<vmem_shared>>) offsets(%arg4 : memref<80xi32, #tpu.memory_space<vmem>>) semaphore(%dma_start3A_71 : memref<!tpu.dma_semaphore, #tpu.memory_space<semaphore_mem>>) {add = true}
        %add3A_72 = arith.constant 1 : i32
        %add3A_73 = arith.addi %add3A_57, %add3A_72 : i32
        %mul3A_74 = arith.constant 80 : i32
        %mul3A_75 = arith.muli %add3A_73, %mul3A_74 : i32
        %add3A_76 = arith.addi %mul3A_13, %mul3A_75 : i32
        %dma_wait3A_77 = arith.constant 1 : i32
        %dma_wait3A_78 = tpu.memref_slice %arg2[%add3A_76] : memref<160000xi32, #tpu.memory_space<hbm>> -> memref<80xi32, #tpu.memory_space<hbm>>
        %dma_wait3A_79 = tpu.memref_slice %arg12[%dma_wait3A_77] : memref<5x!tpu.dma_semaphore, #tpu.memory_space<semaphore_mem>> -> memref<1x!tpu.dma_semaphore, #tpu.memory_space<semaphore_mem>>
        %dma_wait3A_80 = tpu.memref_squeeze %dma_wait3A_79 : memref<1x!tpu.dma_semaphore, #tpu.memory_space<semaphore_mem>> -> memref<!tpu.dma_semaphore, #tpu.memory_space<semaphore_mem>>
        %dma_wait3A_81 = tpu.memref_slice %arg2[%add3A_76] : memref<160000xi32, #tpu.memory_space<hbm>> -> memref<80xi32, #tpu.memory_space<hbm>>
        tpu.wait_dma2 semaphore(%dma_wait3A_80 : memref<!tpu.dma_semaphore, #tpu.memory_space<semaphore_mem>>) src(%dma_wait3A_81 : memref<80xi32, #tpu.memory_space<hbm>>) dst(%arg5 : memref<80xi32, #tpu.memory_space<vmem>>)
        %dma_start3A_82 = arith.constant 1 : i32
        %dma_start3A_83 = arith.constant 0 : i32
        %dma_start3A_84 = tpu.memref_slice %arg11[%dma_start3A_83] : memref<10240xf32, #tpu.memory_space<vmem_shared>> -> memref<10240xf32, #tpu.memory_space<vmem_shared>>
        %dma_start3A_85 = tpu.memref_slice %arg13[%dma_start3A_82] : memref<5x!tpu.dma_semaphore, #tpu.memory_space<semaphore_mem>> -> memref<1x!tpu.dma_semaphore, #tpu.memory_space<semaphore_mem>>
        %dma_start3A_86 = tpu.memref_squeeze %dma_start3A_85 : memref<1x!tpu.dma_semaphore, #tpu.memory_space<semaphore_mem>> -> memref<!tpu.dma_semaphore, #tpu.memory_space<semaphore_mem>>
        tpu.enqueue_indirect_dma source(%arg9 : memref<80xf32, #tpu.memory_space<vmem>>) target(%dma_start3A_84 : memref<10240xf32, #tpu.memory_space<vmem_shared>>) offsets(%arg5 : memref<80xi32, #tpu.memory_space<vmem>>) semaphore(%dma_start3A_86 : memref<!tpu.dma_semaphore, #tpu.memory_space<semaphore_mem>>) {add = true}
        %add3A_87 = arith.constant 2 : i32
        %add3A_88 = arith.addi %add3A_57, %add3A_87 : i32
        %mul3A_89 = arith.constant 80 : i32
        %mul3A_90 = arith.muli %add3A_88, %mul3A_89 : i32
        %add3A_91 = arith.addi %mul3A_13, %mul3A_90 : i32
        %dma_wait3A_92 = arith.constant 2 : i32
        %dma_wait3A_93 = tpu.memref_slice %arg2[%add3A_91] : memref<160000xi32, #tpu.memory_space<hbm>> -> memref<80xi32, #tpu.memory_space<hbm>>
        %dma_wait3A_94 = tpu.memref_slice %arg12[%dma_wait3A_92] : memref<5x!tpu.dma_semaphore, #tpu.memory_space<semaphore_mem>> -> memref<1x!tpu.dma_semaphore, #tpu.memory_space<semaphore_mem>>
        %dma_wait3A_95 = tpu.memref_squeeze %dma_wait3A_94 : memref<1x!tpu.dma_semaphore, #tpu.memory_space<semaphore_mem>> -> memref<!tpu.dma_semaphore, #tpu.memory_space<semaphore_mem>>
        %dma_wait3A_96 = tpu.memref_slice %arg2[%add3A_91] : memref<160000xi32, #tpu.memory_space<hbm>> -> memref<80xi32, #tpu.memory_space<hbm>>
        tpu.wait_dma2 semaphore(%dma_wait3A_95 : memref<!tpu.dma_semaphore, #tpu.memory_space<semaphore_mem>>) src(%dma_wait3A_96 : memref<80xi32, #tpu.memory_space<hbm>>) dst(%arg6 : memref<80xi32, #tpu.memory_space<vmem>>)
        %dma_start3A_97 = arith.constant 2 : i32
        %dma_start3A_98 = arith.constant 0 : i32
        %dma_start3A_99 = tpu.memref_slice %arg11[%dma_start3A_98] : memref<10240xf32, #tpu.memory_space<vmem_shared>> -> memref<10240xf32, #tpu.memory_space<vmem_shared>>
        %dma_start3A_100 = tpu.memref_slice %arg13[%dma_start3A_97] : memref<5x!tpu.dma_semaphore, #tpu.memory_space<semaphore_mem>> -> memref<1x!tpu.dma_semaphore, #tpu.memory_space<semaphore_mem>>
        %dma_start3A_101 = tpu.memref_squeeze %dma_start3A_100 : memref<1x!tpu.dma_semaphore, #tpu.memory_space<semaphore_mem>> -> memref<!tpu.dma_semaphore, #tpu.memory_space<semaphore_mem>>
        tpu.enqueue_indirect_dma source(%arg9 : memref<80xf32, #tpu.memory_space<vmem>>) target(%dma_start3A_99 : memref<10240xf32, #tpu.memory_space<vmem_shared>>) offsets(%arg6 : memref<80xi32, #tpu.memory_space<vmem>>) semaphore(%dma_start3A_101 : memref<!tpu.dma_semaphore, #tpu.memory_space<semaphore_mem>>) {add = true}
        %add3A_102 = arith.constant 3 : i32
        %add3A_103 = arith.addi %add3A_57, %add3A_102 : i32
        %mul3A_104 = arith.constant 80 : i32
        %mul3A_105 = arith.muli %add3A_103, %mul3A_104 : i32
        %add3A_106 = arith.addi %mul3A_13, %mul3A_105 : i32
        %dma_wait3A_107 = arith.constant 3 : i32
        %dma_wait3A_108 = tpu.memref_slice %arg2[%add3A_106] : memref<160000xi32, #tpu.memory_space<hbm>> -> memref<80xi32, #tpu.memory_space<hbm>>
        %dma_wait3A_109 = tpu.memref_slice %arg12[%dma_wait3A_107] : memref<5x!tpu.dma_semaphore, #tpu.memory_space<semaphore_mem>> -> memref<1x!tpu.dma_semaphore, #tpu.memory_space<semaphore_mem>>
        %dma_wait3A_110 = tpu.memref_squeeze %dma_wait3A_109 : memref<1x!tpu.dma_semaphore, #tpu.memory_space<semaphore_mem>> -> memref<!tpu.dma_semaphore, #tpu.memory_space<semaphore_mem>>
        %dma_wait3A_111 = tpu.memref_slice %arg2[%add3A_106] : memref<160000xi32, #tpu.memory_space<hbm>> -> memref<80xi32, #tpu.memory_space<hbm>>
        tpu.wait_dma2 semaphore(%dma_wait3A_110 : memref<!tpu.dma_semaphore, #tpu.memory_space<semaphore_mem>>) src(%dma_wait3A_111 : memref<80xi32, #tpu.memory_space<hbm>>) dst(%arg7 : memref<80xi32, #tpu.memory_space<vmem>>)
        %dma_start3A_112 = arith.constant 3 : i32
        %dma_start3A_113 = arith.constant 0 : i32
        %dma_start3A_114 = tpu.memref_slice %arg11[%dma_start3A_113] : memref<10240xf32, #tpu.memory_space<vmem_shared>> -> memref<10240xf32, #tpu.memory_space<vmem_shared>>
        %dma_start3A_115 = tpu.memref_slice %arg13[%dma_start3A_112] : memref<5x!tpu.dma_semaphore, #tpu.memory_space<semaphore_mem>> -> memref<1x!tpu.dma_semaphore, #tpu.memory_space<semaphore_mem>>
        %dma_start3A_116 = tpu.memref_squeeze %dma_start3A_115 : memref<1x!tpu.dma_semaphore, #tpu.memory_space<semaphore_mem>> -> memref<!tpu.dma_semaphore, #tpu.memory_space<semaphore_mem>>
        tpu.enqueue_indirect_dma source(%arg9 : memref<80xf32, #tpu.memory_space<vmem>>) target(%dma_start3A_114 : memref<10240xf32, #tpu.memory_space<vmem_shared>>) offsets(%arg7 : memref<80xi32, #tpu.memory_space<vmem>>) semaphore(%dma_start3A_116 : memref<!tpu.dma_semaphore, #tpu.memory_space<semaphore_mem>>) {add = true}
        %add3A_117 = arith.constant 4 : i32
        %add3A_118 = arith.addi %add3A_57, %add3A_117 : i32
        %mul3A_119 = arith.constant 80 : i32
        %mul3A_120 = arith.muli %add3A_118, %mul3A_119 : i32
        %add3A_121 = arith.addi %mul3A_13, %mul3A_120 : i32
        %dma_wait3A_122 = arith.constant 4 : i32
        %dma_wait3A_123 = tpu.memref_slice %arg2[%add3A_121] : memref<160000xi32, #tpu.memory_space<hbm>> -> memref<80xi32, #tpu.memory_space<hbm>>
        %dma_wait3A_124 = tpu.memref_slice %arg12[%dma_wait3A_122] : memref<5x!tpu.dma_semaphore, #tpu.memory_space<semaphore_mem>> -> memref<1x!tpu.dma_semaphore, #tpu.memory_space<semaphore_mem>>
        %dma_wait3A_125 = tpu.memref_squeeze %dma_wait3A_124 : memref<1x!tpu.dma_semaphore, #tpu.memory_space<semaphore_mem>> -> memref<!tpu.dma_semaphore, #tpu.memory_space<semaphore_mem>>
        %dma_wait3A_126 = tpu.memref_slice %arg2[%add3A_121] : memref<160000xi32, #tpu.memory_space<hbm>> -> memref<80xi32, #tpu.memory_space<hbm>>
        tpu.wait_dma2 semaphore(%dma_wait3A_125 : memref<!tpu.dma_semaphore, #tpu.memory_space<semaphore_mem>>) src(%dma_wait3A_126 : memref<80xi32, #tpu.memory_space<hbm>>) dst(%arg8 : memref<80xi32, #tpu.memory_space<vmem>>)
        %dma_start3A_127 = arith.constant 4 : i32
        %dma_start3A_128 = arith.constant 0 : i32
        %dma_start3A_129 = tpu.memref_slice %arg11[%dma_start3A_128] : memref<10240xf32, #tpu.memory_space<vmem_shared>> -> memref<10240xf32, #tpu.memory_space<vmem_shared>>
        %dma_start3A_130 = tpu.memref_slice %arg13[%dma_start3A_127] : memref<5x!tpu.dma_semaphore, #tpu.memory_space<semaphore_mem>> -> memref<1x!tpu.dma_semaphore, #tpu.memory_space<semaphore_mem>>
        %dma_start3A_131 = tpu.memref_squeeze %dma_start3A_130 : memref<1x!tpu.dma_semaphore, #tpu.memory_space<semaphore_mem>> -> memref<!tpu.dma_semaphore, #tpu.memory_space<semaphore_mem>>
        tpu.enqueue_indirect_dma source(%arg9 : memref<80xf32, #tpu.memory_space<vmem>>) target(%dma_start3A_129 : memref<10240xf32, #tpu.memory_space<vmem_shared>>) offsets(%arg8 : memref<80xi32, #tpu.memory_space<vmem>>) semaphore(%dma_start3A_131 : memref<!tpu.dma_semaphore, #tpu.memory_space<semaphore_mem>>) {add = true}
        %dma_wait3A_132 = arith.constant 0 : i32
        %dma_wait3A_133 = arith.constant 0 : i32
        %dma_wait3A_134 = tpu.memref_slice %arg11[%dma_wait3A_133] : memref<10240xf32, #tpu.memory_space<vmem_shared>> -> memref<10240xf32, #tpu.memory_space<vmem_shared>>
        %dma_wait3A_135 = tpu.memref_slice %arg13[%dma_wait3A_132] : memref<5x!tpu.dma_semaphore, #tpu.memory_space<semaphore_mem>> -> memref<1x!tpu.dma_semaphore, #tpu.memory_space<semaphore_mem>>
        %dma_wait3A_136 = tpu.memref_squeeze %dma_wait3A_135 : memref<1x!tpu.dma_semaphore, #tpu.memory_space<semaphore_mem>> -> memref<!tpu.dma_semaphore, #tpu.memory_space<semaphore_mem>>
        tpu.wait_indirect_dma semaphore(%dma_wait3A_136 : memref<!tpu.dma_semaphore, #tpu.memory_space<semaphore_mem>>) src(%arg9 : memref<80xf32, #tpu.memory_space<vmem>>) dst(%dma_wait3A_134 : memref<10240xf32, #tpu.memory_space<vmem_shared>>)
        %add3A_137 = arith.constant 0 : i32
        %add3A_138 = arith.addi %add3A_57, %add3A_137 : i32
        %add3A_139 = arith.constant 5 : i32
        %add3A_140 = arith.addi %add3A_138, %add3A_139 : i32
        %lt3A = arith.constant 125 : i32
        %lt3A_141 = arith.cmpi slt, %add3A_140, %lt3A : i32
        %convert_element_type3A_142 = arith.extui %lt3A_141 : i1 to i32
        %cond3A_143 = arith.constant 0 : i32
        %cond3A_144 = arith.cmpi ne, %convert_element_type3A_142, %cond3A_143 : i32
        scf.if %cond3A_144 {
          %mul3A_201 = arith.constant 80 : i32
          %mul3A_202 = arith.muli %add3A_140, %mul3A_201 : i32
          %add3A_203 = arith.addi %mul3A_13, %mul3A_202 : i32
          %dma_start3A_204 = arith.constant 0 : i32
          %dma_start3A_205 = tpu.memref_slice %arg2[%add3A_203] : memref<160000xi32, #tpu.memory_space<hbm>> -> memref<80xi32, #tpu.memory_space<hbm>>
          %dma_start3A_206 = tpu.memref_slice %arg12[%dma_start3A_204] : memref<5x!tpu.dma_semaphore, #tpu.memory_space<semaphore_mem>> -> memref<1x!tpu.dma_semaphore, #tpu.memory_space<semaphore_mem>>
          %dma_start3A_207 = tpu.memref_squeeze %dma_start3A_206 : memref<1x!tpu.dma_semaphore, #tpu.memory_space<semaphore_mem>> -> memref<!tpu.dma_semaphore, #tpu.memory_space<semaphore_mem>>
          %dma_start3A_208 = tpu.memref_slice %arg2[%add3A_203] : memref<160000xi32, #tpu.memory_space<hbm>> -> memref<80xi32, #tpu.memory_space<hbm>>
          tpu.enqueue_dma source(%dma_start3A_208 : memref<80xi32, #tpu.memory_space<hbm>>) target(%arg4 : memref<80xi32, #tpu.memory_space<vmem>>) target_semaphore(%dma_start3A_207 : memref<!tpu.dma_semaphore, #tpu.memory_space<semaphore_mem>>)
        } else {
        }
        %dma_wait3A_145 = arith.constant 1 : i32
        %dma_wait3A_146 = arith.constant 0 : i32
        %dma_wait3A_147 = tpu.memref_slice %arg11[%dma_wait3A_146] : memref<10240xf32, #tpu.memory_space<vmem_shared>> -> memref<10240xf32, #tpu.memory_space<vmem_shared>>
        %dma_wait3A_148 = tpu.memref_slice %arg13[%dma_wait3A_145] : memref<5x!tpu.dma_semaphore, #tpu.memory_space<semaphore_mem>> -> memref<1x!tpu.dma_semaphore, #tpu.memory_space<semaphore_mem>>
        %dma_wait3A_149 = tpu.memref_squeeze %dma_wait3A_148 : memref<1x!tpu.dma_semaphore, #tpu.memory_space<semaphore_mem>> -> memref<!tpu.dma_semaphore, #tpu.memory_space<semaphore_mem>>
        tpu.wait_indirect_dma semaphore(%dma_wait3A_149 : memref<!tpu.dma_semaphore, #tpu.memory_space<semaphore_mem>>) src(%arg9 : memref<80xf32, #tpu.memory_space<vmem>>) dst(%dma_wait3A_147 : memref<10240xf32, #tpu.memory_space<vmem_shared>>)
        %add3A_150 = arith.constant 1 : i32
        %add3A_151 = arith.addi %add3A_57, %add3A_150 : i32
        %add3A_152 = arith.constant 5 : i32
        %add3A_153 = arith.addi %add3A_151, %add3A_152 : i32
        %lt3A_154 = arith.constant 125 : i32
        %lt3A_155 = arith.cmpi slt, %add3A_153, %lt3A_154 : i32
        %convert_element_type3A_156 = arith.extui %lt3A_155 : i1 to i32
        %cond3A_157 = arith.constant 0 : i32
        %cond3A_158 = arith.cmpi ne, %convert_element_type3A_156, %cond3A_157 : i32
        scf.if %cond3A_158 {
          %mul3A_201 = arith.constant 80 : i32
          %mul3A_202 = arith.muli %add3A_153, %mul3A_201 : i32
          %add3A_203 = arith.addi %mul3A_13, %mul3A_202 : i32
          %dma_start3A_204 = arith.constant 1 : i32
          %dma_start3A_205 = tpu.memref_slice %arg2[%add3A_203] : memref<160000xi32, #tpu.memory_space<hbm>> -> memref<80xi32, #tpu.memory_space<hbm>>
          %dma_start3A_206 = tpu.memref_slice %arg12[%dma_start3A_204] : memref<5x!tpu.dma_semaphore, #tpu.memory_space<semaphore_mem>> -> memref<1x!tpu.dma_semaphore, #tpu.memory_space<semaphore_mem>>
          %dma_start3A_207 = tpu.memref_squeeze %dma_start3A_206 : memref<1x!tpu.dma_semaphore, #tpu.memory_space<semaphore_mem>> -> memref<!tpu.dma_semaphore, #tpu.memory_space<semaphore_mem>>
          %dma_start3A_208 = tpu.memref_slice %arg2[%add3A_203] : memref<160000xi32, #tpu.memory_space<hbm>> -> memref<80xi32, #tpu.memory_space<hbm>>
          tpu.enqueue_dma source(%dma_start3A_208 : memref<80xi32, #tpu.memory_space<hbm>>) target(%arg5 : memref<80xi32, #tpu.memory_space<vmem>>) target_semaphore(%dma_start3A_207 : memref<!tpu.dma_semaphore, #tpu.memory_space<semaphore_mem>>)
        } else {
        }
        %dma_wait3A_159 = arith.constant 2 : i32
        %dma_wait3A_160 = arith.constant 0 : i32
        %dma_wait3A_161 = tpu.memref_slice %arg11[%dma_wait3A_160] : memref<10240xf32, #tpu.memory_space<vmem_shared>> -> memref<10240xf32, #tpu.memory_space<vmem_shared>>
        %dma_wait3A_162 = tpu.memref_slice %arg13[%dma_wait3A_159] : memref<5x!tpu.dma_semaphore, #tpu.memory_space<semaphore_mem>> -> memref<1x!tpu.dma_semaphore, #tpu.memory_space<semaphore_mem>>
        %dma_wait3A_163 = tpu.memref_squeeze %dma_wait3A_162 : memref<1x!tpu.dma_semaphore, #tpu.memory_space<semaphore_mem>> -> memref<!tpu.dma_semaphore, #tpu.memory_space<semaphore_mem>>
        tpu.wait_indirect_dma semaphore(%dma_wait3A_163 : memref<!tpu.dma_semaphore, #tpu.memory_space<semaphore_mem>>) src(%arg9 : memref<80xf32, #tpu.memory_space<vmem>>) dst(%dma_wait3A_161 : memref<10240xf32, #tpu.memory_space<vmem_shared>>)
        %add3A_164 = arith.constant 2 : i32
        %add3A_165 = arith.addi %add3A_57, %add3A_164 : i32
        %add3A_166 = arith.constant 5 : i32
        %add3A_167 = arith.addi %add3A_165, %add3A_166 : i32
        %lt3A_168 = arith.constant 125 : i32
        %lt3A_169 = arith.cmpi slt, %add3A_167, %lt3A_168 : i32
        %convert_element_type3A_170 = arith.extui %lt3A_169 : i1 to i32
        %cond3A_171 = arith.constant 0 : i32
        %cond3A_172 = arith.cmpi ne, %convert_element_type3A_170, %cond3A_171 : i32
        scf.if %cond3A_172 {
          %mul3A_201 = arith.constant 80 : i32
          %mul3A_202 = arith.muli %add3A_167, %mul3A_201 : i32
          %add3A_203 = arith.addi %mul3A_13, %mul3A_202 : i32
          %dma_start3A_204 = arith.constant 2 : i32
          %dma_start3A_205 = tpu.memref_slice %arg2[%add3A_203] : memref<160000xi32, #tpu.memory_space<hbm>> -> memref<80xi32, #tpu.memory_space<hbm>>
          %dma_start3A_206 = tpu.memref_slice %arg12[%dma_start3A_204] : memref<5x!tpu.dma_semaphore, #tpu.memory_space<semaphore_mem>> -> memref<1x!tpu.dma_semaphore, #tpu.memory_space<semaphore_mem>>
          %dma_start3A_207 = tpu.memref_squeeze %dma_start3A_206 : memref<1x!tpu.dma_semaphore, #tpu.memory_space<semaphore_mem>> -> memref<!tpu.dma_semaphore, #tpu.memory_space<semaphore_mem>>
          %dma_start3A_208 = tpu.memref_slice %arg2[%add3A_203] : memref<160000xi32, #tpu.memory_space<hbm>> -> memref<80xi32, #tpu.memory_space<hbm>>
          tpu.enqueue_dma source(%dma_start3A_208 : memref<80xi32, #tpu.memory_space<hbm>>) target(%arg6 : memref<80xi32, #tpu.memory_space<vmem>>) target_semaphore(%dma_start3A_207 : memref<!tpu.dma_semaphore, #tpu.memory_space<semaphore_mem>>)
        } else {
        }
        %dma_wait3A_173 = arith.constant 3 : i32
        %dma_wait3A_174 = arith.constant 0 : i32
        %dma_wait3A_175 = tpu.memref_slice %arg11[%dma_wait3A_174] : memref<10240xf32, #tpu.memory_space<vmem_shared>> -> memref<10240xf32, #tpu.memory_space<vmem_shared>>
        %dma_wait3A_176 = tpu.memref_slice %arg13[%dma_wait3A_173] : memref<5x!tpu.dma_semaphore, #tpu.memory_space<semaphore_mem>> -> memref<1x!tpu.dma_semaphore, #tpu.memory_space<semaphore_mem>>
        %dma_wait3A_177 = tpu.memref_squeeze %dma_wait3A_176 : memref<1x!tpu.dma_semaphore, #tpu.memory_space<semaphore_mem>> -> memref<!tpu.dma_semaphore, #tpu.memory_space<semaphore_mem>>
        tpu.wait_indirect_dma semaphore(%dma_wait3A_177 : memref<!tpu.dma_semaphore, #tpu.memory_space<semaphore_mem>>) src(%arg9 : memref<80xf32, #tpu.memory_space<vmem>>) dst(%dma_wait3A_175 : memref<10240xf32, #tpu.memory_space<vmem_shared>>)
        %add3A_178 = arith.constant 3 : i32
        %add3A_179 = arith.addi %add3A_57, %add3A_178 : i32
        %add3A_180 = arith.constant 5 : i32
        %add3A_181 = arith.addi %add3A_179, %add3A_180 : i32
        %lt3A_182 = arith.constant 125 : i32
        %lt3A_183 = arith.cmpi slt, %add3A_181, %lt3A_182 : i32
        %convert_element_type3A_184 = arith.extui %lt3A_183 : i1 to i32
        %cond3A_185 = arith.constant 0 : i32
        %cond3A_186 = arith.cmpi ne, %convert_element_type3A_184, %cond3A_185 : i32
        scf.if %cond3A_186 {
          %mul3A_201 = arith.constant 80 : i32
          %mul3A_202 = arith.muli %add3A_181, %mul3A_201 : i32
          %add3A_203 = arith.addi %mul3A_13, %mul3A_202 : i32
          %dma_start3A_204 = arith.constant 3 : i32
          %dma_start3A_205 = tpu.memref_slice %arg2[%add3A_203] : memref<160000xi32, #tpu.memory_space<hbm>> -> memref<80xi32, #tpu.memory_space<hbm>>
          %dma_start3A_206 = tpu.memref_slice %arg12[%dma_start3A_204] : memref<5x!tpu.dma_semaphore, #tpu.memory_space<semaphore_mem>> -> memref<1x!tpu.dma_semaphore, #tpu.memory_space<semaphore_mem>>
          %dma_start3A_207 = tpu.memref_squeeze %dma_start3A_206 : memref<1x!tpu.dma_semaphore, #tpu.memory_space<semaphore_mem>> -> memref<!tpu.dma_semaphore, #tpu.memory_space<semaphore_mem>>
          %dma_start3A_208 = tpu.memref_slice %arg2[%add3A_203] : memref<160000xi32, #tpu.memory_space<hbm>> -> memref<80xi32, #tpu.memory_space<hbm>>
          tpu.enqueue_dma source(%dma_start3A_208 : memref<80xi32, #tpu.memory_space<hbm>>) target(%arg7 : memref<80xi32, #tpu.memory_space<vmem>>) target_semaphore(%dma_start3A_207 : memref<!tpu.dma_semaphore, #tpu.memory_space<semaphore_mem>>)
        } else {
        }
        %dma_wait3A_187 = arith.constant 4 : i32
        %dma_wait3A_188 = arith.constant 0 : i32
        %dma_wait3A_189 = tpu.memref_slice %arg11[%dma_wait3A_188] : memref<10240xf32, #tpu.memory_space<vmem_shared>> -> memref<10240xf32, #tpu.memory_space<vmem_shared>>
        %dma_wait3A_190 = tpu.memref_slice %arg13[%dma_wait3A_187] : memref<5x!tpu.dma_semaphore, #tpu.memory_space<semaphore_mem>> -> memref<1x!tpu.dma_semaphore, #tpu.memory_space<semaphore_mem>>
        %dma_wait3A_191 = tpu.memref_squeeze %dma_wait3A_190 : memref<1x!tpu.dma_semaphore, #tpu.memory_space<semaphore_mem>> -> memref<!tpu.dma_semaphore, #tpu.memory_space<semaphore_mem>>
        tpu.wait_indirect_dma semaphore(%dma_wait3A_191 : memref<!tpu.dma_semaphore, #tpu.memory_space<semaphore_mem>>) src(%arg9 : memref<80xf32, #tpu.memory_space<vmem>>) dst(%dma_wait3A_189 : memref<10240xf32, #tpu.memory_space<vmem_shared>>)
        %add3A_192 = arith.constant 4 : i32
        %add3A_193 = arith.addi %add3A_57, %add3A_192 : i32
        %add3A_194 = arith.constant 5 : i32
        %add3A_195 = arith.addi %add3A_193, %add3A_194 : i32
        %lt3A_196 = arith.constant 125 : i32
        %lt3A_197 = arith.cmpi slt, %add3A_195, %lt3A_196 : i32
        %convert_element_type3A_198 = arith.extui %lt3A_197 : i1 to i32
        %cond3A_199 = arith.constant 0 : i32
        %cond3A_200 = arith.cmpi ne, %convert_element_type3A_198, %cond3A_199 : i32
        scf.if %cond3A_200 {
          %mul3A_201 = arith.constant 80 : i32
          %mul3A_202 = arith.muli %add3A_195, %mul3A_201 : i32
          %add3A_203 = arith.addi %mul3A_13, %mul3A_202 : i32
          %dma_start3A_204 = arith.constant 4 : i32
          %dma_start3A_205 = tpu.memref_slice %arg2[%add3A_203] : memref<160000xi32, #tpu.memory_space<hbm>> -> memref<80xi32, #tpu.memory_space<hbm>>
          %dma_start3A_206 = tpu.memref_slice %arg12[%dma_start3A_204] : memref<5x!tpu.dma_semaphore, #tpu.memory_space<semaphore_mem>> -> memref<1x!tpu.dma_semaphore, #tpu.memory_space<semaphore_mem>>
          %dma_start3A_207 = tpu.memref_squeeze %dma_start3A_206 : memref<1x!tpu.dma_semaphore, #tpu.memory_space<semaphore_mem>> -> memref<!tpu.dma_semaphore, #tpu.memory_space<semaphore_mem>>
          %dma_start3A_208 = tpu.memref_slice %arg2[%add3A_203] : memref<160000xi32, #tpu.memory_space<hbm>> -> memref<80xi32, #tpu.memory_space<hbm>>
          tpu.enqueue_dma source(%dma_start3A_208 : memref<80xi32, #tpu.memory_space<hbm>>) target(%arg8 : memref<80xi32, #tpu.memory_space<vmem>>) target_semaphore(%dma_start3A_207 : memref<!tpu.dma_semaphore, #tpu.memory_space<semaphore_mem>>)
        } else {
        }
      }
      %scan3A_51 = arith.constant 25 : i32
      %barrier3A_52 = arith.constant 0 : index
      tpu.barrier barrier_id(%barrier3A_52)
      "tpu.region"() ({
        %run_scoped3A = tpu.sem_alloc : memref<!tpu.dma_semaphore, #tpu.memory_space<semaphore_mem>>
        %dma_start3A_53 = tpu.memref_slice %arg3[%mul3A_11] : memref<10240xf32, #tpu.memory_space<hbm>> -> memref<640xf32, #tpu.memory_space<hbm>>
        %dma_start3A_54 = tpu.memref_slice %arg11[%mul3A_11] : memref<10240xf32, #tpu.memory_space<vmem_shared>> -> memref<640xf32, #tpu.memory_space<vmem_shared>>
        tpu.enqueue_dma source(%dma_start3A_54 : memref<640xf32, #tpu.memory_space<vmem_shared>>) target(%dma_start3A_53 : memref<640xf32, #tpu.memory_space<hbm>>) target_semaphore(%run_scoped3A : memref<!tpu.dma_semaphore, #tpu.memory_space<semaphore_mem>>)
        %dma_wait3A = tpu.memref_slice %arg3[%mul3A_11] : memref<10240xf32, #tpu.memory_space<hbm>> -> memref<640xf32, #tpu.memory_space<hbm>>
        %dma_wait3A_55 = tpu.memref_slice %arg11[%mul3A_11] : memref<10240xf32, #tpu.memory_space<vmem_shared>> -> memref<640xf32, #tpu.memory_space<vmem_shared>>
        tpu.wait_dma2 semaphore(%run_scoped3A : memref<!tpu.dma_semaphore, #tpu.memory_space<semaphore_mem>>) src(%dma_wait3A_55 : memref<640xf32, #tpu.memory_space<vmem_shared>>) dst(%dma_wait3A : memref<640xf32, #tpu.memory_space<hbm>>)
        tpu.yield
      }) : () -> ()
    } else {
    }
    return
  }
}

module attributes {stable_mosaic.version = 14 : i64} {
  func.func @_mm_in_body(%arg0: i32, %arg1: memref<1000x256xf32, #tpu.memory_space<vmem>>, %arg2: memref<256x256xf32, #tpu.memory_space<vmem>>, %arg3: memref<1000x1xf32, #tpu.memory_space<vmem>>, %arg4: memref<2x1000x128xf32, #tpu.memory_space<vmem>>) attributes {dimension_semantics = [#tpu.dimension_semantics<arbitrary>], iteration_bounds = array<i64: 10>, scalar_prefetch = 0 : i64, scratch_operands = 0 : i64, tpu.core_type = #tpu.core_type<tc>, window_params = [{transform_indices = @transform_0, window_bounds = array<i64: 1000, 256>}, {pipeline_mode = #tpu.pipeline_mode<synchronous>, transform_indices = @transform_1, window_bounds = array<i64: 256, 256>}, {transform_indices = @transform_2, window_bounds = array<i64: 1000, 1>}, {transform_indices = @transform_3, window_bounds = array<i64: 2, 1000, 128>}]} {
    %get3A = arith.constant 0 : index
    %get3A_0 = arith.constant 0 : index
    %get3A_1 = vector.load %arg3[%get3A, %get3A_0] : memref<1000x1xf32, #tpu.memory_space<vmem>>, vector<1000x1xf32>
    %rsqrt3A = math.rsqrt %get3A_1 : vector<1000x1xf32>
    %get3A_2 = arith.constant 0 : index
    %get3A_3 = arith.constant 0 : index
    %get3A_4 = vector.load %arg1[%get3A_2, %get3A_3] : memref<1000x256xf32, #tpu.memory_space<vmem>>, vector<1000x256xf32>
    %get3A_5 = arith.constant 0 : index
    %get3A_6 = arith.constant 0 : index
    %get3A_7 = vector.load %arg2[%get3A_5, %get3A_6] : memref<256x256xf32, #tpu.memory_space<vmem>>, vector<256x256xf32>
    %dot_general3A = arith.constant dense<0.000000e+00> : vector<1000x256xf32>
    %dot_general3A_8 = tpu.matmul %get3A_4, %get3A_7, %dot_general3A {dimension_numbers = #tpu.dot_dimension_numbers<[1], [0], [0], [1], [0, 0, 1, 1], [], []>, transpose_lhs_hint = false} : vector<1000x256xf32>, vector<256x256xf32>, vector<1000x256xf32> -> vector<1000x256xf32>
    %mul3A = vector.broadcast %rsqrt3A : vector<1000x1xf32> to vector<1000x256xf32>
    %mul3A_9 = arith.mulf %dot_general3A_8, %mul3A : vector<1000x256xf32>
    %slice3A = vector.extract_strided_slice %mul3A_9 {offsets = [0, 0], sizes = [1000, 128], strides = [1, 1]} : vector<1000x256xf32> to vector<1000x128xf32>
    %swap3A = arith.constant 0 : index
    %swap3A_10 = arith.constant 0 : index
    %swap3A_11 = arith.constant 0 : index
    %swap3A_12 = vector.load %arg4[%swap3A, %swap3A_10, %swap3A_11] : memref<2x1000x128xf32, #tpu.memory_space<vmem>>, vector<1x1000x128xf32>
    %swap3A_13 = vector.shape_cast %swap3A_12 : vector<1x1000x128xf32> to vector<1000x128xf32>
    %swap3A_14 = vector.shape_cast %slice3A : vector<1000x128xf32> to vector<1x1000x128xf32>
    tpu.vector_store %arg4[%swap3A, %swap3A_10, %swap3A_11], %swap3A_14 {strides = array<i32>} : memref<2x1000x128xf32, #tpu.memory_space<vmem>>, vector<1x1000x128xf32>,
    %slice3A_15 = vector.extract_strided_slice %mul3A_9 {offsets = [0, 128], sizes = [1000, 128], strides = [1, 1]} : vector<1000x256xf32> to vector<1000x128xf32>
    %swap3A_16 = arith.constant 1 : index
    %swap3A_17 = arith.constant 0 : index
    %swap3A_18 = arith.constant 0 : index
    %swap3A_19 = vector.load %arg4[%swap3A_16, %swap3A_17, %swap3A_18] : memref<2x1000x128xf32, #tpu.memory_space<vmem>>, vector<1x1000x128xf32>
    %swap3A_20 = vector.shape_cast %swap3A_19 : vector<1x1000x128xf32> to vector<1000x128xf32>
    %swap3A_21 = vector.shape_cast %slice3A_15 : vector<1000x128xf32> to vector<1x1000x128xf32>
    tpu.vector_store %arg4[%swap3A_16, %swap3A_17, %swap3A_18], %swap3A_21 {strides = array<i32>} : memref<2x1000x128xf32, #tpu.memory_space<vmem>>, vector<1x1000x128xf32>,
    return
  }
  func.func @transform_0(%arg0: i32) -> (i32, i32) {
    %c0_i32 = arith.constant 0 : i32
    %c0_i32_0 = arith.constant 0 : i32
    return %arg0, %c0_i32 : i32, i32
  }
  func.func @transform_1(%arg0: i32) -> (i32, i32) {
    %c0_i32 = arith.constant 0 : i32
    %c0_i32_0 = arith.constant 0 : i32
    %c0_i32_1 = arith.constant 0 : i32
    return %c0_i32, %c0_i32_0 : i32, i32
  }
  func.func @transform_2(%arg0: i32) -> (i32, i32) {
    %c0_i32 = arith.constant 0 : i32
    %c0_i32_0 = arith.constant 0 : i32
    return %arg0, %c0_i32 : i32, i32
  }
  func.func @transform_3(%arg0: i32) -> (i32, i32, i32) {
    %c0_i32 = arith.constant 0 : i32
    %c0_i32_0 = arith.constant 0 : i32
    %c0_i32_1 = arith.constant 0 : i32
    return %c0_i32, %arg0, %c0_i32_0 : i32, i32, i32
  }
}

module attributes {stable_mosaic.version = 14 : i64} {
  func.func @_mm_mid_body(%arg0: i32, %arg1: memref<2x1000x128xf32, #tpu.memory_space<vmem>>, %arg2: memref<1000x1xf32, #tpu.memory_space<vmem>>, %arg3: memref<1x256xf32, #tpu.memory_space<vmem>>, %arg4: memref<256x256xf32, #tpu.memory_space<vmem>>, %arg5: memref<2x1000x128xf32, #tpu.memory_space<vmem>>) attributes {dimension_semantics = [#tpu.dimension_semantics<arbitrary>], iteration_bounds = array<i64: 10>, scalar_prefetch = 0 : i64, scratch_operands = 0 : i64, tpu.core_type = #tpu.core_type<tc>, window_params = [{transform_indices = @transform_0, window_bounds = array<i64: 2, 1000, 128>}, {transform_indices = @transform_1, window_bounds = array<i64: 1000, 1>}, {pipeline_mode = #tpu.pipeline_mode<synchronous>, transform_indices = @transform_2, window_bounds = array<i64: 1, 256>}, {pipeline_mode = #tpu.pipeline_mode<synchronous>, transform_indices = @transform_3, window_bounds = array<i64: 256, 256>}, {transform_indices = @transform_4, window_bounds = array<i64: 2, 1000, 128>}]} {
    %get3A = arith.constant 0 : index
    %get3A_0 = arith.constant 0 : index
    %get3A_1 = vector.load %arg2[%get3A, %get3A_0] : memref<1000x1xf32, #tpu.memory_space<vmem>>, vector<1000x1xf32>
    %rsqrt3A = math.rsqrt %get3A_1 : vector<1000x1xf32>
    %get3A_2 = arith.constant 0 : index
    %get3A_3 = arith.constant 0 : index
    %get3A_4 = arith.constant 0 : index
    %get3A_5 = vector.load %arg1[%get3A_2, %get3A_3, %get3A_4] : memref<2x1000x128xf32, #tpu.memory_space<vmem>>, vector<1x1000x128xf32>
    %get3A_6 = vector.shape_cast %get3A_5 : vector<1x1000x128xf32> to vector<1000x128xf32>
    %get3A_7 = arith.constant 1 : index
    %get3A_8 = arith.constant 0 : index
    %get3A_9 = arith.constant 0 : index
    %get3A_10 = vector.load %arg1[%get3A_7, %get3A_8, %get3A_9] : memref<2x1000x128xf32, #tpu.memory_space<vmem>>, vector<1x1000x128xf32>
    %get3A_11 = vector.shape_cast %get3A_10 : vector<1x1000x128xf32> to vector<1000x128xf32>
    %concatenate3A = tpu.concatenate %get3A_6, %get3A_11 in 1 : vector<1000x128xf32>, vector<1000x128xf32> -> vector<1000x256xf32>
    %mul3A = vector.broadcast %rsqrt3A : vector<1000x1xf32> to vector<1000x256xf32>
    %mul3A_12 = arith.mulf %concatenate3A, %mul3A : vector<1000x256xf32>
    %get3A_13 = arith.constant 0 : index
    %get3A_14 = arith.constant 0 : index
    %get3A_15 = vector.load %arg3[%get3A_13, %get3A_14] : memref<1x256xf32, #tpu.memory_space<vmem>>, vector<1x256xf32>
    %add3A = vector.broadcast %get3A_15 : vector<1x256xf32> to vector<1000x256xf32>
    %add3A_16 = arith.addf %mul3A_12, %add3A : vector<1000x256xf32>
    %ge3A = arith.constant 0.000000e+00 : f32
    %ge3A_17 = vector.broadcast %ge3A : f32 to vector<1000x256xf32>
    %ge3A_18 = arith.cmpf oge, %add3A_16, %ge3A_17 : vector<1000x256xf32>
    %mul3A_19 = arith.constant 2.500000e-01 : f32
    %mul3A_20 = vector.broadcast %mul3A_19 : f32 to vector<1000x256xf32>
    %mul3A_21 = arith.mulf %mul3A_20, %add3A_16 : vector<1000x256xf32>
    %select_n3A = arith.select %ge3A_18, %add3A_16, %mul3A_21 : vector<1000x256xi1>, vector<1000x256xf32>
    %get3A_22 = arith.constant 0 : index
    %get3A_23 = arith.constant 0 : index
    %get3A_24 = vector.load %arg4[%get3A_22, %get3A_23] : memref<256x256xf32, #tpu.memory_space<vmem>>, vector<256x256xf32>
    %dot_general3A = arith.constant dense<0.000000e+00> : vector<1000x256xf32>
    %dot_general3A_25 = tpu.matmul %select_n3A, %get3A_24, %dot_general3A {dimension_numbers = #tpu.dot_dimension_numbers<[1], [0], [0], [1], [0, 0, 1, 1], [], []>, transpose_lhs_hint = false} : vector<1000x256xf32>, vector<256x256xf32>, vector<1000x256xf32> -> vector<1000x256xf32>
    %mul3A_26 = vector.broadcast %rsqrt3A : vector<1000x1xf32> to vector<1000x256xf32>
    %mul3A_27 = arith.mulf %dot_general3A_25, %mul3A_26 : vector<1000x256xf32>
    %slice3A = vector.extract_strided_slice %mul3A_27 {offsets = [0, 0], sizes = [1000, 128], strides = [1, 1]} : vector<1000x256xf32> to vector<1000x128xf32>
    %swap3A = arith.constant 0 : index
    %swap3A_28 = arith.constant 0 : index
    %swap3A_29 = arith.constant 0 : index
    %swap3A_30 = vector.load %arg5[%swap3A, %swap3A_28, %swap3A_29] : memref<2x1000x128xf32, #tpu.memory_space<vmem>>, vector<1x1000x128xf32>
    %swap3A_31 = vector.shape_cast %swap3A_30 : vector<1x1000x128xf32> to vector<1000x128xf32>
    %swap3A_32 = vector.shape_cast %slice3A : vector<1000x128xf32> to vector<1x1000x128xf32>
    tpu.vector_store %arg5[%swap3A, %swap3A_28, %swap3A_29], %swap3A_32 {strides = array<i32>} : memref<2x1000x128xf32, #tpu.memory_space<vmem>>, vector<1x1000x128xf32>,
    %slice3A_33 = vector.extract_strided_slice %mul3A_27 {offsets = [0, 128], sizes = [1000, 128], strides = [1, 1]} : vector<1000x256xf32> to vector<1000x128xf32>
    %swap3A_34 = arith.constant 1 : index
    %swap3A_35 = arith.constant 0 : index
    %swap3A_36 = arith.constant 0 : index
    %swap3A_37 = vector.load %arg5[%swap3A_34, %swap3A_35, %swap3A_36] : memref<2x1000x128xf32, #tpu.memory_space<vmem>>, vector<1x1000x128xf32>
    %swap3A_38 = vector.shape_cast %swap3A_37 : vector<1x1000x128xf32> to vector<1000x128xf32>
    %swap3A_39 = vector.shape_cast %slice3A_33 : vector<1000x128xf32> to vector<1x1000x128xf32>
    tpu.vector_store %arg5[%swap3A_34, %swap3A_35, %swap3A_36], %swap3A_39 {strides = array<i32>} : memref<2x1000x128xf32, #tpu.memory_space<vmem>>, vector<1x1000x128xf32>,
    return
  }
  func.func @transform_0(%arg0: i32) -> (i32, i32, i32) {
    %c0_i32 = arith.constant 0 : i32
    %c0_i32_0 = arith.constant 0 : i32
    %c0_i32_1 = arith.constant 0 : i32
    return %c0_i32, %arg0, %c0_i32_0 : i32, i32, i32
  }
  func.func @transform_1(%arg0: i32) -> (i32, i32) {
    %c0_i32 = arith.constant 0 : i32
    %c0_i32_0 = arith.constant 0 : i32
    return %arg0, %c0_i32 : i32, i32
  }
  func.func @transform_2(%arg0: i32) -> (i32, i32) {
    %c0_i32 = arith.constant 0 : i32
    %c0_i32_0 = arith.constant 0 : i32
    %c0_i32_1 = arith.constant 0 : i32
    return %c0_i32, %c0_i32_0 : i32, i32
  }
  func.func @transform_3(%arg0: i32) -> (i32, i32) {
    %c0_i32 = arith.constant 0 : i32
    %c0_i32_0 = arith.constant 0 : i32
    %c0_i32_1 = arith.constant 0 : i32
    return %c0_i32, %c0_i32_0 : i32, i32
  }
  func.func @transform_4(%arg0: i32) -> (i32, i32, i32) {
    %c0_i32 = arith.constant 0 : i32
    %c0_i32_0 = arith.constant 0 : i32
    %c0_i32_1 = arith.constant 0 : i32
    return %c0_i32, %arg0, %c0_i32_0 : i32, i32, i32
  }
}

module attributes {stable_mosaic.version = 14 : i64} {
  func.func @_mm_out_body(%arg0: i32, %arg1: memref<2x1000x128xf32, #tpu.memory_space<vmem>>, %arg2: memref<1000x1xf32, #tpu.memory_space<vmem>>, %arg3: memref<1x256xf32, #tpu.memory_space<vmem>>, %arg4: memref<256x256xf32, #tpu.memory_space<vmem>>, %arg5: memref<1x256xf32, #tpu.memory_space<vmem>>, %arg6: memref<1000x256xf32, #tpu.memory_space<vmem>>, %arg7: memref<1000x256xf32, #tpu.memory_space<vmem>>) attributes {dimension_semantics = [#tpu.dimension_semantics<arbitrary>], iteration_bounds = array<i64: 10>, scalar_prefetch = 0 : i64, scratch_operands = 0 : i64, tpu.core_type = #tpu.core_type<tc>, window_params = [{transform_indices = @transform_0, window_bounds = array<i64: 2, 1000, 128>}, {transform_indices = @transform_1, window_bounds = array<i64: 1000, 1>}, {pipeline_mode = #tpu.pipeline_mode<synchronous>, transform_indices = @transform_2, window_bounds = array<i64: 1, 256>}, {pipeline_mode = #tpu.pipeline_mode<synchronous>, transform_indices = @transform_3, window_bounds = array<i64: 256, 256>}, {pipeline_mode = #tpu.pipeline_mode<synchronous>, transform_indices = @transform_4, window_bounds = array<i64: 1, 256>}, {transform_indices = @transform_5, window_bounds = array<i64: 1000, 256>}, {transform_indices = @transform_6, window_bounds = array<i64: 1000, 256>}]} {
    %get3A = arith.constant 0 : index
    %get3A_0 = arith.constant 0 : index
    %get3A_1 = vector.load %arg2[%get3A, %get3A_0] : memref<1000x1xf32, #tpu.memory_space<vmem>>, vector<1000x1xf32>
    %rsqrt3A = math.rsqrt %get3A_1 : vector<1000x1xf32>
    %get3A_2 = arith.constant 0 : index
    %get3A_3 = arith.constant 0 : index
    %get3A_4 = arith.constant 0 : index
    %get3A_5 = vector.load %arg1[%get3A_2, %get3A_3, %get3A_4] : memref<2x1000x128xf32, #tpu.memory_space<vmem>>, vector<1x1000x128xf32>
    %get3A_6 = vector.shape_cast %get3A_5 : vector<1x1000x128xf32> to vector<1000x128xf32>
    %get3A_7 = arith.constant 1 : index
    %get3A_8 = arith.constant 0 : index
    %get3A_9 = arith.constant 0 : index
    %get3A_10 = vector.load %arg1[%get3A_7, %get3A_8, %get3A_9] : memref<2x1000x128xf32, #tpu.memory_space<vmem>>, vector<1x1000x128xf32>
    %get3A_11 = vector.shape_cast %get3A_10 : vector<1x1000x128xf32> to vector<1000x128xf32>
    %concatenate3A = tpu.concatenate %get3A_6, %get3A_11 in 1 : vector<1000x128xf32>, vector<1000x128xf32> -> vector<1000x256xf32>
    %mul3A = vector.broadcast %rsqrt3A : vector<1000x1xf32> to vector<1000x256xf32>
    %mul3A_12 = arith.mulf %concatenate3A, %mul3A : vector<1000x256xf32>
    %get3A_13 = arith.constant 0 : index
    %get3A_14 = arith.constant 0 : index
    %get3A_15 = vector.load %arg3[%get3A_13, %get3A_14] : memref<1x256xf32, #tpu.memory_space<vmem>>, vector<1x256xf32>
    %add3A = vector.broadcast %get3A_15 : vector<1x256xf32> to vector<1000x256xf32>
    %add3A_16 = arith.addf %mul3A_12, %add3A : vector<1000x256xf32>
    %ge3A = arith.constant 0.000000e+00 : f32
    %ge3A_17 = vector.broadcast %ge3A : f32 to vector<1000x256xf32>
    %ge3A_18 = arith.cmpf oge, %add3A_16, %ge3A_17 : vector<1000x256xf32>
    %mul3A_19 = arith.constant 2.500000e-01 : f32
    %mul3A_20 = vector.broadcast %mul3A_19 : f32 to vector<1000x256xf32>
    %mul3A_21 = arith.mulf %mul3A_20, %add3A_16 : vector<1000x256xf32>
    %select_n3A = arith.select %ge3A_18, %add3A_16, %mul3A_21 : vector<1000x256xi1>, vector<1000x256xf32>
    %swap3A = arith.constant 0 : index
    %swap3A_22 = arith.constant 0 : index
    %swap3A_23 = vector.load %arg7[%swap3A, %swap3A_22] : memref<1000x256xf32, #tpu.memory_space<vmem>>, vector<1000x256xf32>
    tpu.vector_store %arg7[%swap3A, %swap3A_22], %select_n3A {strides = array<i32>} : memref<1000x256xf32, #tpu.memory_space<vmem>>, vector<1000x256xf32>,
    %get3A_24 = arith.constant 0 : index
    %get3A_25 = arith.constant 0 : index
    %get3A_26 = vector.load %arg4[%get3A_24, %get3A_25] : memref<256x256xf32, #tpu.memory_space<vmem>>, vector<256x256xf32>
    %dot_general3A = arith.constant dense<0.000000e+00> : vector<1000x256xf32>
    %dot_general3A_27 = tpu.matmul %select_n3A, %get3A_26, %dot_general3A {dimension_numbers = #tpu.dot_dimension_numbers<[1], [0], [0], [1], [0, 0, 1, 1], [], []>, transpose_lhs_hint = false} : vector<1000x256xf32>, vector<256x256xf32>, vector<1000x256xf32> -> vector<1000x256xf32>
    %get3A_28 = arith.constant 0 : index
    %get3A_29 = arith.constant 0 : index
    %get3A_30 = vector.load %arg5[%get3A_28, %get3A_29] : memref<1x256xf32, #tpu.memory_space<vmem>>, vector<1x256xf32>
    %add3A_31 = vector.broadcast %get3A_30 : vector<1x256xf32> to vector<1000x256xf32>
    %add3A_32 = arith.addf %dot_general3A_27, %add3A_31 : vector<1000x256xf32>
    %swap3A_33 = arith.constant 0 : index
    %swap3A_34 = arith.constant 0 : index
    %swap3A_35 = vector.load %arg6[%swap3A_33, %swap3A_34] : memref<1000x256xf32, #tpu.memory_space<vmem>>, vector<1000x256xf32>
    tpu.vector_store %arg6[%swap3A_33, %swap3A_34], %add3A_32 {strides = array<i32>} : memref<1000x256xf32, #tpu.memory_space<vmem>>, vector<1000x256xf32>,
    return
  }
  func.func @transform_0(%arg0: i32) -> (i32, i32, i32) {
    %c0_i32 = arith.constant 0 : i32
    %c0_i32_0 = arith.constant 0 : i32
    %c0_i32_1 = arith.constant 0 : i32
    return %c0_i32, %arg0, %c0_i32_0 : i32, i32, i32
  }
  func.func @transform_1(%arg0: i32) -> (i32, i32) {
    %c0_i32 = arith.constant 0 : i32
    %c0_i32_0 = arith.constant 0 : i32
    return %arg0, %c0_i32 : i32, i32
  }
  func.func @transform_2(%arg0: i32) -> (i32, i32) {
    %c0_i32 = arith.constant 0 : i32
    %c0_i32_0 = arith.constant 0 : i32
    %c0_i32_1 = arith.constant 0 : i32
    return %c0_i32, %c0_i32_0 : i32, i32
  }
  func.func @transform_3(%arg0: i32) -> (i32, i32) {
    %c0_i32 = arith.constant 0 : i32
    %c0_i32_0 = arith.constant 0 : i32
    %c0_i32_1 = arith.constant 0 : i32
    return %c0_i32, %c0_i32_0 : i32, i32
  }
  func.func @transform_4(%arg0: i32) -> (i32, i32) {
    %c0_i32 = arith.constant 0 : i32
    %c0_i32_0 = arith.constant 0 : i32
    %c0_i32_1 = arith.constant 0 : i32
    return %c0_i32, %c0_i32_0 : i32, i32
  }
  func.func @transform_5(%arg0: i32) -> (i32, i32) {
    %c0_i32 = arith.constant 0 : i32
    %c0_i32_0 = arith.constant 0 : i32
    return %arg0, %c0_i32 : i32, i32
  }
  func.func @transform_6(%arg0: i32) -> (i32, i32) {
    %c0_i32 = arith.constant 0 : i32
    %c0_i32_0 = arith.constant 0 : i32
    return %arg0, %c0_i32 : i32, i32
  }
}

</mosaic_0001>

<sc_bundles>
// kernel: kernel.10.cloned.1.call-start
scs
__scs_entry_jumppad:
0x0: {  	(pc) =	sbr.rel $0x88, $3  }
0x1: {  	(tag) =	ssettag $0x0;
	lr =	simm.s32 $0x1  }
0x2: {  	[smem:$0x3F97] =	sst lr;
	_ =	strace $0xD0000000  }
0x3: {  	_ = 	snop  }
0x4: {  	_ = 	snop  }
0x5: {  	_ = 	snop  }
0x6: {  	_ = 	snop  }
0x7: {  	_ = 	snop  }
__scs_overlays_trampoline_lowered:
0x8: {  	[smem:$0x3FA6] =	sst s0  }
0x9: {  	[smem:$0x3FA7] =	sst s1  }
0xa: {  	[smem:$0x3FA8] =	sst s2  }
0xb: {  	[smem:$0x3FA9] =	sst s3  }
0xc: {  	[smem:$0x3FAA] =	sst s4  }
0xd: {  	[smem:$0x3FAB] =	sst s5  }
0xe: {  	[smem:$0x3FAC] =	sst s6  }
0xf: {  	[smem:$0x3FAD] =	sst s7  }
0x10: {  	[smem:$0x3FAE] =	sst s8  }
0x11: {  	[smem:$0x3FAF] =	sst s9;
	s0 =	simm.s32 @!p0 $0x0  }
0x12: {  	s1 =	sld [smem:$0x3F95];
	s0 =	simm.s32 @p0 $0x1  }
0x13: {  	[smem:$0x3FB0] =	sst s0;
	s0 =	simm.s32 @!p1 $0x0  }
0x14: {  	s2 =	sld [smem:$0x3F94];
	s0 =	simm.s32 @p1 $0x1  }
0x15: {  	[smem:$0x3FB1] =	sst s0;
	s0 =	simm.s32 @!p2 $0x0  }
0x16: {  	s3 =	sld [smem:$0x3FDB];
	s0 =	simm.s32 @p2 $0x1  }
0x17: {  	s4 =	simm.s32 $0x1BF5;
	[smem:$0x3FB3] =	sst s0  }
0x18: {  	s0 =	sld [smem:$0x3F96];
	_ =	swait.ge [sflag:s4], $0x0  }
0x19: {  	s7 =	sld [smem:$0x3F97]  }
0x1a: {  	s8 =	sadd.s32 $0xFFFFE003, lr  }
0x1b: {  	s9 =	sadd.s32 $0xFFFFFEF7, lr;
	s5 =	simm.s32 $0xFFFFFFFF;
	p2 =	slt.u32 s8, $0xFFFFF086  }
0x1c: {  	p1 =	slt.u32 s9, $0xF7A;
	s5 =	simm.s32 @!p2 $0x0  }
0x1d: {  	s5 =	simm.s32 @p1 $0x1;
	p0 =	seq.s32 s7, s2  }
0x1e: {  	s7 =	smul.u32 @!p0 $0xF7A, s2;
	p2 =	seq.s32 @!p0 s5, $0x0  }
0x1f: {  	s9 =	smul.u32 $0xF7A, s1;
	s8 =	simm.s32 @!p0 $0x1BF5;
	p2 =	por !p2, p0  }
0x20: {  	[sflag:s8] =	ssyncset.s32 @!p0 $0xFFFFF086;
	s6 =	sadd.s32 @!p0 s3, s7;
	s7 =	simm.s32 @!p0 $0x108  }
0x21: {  	s3 =	sadd.s32 s3, s9;
	s6 =	sadd.s32 @!p0 $0x88, s6;
	s7 =	simm.s32 @p2 $0x1082  }
0x22: {  	[simem:s7], [sflag:s8] =	dma.local @!p0 [hbm:s6], $0xF7A  }
0x23: {  	s9 =	sor.u32 $0xD0000000, s2;
	s6 =	simm.s32 $0x108;
	_ =	swait.ge @!p0 [sflag:s8], $0x0  }
0x24: {  	s3 =	sadd.s32 $0x88, s3;
	s6 =	simm.s32 @!p1 $0x1082;
	[sflag:s4] =	ssyncset.s32 $0xFFFFF086  }
0x25: {  	[simem:s6], [sflag:s4] =	dma.local [hbm:s3], $0xF7A  }
0x26: {  	[smem:$0x3F97] =	sst s1;
	(tag) =	ssettag s2;
	_ =	strace s9  }
0x27: {  	s1 =	sld [smem:$0x3FA7]  }
0x28: {  	s2 =	sld [smem:$0x3FA8]  }
0x29: {  	s4 =	sld [smem:$0x3FAA]  }
0x2a: {  	p0 =	seq.s32 s5, $0x0;
	s5 =	sld [smem:$0x3FAB]  }
0x2b: {  	s6 =	sld [smem:$0x3FAC]  }
0x2c: {  	s7 =	sld [smem:$0x3FAD]  }
0x2d: {  	s3 =	simm.s32 $0x108;
	s8 =	sld [smem:$0x3FAE]  }
0x2e: {  	s3 =	simm.s32 @!p0 $0x1082;
	s9 =	sld [smem:$0x3FAF]  }
0x2f: {  	lr =	sadd.s32 s0, s3;
	s0 =	sld [smem:$0x3FA6]  }
0x30: {  	s3 =	sld [smem:$0x3FA9]  }
0x31: {  	[smem:$0x3FB2] =	sst s10  }
0x32: {  	s10 =	sld [smem:$0x3FB0];
	_ =	sdelay $0x3  }
0x33: {  	p0 =	seq.s32 s10, $0x1;
	s10 =	sld [smem:$0x3FB2];
	_ =	sdelay $0x3  }
0x34: {  	[smem:$0x3FB2] =	sst s10  }
0x35: {  	s10 =	sld [smem:$0x3FB1];
	_ =	sdelay $0x3  }
0x36: {  	p1 =	seq.s32 s10, $0x1;
	s10 =	sld [smem:$0x3FB2];
	_ =	sdelay $0x3  }
0x37: {  	[smem:$0x3FB2] =	sst s10  }
0x38: {  	s10 =	sld [smem:$0x3FB3]  }
0x39: {  	_ = 	snop;
	(pc) =	sbr.ind lr, $3  }
0x3a: {  	_ = 	snop  }
0x3b: {  	_ = 	snop  }
0x3c: {  	p2 =	seq.s32 s10, $0x1;
	s10 =	sld [smem:$0x3FB2]  }
0x3d: {  	_ =	shalt  }
0x3e: {  	_ =	shalt  }
0x3f: {  	_ =	shalt  }
0x40: {  	_ =	shalt  }
0x41: {  	_ =	shalt  }
0x42: {  	_ =	shalt  }
0x43: {  	_ =	shalt  }
0x44: {  	_ =	shalt  }
0x45: {  	_ =	shalt  }
0x46: {  	_ =	shalt  }
0x47: {  	_ =	shalt  }
0x48: {  	_ =	shalt  }
0x49: {  	_ =	shalt  }
0x4a: {  	_ =	shalt  }
0x4b: {  	_ =	shalt  }
0x4c: {  	_ =	shalt  }
0x4d: {  	_ =	shalt  }
0x4e: {  	_ =	shalt  }
0x4f: {  	_ =	shalt  }
0x50: {  	_ =	shalt  }
0x51: {  	_ =	shalt  }
0x52: {  	_ =	shalt  }
0x53: {  	_ =	shalt  }
0x54: {  	_ =	shalt  }
0x55: {  	_ =	shalt  }
0x56: {  	_ =	shalt  }
0x57: {  	_ =	shalt  }
0x58: {  	_ =	shalt  }
0x59: {  	_ =	shalt  }
0x5a: {  	_ =	shalt  }
0x5b: {  	_ =	shalt  }
0x5c: {  	_ =	shalt  }
0x5d: {  	_ =	shalt  }
0x5e: {  	_ =	shalt  }
0x5f: {  	_ =	shalt  }
0x60: {  	_ =	shalt  }
0x61: {  	_ =	shalt  }
0x62: {  	_ =	shalt  }
0x63: {  	_ =	shalt  }
0x64: {  	_ =	shalt  }
0x65: {  	_ =	shalt  }
0x66: {  	_ =	shalt  }
0x67: {  	_ =	shalt  }
0x68: {  	_ =	shalt  }
0x69: {  	_ =	shalt  }
0x6a: {  	_ =	shalt  }
0x6b: {  	_ =	shalt  }
0x6c: {  	_ =	shalt  }
0x6d: {  	_ =	shalt  }
0x6e: {  	_ =	shalt  }
0x6f: {  	_ =	shalt  }
0x70: {  	_ =	shalt  }
0x71: {  	_ =	shalt  }
0x72: {  	_ =	shalt  }
0x73: {  	_ =	shalt  }
0x74: {  	_ =	shalt  }
0x75: {  	_ =	shalt  }
0x76: {  	_ =	shalt  }
0x77: {  	_ =	shalt  }
0x78: {  	_ =	shalt  }
0x79: {  	_ =	shalt  }
0x7a: {  	_ =	shalt  }
0x7b: {  	_ =	shalt  }
0x7c: {  	_ =	shalt  }
0x7d: {  	_ =	shalt  }
0x7e: {  	_ =	shalt  }
0x7f: {  	_ =	shalt  }
0x80: {  	_ =	shalt  }
0x81: {  	_ =	shalt  }
0x82: {  	_ =	shalt  }
0x83: {  	_ =	shalt  }
0x84: {  	_ =	shalt  }
0x85: {  	_ =	shalt  }
0x86: {  	_ =	shalt  }
0x87: {  	_ =	shalt  }
.Lfunc_end0:
.L_simem_size_0:
called_computation_lowered:
.L_overlay_start_0:
0x88: {  	s2 =	sld [smem:$0x3FD9]  }
0x89: {  	s3 =	sld [smem:$0x3FFE];
	_ =	sdelay $0x1  }
0x8a: {  	s1 =	srdreg.scid  }
0x8b: {  	s0 =	sand.u32 $0x1, s1  }
0x8c: {  	s14 =	sshll.u32 s0, $0xA;
	s2 =	sadd.s32 s3, s2  }
0x8d: {  	s2 =	sadd.s32 s2, s14  }
0x8e: {  	[smem:$0x3FBE] =	sst s2  }
0x8f: {  	_ = 	snop  }
0x90: {  	s2 =	sld [smem:$0x3FD0];
	_ =	sdelay $0x2  }
0x91: {  	s15 =	simm.s32 $0xA;
	s4 =	simm.s32 $0x10  }
0x92: {  	[smem:s4], [sflag:s15] =	dma.local [hbm:s2], $0x1  }
0x93: {  	_ =	swait.eq [sflag:s15], $0x1  }
0x94: {  	[sflag:s15] =	ssyncset.done $0x0  }
0x95: {  	[sflag:s15] =	ssyncadd.s32 $0xFFFFFFFF  }
0x96: {  	s16 =	sld [smem:$0x10];
	(tm) =	ssettm $0x1  }
0x97: {  	s17 =	sld [smem:$0x3FFB];
	_ =	sdelay $0x3  }
0x98: {  	_ =	strace s17  }
0x99: {  	s3 =	sld [smem:$0x3FFC];
	_ =	sdelay $0x3  }
0x9a: {  	_ =	strace s3  }
0x9b: {  	s3 =	sld [smem:$0x3FFD];
	_ =	sdelay $0x3  }
0x9c: {  	_ =	strace s3  }
0x9d: {  	_ =	strace $0x8FFFFFFF  }
0x9e: {  	s18 =	sld [smem:$0x3FDB];
	_ =	sdelay $0x1  }
0x9f: {  	s19 =	simm.s32 $_scs_section_size  }
0xa0: {  	s5 =	simm.s32 $_size__tile_overlayer_lowered;
	s6 =	simm.s32 $_tile_overlayer_lowered  }
0xa1: {  	s22 =	simm.s32 $0x1BFF;
	s21 =	sshll.u32 s6, $0x1;
	s3 =	sadd.s32 s19, s18  }
0xa2: {  	s7 =	simm.s32 $0x0;
	s20 =	sshll.u32 s5, $0x1;
	s5 =	sadd.s32 s21, s3  }
0xa3: {  	[timem:s7], [sflag:s22] =	dma.local [hbm:s5], s20  }
0xa4: {  	_ =	swait.ge [sflag:s22], s20  }
0xa5: {  	s4 =	ssub.s32 $0x0, s20;
	[sflag:s22] =	ssyncset.done $0x0  }
0xa6: {  	[sflag:s22] =	ssyncadd.s32 s4;
	_ =	sdelay $0x1  }
0xa7: {  	s23 =	simm.s32 $0x1B8B  }
0xa8: {  	_ =	swait.ge [sflag:s23], $0x1  }
0xa9: {  	[sflag:s23] =	ssyncset.done $0x0  }
0xaa: {  	s25 =	simm.s32 $0x1B8E;
	s24 =	sld [smem:$0x3FFE];
	[sflag:s23] =	ssyncadd.s32 $0xFFFFFFFF  }
0xab: {  	s26 =	simm.s32 $execute0_lowered;
	[smem:$0x3FD2] =	sst s25  }
0xac: {  	s5 =	sshll.u32 s26, $0x1;
	_ =	strace $0x80000046;
	[dreg:$0x1] =	wrdreg $0xFFFFFFFF  }
0xad: {  	s28 =	simm.s32 $_size_execute0_lowered;
	s3 =	sadd.s32 s3, s5;
	[dreg:$0x0] =	wrdreg $0x0  }
0xae: {  	s5 =	sshll.u32 s28, $0x1;
	[dreg:$0x2] =	wrdreg s3  }
0xaf: {  	[dreg:$0x3] =	wrdreg s5  }
0xb0: {  	[dreg:$0x4] =	wrdreg $0xC0  }
0xb1: {  	_ =	task [dreg:s7], $0x5FFFF  }
0xb2: {  	[dreg:$0x1] =	wrdreg $0xFFFFFFFF  }
0xb3: {  	[dreg:$0x0] =	wrdreg $0x60  }
0xb4: {  	[dreg:$0x2] =	wrdreg s16  }
0xb5: {  	[dreg:$0x3] =	wrdreg s24  }
0xb6: {  	[dreg:$0x4] =	wrdreg $0x5800  }
0xb7: {  	[dreg:$0x5] =	wrdreg $0x9  }
0xb8: {  	_ =	task.clear_ibuf [dreg:s7], $0x6FFFF;
	_ =	strace $0x90000046  }
0xb9: {  	s29 =	simm.s32 $0x9;
	_ =	strace $0x80000048  }
0xba: {  	_ =	swait.ge [sflag:s29], $0x1  }
0xbb: {  	[sflag:s29] =	ssyncadd.s32 $0xFFFFFFFF  }
0xbc: {  	_ =	strace $0x90000048  }
0xbd: {  	_ =	sfence  }
0xbe: {  	s30 =	sld [smem:$0x0];
	_ =	sdelay $0x2  }
0xbf: {  	s31 =	sshll.u32 s1, $0xD;
	s1 =	sshrl.u32 s1, $0x2  }
0xc0: {  	s3 =	sand.u32 $0x4000, s31;
	s1 =	sadd.s32 s1, s30  }
0xc1: {  	s0 =	sor.u32 s3, s0;
	s1 =	sshll.u32 s1, $0x11  }
0xc2: {  	s0 =	sor.u32 s1, s0  }
0xc3: {  	s0 =	sadd.s32 $0x8F2B, s0  }
0xc4: {  	[sflag:s0] =	ssyncadd.remote.s32 $0x1  }
0xc5: {  	_ =	sfence.sel $0xFFFF  }
0xc6: {  	[dreg:$0x0] =	wrdreg $0xFFFFFFFF;
	(pc) =	sbr.abs _section_cstart, $3  }
0xc7: {  	[dreg:$0x1] =	wrdreg $0xFFFFFFFF  }
0xc8: {  	_ =	task.clear_ibuf [dreg:s7], $0x2FFFF;
	_ =	strace $0x9FFFFFFF  }
0xc9: {  	(tm) =	ssettm $0x7FFFFFFF  }
tec
execute0_lowered:
.L_overlay_start_1:
0x0: {  	(tag) =	ssettag $0x1  }
0x1: {  	s1 =	srdreg.scid  }
0x2: {  	s1 =	sand.u32 $0x1, s1  }
0x3: {  	p0 =	seq.s32 s1, $0x1  }
.Ltmp0:
0x4: {  	s5 =	rddreg [dreg:$0x0];
	(pc) =	sbr.rel @p0 .LBB2_5-.Ltmp0, $4  }
0x5: {  	s6 =	rddreg [dreg:$0x1]  }
0x6: {  	s2 =	rddreg [dreg:$0x2];
	s3 =	simm.s32 $0x0  }
0x7: {  	[smem:$0x7FF] =	sst s3  }
0x8: {  	s0 =	rddreg [dreg:$0x3];
	_ =	strace $0x80000047;
	s1 =	stileid.u32  }
0x9: {  	v0 =	vimm.f32 $1.000000000e+00  }
0xa: {  	[tilespmem:$0x280] =	vst v0  }
0xb: {  	[tilespmem:$0x290] =	vst v0  }
0xc: {  	[tilespmem:$0x2A0] =	vst v0  }
0xd: {  	[tilespmem:$0x2B0] =	vst v0  }
0xe: {  	[tilespmem:$0x2C0] =	vst v0  }
0xf: {  	[tilespmem:$0x300] =	vst v0  }
0x10: {  	[tilespmem:$0x310] =	vst v0  }
0x11: {  	[tilespmem:$0x320] =	vst v0  }
0x12: {  	[tilespmem:$0x330] =	vst v0  }
0x13: {  	[tilespmem:$0x340] =	vst v0  }
0x14: {  	[tilespmem:$0x350] =	vst v0  }
0x15: {  	[tilespmem:$0x360] =	vst v0  }
0x16: {  	[tilespmem:$0x370] =	vst v0  }
0x17: {  	[tilespmem:$0x380] =	vst v0  }
0x18: {  	[tilespmem:$0x390] =	vst v0  }
0x19: {  	[tilespmem:$0x3A0] =	vst v0  }
0x1a: {  	[tilespmem:$0x3B0] =	vst v0  }
0x1b: {  	[tilespmem:$0x3C0] =	vst v0  }
0x1c: {  	[tilespmem:$0x3D0] =	vst v0  }
0x1d: {  	[tilespmem:$0x3E0] =	vst v0  }
0x1e: {  	[tilespmem:$0x3F0] =	vst v0  }
0x1f: {  	[tilespmem:$0x400] =	vst v0  }
0x20: {  	[tilespmem:$0x410] =	vst v0  }
0x21: {  	[tilespmem:$0x420] =	vst v0  }
0x22: {  	[tilespmem:$0x430] =	vst v0  }
0x23: {  	[tilespmem:$0x440] =	vst v0  }
0x24: {  	[tilespmem:$0x450] =	vst v0  }
0x25: {  	[tilespmem:$0x460] =	vst v0  }
0x26: {  	[tilespmem:$0x470] =	vst v0  }
0x27: {  	[tilespmem:$0x480] =	vst v0  }
0x28: {  	[tilespmem:$0x490] =	vst v0  }
0x29: {  	[tilespmem:$0x4A0] =	vst v0  }
0x2a: {  	[tilespmem:$0x4B0] =	vst v0  }
0x2b: {  	[tilespmem:$0x4C0] =	vst v0  }
0x2c: {  	[tilespmem:$0x4D0] =	vst v0  }
0x2d: {  	[tilespmem:$0x4E0] =	vst v0  }
0x2e: {  	[tilespmem:$0x4F0] =	vst v0  }
0x2f: {  	[tilespmem:$0x500] =	vst v0  }
0x30: {  	[tilespmem:$0x510] =	vst v0  }
0x31: {  	[tilespmem:$0x520] =	vst v0  }
0x32: {  	s8 =	smul.u32 $0x280, s1;
	[tilespmem:$0x530] =	vst v0  }
0x33: {  	s7 =	simm.s32 $0x300;
	s28 =	simm.s32 $0xB;
	s9 =	smul.u32 $0x2710, s1;
	[tilespmem:$0x540] =	vst v0  }
0x34: {  	s12 =	smul.u32 $0x4E2, s1;
	s13 =	simm.s32 $0x280;
	s14 =	simm.s32 $0x2;
	[tilespmem:$0x550] =	vst v0  }
0x35: {  	s15 =	simm.s32 $0x3;
	s16 =	simm.s32 $0x4;
	s17 =	simm.s32 $0x5;
	[tilespmem:$0x560] =	vst v0  }
0x36: {  	s18 =	simm.s32 $0x6;
	s19 =	simm.s32 $0x7;
	[tilespmem:$0x570] =	vst v0;
	s4 =	sadd.s32 s8, s2  }
0x37: {  	[spmem:s4] =	stream.linear.scatter [tilespmem:s7], [sflag:$0xB], $0x280, $0x38;
	[tilespmem:$0x800] =	vst v63  }
0x38: {  	s20 =	simm.s32 $0x8;
	s21 =	simm.s32 $0x9;
	_ =	swait.ge [sflag:s28], $0x280  }
0x39: {  	s22 =	simm.s32 $0xA;
	s23 =	simm.s32 $0x0;
	[sflag:s28] =	ssyncset.done $0x0  }
0x3a: {  	s9 =	sshrl.u32 s9, $0x3;
	s29 =	sshrl.u32 s8, $0x3;
	[sflag:s28] =	ssyncadd.s32 $0xFFFFFD80  }
0x3b: {  	s8 =	simm.s32 $0x100;
	s10 =	sadd.s32 s5, s9;
	[bflag:$0x0] =	sbarrier.arrive $0xFFFF  }
0x3c: {  	[tilespmem:s3], [sflag:$0x1] =	stream.linear.gather [hbm4b:s10+s3], $0x50, $0x38;
	[tilespmem:$0x800] =	vst v63  }
0x3d: {  	s7 =	simm.s32 $0x80;
	s6 =	sadd.s32 s29, s6;
	s9 =	sadd.s32 $0xA, s10  }
0x3e: {  	[tilespmem:s7], [sflag:$0x2] =	stream.linear.gather [hbm4b:s9+s3], $0x50, $0x38;
	[tilespmem:$0x800] =	vst v63  }
0x3f: {  	s5 =	sadd.s32 s12, s5;
	s12 =	simm.s32 $0x50;
	s11 =	sadd.s32 $0x14, s10  }
0x40: {  	[tilespmem:s8], [sflag:$0x3] =	stream.linear.gather [hbm4b:s11+s3], $0x50, $0x38;
	[tilespmem:$0x800] =	vst v63  }
0x41: {  	s30 =	sadd.s32 $0x1E, s10;
	s31 =	sadd.s32 $0x28, s10;
	s9 =	simm.s32 $0x180  }
0x42: {  	[tilespmem:s9], [sflag:$0x4] =	stream.linear.gather [hbm4b:s30+s3], $0x50, $0x38;
	[tilespmem:$0x800] =	vst v63  }
0x43: {  	s6 =	sadd.s32 $0x2400, s6;
	s10 =	simm.s32 $0x200;
	s11 =	simm.s32 $0x1  }
0x44: {  	[tilespmem:s10], [sflag:$0x5] =	stream.linear.gather [hbm4b:s31+s3], $0x50, $0x38;
	[tilespmem:$0x800] =	vst v63  }
.LBB2_2:
0x45: {  	_ =	swait.ge [sflag:s11], $0x50  }
0x46: {  	[sflag:s11] =	ssyncset.done $0x0  }
0x47: {  	[sflag:s11] =	ssyncadd.s32 $0xFFFFFFB0  }
0x48: {  	[spmem:s2] =	stream.indirect.scatter.add.f32 [tilespmem:s13], [sflag:$0x6], $0x1, s3, s12, $0xb8;
	[tilespmem:$0x800] =	vst v63  }
0x49: {  	_ =	swait.ge [sflag:s14], $0x50  }
0x4a: {  	[sflag:s14] =	ssyncset.done $0x0  }
0x4b: {  	[sflag:s14] =	ssyncadd.s32 $0xFFFFFFB0  }
0x4c: {  	[spmem:s2] =	stream.indirect.scatter.add.f32 [tilespmem:s13], [sflag:$0x7], $0x1, s7, s12, $0xb8;
	[tilespmem:$0x800] =	vst v63  }
0x4d: {  	_ =	swait.ge [sflag:s15], $0x50  }
0x4e: {  	[sflag:s15] =	ssyncset.done $0x0  }
0x4f: {  	[sflag:s15] =	ssyncadd.s32 $0xFFFFFFB0  }
0x50: {  	[spmem:s2] =	stream.indirect.scatter.add.f32 [tilespmem:s13], [sflag:$0x8], $0x1, s8, s12, $0xb8;
	[tilespmem:$0x800] =	vst v63  }
0x51: {  	_ =	swait.ge [sflag:s16], $0x50  }
0x52: {  	[sflag:s16] =	ssyncset.done $0x0  }
0x53: {  	[sflag:s16] =	ssyncadd.s32 $0xFFFFFFB0  }
0x54: {  	[spmem:s2] =	stream.indirect.scatter.add.f32 [tilespmem:s13], [sflag:$0x9], $0x1, s9, s12, $0xb8;
	[tilespmem:$0x800] =	vst v63  }
0x55: {  	_ =	swait.ge [sflag:s17], $0x50  }
0x56: {  	p0 =	seq.s32 s23, $0x4B0;
	[sflag:s17] =	ssyncset.done $0x0  }
.Ltmp1:
0x57: {  	[sflag:s17] =	ssyncadd.s32 $0xFFFFFFB0;
	(pc) =	sbr.rel @p0 .LBB2_4-.Ltmp1, $4  }
0x58: {  	[spmem:s2] =	stream.indirect.scatter.add.f32 [tilespmem:s13], [sflag:$0xA], $0x1, s10, s12, $0xb8;
	[tilespmem:$0x800] =	vst v63  }
0x59: {  	_ =	swait.ge [sflag:s18], $0x50  }
0x5a: {  	[sflag:s18] =	ssyncset.done $0x0  }
0x5b: {  	[sflag:s18] =	ssyncadd.s32 $0xFFFFFFB0  }
0x5c: {  	s24 =	sadd.s32 s23, s5  }
0x5d: {  	s25 =	sadd.s32 $0x32, s24  }
0x5e: {  	[tilespmem:s3], [sflag:$0x1] =	stream.linear.gather [hbm4b:s25+s3], $0x50, $0x38;
	[tilespmem:$0x800] =	vst v63  }
0x5f: {  	_ =	swait.ge [sflag:s19], $0x50  }
0x60: {  	[sflag:s19] =	ssyncset.done $0x0  }
0x61: {  	s29 =	sadd.s32 $0x3C, s24;
	[sflag:s19] =	ssyncadd.s32 $0xFFFFFFB0  }
0x62: {  	[tilespmem:s7], [sflag:$0x2] =	stream.linear.gather [hbm4b:s29+s3], $0x50, $0x38;
	[tilespmem:$0x800] =	vst v63  }
0x63: {  	_ =	swait.ge [sflag:s20], $0x50  }
0x64: {  	[sflag:s20] =	ssyncset.done $0x0  }
0x65: {  	s30 =	sadd.s32 $0x46, s24;
	[sflag:s20] =	ssyncadd.s32 $0xFFFFFFB0  }
0x66: {  	[tilespmem:s8], [sflag:$0x3] =	stream.linear.gather [hbm4b:s30+s3], $0x50, $0x38;
	[tilespmem:$0x800] =	vst v63  }
0x67: {  	_ =	swait.ge [sflag:s21], $0x50  }
0x68: {  	[sflag:s21] =	ssyncset.done $0x0  }
0x69: {  	s31 =	sadd.s32 $0x50, s24;
	[sflag:s21] =	ssyncadd.s32 $0xFFFFFFB0  }
0x6a: {  	[tilespmem:s9], [sflag:$0x4] =	stream.linear.gather [hbm4b:s31+s3], $0x50, $0x38;
	[tilespmem:$0x800] =	vst v63  }
.Ltmp2:
0x6b: {  	_ = 	snop;
	(pc) =	sbr.rel .LBB2_2-.Ltmp2, $4  }
0x6c: {  	_ =	swait.ge [sflag:s22], $0x50  }
0x6d: {  	[sflag:s22] =	ssyncset.done $0x0  }
0x6e: {  	s23 =	sadd.s32 $0x32, s23;
	s24 =	sadd.s32 $0x5A, s24;
	[sflag:s22] =	ssyncadd.s32 $0xFFFFFFB0  }
0x6f: {  	[tilespmem:s10], [sflag:$0x5] =	stream.linear.gather [hbm4b:s24+s3], $0x50, $0x38;
	[tilespmem:$0x800] =	vst v63  }
.LBB2_4:
0x70: {  	s2 =	simm.s32 $0x7  }
0x71: {  	_ =	swait.ge [sflag:s2], $0x50  }
0x72: {  	[sflag:s2] =	ssyncset.done $0x0  }
0x73: {  	s26 =	simm.s32 $0x8;
	[sflag:s2] =	ssyncadd.s32 $0xFFFFFFB0  }
0x74: {  	_ =	swait.ge [sflag:s26], $0x50  }
0x75: {  	[sflag:s26] =	ssyncset.done $0x0  }
0x76: {  	s28 =	simm.s32 $0x9;
	[sflag:s26] =	ssyncadd.s32 $0xFFFFFFB0  }
0x77: {  	_ =	swait.ge [sflag:s28], $0x50  }
0x78: {  	[sflag:s28] =	ssyncset.done $0x0  }
0x79: {  	s29 =	simm.s32 $0xA;
	[sflag:s28] =	ssyncadd.s32 $0xFFFFFFB0  }
0x7a: {  	_ =	swait.ge [sflag:s29], $0x50  }
0x7b: {  	[sflag:s29] =	ssyncset.done $0x0  }
0x7c: {  	s30 =	sshll.u32 s1, $0x6;
	s3 =	sshrl.u32 s4, $0x3;
	[sflag:s29] =	ssyncadd.s32 $0xFFFFFFB0  }
0x7d: {  	s31 =	simm.s32 $0xB;
	s2 =	sor.u32 $0x1C0B, s30;
	[bflag:$0x0] =	sbarrier.arrive $0xFFFF  }
0x7e: {  	[hbm:s6], [sflag:s2] =	dma.local [spmem:s3], $0x50  }
0x7f: {  	_ =	swait.ge [sflag:s31], $0x50  }
0x80: {  	[sflag:s31] =	ssyncset.done $0x0  }
0x81: {  	[sflag:s31] =	ssyncadd.s32 $0xFFFFFFB0  }
.LBB2_5:
0x82: {  	_ =	sfence.sel $0x180000  }
0x83: {  	[bflag:$0x0] =	sbarrier.arrive $0xFFFF  }
0x84: {  	p0 =	sne.s32 s1, $0x0;
	_ =	strace $0x90000047  }
0x85: {  	s0 =	sadd.s32 @!p0 $0x100000, s0;
	[bflag:$0x2] =	sbarrier.arrive $0xFFFF  }
0x86: {  	[sflag:s0] =	ssyncadd.tile.s32 @!p0 $0x1;
	_ =	shalt  }
.Lfunc_end2:
_tile_overlayer_lowered:
.L_overlay_start_2:
0x87: {  	(tag) =	ssettag $0x2  }
0x88: {  	s0 =	rddreg [dreg:$0x0];
	s2 =	stileid.u32  }
0x89: {  	s1 =	rddreg [dreg:$0x1];
	p0 =	sne.s32 s2, $0x0  }
0x8a: {  	s3 =	rddreg [dreg:$0x2];
	[bflag:$0x3] =	sbarrier.arrive $0xFFFF;
	s2 =	simm.s32 @!p0 $0x1C0B  }
0x8b: {  	[timem:s3], [sflag:s2] =	dma.local @!p0 [hbm:s0], s1  }
0x8c: {  	s0 =	simm.s32 @!p0 $0xB  }
0x8d: {  	_ =	swait.ge @!p0 [sflag:s0], s1  }
0x8e: {  	s1 =	ssub.s32 @!p0 $0x0, s1;
	[sflag:s0] =	ssyncset.done @!p0 $0x0  }
0x8f: {  	[sflag:s0] =	ssyncadd.s32 @!p0 s1  }
0x90: {  	[bflag:$0x3] =	sbarrier.arrive $0xFFFF  }
0x91: {  	_ =	shalt  }

// kernel: kernel.13.cloned.1.call-start
scs
__scs_entry_jumppad:
0x0: {  	(pc) =	sbr.rel $0x88, $3  }
0x1: {  	(tag) =	ssettag $0x0;
	lr =	simm.s32 $0x1  }
0x2: {  	[smem:$0x3F97] =	sst lr;
	_ =	strace $0xD0000000  }
0x3: {  	_ = 	snop  }
0x4: {  	_ = 	snop  }
0x5: {  	_ = 	snop  }
0x6: {  	_ = 	snop  }
0x7: {  	_ = 	snop  }
__scs_overlays_trampoline_lowered:
0x8: {  	[smem:$0x3FA6] =	sst s0  }
0x9: {  	[smem:$0x3FA7] =	sst s1  }
0xa: {  	[smem:$0x3FA8] =	sst s2  }
0xb: {  	[smem:$0x3FA9] =	sst s3  }
0xc: {  	[smem:$0x3FAA] =	sst s4  }
0xd: {  	[smem:$0x3FAB] =	sst s5  }
0xe: {  	[smem:$0x3FAC] =	sst s6  }
0xf: {  	[smem:$0x3FAD] =	sst s7  }
0x10: {  	[smem:$0x3FAE] =	sst s8  }
0x11: {  	[smem:$0x3FAF] =	sst s9;
	s0 =	simm.s32 @!p0 $0x0  }
0x12: {  	s1 =	sld [smem:$0x3F95];
	s0 =	simm.s32 @p0 $0x1  }
0x13: {  	[smem:$0x3FB0] =	sst s0;
	s0 =	simm.s32 @!p1 $0x0  }
0x14: {  	s2 =	sld [smem:$0x3F94];
	s0 =	simm.s32 @p1 $0x1  }
0x15: {  	[smem:$0x3FB1] =	sst s0;
	s0 =	simm.s32 @!p2 $0x0  }
0x16: {  	s3 =	sld [smem:$0x3FDB];
	s0 =	simm.s32 @p2 $0x1  }
0x17: {  	s4 =	simm.s32 $0x1BF5;
	[smem:$0x3FB3] =	sst s0  }
0x18: {  	s0 =	sld [smem:$0x3F96];
	_ =	swait.ge [sflag:s4], $0x0  }
0x19: {  	s7 =	sld [smem:$0x3F97]  }
0x1a: {  	s8 =	sadd.s32 $0xFFFFE003, lr  }
0x1b: {  	s9 =	sadd.s32 $0xFFFFFEF7, lr;
	s5 =	simm.s32 $0xFFFFFFFF;
	p2 =	slt.u32 s8, $0xFFFFF086  }
0x1c: {  	p1 =	slt.u32 s9, $0xF7A;
	s5 =	simm.s32 @!p2 $0x0  }
0x1d: {  	s5 =	simm.s32 @p1 $0x1;
	p0 =	seq.s32 s7, s2  }
0x1e: {  	s7 =	smul.u32 @!p0 $0xF7A, s2;
	p2 =	seq.s32 @!p0 s5, $0x0  }
0x1f: {  	s9 =	smul.u32 $0xF7A, s1;
	s8 =	simm.s32 @!p0 $0x1BF5;
	p2 =	por !p2, p0  }
0x20: {  	[sflag:s8] =	ssyncset.s32 @!p0 $0xFFFFF086;
	s6 =	sadd.s32 @!p0 s3, s7;
	s7 =	simm.s32 @!p0 $0x108  }
0x21: {  	s3 =	sadd.s32 s3, s9;
	s6 =	sadd.s32 @!p0 $0x88, s6;
	s7 =	simm.s32 @p2 $0x1082  }
0x22: {  	[simem:s7], [sflag:s8] =	dma.local @!p0 [hbm:s6], $0xF7A  }
0x23: {  	s9 =	sor.u32 $0xD0000000, s2;
	s6 =	simm.s32 $0x108;
	_ =	swait.ge @!p0 [sflag:s8], $0x0  }
0x24: {  	s3 =	sadd.s32 $0x88, s3;
	s6 =	simm.s32 @!p1 $0x1082;
	[sflag:s4] =	ssyncset.s32 $0xFFFFF086  }
0x25: {  	[simem:s6], [sflag:s4] =	dma.local [hbm:s3], $0xF7A  }
0x26: {  	[smem:$0x3F97] =	sst s1;
	(tag) =	ssettag s2;
	_ =	strace s9  }
0x27: {  	s1 =	sld [smem:$0x3FA7]  }
0x28: {  	s2 =	sld [smem:$0x3FA8]  }
0x29: {  	s4 =	sld [smem:$0x3FAA]  }
0x2a: {  	p0 =	seq.s32 s5, $0x0;
	s5 =	sld [smem:$0x3FAB]  }
0x2b: {  	s6 =	sld [smem:$0x3FAC]  }
0x2c: {  	s7 =	sld [smem:$0x3FAD]  }
0x2d: {  	s3 =	simm.s32 $0x108;
	s8 =	sld [smem:$0x3FAE]  }
0x2e: {  	s3 =	simm.s32 @!p0 $0x1082;
	s9 =	sld [smem:$0x3FAF]  }
0x2f: {  	lr =	sadd.s32 s0, s3;
	s0 =	sld [smem:$0x3FA6]  }
0x30: {  	s3 =	sld [smem:$0x3FA9]  }
0x31: {  	[smem:$0x3FB2] =	sst s10  }
0x32: {  	s10 =	sld [smem:$0x3FB0];
	_ =	sdelay $0x3  }
0x33: {  	p0 =	seq.s32 s10, $0x1;
	s10 =	sld [smem:$0x3FB2];
	_ =	sdelay $0x3  }
0x34: {  	[smem:$0x3FB2] =	sst s10  }
0x35: {  	s10 =	sld [smem:$0x3FB1];
	_ =	sdelay $0x3  }
0x36: {  	p1 =	seq.s32 s10, $0x1;
	s10 =	sld [smem:$0x3FB2];
	_ =	sdelay $0x3  }
0x37: {  	[smem:$0x3FB2] =	sst s10  }
0x38: {  	s10 =	sld [smem:$0x3FB3]  }
0x39: {  	_ = 	snop;
	(pc) =	sbr.ind lr, $3  }
0x3a: {  	_ = 	snop  }
0x3b: {  	_ = 	snop  }
0x3c: {  	p2 =	seq.s32 s10, $0x1;
	s10 =	sld [smem:$0x3FB2]  }
0x3d: {  	_ =	shalt  }
0x3e: {  	_ =	shalt  }
0x3f: {  	_ =	shalt  }
0x40: {  	_ =	shalt  }
0x41: {  	_ =	shalt  }
0x42: {  	_ =	shalt  }
0x43: {  	_ =	shalt  }
0x44: {  	_ =	shalt  }
0x45: {  	_ =	shalt  }
0x46: {  	_ =	shalt  }
0x47: {  	_ =	shalt  }
0x48: {  	_ =	shalt  }
0x49: {  	_ =	shalt  }
0x4a: {  	_ =	shalt  }
0x4b: {  	_ =	shalt  }
0x4c: {  	_ =	shalt  }
0x4d: {  	_ =	shalt  }
0x4e: {  	_ =	shalt  }
0x4f: {  	_ =	shalt  }
0x50: {  	_ =	shalt  }
0x51: {  	_ =	shalt  }
0x52: {  	_ =	shalt  }
0x53: {  	_ =	shalt  }
0x54: {  	_ =	shalt  }
0x55: {  	_ =	shalt  }
0x56: {  	_ =	shalt  }
0x57: {  	_ =	shalt  }
0x58: {  	_ =	shalt  }
0x59: {  	_ =	shalt  }
0x5a: {  	_ =	shalt  }
0x5b: {  	_ =	shalt  }
0x5c: {  	_ =	shalt  }
0x5d: {  	_ =	shalt  }
0x5e: {  	_ =	shalt  }
0x5f: {  	_ =	shalt  }
0x60: {  	_ =	shalt  }
0x61: {  	_ =	shalt  }
0x62: {  	_ =	shalt  }
0x63: {  	_ =	shalt  }
0x64: {  	_ =	shalt  }
0x65: {  	_ =	shalt  }
0x66: {  	_ =	shalt  }
0x67: {  	_ =	shalt  }
0x68: {  	_ =	shalt  }
0x69: {  	_ =	shalt  }
0x6a: {  	_ =	shalt  }
0x6b: {  	_ =	shalt  }
0x6c: {  	_ =	shalt  }
0x6d: {  	_ =	shalt  }
0x6e: {  	_ =	shalt  }
0x6f: {  	_ =	shalt  }
0x70: {  	_ =	shalt  }
0x71: {  	_ =	shalt  }
0x72: {  	_ =	shalt  }
0x73: {  	_ =	shalt  }
0x74: {  	_ =	shalt  }
0x75: {  	_ =	shalt  }
0x76: {  	_ =	shalt  }
0x77: {  	_ =	shalt  }
0x78: {  	_ =	shalt  }
0x79: {  	_ =	shalt  }
0x7a: {  	_ =	shalt  }
0x7b: {  	_ =	shalt  }
0x7c: {  	_ =	shalt  }
0x7d: {  	_ =	shalt  }
0x7e: {  	_ =	shalt  }
0x7f: {  	_ =	shalt  }
0x80: {  	_ =	shalt  }
0x81: {  	_ =	shalt  }
0x82: {  	_ =	shalt  }
0x83: {  	_ =	shalt  }
0x84: {  	_ =	shalt  }
0x85: {  	_ =	shalt  }
0x86: {  	_ =	shalt  }
0x87: {  	_ =	shalt  }
.Lfunc_end0:
.L_simem_size_0:
called_computation.1_lowered:
.L_overlay_start_0:
0x88: {  	s2 =	sld [smem:$0x3FD9]  }
0x89: {  	s3 =	sld [smem:$0x3FFE];
	_ =	sdelay $0x1  }
0x8a: {  	s1 =	srdreg.scid  }
0x8b: {  	s0 =	sand.u32 $0x1, s1  }
0x8c: {  	s14 =	sshll.u32 s0, $0xA;
	s2 =	sadd.s32 s3, s2  }
0x8d: {  	s2 =	sadd.s32 s2, s14  }
0x8e: {  	[smem:$0x3FBE] =	sst s2  }
0x8f: {  	_ = 	snop  }
0x90: {  	s2 =	sld [smem:$0x3FD0];
	_ =	sdelay $0x2  }
0x91: {  	s15 =	simm.s32 $0xA;
	s4 =	simm.s32 $0x10  }
0x92: {  	[smem:s4], [sflag:s15] =	dma.local [hbm:s2], $0x1  }
0x93: {  	_ =	swait.eq [sflag:s15], $0x1  }
0x94: {  	[sflag:s15] =	ssyncset.done $0x0  }
0x95: {  	[sflag:s15] =	ssyncadd.s32 $0xFFFFFFFF  }
0x96: {  	s16 =	sld [smem:$0x11];
	(tm) =	ssettm $0x1  }
0x97: {  	s17 =	sld [smem:$0x3FFB];
	_ =	sdelay $0x3  }
0x98: {  	_ =	strace s17  }
0x99: {  	s3 =	sld [smem:$0x3FFC];
	_ =	sdelay $0x3  }
0x9a: {  	_ =	strace s3  }
0x9b: {  	s3 =	sld [smem:$0x3FFD];
	_ =	sdelay $0x3  }
0x9c: {  	_ =	strace s3  }
0x9d: {  	_ =	strace $0x8FFFFFFF  }
0x9e: {  	s18 =	sld [smem:$0x3FDB];
	_ =	sdelay $0x1  }
0x9f: {  	s19 =	simm.s32 $_scs_section_size  }
0xa0: {  	s5 =	simm.s32 $_size__tile_overlayer_lowered;
	s6 =	simm.s32 $_tile_overlayer_lowered  }
0xa1: {  	s22 =	simm.s32 $0x1BFF;
	s21 =	sshll.u32 s6, $0x1;
	s3 =	sadd.s32 s19, s18  }
0xa2: {  	s7 =	simm.s32 $0x0;
	s20 =	sshll.u32 s5, $0x1;
	s5 =	sadd.s32 s21, s3  }
0xa3: {  	[timem:s7], [sflag:s22] =	dma.local [hbm:s5], s20  }
0xa4: {  	_ =	swait.ge [sflag:s22], s20  }
0xa5: {  	s4 =	ssub.s32 $0x0, s20;
	[sflag:s22] =	ssyncset.done $0x0  }
0xa6: {  	[sflag:s22] =	ssyncadd.s32 s4;
	_ =	sdelay $0x1  }
0xa7: {  	s23 =	simm.s32 $0x1B8B  }
0xa8: {  	_ =	swait.ge [sflag:s23], $0x1  }
0xa9: {  	[sflag:s23] =	ssyncset.done $0x0  }
0xaa: {  	s25 =	simm.s32 $0x1B8E;
	s24 =	sld [smem:$0x3FFE];
	[sflag:s23] =	ssyncadd.s32 $0xFFFFFFFF  }
0xab: {  	s26 =	simm.s32 $execute0_lowered;
	[smem:$0x3FD2] =	sst s25  }
0xac: {  	s5 =	sshll.u32 s26, $0x1;
	_ =	strace $0x80000049;
	[dreg:$0x1] =	wrdreg $0xFFFFFFFF  }
0xad: {  	s28 =	simm.s32 $_size_execute0_lowered;
	s3 =	sadd.s32 s3, s5;
	[dreg:$0x0] =	wrdreg $0x0  }
0xae: {  	s5 =	sshll.u32 s28, $0x1;
	[dreg:$0x2] =	wrdreg s3  }
0xaf: {  	[dreg:$0x3] =	wrdreg s5  }
0xb0: {  	[dreg:$0x4] =	wrdreg $0xC0  }
0xb1: {  	_ =	task [dreg:s7], $0x5FFFF  }
0xb2: {  	[dreg:$0x1] =	wrdreg $0xFFFFFFFF  }
0xb3: {  	[dreg:$0x0] =	wrdreg $0x60  }
0xb4: {  	[dreg:$0x2] =	wrdreg s24  }
0xb5: {  	[dreg:$0x3] =	wrdreg s16  }
0xb6: {  	[dreg:$0x4] =	wrdreg $0xA4000  }
0xb7: {  	[dreg:$0x5] =	wrdreg $0x9  }
0xb8: {  	_ =	task.clear_ibuf [dreg:s7], $0x6FFFF;
	_ =	strace $0x90000049  }
0xb9: {  	s29 =	simm.s32 $0x9;
	_ =	strace $0x8000004B  }
0xba: {  	_ =	swait.ge [sflag:s29], $0x1  }
0xbb: {  	[sflag:s29] =	ssyncadd.s32 $0xFFFFFFFF  }
0xbc: {  	_ =	strace $0x9000004B  }
0xbd: {  	_ =	sfence  }
0xbe: {  	s30 =	sld [smem:$0x0];
	_ =	sdelay $0x2  }
0xbf: {  	s31 =	sshll.u32 s1, $0xD;
	s1 =	sshrl.u32 s1, $0x2  }
0xc0: {  	s3 =	sand.u32 $0x4000, s31;
	s1 =	sadd.s32 s1, s30  }
0xc1: {  	s0 =	sor.u32 s3, s0;
	s1 =	sshll.u32 s1, $0x11  }
0xc2: {  	s0 =	sor.u32 s1, s0  }
0xc3: {  	s0 =	sadd.s32 $0x8F2B, s0  }
0xc4: {  	[sflag:s0] =	ssyncadd.remote.s32 $0x1  }
0xc5: {  	_ =	sfence.sel $0xFFFF  }
0xc6: {  	[dreg:$0x0] =	wrdreg $0xFFFFFFFF;
	(pc) =	sbr.abs _section_cstart, $3  }
0xc7: {  	[dreg:$0x1] =	wrdreg $0xFFFFFFFF  }
0xc8: {  	_ =	task.clear_ibuf [dreg:s7], $0x2FFFF;
	_ =	strace $0x9FFFFFFF  }
0xc9: {  	(tm) =	ssettm $0x7FFFFFFF  }
tec
execute0_lowered:
.L_overlay_start_1:
0x0: {  	(tag) =	ssettag $0x1  }
0x1: {  	s0 =	rddreg [dreg:$0x0];
	s1 =	srdreg.scid  }
0x2: {  	s4 =	rddreg [dreg:$0x1];
	s11 =	stileid.u32  }
0x3: {  	s2 =	rddreg [dreg:$0x2];
	s3 =	simm.s32 $0x0;
	s15 =	simm.s32 $0x80  }
0x4: {  	s16 =	simm.s32 $0x3E800;
	s28 =	simm.s32 $0x5400;
	s6 =	smul.u32 $0x280, s11  }
0x5: {  	s29 =	simm.s32 $0x4;
	s30 =	simm.s32 $0x7C00;
	s18 =	smul.u32 $0x50000, s11  }
0x6: {  	s31 =	simm.s32 $0x6;
	s1 =	sand.u32 $0x1, s1;
	s10 =	smul.u32 $0x3E80, s11  }
0x7: {  	[smem:$0x7FF] =	sst s3;
	s8 =	sadd.s32 $0x2400, s0;
	s19 =	smul.u32 $0x7D0, s11  }
0x8: {  	s12 =	sshll.u32 s11, $0x6;
	s5 =	smul.u32 $0x2800, s1;
	_ =	strace $0x8000004A  }
0x9: {  	s7 =	ssub.s32 $0x2, s1;
	[dreg:$0x5] =	wrdreg s12;
	s21 =	sor.u32 $0x1C05, s12  }
0xa: {  	s1 =	smul.u32 $0x28000, s1;
	s9 =	sshrl.u32 s7, $0x1;
	s20 =	sshrl.u32 s10, $0x3  }
0xb: {  	[dreg:$0x6] =	wrdreg s21;
	s21 =	simm.s32 $0x1;
	s5 =	sadd.s32 s6, s5  }
0xc: {  	s6 =	sshrl.u32 s18, $0x2;
	s9 =	ssub.s32 s7, s9;
	s22 =	sadd.s32 s4, s20  }
0xd: {  	s7 =	sadd.s32 s4, s19;
	s11 =	sadd.s32 s8, s1;
	s20 =	simm.s32 $0x5  }
0xe: {  	s4 =	simm.s32 $0x0;
	s19 =	simm.s32 $0x100;
	s5 =	sshll.u32 s5, $0x4  }
0xf: {  	s6 =	sadd.s32 s6, s2;
	s23 =	sadd.s32 $0x10, s22;
	s24 =	sadd.s32 $0x20, s22  }
0x10: {  	s25 =	sadd.s32 $0x30, s22;
	s26 =	smax.u32 s9, $0x1;
	[dreg:$0x7] =	wrdreg s23  }
0x11: {  	s22 =	simm.s32 $0x50;
	s9 =	simm.s32 $0xA;
	[dreg:$0x8] =	wrdreg s24  }
0x12: {  	s0 =	sadd.s32 s5, s0;
	s5 =	sadd.s32 s8, s5;
	[dreg:$0x9] =	wrdreg s25  }
.Ltmp0:
0x13: {  	[dreg:$0xb] =	wrdreg s26;
	s13 =	sshrl.u32 s6, $0x3;
	(pc) =	sbr.rel .LBB2_1-.Ltmp0, $4  }
0x14: {  	s23 =	simm.s32 $0x400;
	s24 =	simm.s32 $0x2;
	s25 =	simm.s32 $0x2C00  }
0x15: {  	s26 =	simm.s32 $0x3;
	s6 =	simm.s32 $0x8;
	[dreg:$0x4] =	wrdreg s5  }
0x16: {  	s8 =	simm.s32 $0x9;
	s0 =	sadd.s32 $0x52400, s0;
	[dreg:$0xc] =	wrdreg s13  }
0x17: {  	s5 =	simm.s32 $0x380;
	[dreg:$0xa] =	wrdreg s0;
	s0 =	simm.s32 $0x7  }
.LBB2_4:
0x18: {  	_ =	swait.ge [sflag:s20], $0x2800  }
0x19: {  	[sflag:s20] =	ssyncset.done $0x0  }
0x1a: {  	[sflag:s20] =	ssyncadd.s32 $0xFFFFD800  }
0x1b: {  	[spmem:s2] =	stream.indirect.scatter.add.f32 [tilespmem:s23], [sflag:$0x9], $0x80, s15, s22, $0xb8;
	[tilespmem:$0x1E400] =	vst v63  }
0x1c: {  	_ =	swait.ge [sflag:s8], $0x2800  }
0x1d: {  	[sflag:s8] =	ssyncset.done $0x0  }
0x1e: {  	[sflag:s8] =	ssyncadd.s32 $0xFFFFD800  }
0x1f: {  	[bflag:$0x0] =	sbarrier.arrive $0xFFFF  }
0x20: {  	s10 =	rddreg [dreg:$0x5]  }
0x21: {  	s12 =	rddreg [dreg:$0xa]  }
0x22: {  	s1 =	simm.s32 $0xD;
	s13 =	rddreg [dreg:$0xc];
	s10 =	sor.u32 $0x1C0D, s10  }
0x23: {  	[hbm:s12], [sflag:s10] =	dma.local [spmem:s13], $0x2800  }
0x24: {  	_ =	swait.ge [sflag:s1], $0x2800  }
0x25: {  	s4 =	rddreg [dreg:$0xd]  }
0x26: {  	s18 =	rddreg [dreg:$0xb];
	s4 =	sadd.s32 $0x1, s4  }
0x27: {  	p0 =	sne.s32 s4, s18  }
.Ltmp1:
0x28: {  	_ = 	snop;
	(pc) =	sbr.rel @!p0 .LBB2_5-.Ltmp1, $3  }
0x29: {  	_ =	sdelay $0x1  }
0x2a: {  	[sflag:s1] =	ssyncset.done $0x0  }
0x2b: {  	[sflag:s1] =	ssyncadd.s32 $0xFFFFD800  }
.LBB2_1:
0x2c: {  	[dreg:$0xd] =	wrdreg s4  }
0x2d: {  	s10 =	rddreg [dreg:$0x4]  }
0x2e: {  	s12 =	rddreg [dreg:$0x6]  }
0x2f: {  	[spmem:s13], [sflag:s12] =	dma.local [hbm:s10], $0x2800  }
0x30: {  	[tilespmem:s3], [sflag:$0x1] =	stream.strided.gather [hbm4b:s7+s15], $0x100, s16, s15, $0x38;
	[tilespmem:$0x1E400] =	vst v63  }
0x31: {  	s13 =	simm.s32 $0x100;
	s10 =	rddreg [dreg:$0x7]  }
0x32: {  	[tilespmem:s13], [sflag:$0x2] =	stream.strided.gather [hbm4b:s10+s15], $0x100, s16, s15, $0x38;
	[tilespmem:$0x1E400] =	vst v63  }
0x33: {  	s17 =	simm.s32 $0x200;
	s14 =	rddreg [dreg:$0x8]  }
0x34: {  	[tilespmem:s17], [sflag:$0x3] =	stream.strided.gather [hbm4b:s14+s15], $0x100, s16, s15, $0x38;
	[tilespmem:$0x1E400] =	vst v63  }
0x35: {  	s18 =	rddreg [dreg:$0x9];
	s14 =	simm.s32 $0x300  }
0x36: {  	[tilespmem:s14], [sflag:$0x4] =	stream.strided.gather [hbm4b:s18+s15], $0x100, s16, s15, $0x38;
	[tilespmem:$0x1E400] =	vst v63  }
0x37: {  	_ =	swait.ge [sflag:s20], $0x2800  }
0x38: {  	[sflag:s20] =	ssyncset.done $0x0  }
0x39: {  	[sflag:s20] =	ssyncadd.s32 $0xFFFFD800  }
0x3a: {  	[bflag:$0x0] =	sbarrier.arrive $0xFFFF  }
0x3b: {  	_ =	swait.ge [sflag:s21], $0x100  }
0x3c: {  	[sflag:s21] =	ssyncset.done $0x0  }
0x3d: {  	[sflag:s21] =	ssyncadd.s32 $0xFFFFFF00  }
0x3e: {  	[tilespmem:s23], [sflag:$0x5] =	stream.indirect.gather [hbm4b:s11+s22], $0x80, s3, s22, $0xb8;
	[tilespmem:$0x1E400] =	vst v63  }
0x3f: {  	_ =	swait.ge [sflag:s24], $0x100  }
0x40: {  	[sflag:s24] =	ssyncset.done $0x0  }
0x41: {  	[sflag:s24] =	ssyncadd.s32 $0xFFFFFF00  }
0x42: {  	[tilespmem:s25], [sflag:$0x6] =	stream.indirect.gather [hbm4b:s11+s22], $0x80, s13, s22, $0xb8;
	[tilespmem:$0x1E400] =	vst v63  }
0x43: {  	_ =	swait.ge [sflag:s26], $0x100  }
0x44: {  	[sflag:s26] =	ssyncset.done $0x0  }
0x45: {  	[sflag:s26] =	ssyncadd.s32 $0xFFFFFF00  }
0x46: {  	[tilespmem:s28], [sflag:$0x7] =	stream.indirect.gather [hbm4b:s11+s22], $0x80, s17, s22, $0xb8;
	[tilespmem:$0x1E400] =	vst v63  }
0x47: {  	_ =	swait.ge [sflag:s29], $0x100  }
0x48: {  	s1 =	simm.s32 $0x200;
	[sflag:s29] =	ssyncset.done $0x0  }
0x49: {  	s4 =	simm.s32 $0x300;
	s13 =	simm.s32 $0xFFFFF880;
	[sflag:s29] =	ssyncadd.s32 $0xFFFFFF00  }
0x4a: {  	[tilespmem:s30], [sflag:$0x8] =	stream.indirect.gather [hbm4b:s11+s22], $0x80, s14, s22, $0xb8;
	[tilespmem:$0x1E400] =	vst v63  }
.LBB2_2:
0x4b: {  	_ =	swait.ge [sflag:s20], $0x2800  }
0x4c: {  	[sflag:s20] =	ssyncset.done $0x0  }
0x4d: {  	[sflag:s20] =	ssyncadd.s32 $0xFFFFD800  }
0x4e: {  	[spmem:s2] =	stream.indirect.scatter.add.f32 [tilespmem:s23], [sflag:$0x9], $0x80, s15, s22, $0xb8;
	[tilespmem:$0x1E400] =	vst v63  }
0x4f: {  	_ =	swait.ge [sflag:s31], $0x2800  }
0x50: {  	[sflag:s31] =	ssyncset.done $0x0  }
0x51: {  	s10 =	simm.s32 $0x180;
	[sflag:s31] =	ssyncadd.s32 $0xFFFFD800  }
0x52: {  	[spmem:s2] =	stream.indirect.scatter.add.f32 [tilespmem:s25], [sflag:$0xA], $0x80, s10, s22, $0xb8;
	[tilespmem:$0x1E400] =	vst v63  }
0x53: {  	_ =	swait.ge [sflag:s0], $0x2800  }
0x54: {  	[sflag:s0] =	ssyncset.done $0x0  }
0x55: {  	s17 =	simm.s32 $0x280;
	[sflag:s0] =	ssyncadd.s32 $0xFFFFD800  }
0x56: {  	[spmem:s2] =	stream.indirect.scatter.add.f32 [tilespmem:s28], [sflag:$0xB], $0x80, s17, s22, $0xb8;
	[tilespmem:$0x1E400] =	vst v63  }
0x57: {  	_ =	swait.ge [sflag:s6], $0x2800  }
0x58: {  	[sflag:s6] =	ssyncset.done $0x0  }
0x59: {  	[sflag:s6] =	ssyncadd.s32 $0xFFFFD800  }
0x5a: {  	[spmem:s2] =	stream.indirect.scatter.add.f32 [tilespmem:s30], [sflag:$0xC], $0x80, s5, s22, $0xb8;
	[tilespmem:$0x1E400] =	vst v63  }
0x5b: {  	_ =	swait.ge [sflag:s8], $0x2800  }
0x5c: {  	s18 =	sadd.s32 s13, s7;
	[sflag:s8] =	ssyncset.done $0x0  }
0x5d: {  	p0 =	sne.s32 s13, $0x0;
	s10 =	sadd.s32 $0x7C0, s18;
	[sflag:s8] =	ssyncadd.s32 $0xFFFFD800  }
0x5e: {  	[tilespmem:s3], [sflag:$0x1] =	stream.strided.gather [hbm4b:s10+s15], $0x100, s16, s15, $0x38;
	[tilespmem:$0x1E400] =	vst v63  }
0x5f: {  	s12 =	simm.s32 @p0 $0x80;
	_ =	swait.ge [sflag:s9], $0x2800  }
0x60: {  	s18 =	simm.s32 @p0 $0x100;
	s10 =	sadd.s32 @p0 s13, s7;
	[sflag:s9] =	ssyncset.done $0x0  }
0x61: {  	s17 =	simm.s32 @p0 $0x3E800;
	s14 =	sadd.s32 @p0 $0x7D0, s10;
	[sflag:s9] =	ssyncadd.s32 $0xFFFFD800  }
0x62: {  	[tilespmem:s18], [sflag:$0x2] =	stream.strided.gather @p0 [hbm4b:s14+s12], $0x100, s17, s12, $0x38;
	[tilespmem:$0x1E400] =	vst v63  }
0x63: {  	s14 =	simm.s32 @p0 $0xB  }
0x64: {  	_ =	swait.ge @p0 [sflag:s14], $0x2800  }
0x65: {  	[sflag:s14] =	ssyncset.done @p0 $0x0  }
0x66: {  	s18 =	simm.s32 @p0 $0x200;
	[sflag:s14] =	ssyncadd.s32 @p0 $0xFFFFD800;
	s14 =	sadd.s32 @p0 $0x7E0, s10  }
0x67: {  	[tilespmem:s18], [sflag:$0x3] =	stream.strided.gather @p0 [hbm4b:s14+s12], $0x100, s17, s12, $0x38;
	[tilespmem:$0x1E400] =	vst v63  }
0x68: {  	s14 =	simm.s32 @p0 $0xC  }
0x69: {  	_ =	swait.ge @p0 [sflag:s14], $0x2800  }
0x6a: {  	[sflag:s14] =	ssyncset.done @p0 $0x0  }
0x6b: {  	s10 =	sadd.s32 @p0 $0x7F0, s10;
	[sflag:s14] =	ssyncadd.s32 @p0 $0xFFFFD800;
	s14 =	simm.s32 @p0 $0x300  }
0x6c: {  	[tilespmem:s14], [sflag:$0x4] =	stream.strided.gather @p0 [hbm4b:s10+s12], $0x100, s17, s12, $0x38;
	[tilespmem:$0x1E400] =	vst v63  }
0x6d: {  	s10 =	simm.s32 @!p0 $0xB  }
0x6e: {  	_ =	swait.ge @!p0 [sflag:s10], $0x2800  }
0x6f: {  	[sflag:s10] =	ssyncset.done @!p0 $0x0  }
0x70: {  	[sflag:s10] =	ssyncadd.s32 @!p0 $0xFFFFD800;
	s10 =	simm.s32 @!p0 $0xC  }
0x71: {  	_ =	swait.ge @!p0 [sflag:s10], $0x2800  }
0x72: {  	[sflag:s10] =	ssyncset.done @!p0 $0x0  }
0x73: {  	[sflag:s10] =	ssyncadd.s32 @!p0 $0xFFFFD800;
	p0 =	seq.s32 s13, $0x0  }
.Ltmp2:
0x74: {  	_ = 	snop;
	(pc) =	sbr.rel @p0 .LBB2_4-.Ltmp2, $4  }
0x75: {  	_ =	swait.ge [sflag:s21], $0x100  }
0x76: {  	[sflag:s21] =	ssyncset.done $0x0  }
0x77: {  	[sflag:s21] =	ssyncadd.s32 $0xFFFFFF00  }
0x78: {  	[tilespmem:s23], [sflag:$0x5] =	stream.indirect.gather [hbm4b:s11+s22], $0x80, s3, s22, $0xb8;
	[tilespmem:$0x1E400] =	vst v63  }
0x79: {  	_ =	swait.ge [sflag:s24], $0x100  }
0x7a: {  	[sflag:s24] =	ssyncset.done $0x0  }
0x7b: {  	[sflag:s24] =	ssyncadd.s32 $0xFFFFFF00  }
0x7c: {  	[tilespmem:s25], [sflag:$0x6] =	stream.indirect.gather [hbm4b:s11+s22], $0x80, s19, s22, $0xb8;
	[tilespmem:$0x1E400] =	vst v63  }
0x7d: {  	_ =	swait.ge [sflag:s26], $0x100  }
0x7e: {  	[sflag:s26] =	ssyncset.done $0x0  }
0x7f: {  	[sflag:s26] =	ssyncadd.s32 $0xFFFFFF00  }
0x80: {  	[tilespmem:s28], [sflag:$0x7] =	stream.indirect.gather [hbm4b:s11+s22], $0x80, s1, s22, $0xb8;
	[tilespmem:$0x1E400] =	vst v63  }
.Ltmp3:
0x81: {  	_ = 	snop;
	(pc) =	sbr.rel .LBB2_2-.Ltmp3, $4  }
0x82: {  	_ =	swait.ge [sflag:s29], $0x100  }
0x83: {  	[sflag:s29] =	ssyncset.done $0x0  }
0x84: {  	s13 =	sadd.s32 $0x40, s13;
	[sflag:s29] =	ssyncadd.s32 $0xFFFFFF00  }
0x85: {  	[tilespmem:s30], [sflag:$0x8] =	stream.indirect.gather [hbm4b:s11+s22], $0x80, s4, s22, $0xb8;
	[tilespmem:$0x1E400] =	vst v63  }
.LBB2_5:
0x86: {  	_ =	sfence.sel $0x180000  }
0x87: {  	[bflag:$0x0] =	sbarrier.arrive $0xFFFF  }
0x88: {  	_ =	strace $0x9000004A  }
0x89: {  	s0 =	stileid.u32;
	[bflag:$0x2] =	sbarrier.arrive $0xFFFF  }
0x8a: {  	p0 =	sne.s32 s0, $0x0;
	s0 =	rddreg [dreg:$0x3]  }
0x8b: {  	s0 =	sadd.s32 @!p0 $0x100000, s0  }
0x8c: {  	[sflag:s0] =	ssyncadd.tile.s32 @!p0 $0x1;
	_ =	shalt  }
.Lfunc_end2:
_tile_overlayer_lowered:
.L_overlay_start_2:
0x8d: {  	(tag) =	ssettag $0x2  }
0x8e: {  	s0 =	rddreg [dreg:$0x0];
	s2 =	stileid.u32  }
0x8f: {  	s1 =	rddreg [dreg:$0x1];
	p0 =	sne.s32 s2, $0x0  }
0x90: {  	s3 =	rddreg [dreg:$0x2];
	[bflag:$0x3] =	sbarrier.arrive $0xFFFF;
	s2 =	simm.s32 @!p0 $0x1C0D  }
0x91: {  	[timem:s3], [sflag:s2] =	dma.local @!p0 [hbm:s0], s1  }
0x92: {  	s0 =	simm.s32 @!p0 $0xD  }
0x93: {  	_ =	swait.ge @!p0 [sflag:s0], s1  }
0x94: {  	s1 =	ssub.s32 @!p0 $0x0, s1;
	[sflag:s0] =	ssyncset.done @!p0 $0x0  }
0x95: {  	[sflag:s0] =	ssyncadd.s32 @!p0 s1  }
0x96: {  	[bflag:$0x3] =	sbarrier.arrive $0xFFFF  }
0x97: {  	_ =	shalt  }

// kernel: kernel.16.cloned.1.call-start
scs
__scs_entry_jumppad:
0x0: {  	(pc) =	sbr.rel $0x88, $3  }
0x1: {  	(tag) =	ssettag $0x0;
	lr =	simm.s32 $0x1  }
0x2: {  	[smem:$0x3F97] =	sst lr;
	_ =	strace $0xD0000000  }
0x3: {  	_ = 	snop  }
0x4: {  	_ = 	snop  }
0x5: {  	_ = 	snop  }
0x6: {  	_ = 	snop  }
0x7: {  	_ = 	snop  }
__scs_overlays_trampoline_lowered:
0x8: {  	[smem:$0x3FA6] =	sst s0  }
0x9: {  	[smem:$0x3FA7] =	sst s1  }
0xa: {  	[smem:$0x3FA8] =	sst s2  }
0xb: {  	[smem:$0x3FA9] =	sst s3  }
0xc: {  	[smem:$0x3FAA] =	sst s4  }
0xd: {  	[smem:$0x3FAB] =	sst s5  }
0xe: {  	[smem:$0x3FAC] =	sst s6  }
0xf: {  	[smem:$0x3FAD] =	sst s7  }
0x10: {  	[smem:$0x3FAE] =	sst s8  }
0x11: {  	[smem:$0x3FAF] =	sst s9;
	s0 =	simm.s32 @!p0 $0x0  }
0x12: {  	s1 =	sld [smem:$0x3F95];
	s0 =	simm.s32 @p0 $0x1  }
0x13: {  	[smem:$0x3FB0] =	sst s0;
	s0 =	simm.s32 @!p1 $0x0  }
0x14: {  	s2 =	sld [smem:$0x3F94];
	s0 =	simm.s32 @p1 $0x1  }
0x15: {  	[smem:$0x3FB1] =	sst s0;
	s0 =	simm.s32 @!p2 $0x0  }
0x16: {  	s3 =	sld [smem:$0x3FDB];
	s0 =	simm.s32 @p2 $0x1  }
0x17: {  	s4 =	simm.s32 $0x1BF5;
	[smem:$0x3FB3] =	sst s0  }
0x18: {  	s0 =	sld [smem:$0x3F96];
	_ =	swait.ge [sflag:s4], $0x0  }
0x19: {  	s7 =	sld [smem:$0x3F97]  }
0x1a: {  	s8 =	sadd.s32 $0xFFFFE003, lr  }
0x1b: {  	s9 =	sadd.s32 $0xFFFFFEF7, lr;
	s5 =	simm.s32 $0xFFFFFFFF;
	p2 =	slt.u32 s8, $0xFFFFF086  }
0x1c: {  	p1 =	slt.u32 s9, $0xF7A;
	s5 =	simm.s32 @!p2 $0x0  }
0x1d: {  	s5 =	simm.s32 @p1 $0x1;
	p0 =	seq.s32 s7, s2  }
0x1e: {  	s7 =	smul.u32 @!p0 $0xF7A, s2;
	p2 =	seq.s32 @!p0 s5, $0x0  }
0x1f: {  	s9 =	smul.u32 $0xF7A, s1;
	s8 =	simm.s32 @!p0 $0x1BF5;
	p2 =	por !p2, p0  }
0x20: {  	[sflag:s8] =	ssyncset.s32 @!p0 $0xFFFFF086;
	s6 =	sadd.s32 @!p0 s3, s7;
	s7 =	simm.s32 @!p0 $0x108  }
0x21: {  	s3 =	sadd.s32 s3, s9;
	s6 =	sadd.s32 @!p0 $0x88, s6;
	s7 =	simm.s32 @p2 $0x1082  }
0x22: {  	[simem:s7], [sflag:s8] =	dma.local @!p0 [hbm:s6], $0xF7A  }
0x23: {  	s9 =	sor.u32 $0xD0000000, s2;
	s6 =	simm.s32 $0x108;
	_ =	swait.ge @!p0 [sflag:s8], $0x0  }
0x24: {  	s3 =	sadd.s32 $0x88, s3;
	s6 =	simm.s32 @!p1 $0x1082;
	[sflag:s4] =	ssyncset.s32 $0xFFFFF086  }
0x25: {  	[simem:s6], [sflag:s4] =	dma.local [hbm:s3], $0xF7A  }
0x26: {  	[smem:$0x3F97] =	sst s1;
	(tag) =	ssettag s2;
	_ =	strace s9  }
0x27: {  	s1 =	sld [smem:$0x3FA7]  }
0x28: {  	s2 =	sld [smem:$0x3FA8]  }
0x29: {  	s4 =	sld [smem:$0x3FAA]  }
0x2a: {  	p0 =	seq.s32 s5, $0x0;
	s5 =	sld [smem:$0x3FAB]  }
0x2b: {  	s6 =	sld [smem:$0x3FAC]  }
0x2c: {  	s7 =	sld [smem:$0x3FAD]  }
0x2d: {  	s3 =	simm.s32 $0x108;
	s8 =	sld [smem:$0x3FAE]  }
0x2e: {  	s3 =	simm.s32 @!p0 $0x1082;
	s9 =	sld [smem:$0x3FAF]  }
0x2f: {  	lr =	sadd.s32 s0, s3;
	s0 =	sld [smem:$0x3FA6]  }
0x30: {  	s3 =	sld [smem:$0x3FA9]  }
0x31: {  	[smem:$0x3FB2] =	sst s10  }
0x32: {  	s10 =	sld [smem:$0x3FB0];
	_ =	sdelay $0x3  }
0x33: {  	p0 =	seq.s32 s10, $0x1;
	s10 =	sld [smem:$0x3FB2];
	_ =	sdelay $0x3  }
0x34: {  	[smem:$0x3FB2] =	sst s10  }
0x35: {  	s10 =	sld [smem:$0x3FB1];
	_ =	sdelay $0x3  }
0x36: {  	p1 =	seq.s32 s10, $0x1;
	s10 =	sld [smem:$0x3FB2];
	_ =	sdelay $0x3  }
0x37: {  	[smem:$0x3FB2] =	sst s10  }
0x38: {  	s10 =	sld [smem:$0x3FB3]  }
0x39: {  	_ = 	snop;
	(pc) =	sbr.ind lr, $3  }
0x3a: {  	_ = 	snop  }
0x3b: {  	_ = 	snop  }
0x3c: {  	p2 =	seq.s32 s10, $0x1;
	s10 =	sld [smem:$0x3FB2]  }
0x3d: {  	_ =	shalt  }
0x3e: {  	_ =	shalt  }
0x3f: {  	_ =	shalt  }
0x40: {  	_ =	shalt  }
0x41: {  	_ =	shalt  }
0x42: {  	_ =	shalt  }
0x43: {  	_ =	shalt  }
0x44: {  	_ =	shalt  }
0x45: {  	_ =	shalt  }
0x46: {  	_ =	shalt  }
0x47: {  	_ =	shalt  }
0x48: {  	_ =	shalt  }
0x49: {  	_ =	shalt  }
0x4a: {  	_ =	shalt  }
0x4b: {  	_ =	shalt  }
0x4c: {  	_ =	shalt  }
0x4d: {  	_ =	shalt  }
0x4e: {  	_ =	shalt  }
0x4f: {  	_ =	shalt  }
0x50: {  	_ =	shalt  }
0x51: {  	_ =	shalt  }
0x52: {  	_ =	shalt  }
0x53: {  	_ =	shalt  }
0x54: {  	_ =	shalt  }
0x55: {  	_ =	shalt  }
0x56: {  	_ =	shalt  }
0x57: {  	_ =	shalt  }
0x58: {  	_ =	shalt  }
0x59: {  	_ =	shalt  }
0x5a: {  	_ =	shalt  }
0x5b: {  	_ =	shalt  }
0x5c: {  	_ =	shalt  }
0x5d: {  	_ =	shalt  }
0x5e: {  	_ =	shalt  }
0x5f: {  	_ =	shalt  }
0x60: {  	_ =	shalt  }
0x61: {  	_ =	shalt  }
0x62: {  	_ =	shalt  }
0x63: {  	_ =	shalt  }
0x64: {  	_ =	shalt  }
0x65: {  	_ =	shalt  }
0x66: {  	_ =	shalt  }
0x67: {  	_ =	shalt  }
0x68: {  	_ =	shalt  }
0x69: {  	_ =	shalt  }
0x6a: {  	_ =	shalt  }
0x6b: {  	_ =	shalt  }
0x6c: {  	_ =	shalt  }
0x6d: {  	_ =	shalt  }
0x6e: {  	_ =	shalt  }
0x6f: {  	_ =	shalt  }
0x70: {  	_ =	shalt  }
0x71: {  	_ =	shalt  }
0x72: {  	_ =	shalt  }
0x73: {  	_ =	shalt  }
0x74: {  	_ =	shalt  }
0x75: {  	_ =	shalt  }
0x76: {  	_ =	shalt  }
0x77: {  	_ =	shalt  }
0x78: {  	_ =	shalt  }
0x79: {  	_ =	shalt  }
0x7a: {  	_ =	shalt  }
0x7b: {  	_ =	shalt  }
0x7c: {  	_ =	shalt  }
0x7d: {  	_ =	shalt  }
0x7e: {  	_ =	shalt  }
0x7f: {  	_ =	shalt  }
0x80: {  	_ =	shalt  }
0x81: {  	_ =	shalt  }
0x82: {  	_ =	shalt  }
0x83: {  	_ =	shalt  }
0x84: {  	_ =	shalt  }
0x85: {  	_ =	shalt  }
0x86: {  	_ =	shalt  }
0x87: {  	_ =	shalt  }
.Lfunc_end0:
.L_simem_size_0:
called_computation.2_lowered:
.L_overlay_start_0:
0x88: {  	s2 =	sld [smem:$0x3FD9]  }
0x89: {  	s3 =	sld [smem:$0x3FFE];
	_ =	sdelay $0x1  }
0x8a: {  	s1 =	srdreg.scid  }
0x8b: {  	s0 =	sand.u32 $0x1, s1  }
0x8c: {  	s14 =	sshll.u32 s0, $0xA;
	s2 =	sadd.s32 s3, s2  }
0x8d: {  	s2 =	sadd.s32 s2, s14  }
0x8e: {  	[smem:$0x3FBE] =	sst s2  }
0x8f: {  	_ = 	snop  }
0x90: {  	s2 =	sld [smem:$0x3FD0];
	_ =	sdelay $0x2  }
0x91: {  	s15 =	simm.s32 $0xA;
	s4 =	simm.s32 $0x10  }
0x92: {  	[smem:s4], [sflag:s15] =	dma.local [hbm:s2], $0x1  }
0x93: {  	_ =	swait.eq [sflag:s15], $0x1  }
0x94: {  	[sflag:s15] =	ssyncset.done $0x0  }
0x95: {  	[sflag:s15] =	ssyncadd.s32 $0xFFFFFFFF  }
0x96: {  	s16 =	sld [smem:$0x11];
	(tm) =	ssettm $0x1  }
0x97: {  	s17 =	sld [smem:$0x3FFB];
	_ =	sdelay $0x3  }
0x98: {  	_ =	strace s17  }
0x99: {  	s3 =	sld [smem:$0x3FFC];
	_ =	sdelay $0x3  }
0x9a: {  	_ =	strace s3  }
0x9b: {  	s3 =	sld [smem:$0x3FFD];
	_ =	sdelay $0x3  }
0x9c: {  	_ =	strace s3  }
0x9d: {  	_ =	strace $0x8FFFFFFF  }
0x9e: {  	s18 =	sld [smem:$0x3FDB];
	_ =	sdelay $0x1  }
0x9f: {  	s19 =	simm.s32 $_scs_section_size  }
0xa0: {  	s5 =	simm.s32 $_size__tile_overlayer_lowered;
	s6 =	simm.s32 $_tile_overlayer_lowered  }
0xa1: {  	s22 =	simm.s32 $0x1BFF;
	s21 =	sshll.u32 s6, $0x1;
	s3 =	sadd.s32 s19, s18  }
0xa2: {  	s7 =	simm.s32 $0x0;
	s20 =	sshll.u32 s5, $0x1;
	s5 =	sadd.s32 s21, s3  }
0xa3: {  	[timem:s7], [sflag:s22] =	dma.local [hbm:s5], s20  }
0xa4: {  	_ =	swait.ge [sflag:s22], s20  }
0xa5: {  	s4 =	ssub.s32 $0x0, s20;
	[sflag:s22] =	ssyncset.done $0x0  }
0xa6: {  	[sflag:s22] =	ssyncadd.s32 s4;
	_ =	sdelay $0x1  }
0xa7: {  	s23 =	simm.s32 $0x1B8B  }
0xa8: {  	_ =	swait.ge [sflag:s23], $0x1  }
0xa9: {  	[sflag:s23] =	ssyncset.done $0x0  }
0xaa: {  	s25 =	simm.s32 $0x1B8E;
	s24 =	sld [smem:$0x3FFE];
	[sflag:s23] =	ssyncadd.s32 $0xFFFFFFFF  }
0xab: {  	s26 =	simm.s32 $execute0_lowered;
	[smem:$0x3FD2] =	sst s25  }
0xac: {  	s5 =	sshll.u32 s26, $0x1;
	_ =	strace $0x8000004C;
	[dreg:$0x1] =	wrdreg $0xFFFFFFFF  }
0xad: {  	s28 =	simm.s32 $_size_execute0_lowered;
	s3 =	sadd.s32 s3, s5;
	[dreg:$0x0] =	wrdreg $0x0  }
0xae: {  	s5 =	sshll.u32 s28, $0x1;
	[dreg:$0x2] =	wrdreg s3  }
0xaf: {  	[dreg:$0x3] =	wrdreg s5  }
0xb0: {  	[dreg:$0x4] =	wrdreg $0xC0  }
0xb1: {  	_ =	task [dreg:s7], $0x5FFFF  }
0xb2: {  	[dreg:$0x1] =	wrdreg $0xFFFFFFFF  }
0xb3: {  	[dreg:$0x0] =	wrdreg $0x60  }
0xb4: {  	[dreg:$0x2] =	wrdreg s24  }
0xb5: {  	[dreg:$0x3] =	wrdreg s16  }
0xb6: {  	[dreg:$0x4] =	wrdreg $0xA4000  }
0xb7: {  	[dreg:$0x5] =	wrdreg $0x9  }
0xb8: {  	_ =	task.clear_ibuf [dreg:s7], $0x6FFFF;
	_ =	strace $0x9000004C  }
0xb9: {  	s29 =	simm.s32 $0x9;
	_ =	strace $0x8000004E  }
0xba: {  	_ =	swait.ge [sflag:s29], $0x1  }
0xbb: {  	[sflag:s29] =	ssyncadd.s32 $0xFFFFFFFF  }
0xbc: {  	_ =	strace $0x9000004E  }
0xbd: {  	_ =	sfence  }
0xbe: {  	s30 =	sld [smem:$0x0];
	_ =	sdelay $0x2  }
0xbf: {  	s31 =	sshll.u32 s1, $0xD;
	s1 =	sshrl.u32 s1, $0x2  }
0xc0: {  	s3 =	sand.u32 $0x4000, s31;
	s1 =	sadd.s32 s1, s30  }
0xc1: {  	s0 =	sor.u32 s3, s0;
	s1 =	sshll.u32 s1, $0x11  }
0xc2: {  	s0 =	sor.u32 s1, s0  }
0xc3: {  	s0 =	sadd.s32 $0x8F2B, s0  }
0xc4: {  	[sflag:s0] =	ssyncadd.remote.s32 $0x1  }
0xc5: {  	_ =	sfence.sel $0xFFFF  }
0xc6: {  	[dreg:$0x0] =	wrdreg $0xFFFFFFFF;
	(pc) =	sbr.abs _section_cstart, $3  }
0xc7: {  	[dreg:$0x1] =	wrdreg $0xFFFFFFFF  }
0xc8: {  	_ =	task.clear_ibuf [dreg:s7], $0x2FFFF;
	_ =	strace $0x9FFFFFFF  }
0xc9: {  	(tm) =	ssettm $0x7FFFFFFF  }
tec
execute0_lowered:
.L_overlay_start_1:
0x0: {  	(tag) =	ssettag $0x1  }
0x1: {  	s0 =	rddreg [dreg:$0x0];
	s1 =	srdreg.scid  }
0x2: {  	s4 =	rddreg [dreg:$0x1];
	s11 =	stileid.u32  }
0x3: {  	s2 =	rddreg [dreg:$0x2];
	s3 =	simm.s32 $0x0;
	s15 =	simm.s32 $0x80  }
0x4: {  	s16 =	simm.s32 $0x3E800;
	s28 =	simm.s32 $0x5400;
	s6 =	smul.u32 $0x280, s11  }
0x5: {  	s29 =	simm.s32 $0x4;
	s30 =	simm.s32 $0x7C00;
	s18 =	smul.u32 $0x50000, s11  }
0x6: {  	s31 =	simm.s32 $0x6;
	s1 =	sand.u32 $0x1, s1;
	s10 =	smul.u32 $0x3E80, s11  }
0x7: {  	[smem:$0x7FF] =	sst s3;
	s8 =	sadd.s32 $0x2400, s0;
	s19 =	smul.u32 $0x7D0, s11  }
0x8: {  	s12 =	sshll.u32 s11, $0x6;
	s5 =	smul.u32 $0x2800, s1;
	_ =	strace $0x8000004D  }
0x9: {  	s7 =	ssub.s32 $0x2, s1;
	[dreg:$0x5] =	wrdreg s12;
	s21 =	sor.u32 $0x1C05, s12  }
0xa: {  	s1 =	smul.u32 $0x28000, s1;
	s9 =	sshrl.u32 s7, $0x1;
	s20 =	sshrl.u32 s10, $0x3  }
0xb: {  	[dreg:$0x6] =	wrdreg s21;
	s21 =	simm.s32 $0x1;
	s5 =	sadd.s32 s6, s5  }
0xc: {  	s6 =	sshrl.u32 s18, $0x2;
	s9 =	ssub.s32 s7, s9;
	s22 =	sadd.s32 s4, s20  }
0xd: {  	s7 =	sadd.s32 s4, s19;
	s11 =	sadd.s32 s8, s1;
	s20 =	simm.s32 $0x5  }
0xe: {  	s4 =	simm.s32 $0x0;
	s19 =	simm.s32 $0x100;
	s5 =	sshll.u32 s5, $0x4  }
0xf: {  	s6 =	sadd.s32 s6, s2;
	s23 =	sadd.s32 $0x10, s22;
	s24 =	sadd.s32 $0x20, s22  }
0x10: {  	s25 =	sadd.s32 $0x30, s22;
	s26 =	smax.u32 s9, $0x1;
	[dreg:$0x7] =	wrdreg s23  }
0x11: {  	s22 =	simm.s32 $0x50;
	s9 =	simm.s32 $0xA;
	[dreg:$0x8] =	wrdreg s24  }
0x12: {  	s0 =	sadd.s32 s5, s0;
	s5 =	sadd.s32 s8, s5;
	[dreg:$0x9] =	wrdreg s25  }
.Ltmp0:
0x13: {  	[dreg:$0xb] =	wrdreg s26;
	s13 =	sshrl.u32 s6, $0x3;
	(pc) =	sbr.rel .LBB2_1-.Ltmp0, $4  }
0x14: {  	s23 =	simm.s32 $0x400;
	s24 =	simm.s32 $0x2;
	s25 =	simm.s32 $0x2C00  }
0x15: {  	s26 =	simm.s32 $0x3;
	s6 =	simm.s32 $0x8;
	[dreg:$0x4] =	wrdreg s5  }
0x16: {  	s8 =	simm.s32 $0x9;
	s0 =	sadd.s32 $0x52400, s0;
	[dreg:$0xc] =	wrdreg s13  }
0x17: {  	s5 =	simm.s32 $0x380;
	[dreg:$0xa] =	wrdreg s0;
	s0 =	simm.s32 $0x7  }
.LBB2_4:
0x18: {  	_ =	swait.ge [sflag:s20], $0x2800  }
0x19: {  	[sflag:s20] =	ssyncset.done $0x0  }
0x1a: {  	[sflag:s20] =	ssyncadd.s32 $0xFFFFD800  }
0x1b: {  	[spmem:s2] =	stream.indirect.scatter.add.f32 [tilespmem:s23], [sflag:$0x9], $0x80, s15, s22, $0xb8;
	[tilespmem:$0x1E400] =	vst v63  }
0x1c: {  	_ =	swait.ge [sflag:s8], $0x2800  }
0x1d: {  	[sflag:s8] =	ssyncset.done $0x0  }
0x1e: {  	[sflag:s8] =	ssyncadd.s32 $0xFFFFD800  }
0x1f: {  	[bflag:$0x0] =	sbarrier.arrive $0xFFFF  }
0x20: {  	s10 =	rddreg [dreg:$0x5]  }
0x21: {  	s12 =	rddreg [dreg:$0xa]  }
0x22: {  	s1 =	simm.s32 $0xD;
	s13 =	rddreg [dreg:$0xc];
	s10 =	sor.u32 $0x1C0D, s10  }
0x23: {  	[hbm:s12], [sflag:s10] =	dma.local [spmem:s13], $0x2800  }
0x24: {  	_ =	swait.ge [sflag:s1], $0x2800  }
0x25: {  	s4 =	rddreg [dreg:$0xd]  }
0x26: {  	s18 =	rddreg [dreg:$0xb];
	s4 =	sadd.s32 $0x1, s4  }
0x27: {  	p0 =	sne.s32 s4, s18  }
.Ltmp1:
0x28: {  	_ = 	snop;
	(pc) =	sbr.rel @!p0 .LBB2_5-.Ltmp1, $3  }
0x29: {  	_ =	sdelay $0x1  }
0x2a: {  	[sflag:s1] =	ssyncset.done $0x0  }
0x2b: {  	[sflag:s1] =	ssyncadd.s32 $0xFFFFD800  }
.LBB2_1:
0x2c: {  	[dreg:$0xd] =	wrdreg s4  }
0x2d: {  	s10 =	rddreg [dreg:$0x4]  }
0x2e: {  	s12 =	rddreg [dreg:$0x6]  }
0x2f: {  	[spmem:s13], [sflag:s12] =	dma.local [hbm:s10], $0x2800  }
0x30: {  	[tilespmem:s3], [sflag:$0x1] =	stream.strided.gather [hbm4b:s7+s15], $0x100, s16, s15, $0x38;
	[tilespmem:$0x1E400] =	vst v63  }
0x31: {  	s13 =	simm.s32 $0x100;
	s10 =	rddreg [dreg:$0x7]  }
0x32: {  	[tilespmem:s13], [sflag:$0x2] =	stream.strided.gather [hbm4b:s10+s15], $0x100, s16, s15, $0x38;
	[tilespmem:$0x1E400] =	vst v63  }
0x33: {  	s17 =	simm.s32 $0x200;
	s14 =	rddreg [dreg:$0x8]  }
0x34: {  	[tilespmem:s17], [sflag:$0x3] =	stream.strided.gather [hbm4b:s14+s15], $0x100, s16, s15, $0x38;
	[tilespmem:$0x1E400] =	vst v63  }
0x35: {  	s18 =	rddreg [dreg:$0x9];
	s14 =	simm.s32 $0x300  }
0x36: {  	[tilespmem:s14], [sflag:$0x4] =	stream.strided.gather [hbm4b:s18+s15], $0x100, s16, s15, $0x38;
	[tilespmem:$0x1E400] =	vst v63  }
0x37: {  	_ =	swait.ge [sflag:s20], $0x2800  }
0x38: {  	[sflag:s20] =	ssyncset.done $0x0  }
0x39: {  	[sflag:s20] =	ssyncadd.s32 $0xFFFFD800  }
0x3a: {  	[bflag:$0x0] =	sbarrier.arrive $0xFFFF  }
0x3b: {  	_ =	swait.ge [sflag:s21], $0x100  }
0x3c: {  	[sflag:s21] =	ssyncset.done $0x0  }
0x3d: {  	[sflag:s21] =	ssyncadd.s32 $0xFFFFFF00  }
0x3e: {  	[tilespmem:s23], [sflag:$0x5] =	stream.indirect.gather [hbm4b:s11+s22], $0x80, s3, s22, $0xb8;
	[tilespmem:$0x1E400] =	vst v63  }
0x3f: {  	_ =	swait.ge [sflag:s24], $0x100  }
0x40: {  	[sflag:s24] =	ssyncset.done $0x0  }
0x41: {  	[sflag:s24] =	ssyncadd.s32 $0xFFFFFF00  }
0x42: {  	[tilespmem:s25], [sflag:$0x6] =	stream.indirect.gather [hbm4b:s11+s22], $0x80, s13, s22, $0xb8;
	[tilespmem:$0x1E400] =	vst v63  }
0x43: {  	_ =	swait.ge [sflag:s26], $0x100  }
0x44: {  	[sflag:s26] =	ssyncset.done $0x0  }
0x45: {  	[sflag:s26] =	ssyncadd.s32 $0xFFFFFF00  }
0x46: {  	[tilespmem:s28], [sflag:$0x7] =	stream.indirect.gather [hbm4b:s11+s22], $0x80, s17, s22, $0xb8;
	[tilespmem:$0x1E400] =	vst v63  }
0x47: {  	_ =	swait.ge [sflag:s29], $0x100  }
0x48: {  	s1 =	simm.s32 $0x200;
	[sflag:s29] =	ssyncset.done $0x0  }
0x49: {  	s4 =	simm.s32 $0x300;
	s13 =	simm.s32 $0xFFFFF880;
	[sflag:s29] =	ssyncadd.s32 $0xFFFFFF00  }
0x4a: {  	[tilespmem:s30], [sflag:$0x8] =	stream.indirect.gather [hbm4b:s11+s22], $0x80, s14, s22, $0xb8;
	[tilespmem:$0x1E400] =	vst v63  }
.LBB2_2:
0x4b: {  	_ =	swait.ge [sflag:s20], $0x2800  }
0x4c: {  	[sflag:s20] =	ssyncset.done $0x0  }
0x4d: {  	[sflag:s20] =	ssyncadd.s32 $0xFFFFD800  }
0x4e: {  	[spmem:s2] =	stream.indirect.scatter.add.f32 [tilespmem:s23], [sflag:$0x9], $0x80, s15, s22, $0xb8;
	[tilespmem:$0x1E400] =	vst v63  }
0x4f: {  	_ =	swait.ge [sflag:s31], $0x2800  }
0x50: {  	[sflag:s31] =	ssyncset.done $0x0  }
0x51: {  	s10 =	simm.s32 $0x180;
	[sflag:s31] =	ssyncadd.s32 $0xFFFFD800  }
0x52: {  	[spmem:s2] =	stream.indirect.scatter.add.f32 [tilespmem:s25], [sflag:$0xA], $0x80, s10, s22, $0xb8;
	[tilespmem:$0x1E400] =	vst v63  }
0x53: {  	_ =	swait.ge [sflag:s0], $0x2800  }
0x54: {  	[sflag:s0] =	ssyncset.done $0x0  }
0x55: {  	s17 =	simm.s32 $0x280;
	[sflag:s0] =	ssyncadd.s32 $0xFFFFD800  }
0x56: {  	[spmem:s2] =	stream.indirect.scatter.add.f32 [tilespmem:s28], [sflag:$0xB], $0x80, s17, s22, $0xb8;
	[tilespmem:$0x1E400] =	vst v63  }
0x57: {  	_ =	swait.ge [sflag:s6], $0x2800  }
0x58: {  	[sflag:s6] =	ssyncset.done $0x0  }
0x59: {  	[sflag:s6] =	ssyncadd.s32 $0xFFFFD800  }
0x5a: {  	[spmem:s2] =	stream.indirect.scatter.add.f32 [tilespmem:s30], [sflag:$0xC], $0x80, s5, s22, $0xb8;
	[tilespmem:$0x1E400] =	vst v63  }
0x5b: {  	_ =	swait.ge [sflag:s8], $0x2800  }
0x5c: {  	s18 =	sadd.s32 s13, s7;
	[sflag:s8] =	ssyncset.done $0x0  }
0x5d: {  	p0 =	sne.s32 s13, $0x0;
	s10 =	sadd.s32 $0x7C0, s18;
	[sflag:s8] =	ssyncadd.s32 $0xFFFFD800  }
0x5e: {  	[tilespmem:s3], [sflag:$0x1] =	stream.strided.gather [hbm4b:s10+s15], $0x100, s16, s15, $0x38;
	[tilespmem:$0x1E400] =	vst v63  }
0x5f: {  	s12 =	simm.s32 @p0 $0x80;
	_ =	swait.ge [sflag:s9], $0x2800  }
0x60: {  	s18 =	simm.s32 @p0 $0x100;
	s10 =	sadd.s32 @p0 s13, s7;
	[sflag:s9] =	ssyncset.done $0x0  }
0x61: {  	s17 =	simm.s32 @p0 $0x3E800;
	s14 =	sadd.s32 @p0 $0x7D0, s10;
	[sflag:s9] =	ssyncadd.s32 $0xFFFFD800  }
0x62: {  	[tilespmem:s18], [sflag:$0x2] =	stream.strided.gather @p0 [hbm4b:s14+s12], $0x100, s17, s12, $0x38;
	[tilespmem:$0x1E400] =	vst v63  }
0x63: {  	s14 =	simm.s32 @p0 $0xB  }
0x64: {  	_ =	swait.ge @p0 [sflag:s14], $0x2800  }
0x65: {  	[sflag:s14] =	ssyncset.done @p0 $0x0  }
0x66: {  	s18 =	simm.s32 @p0 $0x200;
	[sflag:s14] =	ssyncadd.s32 @p0 $0xFFFFD800;
	s14 =	sadd.s32 @p0 $0x7E0, s10  }
0x67: {  	[tilespmem:s18], [sflag:$0x3] =	stream.strided.gather @p0 [hbm4b:s14+s12], $0x100, s17, s12, $0x38;
	[tilespmem:$0x1E400] =	vst v63  }
0x68: {  	s14 =	simm.s32 @p0 $0xC  }
0x69: {  	_ =	swait.ge @p0 [sflag:s14], $0x2800  }
0x6a: {  	[sflag:s14] =	ssyncset.done @p0 $0x0  }
0x6b: {  	s10 =	sadd.s32 @p0 $0x7F0, s10;
	[sflag:s14] =	ssyncadd.s32 @p0 $0xFFFFD800;
	s14 =	simm.s32 @p0 $0x300  }
0x6c: {  	[tilespmem:s14], [sflag:$0x4] =	stream.strided.gather @p0 [hbm4b:s10+s12], $0x100, s17, s12, $0x38;
	[tilespmem:$0x1E400] =	vst v63  }
0x6d: {  	s10 =	simm.s32 @!p0 $0xB  }
0x6e: {  	_ =	swait.ge @!p0 [sflag:s10], $0x2800  }
0x6f: {  	[sflag:s10] =	ssyncset.done @!p0 $0x0  }
0x70: {  	[sflag:s10] =	ssyncadd.s32 @!p0 $0xFFFFD800;
	s10 =	simm.s32 @!p0 $0xC  }
0x71: {  	_ =	swait.ge @!p0 [sflag:s10], $0x2800  }
0x72: {  	[sflag:s10] =	ssyncset.done @!p0 $0x0  }
0x73: {  	[sflag:s10] =	ssyncadd.s32 @!p0 $0xFFFFD800;
	p0 =	seq.s32 s13, $0x0  }
.Ltmp2:
0x74: {  	_ = 	snop;
	(pc) =	sbr.rel @p0 .LBB2_4-.Ltmp2, $4  }
0x75: {  	_ =	swait.ge [sflag:s21], $0x100  }
0x76: {  	[sflag:s21] =	ssyncset.done $0x0  }
0x77: {  	[sflag:s21] =	ssyncadd.s32 $0xFFFFFF00  }
0x78: {  	[tilespmem:s23], [sflag:$0x5] =	stream.indirect.gather [hbm4b:s11+s22], $0x80, s3, s22, $0xb8;
	[tilespmem:$0x1E400] =	vst v63  }
0x79: {  	_ =	swait.ge [sflag:s24], $0x100  }
0x7a: {  	[sflag:s24] =	ssyncset.done $0x0  }
0x7b: {  	[sflag:s24] =	ssyncadd.s32 $0xFFFFFF00  }
0x7c: {  	[tilespmem:s25], [sflag:$0x6] =	stream.indirect.gather [hbm4b:s11+s22], $0x80, s19, s22, $0xb8;
	[tilespmem:$0x1E400] =	vst v63  }
0x7d: {  	_ =	swait.ge [sflag:s26], $0x100  }
0x7e: {  	[sflag:s26] =	ssyncset.done $0x0  }
0x7f: {  	[sflag:s26] =	ssyncadd.s32 $0xFFFFFF00  }
0x80: {  	[tilespmem:s28], [sflag:$0x7] =	stream.indirect.gather [hbm4b:s11+s22], $0x80, s1, s22, $0xb8;
	[tilespmem:$0x1E400] =	vst v63  }
.Ltmp3:
0x81: {  	_ = 	snop;
	(pc) =	sbr.rel .LBB2_2-.Ltmp3, $4  }
0x82: {  	_ =	swait.ge [sflag:s29], $0x100  }
0x83: {  	[sflag:s29] =	ssyncset.done $0x0  }
0x84: {  	s13 =	sadd.s32 $0x40, s13;
	[sflag:s29] =	ssyncadd.s32 $0xFFFFFF00  }
0x85: {  	[tilespmem:s30], [sflag:$0x8] =	stream.indirect.gather [hbm4b:s11+s22], $0x80, s4, s22, $0xb8;
	[tilespmem:$0x1E400] =	vst v63  }
.LBB2_5:
0x86: {  	_ =	sfence.sel $0x180000  }
0x87: {  	[bflag:$0x0] =	sbarrier.arrive $0xFFFF  }
0x88: {  	_ =	strace $0x9000004D  }
0x89: {  	s0 =	stileid.u32;
	[bflag:$0x2] =	sbarrier.arrive $0xFFFF  }
0x8a: {  	p0 =	sne.s32 s0, $0x0;
	s0 =	rddreg [dreg:$0x3]  }
0x8b: {  	s0 =	sadd.s32 @!p0 $0x100000, s0  }
0x8c: {  	[sflag:s0] =	ssyncadd.tile.s32 @!p0 $0x1;
	_ =	shalt  }
.Lfunc_end2:
_tile_overlayer_lowered:
.L_overlay_start_2:
0x8d: {  	(tag) =	ssettag $0x2  }
0x8e: {  	s0 =	rddreg [dreg:$0x0];
	s2 =	stileid.u32  }
0x8f: {  	s1 =	rddreg [dreg:$0x1];
	p0 =	sne.s32 s2, $0x0  }
0x90: {  	s3 =	rddreg [dreg:$0x2];
	[bflag:$0x3] =	sbarrier.arrive $0xFFFF;
	s2 =	simm.s32 @!p0 $0x1C0D  }
0x91: {  	[timem:s3], [sflag:s2] =	dma.local @!p0 [hbm:s0], s1  }
0x92: {  	s0 =	simm.s32 @!p0 $0xD  }
0x93: {  	_ =	swait.ge @!p0 [sflag:s0], s1  }
0x94: {  	s1 =	ssub.s32 @!p0 $0x0, s1;
	[sflag:s0] =	ssyncset.done @!p0 $0x0  }
0x95: {  	[sflag:s0] =	ssyncadd.s32 @!p0 s1  }
0x96: {  	[bflag:$0x3] =	sbarrier.arrive $0xFFFF  }
0x97: {  	_ =	shalt  }

// kernel: kernel.19.cloned.1.call-start
scs
__scs_entry_jumppad:
0x0: {  	(pc) =	sbr.rel $0x88, $3  }
0x1: {  	(tag) =	ssettag $0x0;
	lr =	simm.s32 $0x1  }
0x2: {  	[smem:$0x3F97] =	sst lr;
	_ =	strace $0xD0000000  }
0x3: {  	_ = 	snop  }
0x4: {  	_ = 	snop  }
0x5: {  	_ = 	snop  }
0x6: {  	_ = 	snop  }
0x7: {  	_ = 	snop  }
__scs_overlays_trampoline_lowered:
0x8: {  	[smem:$0x3FA6] =	sst s0  }
0x9: {  	[smem:$0x3FA7] =	sst s1  }
0xa: {  	[smem:$0x3FA8] =	sst s2  }
0xb: {  	[smem:$0x3FA9] =	sst s3  }
0xc: {  	[smem:$0x3FAA] =	sst s4  }
0xd: {  	[smem:$0x3FAB] =	sst s5  }
0xe: {  	[smem:$0x3FAC] =	sst s6  }
0xf: {  	[smem:$0x3FAD] =	sst s7  }
0x10: {  	[smem:$0x3FAE] =	sst s8  }
0x11: {  	[smem:$0x3FAF] =	sst s9;
	s0 =	simm.s32 @!p0 $0x0  }
0x12: {  	s1 =	sld [smem:$0x3F95];
	s0 =	simm.s32 @p0 $0x1  }
0x13: {  	[smem:$0x3FB0] =	sst s0;
	s0 =	simm.s32 @!p1 $0x0  }
0x14: {  	s2 =	sld [smem:$0x3F94];
	s0 =	simm.s32 @p1 $0x1  }
0x15: {  	[smem:$0x3FB1] =	sst s0;
	s0 =	simm.s32 @!p2 $0x0  }
0x16: {  	s3 =	sld [smem:$0x3FDB];
	s0 =	simm.s32 @p2 $0x1  }
0x17: {  	s4 =	simm.s32 $0x1BF5;
	[smem:$0x3FB3] =	sst s0  }
0x18: {  	s0 =	sld [smem:$0x3F96];
	_ =	swait.ge [sflag:s4], $0x0  }
0x19: {  	s7 =	sld [smem:$0x3F97]  }
0x1a: {  	s8 =	sadd.s32 $0xFFFFE003, lr  }
0x1b: {  	s9 =	sadd.s32 $0xFFFFFEF7, lr;
	s5 =	simm.s32 $0xFFFFFFFF;
	p2 =	slt.u32 s8, $0xFFFFF086  }
0x1c: {  	p1 =	slt.u32 s9, $0xF7A;
	s5 =	simm.s32 @!p2 $0x0  }
0x1d: {  	s5 =	simm.s32 @p1 $0x1;
	p0 =	seq.s32 s7, s2  }
0x1e: {  	s7 =	smul.u32 @!p0 $0xF7A, s2;
	p2 =	seq.s32 @!p0 s5, $0x0  }
0x1f: {  	s9 =	smul.u32 $0xF7A, s1;
	s8 =	simm.s32 @!p0 $0x1BF5;
	p2 =	por !p2, p0  }
0x20: {  	[sflag:s8] =	ssyncset.s32 @!p0 $0xFFFFF086;
	s6 =	sadd.s32 @!p0 s3, s7;
	s7 =	simm.s32 @!p0 $0x108  }
0x21: {  	s3 =	sadd.s32 s3, s9;
	s6 =	sadd.s32 @!p0 $0x88, s6;
	s7 =	simm.s32 @p2 $0x1082  }
0x22: {  	[simem:s7], [sflag:s8] =	dma.local @!p0 [hbm:s6], $0xF7A  }
0x23: {  	s9 =	sor.u32 $0xD0000000, s2;
	s6 =	simm.s32 $0x108;
	_ =	swait.ge @!p0 [sflag:s8], $0x0  }
0x24: {  	s3 =	sadd.s32 $0x88, s3;
	s6 =	simm.s32 @!p1 $0x1082;
	[sflag:s4] =	ssyncset.s32 $0xFFFFF086  }
0x25: {  	[simem:s6], [sflag:s4] =	dma.local [hbm:s3], $0xF7A  }
0x26: {  	[smem:$0x3F97] =	sst s1;
	(tag) =	ssettag s2;
	_ =	strace s9  }
0x27: {  	s1 =	sld [smem:$0x3FA7]  }
0x28: {  	s2 =	sld [smem:$0x3FA8]  }
0x29: {  	s4 =	sld [smem:$0x3FAA]  }
0x2a: {  	p0 =	seq.s32 s5, $0x0;
	s5 =	sld [smem:$0x3FAB]  }
0x2b: {  	s6 =	sld [smem:$0x3FAC]  }
0x2c: {  	s7 =	sld [smem:$0x3FAD]  }
0x2d: {  	s3 =	simm.s32 $0x108;
	s8 =	sld [smem:$0x3FAE]  }
0x2e: {  	s3 =	simm.s32 @!p0 $0x1082;
	s9 =	sld [smem:$0x3FAF]  }
0x2f: {  	lr =	sadd.s32 s0, s3;
	s0 =	sld [smem:$0x3FA6]  }
0x30: {  	s3 =	sld [smem:$0x3FA9]  }
0x31: {  	[smem:$0x3FB2] =	sst s10  }
0x32: {  	s10 =	sld [smem:$0x3FB0];
	_ =	sdelay $0x3  }
0x33: {  	p0 =	seq.s32 s10, $0x1;
	s10 =	sld [smem:$0x3FB2];
	_ =	sdelay $0x3  }
0x34: {  	[smem:$0x3FB2] =	sst s10  }
0x35: {  	s10 =	sld [smem:$0x3FB1];
	_ =	sdelay $0x3  }
0x36: {  	p1 =	seq.s32 s10, $0x1;
	s10 =	sld [smem:$0x3FB2];
	_ =	sdelay $0x3  }
0x37: {  	[smem:$0x3FB2] =	sst s10  }
0x38: {  	s10 =	sld [smem:$0x3FB3]  }
0x39: {  	_ = 	snop;
	(pc) =	sbr.ind lr, $3  }
0x3a: {  	_ = 	snop  }
0x3b: {  	_ = 	snop  }
0x3c: {  	p2 =	seq.s32 s10, $0x1;
	s10 =	sld [smem:$0x3FB2]  }
0x3d: {  	_ =	shalt  }
0x3e: {  	_ =	shalt  }
0x3f: {  	_ =	shalt  }
0x40: {  	_ =	shalt  }
0x41: {  	_ =	shalt  }
0x42: {  	_ =	shalt  }
0x43: {  	_ =	shalt  }
0x44: {  	_ =	shalt  }
0x45: {  	_ =	shalt  }
0x46: {  	_ =	shalt  }
0x47: {  	_ =	shalt  }
0x48: {  	_ =	shalt  }
0x49: {  	_ =	shalt  }
0x4a: {  	_ =	shalt  }
0x4b: {  	_ =	shalt  }
0x4c: {  	_ =	shalt  }
0x4d: {  	_ =	shalt  }
0x4e: {  	_ =	shalt  }
0x4f: {  	_ =	shalt  }
0x50: {  	_ =	shalt  }
0x51: {  	_ =	shalt  }
0x52: {  	_ =	shalt  }
0x53: {  	_ =	shalt  }
0x54: {  	_ =	shalt  }
0x55: {  	_ =	shalt  }
0x56: {  	_ =	shalt  }
0x57: {  	_ =	shalt  }
0x58: {  	_ =	shalt  }
0x59: {  	_ =	shalt  }
0x5a: {  	_ =	shalt  }
0x5b: {  	_ =	shalt  }
0x5c: {  	_ =	shalt  }
0x5d: {  	_ =	shalt  }
0x5e: {  	_ =	shalt  }
0x5f: {  	_ =	shalt  }
0x60: {  	_ =	shalt  }
0x61: {  	_ =	shalt  }
0x62: {  	_ =	shalt  }
0x63: {  	_ =	shalt  }
0x64: {  	_ =	shalt  }
0x65: {  	_ =	shalt  }
0x66: {  	_ =	shalt  }
0x67: {  	_ =	shalt  }
0x68: {  	_ =	shalt  }
0x69: {  	_ =	shalt  }
0x6a: {  	_ =	shalt  }
0x6b: {  	_ =	shalt  }
0x6c: {  	_ =	shalt  }
0x6d: {  	_ =	shalt  }
0x6e: {  	_ =	shalt  }
0x6f: {  	_ =	shalt  }
0x70: {  	_ =	shalt  }
0x71: {  	_ =	shalt  }
0x72: {  	_ =	shalt  }
0x73: {  	_ =	shalt  }
0x74: {  	_ =	shalt  }
0x75: {  	_ =	shalt  }
0x76: {  	_ =	shalt  }
0x77: {  	_ =	shalt  }
0x78: {  	_ =	shalt  }
0x79: {  	_ =	shalt  }
0x7a: {  	_ =	shalt  }
0x7b: {  	_ =	shalt  }
0x7c: {  	_ =	shalt  }
0x7d: {  	_ =	shalt  }
0x7e: {  	_ =	shalt  }
0x7f: {  	_ =	shalt  }
0x80: {  	_ =	shalt  }
0x81: {  	_ =	shalt  }
0x82: {  	_ =	shalt  }
0x83: {  	_ =	shalt  }
0x84: {  	_ =	shalt  }
0x85: {  	_ =	shalt  }
0x86: {  	_ =	shalt  }
0x87: {  	_ =	shalt  }
.Lfunc_end0:
.L_simem_size_0:
called_computation.3_lowered:
.L_overlay_start_0:
0x88: {  	s2 =	sld [smem:$0x3FD9]  }
0x89: {  	s3 =	sld [smem:$0x3FFE];
	_ =	sdelay $0x1  }
0x8a: {  	s1 =	srdreg.scid  }
0x8b: {  	s0 =	sand.u32 $0x1, s1  }
0x8c: {  	s14 =	sshll.u32 s0, $0xA;
	s2 =	sadd.s32 s3, s2  }
0x8d: {  	s2 =	sadd.s32 s2, s14  }
0x8e: {  	[smem:$0x3FBE] =	sst s2  }
0x8f: {  	_ = 	snop  }
0x90: {  	s2 =	sld [smem:$0x3FD0];
	_ =	sdelay $0x2  }
0x91: {  	s15 =	simm.s32 $0xA;
	s4 =	simm.s32 $0x10  }
0x92: {  	[smem:s4], [sflag:s15] =	dma.local [hbm:s2], $0x1  }
0x93: {  	_ =	swait.eq [sflag:s15], $0x1  }
0x94: {  	[sflag:s15] =	ssyncset.done $0x0  }
0x95: {  	[sflag:s15] =	ssyncadd.s32 $0xFFFFFFFF  }
0x96: {  	s16 =	sld [smem:$0x11];
	(tm) =	ssettm $0x1  }
0x97: {  	s17 =	sld [smem:$0x3FFB];
	_ =	sdelay $0x3  }
0x98: {  	_ =	strace s17  }
0x99: {  	s3 =	sld [smem:$0x3FFC];
	_ =	sdelay $0x3  }
0x9a: {  	_ =	strace s3  }
0x9b: {  	s3 =	sld [smem:$0x3FFD];
	_ =	sdelay $0x3  }
0x9c: {  	_ =	strace s3  }
0x9d: {  	_ =	strace $0x8FFFFFFF  }
0x9e: {  	s18 =	sld [smem:$0x3FDB];
	_ =	sdelay $0x1  }
0x9f: {  	s19 =	simm.s32 $_scs_section_size  }
0xa0: {  	s5 =	simm.s32 $_size__tile_overlayer_lowered;
	s6 =	simm.s32 $_tile_overlayer_lowered  }
0xa1: {  	s22 =	simm.s32 $0x1BFF;
	s21 =	sshll.u32 s6, $0x1;
	s3 =	sadd.s32 s19, s18  }
0xa2: {  	s7 =	simm.s32 $0x0;
	s20 =	sshll.u32 s5, $0x1;
	s5 =	sadd.s32 s21, s3  }
0xa3: {  	[timem:s7], [sflag:s22] =	dma.local [hbm:s5], s20  }
0xa4: {  	_ =	swait.ge [sflag:s22], s20  }
0xa5: {  	s4 =	ssub.s32 $0x0, s20;
	[sflag:s22] =	ssyncset.done $0x0  }
0xa6: {  	[sflag:s22] =	ssyncadd.s32 s4;
	_ =	sdelay $0x1  }
0xa7: {  	s23 =	simm.s32 $0x1B8B  }
0xa8: {  	_ =	swait.ge [sflag:s23], $0x1  }
0xa9: {  	[sflag:s23] =	ssyncset.done $0x0  }
0xaa: {  	s25 =	simm.s32 $0x1B8E;
	s24 =	sld [smem:$0x3FFE];
	[sflag:s23] =	ssyncadd.s32 $0xFFFFFFFF  }
0xab: {  	s26 =	simm.s32 $execute0_lowered;
	[smem:$0x3FD2] =	sst s25  }
0xac: {  	s5 =	sshll.u32 s26, $0x1;
	_ =	strace $0x8000004F;
	[dreg:$0x1] =	wrdreg $0xFFFFFFFF  }
0xad: {  	s28 =	simm.s32 $_size_execute0_lowered;
	s3 =	sadd.s32 s3, s5;
	[dreg:$0x0] =	wrdreg $0x0  }
0xae: {  	s5 =	sshll.u32 s28, $0x1;
	[dreg:$0x2] =	wrdreg s3  }
0xaf: {  	[dreg:$0x3] =	wrdreg s5  }
0xb0: {  	[dreg:$0x4] =	wrdreg $0xC0  }
0xb1: {  	_ =	task [dreg:s7], $0x5FFFF  }
0xb2: {  	[dreg:$0x1] =	wrdreg $0xFFFFFFFF  }
0xb3: {  	[dreg:$0x0] =	wrdreg $0x60  }
0xb4: {  	[dreg:$0x2] =	wrdreg s24  }
0xb5: {  	[dreg:$0x3] =	wrdreg s16  }
0xb6: {  	[dreg:$0x4] =	wrdreg $0xA4000  }
0xb7: {  	[dreg:$0x5] =	wrdreg $0x9  }
0xb8: {  	_ =	task.clear_ibuf [dreg:s7], $0x6FFFF;
	_ =	strace $0x9000004F  }
0xb9: {  	s29 =	simm.s32 $0x9;
	_ =	strace $0x80000051  }
0xba: {  	_ =	swait.ge [sflag:s29], $0x1  }
0xbb: {  	[sflag:s29] =	ssyncadd.s32 $0xFFFFFFFF  }
0xbc: {  	_ =	strace $0x90000051  }
0xbd: {  	_ =	sfence  }
0xbe: {  	s30 =	sld [smem:$0x0];
	_ =	sdelay $0x2  }
0xbf: {  	s31 =	sshll.u32 s1, $0xD;
	s1 =	sshrl.u32 s1, $0x2  }
0xc0: {  	s3 =	sand.u32 $0x4000, s31;
	s1 =	sadd.s32 s1, s30  }
0xc1: {  	s0 =	sor.u32 s3, s0;
	s1 =	sshll.u32 s1, $0x11  }
0xc2: {  	s0 =	sor.u32 s1, s0  }
0xc3: {  	s0 =	sadd.s32 $0x8F2B, s0  }
0xc4: {  	[sflag:s0] =	ssyncadd.remote.s32 $0x1  }
0xc5: {  	_ =	sfence.sel $0xFFFF  }
0xc6: {  	[dreg:$0x0] =	wrdreg $0xFFFFFFFF;
	(pc) =	sbr.abs _section_cstart, $3  }
0xc7: {  	[dreg:$0x1] =	wrdreg $0xFFFFFFFF  }
0xc8: {  	_ =	task.clear_ibuf [dreg:s7], $0x2FFFF;
	_ =	strace $0x9FFFFFFF  }
0xc9: {  	(tm) =	ssettm $0x7FFFFFFF  }
tec
execute0_lowered:
.L_overlay_start_1:
0x0: {  	(tag) =	ssettag $0x1  }
0x1: {  	s0 =	rddreg [dreg:$0x0];
	s1 =	srdreg.scid  }
0x2: {  	s4 =	rddreg [dreg:$0x1];
	s11 =	stileid.u32  }
0x3: {  	s2 =	rddreg [dreg:$0x2];
	s3 =	simm.s32 $0x0;
	s15 =	simm.s32 $0x80  }
0x4: {  	s16 =	simm.s32 $0x3E800;
	s28 =	simm.s32 $0x5400;
	s6 =	smul.u32 $0x280, s11  }
0x5: {  	s29 =	simm.s32 $0x4;
	s30 =	simm.s32 $0x7C00;
	s18 =	smul.u32 $0x50000, s11  }
0x6: {  	s31 =	simm.s32 $0x6;
	s1 =	sand.u32 $0x1, s1;
	s10 =	smul.u32 $0x3E80, s11  }
0x7: {  	[smem:$0x7FF] =	sst s3;
	s8 =	sadd.s32 $0x2400, s0;
	s19 =	smul.u32 $0x7D0, s11  }
0x8: {  	s12 =	sshll.u32 s11, $0x6;
	s5 =	smul.u32 $0x2800, s1;
	_ =	strace $0x80000050  }
0x9: {  	s7 =	ssub.s32 $0x2, s1;
	[dreg:$0x5] =	wrdreg s12;
	s21 =	sor.u32 $0x1C05, s12  }
0xa: {  	s1 =	smul.u32 $0x28000, s1;
	s9 =	sshrl.u32 s7, $0x1;
	s20 =	sshrl.u32 s10, $0x3  }
0xb: {  	[dreg:$0x6] =	wrdreg s21;
	s21 =	simm.s32 $0x1;
	s5 =	sadd.s32 s6, s5  }
0xc: {  	s6 =	sshrl.u32 s18, $0x2;
	s9 =	ssub.s32 s7, s9;
	s22 =	sadd.s32 s4, s20  }
0xd: {  	s7 =	sadd.s32 s4, s19;
	s11 =	sadd.s32 s8, s1;
	s20 =	simm.s32 $0x5  }
0xe: {  	s4 =	simm.s32 $0x0;
	s19 =	simm.s32 $0x100;
	s5 =	sshll.u32 s5, $0x4  }
0xf: {  	s6 =	sadd.s32 s6, s2;
	s23 =	sadd.s32 $0x10, s22;
	s24 =	sadd.s32 $0x20, s22  }
0x10: {  	s25 =	sadd.s32 $0x30, s22;
	s26 =	smax.u32 s9, $0x1;
	[dreg:$0x7] =	wrdreg s23  }
0x11: {  	s22 =	simm.s32 $0x50;
	s9 =	simm.s32 $0xA;
	[dreg:$0x8] =	wrdreg s24  }
0x12: {  	s0 =	sadd.s32 s5, s0;
	s5 =	sadd.s32 s8, s5;
	[dreg:$0x9] =	wrdreg s25  }
.Ltmp0:
0x13: {  	[dreg:$0xb] =	wrdreg s26;
	s13 =	sshrl.u32 s6, $0x3;
	(pc) =	sbr.rel .LBB2_1-.Ltmp0, $4  }
0x14: {  	s23 =	simm.s32 $0x400;
	s24 =	simm.s32 $0x2;
	s25 =	simm.s32 $0x2C00  }
0x15: {  	s26 =	simm.s32 $0x3;
	s6 =	simm.s32 $0x8;
	[dreg:$0x4] =	wrdreg s5  }
0x16: {  	s8 =	simm.s32 $0x9;
	s0 =	sadd.s32 $0x52400, s0;
	[dreg:$0xc] =	wrdreg s13  }
0x17: {  	s5 =	simm.s32 $0x380;
	[dreg:$0xa] =	wrdreg s0;
	s0 =	simm.s32 $0x7  }
.LBB2_4:
0x18: {  	_ =	swait.ge [sflag:s20], $0x2800  }
0x19: {  	[sflag:s20] =	ssyncset.done $0x0  }
0x1a: {  	[sflag:s20] =	ssyncadd.s32 $0xFFFFD800  }
0x1b: {  	[spmem:s2] =	stream.indirect.scatter.add.f32 [tilespmem:s23], [sflag:$0x9], $0x80, s15, s22, $0xb8;
	[tilespmem:$0x1E400] =	vst v63  }
0x1c: {  	_ =	swait.ge [sflag:s8], $0x2800  }
0x1d: {  	[sflag:s8] =	ssyncset.done $0x0  }
0x1e: {  	[sflag:s8] =	ssyncadd.s32 $0xFFFFD800  }
0x1f: {  	[bflag:$0x0] =	sbarrier.arrive $0xFFFF  }
0x20: {  	s10 =	rddreg [dreg:$0x5]  }
0x21: {  	s12 =	rddreg [dreg:$0xa]  }
0x22: {  	s1 =	simm.s32 $0xD;
	s13 =	rddreg [dreg:$0xc];
	s10 =	sor.u32 $0x1C0D, s10  }
0x23: {  	[hbm:s12], [sflag:s10] =	dma.local [spmem:s13], $0x2800  }
0x24: {  	_ =	swait.ge [sflag:s1], $0x2800  }
0x25: {  	s4 =	rddreg [dreg:$0xd]  }
0x26: {  	s18 =	rddreg [dreg:$0xb];
	s4 =	sadd.s32 $0x1, s4  }
0x27: {  	p0 =	sne.s32 s4, s18  }
.Ltmp1:
0x28: {  	_ = 	snop;
	(pc) =	sbr.rel @!p0 .LBB2_5-.Ltmp1, $3  }
0x29: {  	_ =	sdelay $0x1  }
0x2a: {  	[sflag:s1] =	ssyncset.done $0x0  }
0x2b: {  	[sflag:s1] =	ssyncadd.s32 $0xFFFFD800  }
.LBB2_1:
0x2c: {  	[dreg:$0xd] =	wrdreg s4  }
0x2d: {  	s10 =	rddreg [dreg:$0x4]  }
0x2e: {  	s12 =	rddreg [dreg:$0x6]  }
0x2f: {  	[spmem:s13], [sflag:s12] =	dma.local [hbm:s10], $0x2800  }
0x30: {  	[tilespmem:s3], [sflag:$0x1] =	stream.strided.gather [hbm4b:s7+s15], $0x100, s16, s15, $0x38;
	[tilespmem:$0x1E400] =	vst v63  }
0x31: {  	s13 =	simm.s32 $0x100;
	s10 =	rddreg [dreg:$0x7]  }
0x32: {  	[tilespmem:s13], [sflag:$0x2] =	stream.strided.gather [hbm4b:s10+s15], $0x100, s16, s15, $0x38;
	[tilespmem:$0x1E400] =	vst v63  }
0x33: {  	s17 =	simm.s32 $0x200;
	s14 =	rddreg [dreg:$0x8]  }
0x34: {  	[tilespmem:s17], [sflag:$0x3] =	stream.strided.gather [hbm4b:s14+s15], $0x100, s16, s15, $0x38;
	[tilespmem:$0x1E400] =	vst v63  }
0x35: {  	s18 =	rddreg [dreg:$0x9];
	s14 =	simm.s32 $0x300  }
0x36: {  	[tilespmem:s14], [sflag:$0x4] =	stream.strided.gather [hbm4b:s18+s15], $0x100, s16, s15, $0x38;
	[tilespmem:$0x1E400] =	vst v63  }
0x37: {  	_ =	swait.ge [sflag:s20], $0x2800  }
0x38: {  	[sflag:s20] =	ssyncset.done $0x0  }
0x39: {  	[sflag:s20] =	ssyncadd.s32 $0xFFFFD800  }
0x3a: {  	[bflag:$0x0] =	sbarrier.arrive $0xFFFF  }
0x3b: {  	_ =	swait.ge [sflag:s21], $0x100  }
0x3c: {  	[sflag:s21] =	ssyncset.done $0x0  }
0x3d: {  	[sflag:s21] =	ssyncadd.s32 $0xFFFFFF00  }
0x3e: {  	[tilespmem:s23], [sflag:$0x5] =	stream.indirect.gather [hbm4b:s11+s22], $0x80, s3, s22, $0xb8;
	[tilespmem:$0x1E400] =	vst v63  }
0x3f: {  	_ =	swait.ge [sflag:s24], $0x100  }
0x40: {  	[sflag:s24] =	ssyncset.done $0x0  }
0x41: {  	[sflag:s24] =	ssyncadd.s32 $0xFFFFFF00  }
0x42: {  	[tilespmem:s25], [sflag:$0x6] =	stream.indirect.gather [hbm4b:s11+s22], $0x80, s13, s22, $0xb8;
	[tilespmem:$0x1E400] =	vst v63  }
0x43: {  	_ =	swait.ge [sflag:s26], $0x100  }
0x44: {  	[sflag:s26] =	ssyncset.done $0x0  }
0x45: {  	[sflag:s26] =	ssyncadd.s32 $0xFFFFFF00  }
0x46: {  	[tilespmem:s28], [sflag:$0x7] =	stream.indirect.gather [hbm4b:s11+s22], $0x80, s17, s22, $0xb8;
	[tilespmem:$0x1E400] =	vst v63  }
0x47: {  	_ =	swait.ge [sflag:s29], $0x100  }
0x48: {  	s1 =	simm.s32 $0x200;
	[sflag:s29] =	ssyncset.done $0x0  }
0x49: {  	s4 =	simm.s32 $0x300;
	s13 =	simm.s32 $0xFFFFF880;
	[sflag:s29] =	ssyncadd.s32 $0xFFFFFF00  }
0x4a: {  	[tilespmem:s30], [sflag:$0x8] =	stream.indirect.gather [hbm4b:s11+s22], $0x80, s14, s22, $0xb8;
	[tilespmem:$0x1E400] =	vst v63  }
.LBB2_2:
0x4b: {  	_ =	swait.ge [sflag:s20], $0x2800  }
0x4c: {  	[sflag:s20] =	ssyncset.done $0x0  }
0x4d: {  	[sflag:s20] =	ssyncadd.s32 $0xFFFFD800  }
0x4e: {  	[spmem:s2] =	stream.indirect.scatter.add.f32 [tilespmem:s23], [sflag:$0x9], $0x80, s15, s22, $0xb8;
	[tilespmem:$0x1E400] =	vst v63  }
0x4f: {  	_ =	swait.ge [sflag:s31], $0x2800  }
0x50: {  	[sflag:s31] =	ssyncset.done $0x0  }
0x51: {  	s10 =	simm.s32 $0x180;
	[sflag:s31] =	ssyncadd.s32 $0xFFFFD800  }
0x52: {  	[spmem:s2] =	stream.indirect.scatter.add.f32 [tilespmem:s25], [sflag:$0xA], $0x80, s10, s22, $0xb8;
	[tilespmem:$0x1E400] =	vst v63  }
0x53: {  	_ =	swait.ge [sflag:s0], $0x2800  }
0x54: {  	[sflag:s0] =	ssyncset.done $0x0  }
0x55: {  	s17 =	simm.s32 $0x280;
	[sflag:s0] =	ssyncadd.s32 $0xFFFFD800  }
0x56: {  	[spmem:s2] =	stream.indirect.scatter.add.f32 [tilespmem:s28], [sflag:$0xB], $0x80, s17, s22, $0xb8;
	[tilespmem:$0x1E400] =	vst v63  }
0x57: {  	_ =	swait.ge [sflag:s6], $0x2800  }
0x58: {  	[sflag:s6] =	ssyncset.done $0x0  }
0x59: {  	[sflag:s6] =	ssyncadd.s32 $0xFFFFD800  }
0x5a: {  	[spmem:s2] =	stream.indirect.scatter.add.f32 [tilespmem:s30], [sflag:$0xC], $0x80, s5, s22, $0xb8;
	[tilespmem:$0x1E400] =	vst v63  }
0x5b: {  	_ =	swait.ge [sflag:s8], $0x2800  }
0x5c: {  	s18 =	sadd.s32 s13, s7;
	[sflag:s8] =	ssyncset.done $0x0  }
0x5d: {  	p0 =	sne.s32 s13, $0x0;
	s10 =	sadd.s32 $0x7C0, s18;
	[sflag:s8] =	ssyncadd.s32 $0xFFFFD800  }
0x5e: {  	[tilespmem:s3], [sflag:$0x1] =	stream.strided.gather [hbm4b:s10+s15], $0x100, s16, s15, $0x38;
	[tilespmem:$0x1E400] =	vst v63  }
0x5f: {  	s12 =	simm.s32 @p0 $0x80;
	_ =	swait.ge [sflag:s9], $0x2800  }
0x60: {  	s18 =	simm.s32 @p0 $0x100;
	s10 =	sadd.s32 @p0 s13, s7;
	[sflag:s9] =	ssyncset.done $0x0  }
0x61: {  	s17 =	simm.s32 @p0 $0x3E800;
	s14 =	sadd.s32 @p0 $0x7D0, s10;
	[sflag:s9] =	ssyncadd.s32 $0xFFFFD800  }
0x62: {  	[tilespmem:s18], [sflag:$0x2] =	stream.strided.gather @p0 [hbm4b:s14+s12], $0x100, s17, s12, $0x38;
	[tilespmem:$0x1E400] =	vst v63  }
0x63: {  	s14 =	simm.s32 @p0 $0xB  }
0x64: {  	_ =	swait.ge @p0 [sflag:s14], $0x2800  }
0x65: {  	[sflag:s14] =	ssyncset.done @p0 $0x0  }
0x66: {  	s18 =	simm.s32 @p0 $0x200;
	[sflag:s14] =	ssyncadd.s32 @p0 $0xFFFFD800;
	s14 =	sadd.s32 @p0 $0x7E0, s10  }
0x67: {  	[tilespmem:s18], [sflag:$0x3] =	stream.strided.gather @p0 [hbm4b:s14+s12], $0x100, s17, s12, $0x38;
	[tilespmem:$0x1E400] =	vst v63  }
0x68: {  	s14 =	simm.s32 @p0 $0xC  }
0x69: {  	_ =	swait.ge @p0 [sflag:s14], $0x2800  }
0x6a: {  	[sflag:s14] =	ssyncset.done @p0 $0x0  }
0x6b: {  	s10 =	sadd.s32 @p0 $0x7F0, s10;
	[sflag:s14] =	ssyncadd.s32 @p0 $0xFFFFD800;
	s14 =	simm.s32 @p0 $0x300  }
0x6c: {  	[tilespmem:s14], [sflag:$0x4] =	stream.strided.gather @p0 [hbm4b:s10+s12], $0x100, s17, s12, $0x38;
	[tilespmem:$0x1E400] =	vst v63  }
0x6d: {  	s10 =	simm.s32 @!p0 $0xB  }
0x6e: {  	_ =	swait.ge @!p0 [sflag:s10], $0x2800  }
0x6f: {  	[sflag:s10] =	ssyncset.done @!p0 $0x0  }
0x70: {  	[sflag:s10] =	ssyncadd.s32 @!p0 $0xFFFFD800;
	s10 =	simm.s32 @!p0 $0xC  }
0x71: {  	_ =	swait.ge @!p0 [sflag:s10], $0x2800  }
0x72: {  	[sflag:s10] =	ssyncset.done @!p0 $0x0  }
0x73: {  	[sflag:s10] =	ssyncadd.s32 @!p0 $0xFFFFD800;
	p0 =	seq.s32 s13, $0x0  }
.Ltmp2:
0x74: {  	_ = 	snop;
	(pc) =	sbr.rel @p0 .LBB2_4-.Ltmp2, $4  }
0x75: {  	_ =	swait.ge [sflag:s21], $0x100  }
0x76: {  	[sflag:s21] =	ssyncset.done $0x0  }
0x77: {  	[sflag:s21] =	ssyncadd.s32 $0xFFFFFF00  }
0x78: {  	[tilespmem:s23], [sflag:$0x5] =	stream.indirect.gather [hbm4b:s11+s22], $0x80, s3, s22, $0xb8;
	[tilespmem:$0x1E400] =	vst v63  }
0x79: {  	_ =	swait.ge [sflag:s24], $0x100  }
0x7a: {  	[sflag:s24] =	ssyncset.done $0x0  }
0x7b: {  	[sflag:s24] =	ssyncadd.s32 $0xFFFFFF00  }
0x7c: {  	[tilespmem:s25], [sflag:$0x6] =	stream.indirect.gather [hbm4b:s11+s22], $0x80, s19, s22, $0xb8;
	[tilespmem:$0x1E400] =	vst v63  }
0x7d: {  	_ =	swait.ge [sflag:s26], $0x100  }
0x7e: {  	[sflag:s26] =	ssyncset.done $0x0  }
0x7f: {  	[sflag:s26] =	ssyncadd.s32 $0xFFFFFF00  }
0x80: {  	[tilespmem:s28], [sflag:$0x7] =	stream.indirect.gather [hbm4b:s11+s22], $0x80, s1, s22, $0xb8;
	[tilespmem:$0x1E400] =	vst v63  }
.Ltmp3:
0x81: {  	_ = 	snop;
	(pc) =	sbr.rel .LBB2_2-.Ltmp3, $4  }
0x82: {  	_ =	swait.ge [sflag:s29], $0x100  }
0x83: {  	[sflag:s29] =	ssyncset.done $0x0  }
0x84: {  	s13 =	sadd.s32 $0x40, s13;
	[sflag:s29] =	ssyncadd.s32 $0xFFFFFF00  }
0x85: {  	[tilespmem:s30], [sflag:$0x8] =	stream.indirect.gather [hbm4b:s11+s22], $0x80, s4, s22, $0xb8;
	[tilespmem:$0x1E400] =	vst v63  }
.LBB2_5:
0x86: {  	_ =	sfence.sel $0x180000  }
0x87: {  	[bflag:$0x0] =	sbarrier.arrive $0xFFFF  }
0x88: {  	_ =	strace $0x90000050  }
0x89: {  	s0 =	stileid.u32;
	[bflag:$0x2] =	sbarrier.arrive $0xFFFF  }
0x8a: {  	p0 =	sne.s32 s0, $0x0;
	s0 =	rddreg [dreg:$0x3]  }
0x8b: {  	s0 =	sadd.s32 @!p0 $0x100000, s0  }
0x8c: {  	[sflag:s0] =	ssyncadd.tile.s32 @!p0 $0x1;
	_ =	shalt  }
.Lfunc_end2:
_tile_overlayer_lowered:
.L_overlay_start_2:
0x8d: {  	(tag) =	ssettag $0x2  }
0x8e: {  	s0 =	rddreg [dreg:$0x0];
	s2 =	stileid.u32  }
0x8f: {  	s1 =	rddreg [dreg:$0x1];
	p0 =	sne.s32 s2, $0x0  }
0x90: {  	s3 =	rddreg [dreg:$0x2];
	[bflag:$0x3] =	sbarrier.arrive $0xFFFF;
	s2 =	simm.s32 @!p0 $0x1C0D  }
0x91: {  	[timem:s3], [sflag:s2] =	dma.local @!p0 [hbm:s0], s1  }
0x92: {  	s0 =	simm.s32 @!p0 $0xD  }
0x93: {  	_ =	swait.ge @!p0 [sflag:s0], s1  }
0x94: {  	s1 =	ssub.s32 @!p0 $0x0, s1;
	[sflag:s0] =	ssyncset.done @!p0 $0x0  }
0x95: {  	[sflag:s0] =	ssyncadd.s32 @!p0 s1  }
0x96: {  	[bflag:$0x3] =	sbarrier.arrive $0xFFFF  }
0x97: {  	_ =	shalt  }

</sc_bundles>
